<compile_context>
chip_gen: v7x
topology: tpu7x:2x2x1
jax: 0.10.2.dev20260603
libtpu: 0.0.44.dev20260713+nightly
codegen_flags: <defaults>
</compile_context>

<pallas_src>
import jax
import jax.numpy as jnp
from jax import lax
from jax.experimental import pallas as pl
from jax.experimental.pallas import tpu as pltpu
from jax.experimental.pallas import tpu_sc as plsc

B = 1024
L = 200
N = B * L
WORD_DIM = 128
SMALL_DIM = 16
SMALL_ROWS = 30 + 512 + 512
OUT_DIM = WORD_DIM + 3 * SMALL_DIM

NC = 2
NS = 16
NW = NC * NS
N_PER_W = N // NW
CHUNK = 128
M = N_PER_W // CHUNK
KB = 3


def _sc_body(idx_hbm, word_tbl, small_tbl_hbm, word_out, small_out,
             idxb, wb, sbuf, stbl, gsems, isems, tsem):
  wid = lax.axis_index("s") * NC + lax.axis_index("c")
  wbase = wid * N_PER_W
  cbase = wid * M
  lanes = lax.iota(jnp.int32, 16)

  pltpu.async_copy(small_tbl_hbm, stbl, tsem).wait()

  def fire_stage(i, b):
    pltpu.async_copy(idx_hbm.at[pl.ds((cbase + i) * 4 * CHUNK, 4 * CHUNK)], idxb[b], isems[b])

  def wait_stage(b):
    pltpu.make_async_copy(idx_hbm.at[pl.ds(cbase * 4 * CHUNK, 4 * CHUNK)], idxb[b], isems[b]).wait()

  def fire_word(b):
    pltpu.async_copy(word_tbl.at[idxb[b].at[pl.ds(0, CHUNK)]], wb[b], gsems[b])

  def wait_word(b):
    pltpu.make_async_copy(word_tbl.at[idxb[b].at[pl.ds(0, CHUNK)]], wb[b], gsems[b]).wait()

  def compute_smalls(b):
    for t in range(1, 4):
      col = (t - 1) * SMALL_DIM

      def grp(g, _):
        v = idxb[b][pl.ds(t * CHUNK + g * 16, 16)]
        for jj in range(16):
          row = plsc.load_gather(stbl, [v[jj] + lanes])
          sbuf[g * 16 + jj, col:col + SMALL_DIM] = row
        return ()

      lax.fori_loop(0, CHUNK // 16, grp, ())

  def write_out(i, b):
    base = wbase + i * CHUNK
    pltpu.sync_copy(wb[b], word_out.at[pl.ds(base, CHUNK), :])
    pltpu.sync_copy(sbuf, small_out.at[pl.ds(base, CHUNK), :])

  def step(i, b, fire_g, fire_i):
    if fire_g:
      wait_stage((b + 1) % KB)
      fire_word((b + 1) % KB)
    if fire_i:
      fire_stage(i + 2, (b + 2) % KB)
    compute_smalls(b)
    wait_word(b)
    write_out(i, b)

  fire_stage(0, 0)
  wait_stage(0)
  fire_word(0)
  fire_stage(1, 1)

  n_groups = (M - 2) // KB

  def group(g, _):
    for u in range(KB):
      step(g * KB + u, u, True, True)
    return ()

  lax.fori_loop(0, n_groups, group, ())

  for i in range(n_groups * KB, M):
    step(i, i % KB, i + 1 < M, i + 2 < M)


def _sc_kernel_fn():
  mesh = plsc.VectorSubcoreMesh(core_axis_name="c", subcore_axis_name="s")

  def body(idx_hbm, wt, st, word_out, small_out, *scratch):
    idxb = scratch[0:KB]
    wb = scratch[KB:2 * KB]
    sbuf, stbl = scratch[2 * KB], scratch[2 * KB + 1]
    gsems = scratch[2 * KB + 2:3 * KB + 2]
    isems = scratch[3 * KB + 2:4 * KB + 2]
    tsem = scratch[4 * KB + 2]
    _sc_body(idx_hbm, wt, st, word_out, small_out,
             idxb, wb, sbuf, stbl, gsems, isems, tsem)

  scratch_types = (
      [pltpu.VMEM((4 * CHUNK,), jnp.int32) for _ in range(KB)]
      + [pltpu.VMEM((CHUNK, WORD_DIM), jnp.float32) for _ in range(KB)]
      + [pltpu.VMEM((CHUNK, WORD_DIM), jnp.float32),
         pltpu.VMEM((SMALL_ROWS * SMALL_DIM,), jnp.float32)]
      + [pltpu.SemaphoreType.DMA for _ in range(KB)]
      + [pltpu.SemaphoreType.DMA for _ in range(KB)]
      + [pltpu.SemaphoreType.DMA]
  )
  return pl.kernel(
      body,
      out_type=(jax.ShapeDtypeStruct((N, WORD_DIM), jnp.float32),
                jax.ShapeDtypeStruct((N, WORD_DIM), jnp.float32)),
      mesh=mesh,
      scratch_types=scratch_types,
      compiler_params=pltpu.CompilerParams(needs_layout_passes=False),
  )


@jax.jit
def _embed(word, tag, pos1, pos2, word_tbl, tag_tbl, pos1_tbl, pos2_tbl):
  nb = N // CHUNK
  idx = jnp.stack([
      word.reshape(nb, CHUNK).astype(jnp.int32),
      tag.reshape(nb, CHUNK).astype(jnp.int32) * SMALL_DIM,
      (pos1.reshape(nb, CHUNK).astype(jnp.int32) + 30) * SMALL_DIM,
      (pos2.reshape(nb, CHUNK).astype(jnp.int32) + 542) * SMALL_DIM,
  ], axis=1).reshape(4 * N)
  small_tbl = jnp.concatenate(
      [tag_tbl, pos1_tbl, pos2_tbl], axis=0).reshape(SMALL_ROWS * SMALL_DIM)
  word_out, small_out = _sc_kernel_fn()(idx, word_tbl, small_tbl)
  out = _tc_assemble(word_out, small_out)
  return out.reshape(B, L, OUT_DIM)


TC_BS = 1024


def _tc_assemble_body(w_ref, s_ref, o_ref):
  o_ref[:, 0:WORD_DIM] = w_ref[...]
  o_ref[:, WORD_DIM:OUT_DIM] = s_ref[:, 0:3 * SMALL_DIM]


def _tc_assemble(word_out, small_out):
  return pl.pallas_call(
      _tc_assemble_body,
      grid=(N // TC_BS,),
      in_specs=[
          pl.BlockSpec((TC_BS, WORD_DIM), lambda j: (j, 0)),
          pl.BlockSpec((TC_BS, WORD_DIM), lambda j: (j, 0)),
      ],
      out_specs=pl.BlockSpec((TC_BS, OUT_DIM), lambda j: (j, 0)),
      out_shape=jax.ShapeDtypeStruct((N, OUT_DIM), jnp.float32),
      compiler_params=pltpu.CompilerParams(
          dimension_semantics=("arbitrary",)),
  )(word_out, small_out)


def kernel(word, tag, pos1, pos2, word_table, tag_table, pos1_table, pos2_table):
  return _embed(word, tag, pos1, pos2,
                word_table, tag_table, pos1_table, pos2_table)

# --- scband reference (transcript-rebuilt; emitter-appended) ---
"""Pipeline reference for scband-embed-layer-27788438405568 (READ-ONLY COPY).

The authoritative reference and input builder live on the scoring server;
editing this copy changes nothing except your own understanding.
"""

import jax, jax.numpy as jnp
import numpy as np

VOCAB = 100000
WORD_DIM = 128
TAG_NUM = 30
TAG_SIZE = 16
POS_NUM = 512
POS_SIZE = 16
B = 1024
L = 200


def setup_inputs(seed: int = 0) -> dict:
    key = jax.random.key(seed)
    ks = jax.random.split(key, 8)
    word = jax.random.randint(ks[0], (B, L), 0, VOCAB, dtype=jnp.int64 if jax.config.jax_enable_x64 else jnp.int32)
    tag = jax.random.randint(ks[1], (B, L), 0, TAG_NUM, dtype=word.dtype)
    pos1 = jax.random.randint(ks[2], (B, L), 0, POS_NUM, dtype=word.dtype)
    pos2 = jax.random.randint(ks[3], (B, L), 0, POS_NUM, dtype=word.dtype)
    word_table = jax.random.normal(ks[4], (VOCAB, WORD_DIM), dtype=jnp.float32)
    tag_table = jax.random.normal(ks[5], (TAG_NUM, TAG_SIZE), dtype=jnp.float32)
    pos1_table = jax.random.normal(ks[6], (POS_NUM, POS_SIZE), dtype=jnp.float32)
    pos2_table = jax.random.normal(ks[7], (POS_NUM, POS_SIZE), dtype=jnp.float32)
    # padding_idx=0 rows are zeroed (as in nn.Embedding(padding_idx=0) after init)
    tag_table = tag_table.at[0].set(0.0)
    pos1_table = pos1_table.at[0].set(0.0)
    pos2_table = pos2_table.at[0].set(0.0)
    return {
        'word': word, 'tag': tag, 'pos1': pos1, 'pos2': pos2,
        'word_table': word_table, 'tag_table': tag_table,
        'pos1_table': pos1_table, 'pos2_table': pos2_table,
    }


def reference(word, tag, pos1, pos2, word_table, tag_table, pos1_table, pos2_table):
    word_embed = jnp.take(word_table, word, axis=0)
    tag_embed = jnp.take(tag_table, tag, axis=0)
    pos1_embed = jnp.take(pos1_table, pos1, axis=0)
    pos2_embed = jnp.take(pos2_table, pos2, axis=0)
    embed = jnp.concatenate([word_embed, tag_embed, pos1_embed, pos2_embed], axis=2)
    return embed

if __name__ == "__main__":
    import jax
    _d = setup_inputs()
    print(jax.jit(kernel)(*tuple(_d.values())))

</pallas_src>

<mosaic_0001>
#map = affine_map<(d0, d1) -> (0)>
#map1 = affine_map<(d0, d1) -> (0, 0)>
module attributes {stable_mosaic.version = 14 : i64} {
  func.func @body(%arg0: i32, %arg1: i32, %arg2: memref<819200xi32, #tpu.memory_space<hbm>>, %arg3: memref<100000x128xf32, #tpu.memory_space<hbm>>, %arg4: memref<16864xf32, #tpu.memory_space<hbm>>, %arg5: memref<204800x128xf32, #tpu.memory_space<hbm>>, %arg6: memref<204800x128xf32, #tpu.memory_space<hbm>>, %arg7: memref<512xi32, #tpu.memory_space<vmem>>, %arg8: memref<512xi32, #tpu.memory_space<vmem>>, %arg9: memref<512xi32, #tpu.memory_space<vmem>>, %arg10: memref<128x128xf32, #tpu.memory_space<vmem>>, %arg11: memref<128x128xf32, #tpu.memory_space<vmem>>, %arg12: memref<128x128xf32, #tpu.memory_space<vmem>>, %arg13: memref<128x128xf32, #tpu.memory_space<vmem>>, %arg14: memref<16864xf32, #tpu.memory_space<vmem>>, %arg15: memref<!tpu.dma_semaphore, #tpu.memory_space<semaphore_mem>>, %arg16: memref<!tpu.dma_semaphore, #tpu.memory_space<semaphore_mem>>, %arg17: memref<!tpu.dma_semaphore, #tpu.memory_space<semaphore_mem>>, %arg18: memref<!tpu.dma_semaphore, #tpu.memory_space<semaphore_mem>>, %arg19: memref<!tpu.dma_semaphore, #tpu.memory_space<semaphore_mem>>, %arg20: memref<!tpu.dma_semaphore, #tpu.memory_space<semaphore_mem>>, %arg21: memref<!tpu.dma_semaphore, #tpu.memory_space<semaphore_mem>>) attributes {dimension_semantics = [#tpu.dimension_semantics<core_parallel>, #tpu.dimension_semantics<subcore_parallel>], iteration_bounds = array<i64: 2, 16>, scalar_prefetch = 0 : i64, scratch_operands = 15 : i64, tpu.core_type = #tpu.core_type<sc_vector_subcore>, window_params = [{transform_indices = #map}, {transform_indices = #map1}, {transform_indices = #map}, {transform_indices = #map1}, {transform_indices = #map1}]} {
    %mul3A = arith.constant 2 : i32
    %mul3A_0 = arith.muli %arg1, %mul3A : i32
    %add3A = arith.addi %mul3A_0, %arg0 : i32
    %mul3A_1 = arith.constant 6400 : i32
    %mul3A_2 = arith.muli %add3A, %mul3A_1 : i32
    %mul3A_3 = arith.constant 50 : i32
    %mul3A_4 = arith.muli %add3A, %mul3A_3 : i32
    %iota3A = tpu.iota {dimensions = array<i32: 0>} : vector<16xi32>
    tpu.enqueue_dma source(%arg4 : memref<16864xf32, #tpu.memory_space<hbm>>) target(%arg14 : memref<16864xf32, #tpu.memory_space<vmem>>) target_semaphore(%arg21 : memref<!tpu.dma_semaphore, #tpu.memory_space<semaphore_mem>>)
    tpu.wait_dma2 semaphore(%arg21 : memref<!tpu.dma_semaphore, #tpu.memory_space<semaphore_mem>>) src(%arg4 : memref<16864xf32, #tpu.memory_space<hbm>>) dst(%arg14 : memref<16864xf32, #tpu.memory_space<vmem>>)
    %add3A_5 = arith.constant 0 : i32
    %add3A_6 = arith.addi %mul3A_4, %add3A_5 : i32
    %mul3A_7 = arith.constant 4 : i32
    %mul3A_8 = arith.muli %add3A_6, %mul3A_7 : i32
    %mul3A_9 = arith.constant 128 : i32
    %mul3A_10 = arith.muli %mul3A_8, %mul3A_9 : i32
    %dma_start3A = tpu.memref_slice %arg2[%mul3A_10] : memref<819200xi32, #tpu.memory_space<hbm>> -> memref<512xi32, #tpu.memory_space<hbm>>
    %dma_start3A_11 = tpu.memref_slice %arg2[%mul3A_10] : memref<819200xi32, #tpu.memory_space<hbm>> -> memref<512xi32, #tpu.memory_space<hbm>>
    tpu.enqueue_dma source(%dma_start3A_11 : memref<512xi32, #tpu.memory_space<hbm>>) target(%arg7 : memref<512xi32, #tpu.memory_space<vmem>>) target_semaphore(%arg18 : memref<!tpu.dma_semaphore, #tpu.memory_space<semaphore_mem>>)
    %mul3A_12 = arith.constant 4 : i32
    %mul3A_13 = arith.muli %mul3A_4, %mul3A_12 : i32
    %mul3A_14 = arith.constant 128 : i32
    %mul3A_15 = arith.muli %mul3A_13, %mul3A_14 : i32
    %dma_wait3A = tpu.memref_slice %arg2[%mul3A_15] : memref<819200xi32, #tpu.memory_space<hbm>> -> memref<512xi32, #tpu.memory_space<hbm>>
    %dma_wait3A_16 = tpu.memref_slice %arg2[%mul3A_15] : memref<819200xi32, #tpu.memory_space<hbm>> -> memref<512xi32, #tpu.memory_space<hbm>>
    tpu.wait_dma2 semaphore(%arg18 : memref<!tpu.dma_semaphore, #tpu.memory_space<semaphore_mem>>) src(%dma_wait3A_16 : memref<512xi32, #tpu.memory_space<hbm>>) dst(%arg7 : memref<512xi32, #tpu.memory_space<vmem>>)
    %dma_start3A_17 = arith.constant 0 : i32
    %dma_start3A_18 = tpu.memref_slice %arg7[%dma_start3A_17] : memref<512xi32, #tpu.memory_space<vmem>> -> memref<128xi32, #tpu.memory_space<vmem>>
    %dma_start3A_19 = arith.constant 0 : i32
    %dma_start3A_20 = arith.constant 0 : i32
    %dma_start3A_21 = tpu.memref_slice %arg3[%dma_start3A_19, %dma_start3A_20] : memref<100000x128xf32, #tpu.memory_space<hbm>> -> memref<100000x128xf32, #tpu.memory_space<hbm>>
    tpu.enqueue_indirect_dma source(%dma_start3A_21 : memref<100000x128xf32, #tpu.memory_space<hbm>>) target(%arg10 : memref<128x128xf32, #tpu.memory_space<vmem>>) offsets(%dma_start3A_18 : memref<128xi32, #tpu.memory_space<vmem>>) semaphore(%arg15 : memref<!tpu.dma_semaphore, #tpu.memory_space<semaphore_mem>>)
    %add3A_22 = arith.constant 1 : i32
    %add3A_23 = arith.addi %mul3A_4, %add3A_22 : i32
    %mul3A_24 = arith.constant 4 : i32
    %mul3A_25 = arith.muli %add3A_23, %mul3A_24 : i32
    %mul3A_26 = arith.constant 128 : i32
    %mul3A_27 = arith.muli %mul3A_25, %mul3A_26 : i32
    %dma_start3A_28 = tpu.memref_slice %arg2[%mul3A_27] : memref<819200xi32, #tpu.memory_space<hbm>> -> memref<512xi32, #tpu.memory_space<hbm>>
    %dma_start3A_29 = tpu.memref_slice %arg2[%mul3A_27] : memref<819200xi32, #tpu.memory_space<hbm>> -> memref<512xi32, #tpu.memory_space<hbm>>
    tpu.enqueue_dma source(%dma_start3A_29 : memref<512xi32, #tpu.memory_space<hbm>>) target(%arg8 : memref<512xi32, #tpu.memory_space<vmem>>) target_semaphore(%arg19 : memref<!tpu.dma_semaphore, #tpu.memory_space<semaphore_mem>>)
    %scan3A = arith.constant 0 : i32
    %scan3A_30 = arith.constant 16 : i32
    %scan3A_31 = arith.addi %scan3A, %scan3A_30 : i32
    %scan3A_32 = arith.constant 1 : i32
    scf.for %scan3A_89 = %scan3A to %scan3A_31 step %scan3A_32  : i32 {
      %mul3A_90 = arith.constant 3 : i32
      %mul3A_91 = arith.muli %scan3A_89, %mul3A_90 : i32
      %add3A_92 = arith.constant 0 : i32
      %add3A_93 = arith.addi %mul3A_91, %add3A_92 : i32
      %mul3A_94 = arith.constant 4 : i32
      %mul3A_95 = arith.muli %mul3A_4, %mul3A_94 : i32
      %mul3A_96 = arith.constant 128 : i32
      %mul3A_97 = arith.muli %mul3A_95, %mul3A_96 : i32
      %dma_wait3A_98 = tpu.memref_slice %arg2[%mul3A_97] : memref<819200xi32, #tpu.memory_space<hbm>> -> memref<512xi32, #tpu.memory_space<hbm>>
      %dma_wait3A_99 = tpu.memref_slice %arg2[%mul3A_97] : memref<819200xi32, #tpu.memory_space<hbm>> -> memref<512xi32, #tpu.memory_space<hbm>>
      tpu.wait_dma2 semaphore(%arg19 : memref<!tpu.dma_semaphore, #tpu.memory_space<semaphore_mem>>) src(%dma_wait3A_99 : memref<512xi32, #tpu.memory_space<hbm>>) dst(%arg8 : memref<512xi32, #tpu.memory_space<vmem>>)
      %dma_start3A_100 = arith.constant 0 : i32
      %dma_start3A_101 = tpu.memref_slice %arg8[%dma_start3A_100] : memref<512xi32, #tpu.memory_space<vmem>> -> memref<128xi32, #tpu.memory_space<vmem>>
      %dma_start3A_102 = arith.constant 0 : i32
      %dma_start3A_103 = arith.constant 0 : i32
      %dma_start3A_104 = tpu.memref_slice %arg3[%dma_start3A_102, %dma_start3A_103] : memref<100000x128xf32, #tpu.memory_space<hbm>> -> memref<100000x128xf32, #tpu.memory_space<hbm>>
      tpu.enqueue_indirect_dma source(%dma_start3A_104 : memref<100000x128xf32, #tpu.memory_space<hbm>>) target(%arg11 : memref<128x128xf32, #tpu.memory_space<vmem>>) offsets(%dma_start3A_101 : memref<128xi32, #tpu.memory_space<vmem>>) semaphore(%arg16 : memref<!tpu.dma_semaphore, #tpu.memory_space<semaphore_mem>>)
      %add3A_105 = arith.constant 2 : i32
      %add3A_106 = arith.addi %add3A_93, %add3A_105 : i32
      %add3A_107 = arith.addi %mul3A_4, %add3A_106 : i32
      %mul3A_108 = arith.constant 4 : i32
      %mul3A_109 = arith.muli %add3A_107, %mul3A_108 : i32
      %mul3A_110 = arith.constant 128 : i32
      %mul3A_111 = arith.muli %mul3A_109, %mul3A_110 : i32
      %dma_start3A_112 = tpu.memref_slice %arg2[%mul3A_111] : memref<819200xi32, #tpu.memory_space<hbm>> -> memref<512xi32, #tpu.memory_space<hbm>>
      %dma_start3A_113 = tpu.memref_slice %arg2[%mul3A_111] : memref<819200xi32, #tpu.memory_space<hbm>> -> memref<512xi32, #tpu.memory_space<hbm>>
      tpu.enqueue_dma source(%dma_start3A_113 : memref<512xi32, #tpu.memory_space<hbm>>) target(%arg9 : memref<512xi32, #tpu.memory_space<vmem>>) target_semaphore(%arg20 : memref<!tpu.dma_semaphore, #tpu.memory_space<semaphore_mem>>)
      %scan3A_114 = arith.constant 0 : i32
      %scan3A_115 = arith.constant 8 : i32
      %scan3A_116 = arith.addi %scan3A_114, %scan3A_115 : i32
      %scan3A_117 = arith.constant 1 : i32
      scf.for %scan3A_231 = %scan3A_114 to %scan3A_116 step %scan3A_117  : i32 {
        %mul3A_232 = arith.constant 16 : i32
        %mul3A_233 = arith.muli %scan3A_231, %mul3A_232 : i32
        %add3A_234 = arith.constant 128 : i32
        %add3A_235 = arith.addi %add3A_234, %mul3A_233 : i32
        %get3A = arith.index_cast %add3A_235 : i32 to index
        %get3A_236 = tpu.vector_load %arg7[%get3A] {strides = array<i32>} : memref<512xi32, #tpu.memory_space<vmem>>, vector<16xi32>,
        %slice3A = vector.extract_strided_slice %get3A_236 {offsets = [0], sizes = [1], strides = [1]} : vector<16xi32> to vector<1xi32>
        %squeeze3A = vector.extract %slice3A[0] : i32 from vector<1xi32>
        %add3A_237 = vector.broadcast %squeeze3A : i32 to vector<16xi32>
        %add3A_238 = arith.addi %add3A_237, %iota3A : vector<16xi32>
        %gather3A = tpu.vector_load_idx %arg14[%add3A_238] : memref<16864xf32, #tpu.memory_space<vmem>>[vector<16xi32>], vector<16xf32>,
        %mul3A_239 = arith.constant 16 : i32
        %mul3A_240 = arith.muli %scan3A_231, %mul3A_239 : i32
        %add3A_241 = arith.constant 0 : i32
        %add3A_242 = arith.addi %mul3A_240, %add3A_241 : i32
        %swap3A = arith.index_cast %add3A_242 : i32 to index
        %swap3A_243 = arith.constant 0 : index
        %swap3A_244 = tpu.vector_load %arg13[%swap3A, %swap3A_243] {strides = array<i32>} : memref<128x128xf32, #tpu.memory_space<vmem>>, vector<16xf32>,
        tpu.vector_store %arg13[%swap3A, %swap3A_243], %gather3A {strides = array<i32>} : memref<128x128xf32, #tpu.memory_space<vmem>>, vector<16xf32>,
        %slice3A_245 = vector.extract_strided_slice %get3A_236 {offsets = [1], sizes = [1], strides = [1]} : vector<16xi32> to vector<1xi32>
        %squeeze3A_246 = vector.extract %slice3A_245[0] : i32 from vector<1xi32>
        %add3A_247 = vector.broadcast %squeeze3A_246 : i32 to vector<16xi32>
        %add3A_248 = arith.addi %add3A_247, %iota3A : vector<16xi32>
        %gather3A_249 = tpu.vector_load_idx %arg14[%add3A_248] : memref<16864xf32, #tpu.memory_space<vmem>>[vector<16xi32>], vector<16xf32>,
        %mul3A_250 = arith.constant 16 : i32
        %mul3A_251 = arith.muli %scan3A_231, %mul3A_250 : i32
        %add3A_252 = arith.constant 1 : i32
        %add3A_253 = arith.addi %mul3A_251, %add3A_252 : i32
        %swap3A_254 = arith.index_cast %add3A_253 : i32 to index
        %swap3A_255 = arith.constant 0 : index
        %swap3A_256 = tpu.vector_load %arg13[%swap3A_254, %swap3A_255] {strides = array<i32>} : memref<128x128xf32, #tpu.memory_space<vmem>>, vector<16xf32>,
        tpu.vector_store %arg13[%swap3A_254, %swap3A_255], %gather3A_249 {strides = array<i32>} : memref<128x128xf32, #tpu.memory_space<vmem>>, vector<16xf32>,
        %slice3A_257 = vector.extract_strided_slice %get3A_236 {offsets = [2], sizes = [1], strides = [1]} : vector<16xi32> to vector<1xi32>
        %squeeze3A_258 = vector.extract %slice3A_257[0] : i32 from vector<1xi32>
        %add3A_259 = vector.broadcast %squeeze3A_258 : i32 to vector<16xi32>
        %add3A_260 = arith.addi %add3A_259, %iota3A : vector<16xi32>
        %gather3A_261 = tpu.vector_load_idx %arg14[%add3A_260] : memref<16864xf32, #tpu.memory_space<vmem>>[vector<16xi32>], vector<16xf32>,
        %mul3A_262 = arith.constant 16 : i32
        %mul3A_263 = arith.muli %scan3A_231, %mul3A_262 : i32
        %add3A_264 = arith.constant 2 : i32
        %add3A_265 = arith.addi %mul3A_263, %add3A_264 : i32
        %swap3A_266 = arith.index_cast %add3A_265 : i32 to index
        %swap3A_267 = arith.constant 0 : index
        %swap3A_268 = tpu.vector_load %arg13[%swap3A_266, %swap3A_267] {strides = array<i32>} : memref<128x128xf32, #tpu.memory_space<vmem>>, vector<16xf32>,
        tpu.vector_store %arg13[%swap3A_266, %swap3A_267], %gather3A_261 {strides = array<i32>} : memref<128x128xf32, #tpu.memory_space<vmem>>, vector<16xf32>,
        %slice3A_269 = vector.extract_strided_slice %get3A_236 {offsets = [3], sizes = [1], strides = [1]} : vector<16xi32> to vector<1xi32>
        %squeeze3A_270 = vector.extract %slice3A_269[0] : i32 from vector<1xi32>
        %add3A_271 = vector.broadcast %squeeze3A_270 : i32 to vector<16xi32>
        %add3A_272 = arith.addi %add3A_271, %iota3A : vector<16xi32>
        %gather3A_273 = tpu.vector_load_idx %arg14[%add3A_272] : memref<16864xf32, #tpu.memory_space<vmem>>[vector<16xi32>], vector<16xf32>,
        %mul3A_274 = arith.constant 16 : i32
        %mul3A_275 = arith.muli %scan3A_231, %mul3A_274 : i32
        %add3A_276 = arith.constant 3 : i32
        %add3A_277 = arith.addi %mul3A_275, %add3A_276 : i32
        %swap3A_278 = arith.index_cast %add3A_277 : i32 to index
        %swap3A_279 = arith.constant 0 : index
        %swap3A_280 = tpu.vector_load %arg13[%swap3A_278, %swap3A_279] {strides = array<i32>} : memref<128x128xf32, #tpu.memory_space<vmem>>, vector<16xf32>,
        tpu.vector_store %arg13[%swap3A_278, %swap3A_279], %gather3A_273 {strides = array<i32>} : memref<128x128xf32, #tpu.memory_space<vmem>>, vector<16xf32>,
        %slice3A_281 = vector.extract_strided_slice %get3A_236 {offsets = [4], sizes = [1], strides = [1]} : vector<16xi32> to vector<1xi32>
        %squeeze3A_282 = vector.extract %slice3A_281[0] : i32 from vector<1xi32>
        %add3A_283 = vector.broadcast %squeeze3A_282 : i32 to vector<16xi32>
        %add3A_284 = arith.addi %add3A_283, %iota3A : vector<16xi32>
        %gather3A_285 = tpu.vector_load_idx %arg14[%add3A_284] : memref<16864xf32, #tpu.memory_space<vmem>>[vector<16xi32>], vector<16xf32>,
        %mul3A_286 = arith.constant 16 : i32
        %mul3A_287 = arith.muli %scan3A_231, %mul3A_286 : i32
        %add3A_288 = arith.constant 4 : i32
        %add3A_289 = arith.addi %mul3A_287, %add3A_288 : i32
        %swap3A_290 = arith.index_cast %add3A_289 : i32 to index
        %swap3A_291 = arith.constant 0 : index
        %swap3A_292 = tpu.vector_load %arg13[%swap3A_290, %swap3A_291] {strides = array<i32>} : memref<128x128xf32, #tpu.memory_space<vmem>>, vector<16xf32>,
        tpu.vector_store %arg13[%swap3A_290, %swap3A_291], %gather3A_285 {strides = array<i32>} : memref<128x128xf32, #tpu.memory_space<vmem>>, vector<16xf32>,
        %slice3A_293 = vector.extract_strided_slice %get3A_236 {offsets = [5], sizes = [1], strides = [1]} : vector<16xi32> to vector<1xi32>
        %squeeze3A_294 = vector.extract %slice3A_293[0] : i32 from vector<1xi32>
        %add3A_295 = vector.broadcast %squeeze3A_294 : i32 to vector<16xi32>
        %add3A_296 = arith.addi %add3A_295, %iota3A : vector<16xi32>
        %gather3A_297 = tpu.vector_load_idx %arg14[%add3A_296] : memref<16864xf32, #tpu.memory_space<vmem>>[vector<16xi32>], vector<16xf32>,
        %mul3A_298 = arith.constant 16 : i32
        %mul3A_299 = arith.muli %scan3A_231, %mul3A_298 : i32
        %add3A_300 = arith.constant 5 : i32
        %add3A_301 = arith.addi %mul3A_299, %add3A_300 : i32
        %swap3A_302 = arith.index_cast %add3A_301 : i32 to index
        %swap3A_303 = arith.constant 0 : index
        %swap3A_304 = tpu.vector_load %arg13[%swap3A_302, %swap3A_303] {strides = array<i32>} : memref<128x128xf32, #tpu.memory_space<vmem>>, vector<16xf32>,
        tpu.vector_store %arg13[%swap3A_302, %swap3A_303], %gather3A_297 {strides = array<i32>} : memref<128x128xf32, #tpu.memory_space<vmem>>, vector<16xf32>,
        %slice3A_305 = vector.extract_strided_slice %get3A_236 {offsets = [6], sizes = [1], strides = [1]} : vector<16xi32> to vector<1xi32>
        %squeeze3A_306 = vector.extract %slice3A_305[0] : i32 from vector<1xi32>
        %add3A_307 = vector.broadcast %squeeze3A_306 : i32 to vector<16xi32>
        %add3A_308 = arith.addi %add3A_307, %iota3A : vector<16xi32>
        %gather3A_309 = tpu.vector_load_idx %arg14[%add3A_308] : memref<16864xf32, #tpu.memory_space<vmem>>[vector<16xi32>], vector<16xf32>,
        %mul3A_310 = arith.constant 16 : i32
        %mul3A_311 = arith.muli %scan3A_231, %mul3A_310 : i32
        %add3A_312 = arith.constant 6 : i32
        %add3A_313 = arith.addi %mul3A_311, %add3A_312 : i32
        %swap3A_314 = arith.index_cast %add3A_313 : i32 to index
        %swap3A_315 = arith.constant 0 : index
        %swap3A_316 = tpu.vector_load %arg13[%swap3A_314, %swap3A_315] {strides = array<i32>} : memref<128x128xf32, #tpu.memory_space<vmem>>, vector<16xf32>,
        tpu.vector_store %arg13[%swap3A_314, %swap3A_315], %gather3A_309 {strides = array<i32>} : memref<128x128xf32, #tpu.memory_space<vmem>>, vector<16xf32>,
        %slice3A_317 = vector.extract_strided_slice %get3A_236 {offsets = [7], sizes = [1], strides = [1]} : vector<16xi32> to vector<1xi32>
        %squeeze3A_318 = vector.extract %slice3A_317[0] : i32 from vector<1xi32>
        %add3A_319 = vector.broadcast %squeeze3A_318 : i32 to vector<16xi32>
        %add3A_320 = arith.addi %add3A_319, %iota3A : vector<16xi32>
        %gather3A_321 = tpu.vector_load_idx %arg14[%add3A_320] : memref<16864xf32, #tpu.memory_space<vmem>>[vector<16xi32>], vector<16xf32>,
        %mul3A_322 = arith.constant 16 : i32
        %mul3A_323 = arith.muli %scan3A_231, %mul3A_322 : i32
        %add3A_324 = arith.constant 7 : i32
        %add3A_325 = arith.addi %mul3A_323, %add3A_324 : i32
        %swap3A_326 = arith.index_cast %add3A_325 : i32 to index
        %swap3A_327 = arith.constant 0 : index
        %swap3A_328 = tpu.vector_load %arg13[%swap3A_326, %swap3A_327] {strides = array<i32>} : memref<128x128xf32, #tpu.memory_space<vmem>>, vector<16xf32>,
        tpu.vector_store %arg13[%swap3A_326, %swap3A_327], %gather3A_321 {strides = array<i32>} : memref<128x128xf32, #tpu.memory_space<vmem>>, vector<16xf32>,
        %slice3A_329 = vector.extract_strided_slice %get3A_236 {offsets = [8], sizes = [1], strides = [1]} : vector<16xi32> to vector<1xi32>
        %squeeze3A_330 = vector.extract %slice3A_329[0] : i32 from vector<1xi32>
        %add3A_331 = vector.broadcast %squeeze3A_330 : i32 to vector<16xi32>
        %add3A_332 = arith.addi %add3A_331, %iota3A : vector<16xi32>
        %gather3A_333 = tpu.vector_load_idx %arg14[%add3A_332] : memref<16864xf32, #tpu.memory_space<vmem>>[vector<16xi32>], vector<16xf32>,
        %mul3A_334 = arith.constant 16 : i32
        %mul3A_335 = arith.muli %scan3A_231, %mul3A_334 : i32
        %add3A_336 = arith.constant 8 : i32
        %add3A_337 = arith.addi %mul3A_335, %add3A_336 : i32
        %swap3A_338 = arith.index_cast %add3A_337 : i32 to index
        %swap3A_339 = arith.constant 0 : index
        %swap3A_340 = tpu.vector_load %arg13[%swap3A_338, %swap3A_339] {strides = array<i32>} : memref<128x128xf32, #tpu.memory_space<vmem>>, vector<16xf32>,
        tpu.vector_store %arg13[%swap3A_338, %swap3A_339], %gather3A_333 {strides = array<i32>} : memref<128x128xf32, #tpu.memory_space<vmem>>, vector<16xf32>,
        %slice3A_341 = vector.extract_strided_slice %get3A_236 {offsets = [9], sizes = [1], strides = [1]} : vector<16xi32> to vector<1xi32>
        %squeeze3A_342 = vector.extract %slice3A_341[0] : i32 from vector<1xi32>
        %add3A_343 = vector.broadcast %squeeze3A_342 : i32 to vector<16xi32>
        %add3A_344 = arith.addi %add3A_343, %iota3A : vector<16xi32>
        %gather3A_345 = tpu.vector_load_idx %arg14[%add3A_344] : memref<16864xf32, #tpu.memory_space<vmem>>[vector<16xi32>], vector<16xf32>,
        %mul3A_346 = arith.constant 16 : i32
        %mul3A_347 = arith.muli %scan3A_231, %mul3A_346 : i32
        %add3A_348 = arith.constant 9 : i32
        %add3A_349 = arith.addi %mul3A_347, %add3A_348 : i32
        %swap3A_350 = arith.index_cast %add3A_349 : i32 to index
        %swap3A_351 = arith.constant 0 : index
        %swap3A_352 = tpu.vector_load %arg13[%swap3A_350, %swap3A_351] {strides = array<i32>} : memref<128x128xf32, #tpu.memory_space<vmem>>, vector<16xf32>,
        tpu.vector_store %arg13[%swap3A_350, %swap3A_351], %gather3A_345 {strides = array<i32>} : memref<128x128xf32, #tpu.memory_space<vmem>>, vector<16xf32>,
        %slice3A_353 = vector.extract_strided_slice %get3A_236 {offsets = [10], sizes = [1], strides = [1]} : vector<16xi32> to vector<1xi32>
        %squeeze3A_354 = vector.extract %slice3A_353[0] : i32 from vector<1xi32>
        %add3A_355 = vector.broadcast %squeeze3A_354 : i32 to vector<16xi32>
        %add3A_356 = arith.addi %add3A_355, %iota3A : vector<16xi32>
        %gather3A_357 = tpu.vector_load_idx %arg14[%add3A_356] : memref<16864xf32, #tpu.memory_space<vmem>>[vector<16xi32>], vector<16xf32>,
        %mul3A_358 = arith.constant 16 : i32
        %mul3A_359 = arith.muli %scan3A_231, %mul3A_358 : i32
        %add3A_360 = arith.constant 10 : i32
        %add3A_361 = arith.addi %mul3A_359, %add3A_360 : i32
        %swap3A_362 = arith.index_cast %add3A_361 : i32 to index
        %swap3A_363 = arith.constant 0 : index
        %swap3A_364 = tpu.vector_load %arg13[%swap3A_362, %swap3A_363] {strides = array<i32>} : memref<128x128xf32, #tpu.memory_space<vmem>>, vector<16xf32>,
        tpu.vector_store %arg13[%swap3A_362, %swap3A_363], %gather3A_357 {strides = array<i32>} : memref<128x128xf32, #tpu.memory_space<vmem>>, vector<16xf32>,
        %slice3A_365 = vector.extract_strided_slice %get3A_236 {offsets = [11], sizes = [1], strides = [1]} : vector<16xi32> to vector<1xi32>
        %squeeze3A_366 = vector.extract %slice3A_365[0] : i32 from vector<1xi32>
        %add3A_367 = vector.broadcast %squeeze3A_366 : i32 to vector<16xi32>
        %add3A_368 = arith.addi %add3A_367, %iota3A : vector<16xi32>
        %gather3A_369 = tpu.vector_load_idx %arg14[%add3A_368] : memref<16864xf32, #tpu.memory_space<vmem>>[vector<16xi32>], vector<16xf32>,
        %mul3A_370 = arith.constant 16 : i32
        %mul3A_371 = arith.muli %scan3A_231, %mul3A_370 : i32
        %add3A_372 = arith.constant 11 : i32
        %add3A_373 = arith.addi %mul3A_371, %add3A_372 : i32
        %swap3A_374 = arith.index_cast %add3A_373 : i32 to index
        %swap3A_375 = arith.constant 0 : index
        %swap3A_376 = tpu.vector_load %arg13[%swap3A_374, %swap3A_375] {strides = array<i32>} : memref<128x128xf32, #tpu.memory_space<vmem>>, vector<16xf32>,
        tpu.vector_store %arg13[%swap3A_374, %swap3A_375], %gather3A_369 {strides = array<i32>} : memref<128x128xf32, #tpu.memory_space<vmem>>, vector<16xf32>,
        %slice3A_377 = vector.extract_strided_slice %get3A_236 {offsets = [12], sizes = [1], strides = [1]} : vector<16xi32> to vector<1xi32>
        %squeeze3A_378 = vector.extract %slice3A_377[0] : i32 from vector<1xi32>
        %add3A_379 = vector.broadcast %squeeze3A_378 : i32 to vector<16xi32>
        %add3A_380 = arith.addi %add3A_379, %iota3A : vector<16xi32>
        %gather3A_381 = tpu.vector_load_idx %arg14[%add3A_380] : memref<16864xf32, #tpu.memory_space<vmem>>[vector<16xi32>], vector<16xf32>,
        %mul3A_382 = arith.constant 16 : i32
        %mul3A_383 = arith.muli %scan3A_231, %mul3A_382 : i32
        %add3A_384 = arith.constant 12 : i32
        %add3A_385 = arith.addi %mul3A_383, %add3A_384 : i32
        %swap3A_386 = arith.index_cast %add3A_385 : i32 to index
        %swap3A_387 = arith.constant 0 : index
        %swap3A_388 = tpu.vector_load %arg13[%swap3A_386, %swap3A_387] {strides = array<i32>} : memref<128x128xf32, #tpu.memory_space<vmem>>, vector<16xf32>,
        tpu.vector_store %arg13[%swap3A_386, %swap3A_387], %gather3A_381 {strides = array<i32>} : memref<128x128xf32, #tpu.memory_space<vmem>>, vector<16xf32>,
        %slice3A_389 = vector.extract_strided_slice %get3A_236 {offsets = [13], sizes = [1], strides = [1]} : vector<16xi32> to vector<1xi32>
        %squeeze3A_390 = vector.extract %slice3A_389[0] : i32 from vector<1xi32>
        %add3A_391 = vector.broadcast %squeeze3A_390 : i32 to vector<16xi32>
        %add3A_392 = arith.addi %add3A_391, %iota3A : vector<16xi32>
        %gather3A_393 = tpu.vector_load_idx %arg14[%add3A_392] : memref<16864xf32, #tpu.memory_space<vmem>>[vector<16xi32>], vector<16xf32>,
        %mul3A_394 = arith.constant 16 : i32
        %mul3A_395 = arith.muli %scan3A_231, %mul3A_394 : i32
        %add3A_396 = arith.constant 13 : i32
        %add3A_397 = arith.addi %mul3A_395, %add3A_396 : i32
        %swap3A_398 = arith.index_cast %add3A_397 : i32 to index
        %swap3A_399 = arith.constant 0 : index
        %swap3A_400 = tpu.vector_load %arg13[%swap3A_398, %swap3A_399] {strides = array<i32>} : memref<128x128xf32, #tpu.memory_space<vmem>>, vector<16xf32>,
        tpu.vector_store %arg13[%swap3A_398, %swap3A_399], %gather3A_393 {strides = array<i32>} : memref<128x128xf32, #tpu.memory_space<vmem>>, vector<16xf32>,
        %slice3A_401 = vector.extract_strided_slice %get3A_236 {offsets = [14], sizes = [1], strides = [1]} : vector<16xi32> to vector<1xi32>
        %squeeze3A_402 = vector.extract %slice3A_401[0] : i32 from vector<1xi32>
        %add3A_403 = vector.broadcast %squeeze3A_402 : i32 to vector<16xi32>
        %add3A_404 = arith.addi %add3A_403, %iota3A : vector<16xi32>
        %gather3A_405 = tpu.vector_load_idx %arg14[%add3A_404] : memref<16864xf32, #tpu.memory_space<vmem>>[vector<16xi32>], vector<16xf32>,
        %mul3A_406 = arith.constant 16 : i32
        %mul3A_407 = arith.muli %scan3A_231, %mul3A_406 : i32
        %add3A_408 = arith.constant 14 : i32
        %add3A_409 = arith.addi %mul3A_407, %add3A_408 : i32
        %swap3A_410 = arith.index_cast %add3A_409 : i32 to index
        %swap3A_411 = arith.constant 0 : index
        %swap3A_412 = tpu.vector_load %arg13[%swap3A_410, %swap3A_411] {strides = array<i32>} : memref<128x128xf32, #tpu.memory_space<vmem>>, vector<16xf32>,
        tpu.vector_store %arg13[%swap3A_410, %swap3A_411], %gather3A_405 {strides = array<i32>} : memref<128x128xf32, #tpu.memory_space<vmem>>, vector<16xf32>,
        %slice3A_413 = vector.extract_strided_slice %get3A_236 {offsets = [15], sizes = [1], strides = [1]} : vector<16xi32> to vector<1xi32>
        %squeeze3A_414 = vector.extract %slice3A_413[0] : i32 from vector<1xi32>
        %add3A_415 = vector.broadcast %squeeze3A_414 : i32 to vector<16xi32>
        %add3A_416 = arith.addi %add3A_415, %iota3A : vector<16xi32>
        %gather3A_417 = tpu.vector_load_idx %arg14[%add3A_416] : memref<16864xf32, #tpu.memory_space<vmem>>[vector<16xi32>], vector<16xf32>,
        %mul3A_418 = arith.constant 16 : i32
        %mul3A_419 = arith.muli %scan3A_231, %mul3A_418 : i32
        %add3A_420 = arith.constant 15 : i32
        %add3A_421 = arith.addi %mul3A_419, %add3A_420 : i32
        %swap3A_422 = arith.index_cast %add3A_421 : i32 to index
        %swap3A_423 = arith.constant 0 : index
        %swap3A_424 = tpu.vector_load %arg13[%swap3A_422, %swap3A_423] {strides = array<i32>} : memref<128x128xf32, #tpu.memory_space<vmem>>, vector<16xf32>,
        tpu.vector_store %arg13[%swap3A_422, %swap3A_423], %gather3A_417 {strides = array<i32>} : memref<128x128xf32, #tpu.memory_space<vmem>>, vector<16xf32>,
      }
      %scan3A_118 = arith.constant 8 : i32
      %scan3A_119 = arith.constant 0 : i32
      %scan3A_120 = arith.constant 8 : i32
      %scan3A_121 = arith.addi %scan3A_119, %scan3A_120 : i32
      %scan3A_122 = arith.constant 1 : i32
      scf.for %scan3A_231 = %scan3A_119 to %scan3A_121 step %scan3A_122  : i32 {
        %mul3A_232 = arith.constant 16 : i32
        %mul3A_233 = arith.muli %scan3A_231, %mul3A_232 : i32
        %add3A_234 = arith.constant 256 : i32
        %add3A_235 = arith.addi %add3A_234, %mul3A_233 : i32
        %get3A = arith.index_cast %add3A_235 : i32 to index
        %get3A_236 = tpu.vector_load %arg7[%get3A] {strides = array<i32>} : memref<512xi32, #tpu.memory_space<vmem>>, vector<16xi32>,
        %slice3A = vector.extract_strided_slice %get3A_236 {offsets = [0], sizes = [1], strides = [1]} : vector<16xi32> to vector<1xi32>
        %squeeze3A = vector.extract %slice3A[0] : i32 from vector<1xi32>
        %add3A_237 = vector.broadcast %squeeze3A : i32 to vector<16xi32>
        %add3A_238 = arith.addi %add3A_237, %iota3A : vector<16xi32>
        %gather3A = tpu.vector_load_idx %arg14[%add3A_238] : memref<16864xf32, #tpu.memory_space<vmem>>[vector<16xi32>], vector<16xf32>,
        %mul3A_239 = arith.constant 16 : i32
        %mul3A_240 = arith.muli %scan3A_231, %mul3A_239 : i32
        %add3A_241 = arith.constant 0 : i32
        %add3A_242 = arith.addi %mul3A_240, %add3A_241 : i32
        %swap3A = arith.index_cast %add3A_242 : i32 to index
        %swap3A_243 = arith.constant 16 : index
        %swap3A_244 = tpu.vector_load %arg13[%swap3A, %swap3A_243] {strides = array<i32>} : memref<128x128xf32, #tpu.memory_space<vmem>>, vector<16xf32>,
        tpu.vector_store %arg13[%swap3A, %swap3A_243], %gather3A {strides = array<i32>} : memref<128x128xf32, #tpu.memory_space<vmem>>, vector<16xf32>,
        %slice3A_245 = vector.extract_strided_slice %get3A_236 {offsets = [1], sizes = [1], strides = [1]} : vector<16xi32> to vector<1xi32>
        %squeeze3A_246 = vector.extract %slice3A_245[0] : i32 from vector<1xi32>
        %add3A_247 = vector.broadcast %squeeze3A_246 : i32 to vector<16xi32>
        %add3A_248 = arith.addi %add3A_247, %iota3A : vector<16xi32>
        %gather3A_249 = tpu.vector_load_idx %arg14[%add3A_248] : memref<16864xf32, #tpu.memory_space<vmem>>[vector<16xi32>], vector<16xf32>,
        %mul3A_250 = arith.constant 16 : i32
        %mul3A_251 = arith.muli %scan3A_231, %mul3A_250 : i32
        %add3A_252 = arith.constant 1 : i32
        %add3A_253 = arith.addi %mul3A_251, %add3A_252 : i32
        %swap3A_254 = arith.index_cast %add3A_253 : i32 to index
        %swap3A_255 = arith.constant 16 : index
        %swap3A_256 = tpu.vector_load %arg13[%swap3A_254, %swap3A_255] {strides = array<i32>} : memref<128x128xf32, #tpu.memory_space<vmem>>, vector<16xf32>,
        tpu.vector_store %arg13[%swap3A_254, %swap3A_255], %gather3A_249 {strides = array<i32>} : memref<128x128xf32, #tpu.memory_space<vmem>>, vector<16xf32>,
        %slice3A_257 = vector.extract_strided_slice %get3A_236 {offsets = [2], sizes = [1], strides = [1]} : vector<16xi32> to vector<1xi32>
        %squeeze3A_258 = vector.extract %slice3A_257[0] : i32 from vector<1xi32>
        %add3A_259 = vector.broadcast %squeeze3A_258 : i32 to vector<16xi32>
        %add3A_260 = arith.addi %add3A_259, %iota3A : vector<16xi32>
        %gather3A_261 = tpu.vector_load_idx %arg14[%add3A_260] : memref<16864xf32, #tpu.memory_space<vmem>>[vector<16xi32>], vector<16xf32>,
        %mul3A_262 = arith.constant 16 : i32
        %mul3A_263 = arith.muli %scan3A_231, %mul3A_262 : i32
        %add3A_264 = arith.constant 2 : i32
        %add3A_265 = arith.addi %mul3A_263, %add3A_264 : i32
        %swap3A_266 = arith.index_cast %add3A_265 : i32 to index
        %swap3A_267 = arith.constant 16 : index
        %swap3A_268 = tpu.vector_load %arg13[%swap3A_266, %swap3A_267] {strides = array<i32>} : memref<128x128xf32, #tpu.memory_space<vmem>>, vector<16xf32>,
        tpu.vector_store %arg13[%swap3A_266, %swap3A_267], %gather3A_261 {strides = array<i32>} : memref<128x128xf32, #tpu.memory_space<vmem>>, vector<16xf32>,
        %slice3A_269 = vector.extract_strided_slice %get3A_236 {offsets = [3], sizes = [1], strides = [1]} : vector<16xi32> to vector<1xi32>
        %squeeze3A_270 = vector.extract %slice3A_269[0] : i32 from vector<1xi32>
        %add3A_271 = vector.broadcast %squeeze3A_270 : i32 to vector<16xi32>
        %add3A_272 = arith.addi %add3A_271, %iota3A : vector<16xi32>
        %gather3A_273 = tpu.vector_load_idx %arg14[%add3A_272] : memref<16864xf32, #tpu.memory_space<vmem>>[vector<16xi32>], vector<16xf32>,
        %mul3A_274 = arith.constant 16 : i32
        %mul3A_275 = arith.muli %scan3A_231, %mul3A_274 : i32
        %add3A_276 = arith.constant 3 : i32
        %add3A_277 = arith.addi %mul3A_275, %add3A_276 : i32
        %swap3A_278 = arith.index_cast %add3A_277 : i32 to index
        %swap3A_279 = arith.constant 16 : index
        %swap3A_280 = tpu.vector_load %arg13[%swap3A_278, %swap3A_279] {strides = array<i32>} : memref<128x128xf32, #tpu.memory_space<vmem>>, vector<16xf32>,
        tpu.vector_store %arg13[%swap3A_278, %swap3A_279], %gather3A_273 {strides = array<i32>} : memref<128x128xf32, #tpu.memory_space<vmem>>, vector<16xf32>,
        %slice3A_281 = vector.extract_strided_slice %get3A_236 {offsets = [4], sizes = [1], strides = [1]} : vector<16xi32> to vector<1xi32>
        %squeeze3A_282 = vector.extract %slice3A_281[0] : i32 from vector<1xi32>
        %add3A_283 = vector.broadcast %squeeze3A_282 : i32 to vector<16xi32>
        %add3A_284 = arith.addi %add3A_283, %iota3A : vector<16xi32>
        %gather3A_285 = tpu.vector_load_idx %arg14[%add3A_284] : memref<16864xf32, #tpu.memory_space<vmem>>[vector<16xi32>], vector<16xf32>,
        %mul3A_286 = arith.constant 16 : i32
        %mul3A_287 = arith.muli %scan3A_231, %mul3A_286 : i32
        %add3A_288 = arith.constant 4 : i32
        %add3A_289 = arith.addi %mul3A_287, %add3A_288 : i32
        %swap3A_290 = arith.index_cast %add3A_289 : i32 to index
        %swap3A_291 = arith.constant 16 : index
        %swap3A_292 = tpu.vector_load %arg13[%swap3A_290, %swap3A_291] {strides = array<i32>} : memref<128x128xf32, #tpu.memory_space<vmem>>, vector<16xf32>,
        tpu.vector_store %arg13[%swap3A_290, %swap3A_291], %gather3A_285 {strides = array<i32>} : memref<128x128xf32, #tpu.memory_space<vmem>>, vector<16xf32>,
        %slice3A_293 = vector.extract_strided_slice %get3A_236 {offsets = [5], sizes = [1], strides = [1]} : vector<16xi32> to vector<1xi32>
        %squeeze3A_294 = vector.extract %slice3A_293[0] : i32 from vector<1xi32>
        %add3A_295 = vector.broadcast %squeeze3A_294 : i32 to vector<16xi32>
        %add3A_296 = arith.addi %add3A_295, %iota3A : vector<16xi32>
        %gather3A_297 = tpu.vector_load_idx %arg14[%add3A_296] : memref<16864xf32, #tpu.memory_space<vmem>>[vector<16xi32>], vector<16xf32>,
        %mul3A_298 = arith.constant 16 : i32
        %mul3A_299 = arith.muli %scan3A_231, %mul3A_298 : i32
        %add3A_300 = arith.constant 5 : i32
        %add3A_301 = arith.addi %mul3A_299, %add3A_300 : i32
        %swap3A_302 = arith.index_cast %add3A_301 : i32 to index
        %swap3A_303 = arith.constant 16 : index
        %swap3A_304 = tpu.vector_load %arg13[%swap3A_302, %swap3A_303] {strides = array<i32>} : memref<128x128xf32, #tpu.memory_space<vmem>>, vector<16xf32>,
        tpu.vector_store %arg13[%swap3A_302, %swap3A_303], %gather3A_297 {strides = array<i32>} : memref<128x128xf32, #tpu.memory_space<vmem>>, vector<16xf32>,
        %slice3A_305 = vector.extract_strided_slice %get3A_236 {offsets = [6], sizes = [1], strides = [1]} : vector<16xi32> to vector<1xi32>
        %squeeze3A_306 = vector.extract %slice3A_305[0] : i32 from vector<1xi32>
        %add3A_307 = vector.broadcast %squeeze3A_306 : i32 to vector<16xi32>
        %add3A_308 = arith.addi %add3A_307, %iota3A : vector<16xi32>
        %gather3A_309 = tpu.vector_load_idx %arg14[%add3A_308] : memref<16864xf32, #tpu.memory_space<vmem>>[vector<16xi32>], vector<16xf32>,
        %mul3A_310 = arith.constant 16 : i32
        %mul3A_311 = arith.muli %scan3A_231, %mul3A_310 : i32
        %add3A_312 = arith.constant 6 : i32
        %add3A_313 = arith.addi %mul3A_311, %add3A_312 : i32
        %swap3A_314 = arith.index_cast %add3A_313 : i32 to index
        %swap3A_315 = arith.constant 16 : index
        %swap3A_316 = tpu.vector_load %arg13[%swap3A_314, %swap3A_315] {strides = array<i32>} : memref<128x128xf32, #tpu.memory_space<vmem>>, vector<16xf32>,
        tpu.vector_store %arg13[%swap3A_314, %swap3A_315], %gather3A_309 {strides = array<i32>} : memref<128x128xf32, #tpu.memory_space<vmem>>, vector<16xf32>,
        %slice3A_317 = vector.extract_strided_slice %get3A_236 {offsets = [7], sizes = [1], strides = [1]} : vector<16xi32> to vector<1xi32>
        %squeeze3A_318 = vector.extract %slice3A_317[0] : i32 from vector<1xi32>
        %add3A_319 = vector.broadcast %squeeze3A_318 : i32 to vector<16xi32>
        %add3A_320 = arith.addi %add3A_319, %iota3A : vector<16xi32>
        %gather3A_321 = tpu.vector_load_idx %arg14[%add3A_320] : memref<16864xf32, #tpu.memory_space<vmem>>[vector<16xi32>], vector<16xf32>,
        %mul3A_322 = arith.constant 16 : i32
        %mul3A_323 = arith.muli %scan3A_231, %mul3A_322 : i32
        %add3A_324 = arith.constant 7 : i32
        %add3A_325 = arith.addi %mul3A_323, %add3A_324 : i32
        %swap3A_326 = arith.index_cast %add3A_325 : i32 to index
        %swap3A_327 = arith.constant 16 : index
        %swap3A_328 = tpu.vector_load %arg13[%swap3A_326, %swap3A_327] {strides = array<i32>} : memref<128x128xf32, #tpu.memory_space<vmem>>, vector<16xf32>,
        tpu.vector_store %arg13[%swap3A_326, %swap3A_327], %gather3A_321 {strides = array<i32>} : memref<128x128xf32, #tpu.memory_space<vmem>>, vector<16xf32>,
        %slice3A_329 = vector.extract_strided_slice %get3A_236 {offsets = [8], sizes = [1], strides = [1]} : vector<16xi32> to vector<1xi32>
        %squeeze3A_330 = vector.extract %slice3A_329[0] : i32 from vector<1xi32>
        %add3A_331 = vector.broadcast %squeeze3A_330 : i32 to vector<16xi32>
        %add3A_332 = arith.addi %add3A_331, %iota3A : vector<16xi32>
        %gather3A_333 = tpu.vector_load_idx %arg14[%add3A_332] : memref<16864xf32, #tpu.memory_space<vmem>>[vector<16xi32>], vector<16xf32>,
        %mul3A_334 = arith.constant 16 : i32
        %mul3A_335 = arith.muli %scan3A_231, %mul3A_334 : i32
        %add3A_336 = arith.constant 8 : i32
        %add3A_337 = arith.addi %mul3A_335, %add3A_336 : i32
        %swap3A_338 = arith.index_cast %add3A_337 : i32 to index
        %swap3A_339 = arith.constant 16 : index
        %swap3A_340 = tpu.vector_load %arg13[%swap3A_338, %swap3A_339] {strides = array<i32>} : memref<128x128xf32, #tpu.memory_space<vmem>>, vector<16xf32>,
        tpu.vector_store %arg13[%swap3A_338, %swap3A_339], %gather3A_333 {strides = array<i32>} : memref<128x128xf32, #tpu.memory_space<vmem>>, vector<16xf32>,
        %slice3A_341 = vector.extract_strided_slice %get3A_236 {offsets = [9], sizes = [1], strides = [1]} : vector<16xi32> to vector<1xi32>
        %squeeze3A_342 = vector.extract %slice3A_341[0] : i32 from vector<1xi32>
        %add3A_343 = vector.broadcast %squeeze3A_342 : i32 to vector<16xi32>
        %add3A_344 = arith.addi %add3A_343, %iota3A : vector<16xi32>
        %gather3A_345 = tpu.vector_load_idx %arg14[%add3A_344] : memref<16864xf32, #tpu.memory_space<vmem>>[vector<16xi32>], vector<16xf32>,
        %mul3A_346 = arith.constant 16 : i32
        %mul3A_347 = arith.muli %scan3A_231, %mul3A_346 : i32
        %add3A_348 = arith.constant 9 : i32
        %add3A_349 = arith.addi %mul3A_347, %add3A_348 : i32
        %swap3A_350 = arith.index_cast %add3A_349 : i32 to index
        %swap3A_351 = arith.constant 16 : index
        %swap3A_352 = tpu.vector_load %arg13[%swap3A_350, %swap3A_351] {strides = array<i32>} : memref<128x128xf32, #tpu.memory_space<vmem>>, vector<16xf32>,
        tpu.vector_store %arg13[%swap3A_350, %swap3A_351], %gather3A_345 {strides = array<i32>} : memref<128x128xf32, #tpu.memory_space<vmem>>, vector<16xf32>,
        %slice3A_353 = vector.extract_strided_slice %get3A_236 {offsets = [10], sizes = [1], strides = [1]} : vector<16xi32> to vector<1xi32>
        %squeeze3A_354 = vector.extract %slice3A_353[0] : i32 from vector<1xi32>
        %add3A_355 = vector.broadcast %squeeze3A_354 : i32 to vector<16xi32>
        %add3A_356 = arith.addi %add3A_355, %iota3A : vector<16xi32>
        %gather3A_357 = tpu.vector_load_idx %arg14[%add3A_356] : memref<16864xf32, #tpu.memory_space<vmem>>[vector<16xi32>], vector<16xf32>,
        %mul3A_358 = arith.constant 16 : i32
        %mul3A_359 = arith.muli %scan3A_231, %mul3A_358 : i32
        %add3A_360 = arith.constant 10 : i32
        %add3A_361 = arith.addi %mul3A_359, %add3A_360 : i32
        %swap3A_362 = arith.index_cast %add3A_361 : i32 to index
        %swap3A_363 = arith.constant 16 : index
        %swap3A_364 = tpu.vector_load %arg13[%swap3A_362, %swap3A_363] {strides = array<i32>} : memref<128x128xf32, #tpu.memory_space<vmem>>, vector<16xf32>,
        tpu.vector_store %arg13[%swap3A_362, %swap3A_363], %gather3A_357 {strides = array<i32>} : memref<128x128xf32, #tpu.memory_space<vmem>>, vector<16xf32>,
        %slice3A_365 = vector.extract_strided_slice %get3A_236 {offsets = [11], sizes = [1], strides = [1]} : vector<16xi32> to vector<1xi32>
        %squeeze3A_366 = vector.extract %slice3A_365[0] : i32 from vector<1xi32>
        %add3A_367 = vector.broadcast %squeeze3A_366 : i32 to vector<16xi32>
        %add3A_368 = arith.addi %add3A_367, %iota3A : vector<16xi32>
        %gather3A_369 = tpu.vector_load_idx %arg14[%add3A_368] : memref<16864xf32, #tpu.memory_space<vmem>>[vector<16xi32>], vector<16xf32>,
        %mul3A_370 = arith.constant 16 : i32
        %mul3A_371 = arith.muli %scan3A_231, %mul3A_370 : i32
        %add3A_372 = arith.constant 11 : i32
        %add3A_373 = arith.addi %mul3A_371, %add3A_372 : i32
        %swap3A_374 = arith.index_cast %add3A_373 : i32 to index
        %swap3A_375 = arith.constant 16 : index
        %swap3A_376 = tpu.vector_load %arg13[%swap3A_374, %swap3A_375] {strides = array<i32>} : memref<128x128xf32, #tpu.memory_space<vmem>>, vector<16xf32>,
        tpu.vector_store %arg13[%swap3A_374, %swap3A_375], %gather3A_369 {strides = array<i32>} : memref<128x128xf32, #tpu.memory_space<vmem>>, vector<16xf32>,
        %slice3A_377 = vector.extract_strided_slice %get3A_236 {offsets = [12], sizes = [1], strides = [1]} : vector<16xi32> to vector<1xi32>
        %squeeze3A_378 = vector.extract %slice3A_377[0] : i32 from vector<1xi32>
        %add3A_379 = vector.broadcast %squeeze3A_378 : i32 to vector<16xi32>
        %add3A_380 = arith.addi %add3A_379, %iota3A : vector<16xi32>
        %gather3A_381 = tpu.vector_load_idx %arg14[%add3A_380] : memref<16864xf32, #tpu.memory_space<vmem>>[vector<16xi32>], vector<16xf32>,
        %mul3A_382 = arith.constant 16 : i32
        %mul3A_383 = arith.muli %scan3A_231, %mul3A_382 : i32
        %add3A_384 = arith.constant 12 : i32
        %add3A_385 = arith.addi %mul3A_383, %add3A_384 : i32
        %swap3A_386 = arith.index_cast %add3A_385 : i32 to index
        %swap3A_387 = arith.constant 16 : index
        %swap3A_388 = tpu.vector_load %arg13[%swap3A_386, %swap3A_387] {strides = array<i32>} : memref<128x128xf32, #tpu.memory_space<vmem>>, vector<16xf32>,
        tpu.vector_store %arg13[%swap3A_386, %swap3A_387], %gather3A_381 {strides = array<i32>} : memref<128x128xf32, #tpu.memory_space<vmem>>, vector<16xf32>,
        %slice3A_389 = vector.extract_strided_slice %get3A_236 {offsets = [13], sizes = [1], strides = [1]} : vector<16xi32> to vector<1xi32>
        %squeeze3A_390 = vector.extract %slice3A_389[0] : i32 from vector<1xi32>
        %add3A_391 = vector.broadcast %squeeze3A_390 : i32 to vector<16xi32>
        %add3A_392 = arith.addi %add3A_391, %iota3A : vector<16xi32>
        %gather3A_393 = tpu.vector_load_idx %arg14[%add3A_392] : memref<16864xf32, #tpu.memory_space<vmem>>[vector<16xi32>], vector<16xf32>,
        %mul3A_394 = arith.constant 16 : i32
        %mul3A_395 = arith.muli %scan3A_231, %mul3A_394 : i32
        %add3A_396 = arith.constant 13 : i32
        %add3A_397 = arith.addi %mul3A_395, %add3A_396 : i32
        %swap3A_398 = arith.index_cast %add3A_397 : i32 to index
        %swap3A_399 = arith.constant 16 : index
        %swap3A_400 = tpu.vector_load %arg13[%swap3A_398, %swap3A_399] {strides = array<i32>} : memref<128x128xf32, #tpu.memory_space<vmem>>, vector<16xf32>,
        tpu.vector_store %arg13[%swap3A_398, %swap3A_399], %gather3A_393 {strides = array<i32>} : memref<128x128xf32, #tpu.memory_space<vmem>>, vector<16xf32>,
        %slice3A_401 = vector.extract_strided_slice %get3A_236 {offsets = [14], sizes = [1], strides = [1]} : vector<16xi32> to vector<1xi32>
        %squeeze3A_402 = vector.extract %slice3A_401[0] : i32 from vector<1xi32>
        %add3A_403 = vector.broadcast %squeeze3A_402 : i32 to vector<16xi32>
        %add3A_404 = arith.addi %add3A_403, %iota3A : vector<16xi32>
        %gather3A_405 = tpu.vector_load_idx %arg14[%add3A_404] : memref<16864xf32, #tpu.memory_space<vmem>>[vector<16xi32>], vector<16xf32>,
        %mul3A_406 = arith.constant 16 : i32
        %mul3A_407 = arith.muli %scan3A_231, %mul3A_406 : i32
        %add3A_408 = arith.constant 14 : i32
        %add3A_409 = arith.addi %mul3A_407, %add3A_408 : i32
        %swap3A_410 = arith.index_cast %add3A_409 : i32 to index
        %swap3A_411 = arith.constant 16 : index
        %swap3A_412 = tpu.vector_load %arg13[%swap3A_410, %swap3A_411] {strides = array<i32>} : memref<128x128xf32, #tpu.memory_space<vmem>>, vector<16xf32>,
        tpu.vector_store %arg13[%swap3A_410, %swap3A_411], %gather3A_405 {strides = array<i32>} : memref<128x128xf32, #tpu.memory_space<vmem>>, vector<16xf32>,
        %slice3A_413 = vector.extract_strided_slice %get3A_236 {offsets = [15], sizes = [1], strides = [1]} : vector<16xi32> to vector<1xi32>
        %squeeze3A_414 = vector.extract %slice3A_413[0] : i32 from vector<1xi32>
        %add3A_415 = vector.broadcast %squeeze3A_414 : i32 to vector<16xi32>
        %add3A_416 = arith.addi %add3A_415, %iota3A : vector<16xi32>
        %gather3A_417 = tpu.vector_load_idx %arg14[%add3A_416] : memref<16864xf32, #tpu.memory_space<vmem>>[vector<16xi32>], vector<16xf32>,
        %mul3A_418 = arith.constant 16 : i32
        %mul3A_419 = arith.muli %scan3A_231, %mul3A_418 : i32
        %add3A_420 = arith.constant 15 : i32
        %add3A_421 = arith.addi %mul3A_419, %add3A_420 : i32
        %swap3A_422 = arith.index_cast %add3A_421 : i32 to index
        %swap3A_423 = arith.constant 16 : index
        %swap3A_424 = tpu.vector_load %arg13[%swap3A_422, %swap3A_423] {strides = array<i32>} : memref<128x128xf32, #tpu.memory_space<vmem>>, vector<16xf32>,
        tpu.vector_store %arg13[%swap3A_422, %swap3A_423], %gather3A_417 {strides = array<i32>} : memref<128x128xf32, #tpu.memory_space<vmem>>, vector<16xf32>,
      }
      %scan3A_123 = arith.constant 8 : i32
      %scan3A_124 = arith.constant 0 : i32
      %scan3A_125 = arith.constant 8 : i32
      %scan3A_126 = arith.addi %scan3A_124, %scan3A_125 : i32
      %scan3A_127 = arith.constant 1 : i32
      scf.for %scan3A_231 = %scan3A_124 to %scan3A_126 step %scan3A_127  : i32 {
        %mul3A_232 = arith.constant 16 : i32
        %mul3A_233 = arith.muli %scan3A_231, %mul3A_232 : i32
        %add3A_234 = arith.constant 384 : i32
        %add3A_235 = arith.addi %add3A_234, %mul3A_233 : i32
        %get3A = arith.index_cast %add3A_235 : i32 to index
        %get3A_236 = tpu.vector_load %arg7[%get3A] {strides = array<i32>} : memref<512xi32, #tpu.memory_space<vmem>>, vector<16xi32>,
        %slice3A = vector.extract_strided_slice %get3A_236 {offsets = [0], sizes = [1], strides = [1]} : vector<16xi32> to vector<1xi32>
        %squeeze3A = vector.extract %slice3A[0] : i32 from vector<1xi32>
        %add3A_237 = vector.broadcast %squeeze3A : i32 to vector<16xi32>
        %add3A_238 = arith.addi %add3A_237, %iota3A : vector<16xi32>
        %gather3A = tpu.vector_load_idx %arg14[%add3A_238] : memref<16864xf32, #tpu.memory_space<vmem>>[vector<16xi32>], vector<16xf32>,
        %mul3A_239 = arith.constant 16 : i32
        %mul3A_240 = arith.muli %scan3A_231, %mul3A_239 : i32
        %add3A_241 = arith.constant 0 : i32
        %add3A_242 = arith.addi %mul3A_240, %add3A_241 : i32
        %swap3A = arith.index_cast %add3A_242 : i32 to index
        %swap3A_243 = arith.constant 32 : index
        %swap3A_244 = tpu.vector_load %arg13[%swap3A, %swap3A_243] {strides = array<i32>} : memref<128x128xf32, #tpu.memory_space<vmem>>, vector<16xf32>,
        tpu.vector_store %arg13[%swap3A, %swap3A_243], %gather3A {strides = array<i32>} : memref<128x128xf32, #tpu.memory_space<vmem>>, vector<16xf32>,
        %slice3A_245 = vector.extract_strided_slice %get3A_236 {offsets = [1], sizes = [1], strides = [1]} : vector<16xi32> to vector<1xi32>
        %squeeze3A_246 = vector.extract %slice3A_245[0] : i32 from vector<1xi32>
        %add3A_247 = vector.broadcast %squeeze3A_246 : i32 to vector<16xi32>
        %add3A_248 = arith.addi %add3A_247, %iota3A : vector<16xi32>
        %gather3A_249 = tpu.vector_load_idx %arg14[%add3A_248] : memref<16864xf32, #tpu.memory_space<vmem>>[vector<16xi32>], vector<16xf32>,
        %mul3A_250 = arith.constant 16 : i32
        %mul3A_251 = arith.muli %scan3A_231, %mul3A_250 : i32
        %add3A_252 = arith.constant 1 : i32
        %add3A_253 = arith.addi %mul3A_251, %add3A_252 : i32
        %swap3A_254 = arith.index_cast %add3A_253 : i32 to index
        %swap3A_255 = arith.constant 32 : index
        %swap3A_256 = tpu.vector_load %arg13[%swap3A_254, %swap3A_255] {strides = array<i32>} : memref<128x128xf32, #tpu.memory_space<vmem>>, vector<16xf32>,
        tpu.vector_store %arg13[%swap3A_254, %swap3A_255], %gather3A_249 {strides = array<i32>} : memref<128x128xf32, #tpu.memory_space<vmem>>, vector<16xf32>,
        %slice3A_257 = vector.extract_strided_slice %get3A_236 {offsets = [2], sizes = [1], strides = [1]} : vector<16xi32> to vector<1xi32>
        %squeeze3A_258 = vector.extract %slice3A_257[0] : i32 from vector<1xi32>
        %add3A_259 = vector.broadcast %squeeze3A_258 : i32 to vector<16xi32>
        %add3A_260 = arith.addi %add3A_259, %iota3A : vector<16xi32>
        %gather3A_261 = tpu.vector_load_idx %arg14[%add3A_260] : memref<16864xf32, #tpu.memory_space<vmem>>[vector<16xi32>], vector<16xf32>,
        %mul3A_262 = arith.constant 16 : i32
        %mul3A_263 = arith.muli %scan3A_231, %mul3A_262 : i32
        %add3A_264 = arith.constant 2 : i32
        %add3A_265 = arith.addi %mul3A_263, %add3A_264 : i32
        %swap3A_266 = arith.index_cast %add3A_265 : i32 to index
        %swap3A_267 = arith.constant 32 : index
        %swap3A_268 = tpu.vector_load %arg13[%swap3A_266, %swap3A_267] {strides = array<i32>} : memref<128x128xf32, #tpu.memory_space<vmem>>, vector<16xf32>,
        tpu.vector_store %arg13[%swap3A_266, %swap3A_267], %gather3A_261 {strides = array<i32>} : memref<128x128xf32, #tpu.memory_space<vmem>>, vector<16xf32>,
        %slice3A_269 = vector.extract_strided_slice %get3A_236 {offsets = [3], sizes = [1], strides = [1]} : vector<16xi32> to vector<1xi32>
        %squeeze3A_270 = vector.extract %slice3A_269[0] : i32 from vector<1xi32>
        %add3A_271 = vector.broadcast %squeeze3A_270 : i32 to vector<16xi32>
        %add3A_272 = arith.addi %add3A_271, %iota3A : vector<16xi32>
        %gather3A_273 = tpu.vector_load_idx %arg14[%add3A_272] : memref<16864xf32, #tpu.memory_space<vmem>>[vector<16xi32>], vector<16xf32>,
        %mul3A_274 = arith.constant 16 : i32
        %mul3A_275 = arith.muli %scan3A_231, %mul3A_274 : i32
        %add3A_276 = arith.constant 3 : i32
        %add3A_277 = arith.addi %mul3A_275, %add3A_276 : i32
        %swap3A_278 = arith.index_cast %add3A_277 : i32 to index
        %swap3A_279 = arith.constant 32 : index
        %swap3A_280 = tpu.vector_load %arg13[%swap3A_278, %swap3A_279] {strides = array<i32>} : memref<128x128xf32, #tpu.memory_space<vmem>>, vector<16xf32>,
        tpu.vector_store %arg13[%swap3A_278, %swap3A_279], %gather3A_273 {strides = array<i32>} : memref<128x128xf32, #tpu.memory_space<vmem>>, vector<16xf32>,
        %slice3A_281 = vector.extract_strided_slice %get3A_236 {offsets = [4], sizes = [1], strides = [1]} : vector<16xi32> to vector<1xi32>
        %squeeze3A_282 = vector.extract %slice3A_281[0] : i32 from vector<1xi32>
        %add3A_283 = vector.broadcast %squeeze3A_282 : i32 to vector<16xi32>
        %add3A_284 = arith.addi %add3A_283, %iota3A : vector<16xi32>
        %gather3A_285 = tpu.vector_load_idx %arg14[%add3A_284] : memref<16864xf32, #tpu.memory_space<vmem>>[vector<16xi32>], vector<16xf32>,
        %mul3A_286 = arith.constant 16 : i32
        %mul3A_287 = arith.muli %scan3A_231, %mul3A_286 : i32
        %add3A_288 = arith.constant 4 : i32
        %add3A_289 = arith.addi %mul3A_287, %add3A_288 : i32
        %swap3A_290 = arith.index_cast %add3A_289 : i32 to index
        %swap3A_291 = arith.constant 32 : index
        %swap3A_292 = tpu.vector_load %arg13[%swap3A_290, %swap3A_291] {strides = array<i32>} : memref<128x128xf32, #tpu.memory_space<vmem>>, vector<16xf32>,
        tpu.vector_store %arg13[%swap3A_290, %swap3A_291], %gather3A_285 {strides = array<i32>} : memref<128x128xf32, #tpu.memory_space<vmem>>, vector<16xf32>,
        %slice3A_293 = vector.extract_strided_slice %get3A_236 {offsets = [5], sizes = [1], strides = [1]} : vector<16xi32> to vector<1xi32>
        %squeeze3A_294 = vector.extract %slice3A_293[0] : i32 from vector<1xi32>
        %add3A_295 = vector.broadcast %squeeze3A_294 : i32 to vector<16xi32>
        %add3A_296 = arith.addi %add3A_295, %iota3A : vector<16xi32>
        %gather3A_297 = tpu.vector_load_idx %arg14[%add3A_296] : memref<16864xf32, #tpu.memory_space<vmem>>[vector<16xi32>], vector<16xf32>,
        %mul3A_298 = arith.constant 16 : i32
        %mul3A_299 = arith.muli %scan3A_231, %mul3A_298 : i32
        %add3A_300 = arith.constant 5 : i32
        %add3A_301 = arith.addi %mul3A_299, %add3A_300 : i32
        %swap3A_302 = arith.index_cast %add3A_301 : i32 to index
        %swap3A_303 = arith.constant 32 : index
        %swap3A_304 = tpu.vector_load %arg13[%swap3A_302, %swap3A_303] {strides = array<i32>} : memref<128x128xf32, #tpu.memory_space<vmem>>, vector<16xf32>,
        tpu.vector_store %arg13[%swap3A_302, %swap3A_303], %gather3A_297 {strides = array<i32>} : memref<128x128xf32, #tpu.memory_space<vmem>>, vector<16xf32>,
        %slice3A_305 = vector.extract_strided_slice %get3A_236 {offsets = [6], sizes = [1], strides = [1]} : vector<16xi32> to vector<1xi32>
        %squeeze3A_306 = vector.extract %slice3A_305[0] : i32 from vector<1xi32>
        %add3A_307 = vector.broadcast %squeeze3A_306 : i32 to vector<16xi32>
        %add3A_308 = arith.addi %add3A_307, %iota3A : vector<16xi32>
        %gather3A_309 = tpu.vector_load_idx %arg14[%add3A_308] : memref<16864xf32, #tpu.memory_space<vmem>>[vector<16xi32>], vector<16xf32>,
        %mul3A_310 = arith.constant 16 : i32
        %mul3A_311 = arith.muli %scan3A_231, %mul3A_310 : i32
        %add3A_312 = arith.constant 6 : i32
        %add3A_313 = arith.addi %mul3A_311, %add3A_312 : i32
        %swap3A_314 = arith.index_cast %add3A_313 : i32 to index
        %swap3A_315 = arith.constant 32 : index
        %swap3A_316 = tpu.vector_load %arg13[%swap3A_314, %swap3A_315] {strides = array<i32>} : memref<128x128xf32, #tpu.memory_space<vmem>>, vector<16xf32>,
        tpu.vector_store %arg13[%swap3A_314, %swap3A_315], %gather3A_309 {strides = array<i32>} : memref<128x128xf32, #tpu.memory_space<vmem>>, vector<16xf32>,
        %slice3A_317 = vector.extract_strided_slice %get3A_236 {offsets = [7], sizes = [1], strides = [1]} : vector<16xi32> to vector<1xi32>
        %squeeze3A_318 = vector.extract %slice3A_317[0] : i32 from vector<1xi32>
        %add3A_319 = vector.broadcast %squeeze3A_318 : i32 to vector<16xi32>
        %add3A_320 = arith.addi %add3A_319, %iota3A : vector<16xi32>
        %gather3A_321 = tpu.vector_load_idx %arg14[%add3A_320] : memref<16864xf32, #tpu.memory_space<vmem>>[vector<16xi32>], vector<16xf32>,
        %mul3A_322 = arith.constant 16 : i32
        %mul3A_323 = arith.muli %scan3A_231, %mul3A_322 : i32
        %add3A_324 = arith.constant 7 : i32
        %add3A_325 = arith.addi %mul3A_323, %add3A_324 : i32
        %swap3A_326 = arith.index_cast %add3A_325 : i32 to index
        %swap3A_327 = arith.constant 32 : index
        %swap3A_328 = tpu.vector_load %arg13[%swap3A_326, %swap3A_327] {strides = array<i32>} : memref<128x128xf32, #tpu.memory_space<vmem>>, vector<16xf32>,
        tpu.vector_store %arg13[%swap3A_326, %swap3A_327], %gather3A_321 {strides = array<i32>} : memref<128x128xf32, #tpu.memory_space<vmem>>, vector<16xf32>,
        %slice3A_329 = vector.extract_strided_slice %get3A_236 {offsets = [8], sizes = [1], strides = [1]} : vector<16xi32> to vector<1xi32>
        %squeeze3A_330 = vector.extract %slice3A_329[0] : i32 from vector<1xi32>
        %add3A_331 = vector.broadcast %squeeze3A_330 : i32 to vector<16xi32>
        %add3A_332 = arith.addi %add3A_331, %iota3A : vector<16xi32>
        %gather3A_333 = tpu.vector_load_idx %arg14[%add3A_332] : memref<16864xf32, #tpu.memory_space<vmem>>[vector<16xi32>], vector<16xf32>,
        %mul3A_334 = arith.constant 16 : i32
        %mul3A_335 = arith.muli %scan3A_231, %mul3A_334 : i32
        %add3A_336 = arith.constant 8 : i32
        %add3A_337 = arith.addi %mul3A_335, %add3A_336 : i32
        %swap3A_338 = arith.index_cast %add3A_337 : i32 to index
        %swap3A_339 = arith.constant 32 : index
        %swap3A_340 = tpu.vector_load %arg13[%swap3A_338, %swap3A_339] {strides = array<i32>} : memref<128x128xf32, #tpu.memory_space<vmem>>, vector<16xf32>,
        tpu.vector_store %arg13[%swap3A_338, %swap3A_339], %gather3A_333 {strides = array<i32>} : memref<128x128xf32, #tpu.memory_space<vmem>>, vector<16xf32>,
        %slice3A_341 = vector.extract_strided_slice %get3A_236 {offsets = [9], sizes = [1], strides = [1]} : vector<16xi32> to vector<1xi32>
        %squeeze3A_342 = vector.extract %slice3A_341[0] : i32 from vector<1xi32>
        %add3A_343 = vector.broadcast %squeeze3A_342 : i32 to vector<16xi32>
        %add3A_344 = arith.addi %add3A_343, %iota3A : vector<16xi32>
        %gather3A_345 = tpu.vector_load_idx %arg14[%add3A_344] : memref<16864xf32, #tpu.memory_space<vmem>>[vector<16xi32>], vector<16xf32>,
        %mul3A_346 = arith.constant 16 : i32
        %mul3A_347 = arith.muli %scan3A_231, %mul3A_346 : i32
        %add3A_348 = arith.constant 9 : i32
        %add3A_349 = arith.addi %mul3A_347, %add3A_348 : i32
        %swap3A_350 = arith.index_cast %add3A_349 : i32 to index
        %swap3A_351 = arith.constant 32 : index
        %swap3A_352 = tpu.vector_load %arg13[%swap3A_350, %swap3A_351] {strides = array<i32>} : memref<128x128xf32, #tpu.memory_space<vmem>>, vector<16xf32>,
        tpu.vector_store %arg13[%swap3A_350, %swap3A_351], %gather3A_345 {strides = array<i32>} : memref<128x128xf32, #tpu.memory_space<vmem>>, vector<16xf32>,
        %slice3A_353 = vector.extract_strided_slice %get3A_236 {offsets = [10], sizes = [1], strides = [1]} : vector<16xi32> to vector<1xi32>
        %squeeze3A_354 = vector.extract %slice3A_353[0] : i32 from vector<1xi32>
        %add3A_355 = vector.broadcast %squeeze3A_354 : i32 to vector<16xi32>
        %add3A_356 = arith.addi %add3A_355, %iota3A : vector<16xi32>
        %gather3A_357 = tpu.vector_load_idx %arg14[%add3A_356] : memref<16864xf32, #tpu.memory_space<vmem>>[vector<16xi32>], vector<16xf32>,
        %mul3A_358 = arith.constant 16 : i32
        %mul3A_359 = arith.muli %scan3A_231, %mul3A_358 : i32
        %add3A_360 = arith.constant 10 : i32
        %add3A_361 = arith.addi %mul3A_359, %add3A_360 : i32
        %swap3A_362 = arith.index_cast %add3A_361 : i32 to index
        %swap3A_363 = arith.constant 32 : index
        %swap3A_364 = tpu.vector_load %arg13[%swap3A_362, %swap3A_363] {strides = array<i32>} : memref<128x128xf32, #tpu.memory_space<vmem>>, vector<16xf32>,
        tpu.vector_store %arg13[%swap3A_362, %swap3A_363], %gather3A_357 {strides = array<i32>} : memref<128x128xf32, #tpu.memory_space<vmem>>, vector<16xf32>,
        %slice3A_365 = vector.extract_strided_slice %get3A_236 {offsets = [11], sizes = [1], strides = [1]} : vector<16xi32> to vector<1xi32>
        %squeeze3A_366 = vector.extract %slice3A_365[0] : i32 from vector<1xi32>
        %add3A_367 = vector.broadcast %squeeze3A_366 : i32 to vector<16xi32>
        %add3A_368 = arith.addi %add3A_367, %iota3A : vector<16xi32>
        %gather3A_369 = tpu.vector_load_idx %arg14[%add3A_368] : memref<16864xf32, #tpu.memory_space<vmem>>[vector<16xi32>], vector<16xf32>,
        %mul3A_370 = arith.constant 16 : i32
        %mul3A_371 = arith.muli %scan3A_231, %mul3A_370 : i32
        %add3A_372 = arith.constant 11 : i32
        %add3A_373 = arith.addi %mul3A_371, %add3A_372 : i32
        %swap3A_374 = arith.index_cast %add3A_373 : i32 to index
        %swap3A_375 = arith.constant 32 : index
        %swap3A_376 = tpu.vector_load %arg13[%swap3A_374, %swap3A_375] {strides = array<i32>} : memref<128x128xf32, #tpu.memory_space<vmem>>, vector<16xf32>,
        tpu.vector_store %arg13[%swap3A_374, %swap3A_375], %gather3A_369 {strides = array<i32>} : memref<128x128xf32, #tpu.memory_space<vmem>>, vector<16xf32>,
        %slice3A_377 = vector.extract_strided_slice %get3A_236 {offsets = [12], sizes = [1], strides = [1]} : vector<16xi32> to vector<1xi32>
        %squeeze3A_378 = vector.extract %slice3A_377[0] : i32 from vector<1xi32>
        %add3A_379 = vector.broadcast %squeeze3A_378 : i32 to vector<16xi32>
        %add3A_380 = arith.addi %add3A_379, %iota3A : vector<16xi32>
        %gather3A_381 = tpu.vector_load_idx %arg14[%add3A_380] : memref<16864xf32, #tpu.memory_space<vmem>>[vector<16xi32>], vector<16xf32>,
        %mul3A_382 = arith.constant 16 : i32
        %mul3A_383 = arith.muli %scan3A_231, %mul3A_382 : i32
        %add3A_384 = arith.constant 12 : i32
        %add3A_385 = arith.addi %mul3A_383, %add3A_384 : i32
        %swap3A_386 = arith.index_cast %add3A_385 : i32 to index
        %swap3A_387 = arith.constant 32 : index
        %swap3A_388 = tpu.vector_load %arg13[%swap3A_386, %swap3A_387] {strides = array<i32>} : memref<128x128xf32, #tpu.memory_space<vmem>>, vector<16xf32>,
        tpu.vector_store %arg13[%swap3A_386, %swap3A_387], %gather3A_381 {strides = array<i32>} : memref<128x128xf32, #tpu.memory_space<vmem>>, vector<16xf32>,
        %slice3A_389 = vector.extract_strided_slice %get3A_236 {offsets = [13], sizes = [1], strides = [1]} : vector<16xi32> to vector<1xi32>
        %squeeze3A_390 = vector.extract %slice3A_389[0] : i32 from vector<1xi32>
        %add3A_391 = vector.broadcast %squeeze3A_390 : i32 to vector<16xi32>
        %add3A_392 = arith.addi %add3A_391, %iota3A : vector<16xi32>
        %gather3A_393 = tpu.vector_load_idx %arg14[%add3A_392] : memref<16864xf32, #tpu.memory_space<vmem>>[vector<16xi32>], vector<16xf32>,
        %mul3A_394 = arith.constant 16 : i32
        %mul3A_395 = arith.muli %scan3A_231, %mul3A_394 : i32
        %add3A_396 = arith.constant 13 : i32
        %add3A_397 = arith.addi %mul3A_395, %add3A_396 : i32
        %swap3A_398 = arith.index_cast %add3A_397 : i32 to index
        %swap3A_399 = arith.constant 32 : index
        %swap3A_400 = tpu.vector_load %arg13[%swap3A_398, %swap3A_399] {strides = array<i32>} : memref<128x128xf32, #tpu.memory_space<vmem>>, vector<16xf32>,
        tpu.vector_store %arg13[%swap3A_398, %swap3A_399], %gather3A_393 {strides = array<i32>} : memref<128x128xf32, #tpu.memory_space<vmem>>, vector<16xf32>,
        %slice3A_401 = vector.extract_strided_slice %get3A_236 {offsets = [14], sizes = [1], strides = [1]} : vector<16xi32> to vector<1xi32>
        %squeeze3A_402 = vector.extract %slice3A_401[0] : i32 from vector<1xi32>
        %add3A_403 = vector.broadcast %squeeze3A_402 : i32 to vector<16xi32>
        %add3A_404 = arith.addi %add3A_403, %iota3A : vector<16xi32>
        %gather3A_405 = tpu.vector_load_idx %arg14[%add3A_404] : memref<16864xf32, #tpu.memory_space<vmem>>[vector<16xi32>], vector<16xf32>,
        %mul3A_406 = arith.constant 16 : i32
        %mul3A_407 = arith.muli %scan3A_231, %mul3A_406 : i32
        %add3A_408 = arith.constant 14 : i32
        %add3A_409 = arith.addi %mul3A_407, %add3A_408 : i32
        %swap3A_410 = arith.index_cast %add3A_409 : i32 to index
        %swap3A_411 = arith.constant 32 : index
        %swap3A_412 = tpu.vector_load %arg13[%swap3A_410, %swap3A_411] {strides = array<i32>} : memref<128x128xf32, #tpu.memory_space<vmem>>, vector<16xf32>,
        tpu.vector_store %arg13[%swap3A_410, %swap3A_411], %gather3A_405 {strides = array<i32>} : memref<128x128xf32, #tpu.memory_space<vmem>>, vector<16xf32>,
        %slice3A_413 = vector.extract_strided_slice %get3A_236 {offsets = [15], sizes = [1], strides = [1]} : vector<16xi32> to vector<1xi32>
        %squeeze3A_414 = vector.extract %slice3A_413[0] : i32 from vector<1xi32>
        %add3A_415 = vector.broadcast %squeeze3A_414 : i32 to vector<16xi32>
        %add3A_416 = arith.addi %add3A_415, %iota3A : vector<16xi32>
        %gather3A_417 = tpu.vector_load_idx %arg14[%add3A_416] : memref<16864xf32, #tpu.memory_space<vmem>>[vector<16xi32>], vector<16xf32>,
        %mul3A_418 = arith.constant 16 : i32
        %mul3A_419 = arith.muli %scan3A_231, %mul3A_418 : i32
        %add3A_420 = arith.constant 15 : i32
        %add3A_421 = arith.addi %mul3A_419, %add3A_420 : i32
        %swap3A_422 = arith.index_cast %add3A_421 : i32 to index
        %swap3A_423 = arith.constant 32 : index
        %swap3A_424 = tpu.vector_load %arg13[%swap3A_422, %swap3A_423] {strides = array<i32>} : memref<128x128xf32, #tpu.memory_space<vmem>>, vector<16xf32>,
        tpu.vector_store %arg13[%swap3A_422, %swap3A_423], %gather3A_417 {strides = array<i32>} : memref<128x128xf32, #tpu.memory_space<vmem>>, vector<16xf32>,
      }
      %scan3A_128 = arith.constant 8 : i32
      %dma_wait3A_129 = arith.constant 0 : i32
      %dma_wait3A_130 = tpu.memref_slice %arg7[%dma_wait3A_129] : memref<512xi32, #tpu.memory_space<vmem>> -> memref<128xi32, #tpu.memory_space<vmem>>
      %dma_wait3A_131 = arith.constant 0 : i32
      %dma_wait3A_132 = arith.constant 0 : i32
      %dma_wait3A_133 = tpu.memref_slice %arg3[%dma_wait3A_131, %dma_wait3A_132] : memref<100000x128xf32, #tpu.memory_space<hbm>> -> memref<100000x128xf32, #tpu.memory_space<hbm>>
      tpu.wait_indirect_dma semaphore(%arg15 : memref<!tpu.dma_semaphore, #tpu.memory_space<semaphore_mem>>) src(%dma_wait3A_133 : memref<100000x128xf32, #tpu.memory_space<hbm>>) dst(%arg10 : memref<128x128xf32, #tpu.memory_space<vmem>>)
      %mul3A_134 = arith.constant 128 : i32
      %mul3A_135 = arith.muli %add3A_93, %mul3A_134 : i32
      %add3A_136 = arith.addi %mul3A_2, %mul3A_135 : i32
      "tpu.region"() ({
        %run_scoped3A = tpu.sem_alloc : memref<!tpu.dma_semaphore, #tpu.memory_space<semaphore_mem>>
        %dma_start3A_231 = arith.constant 0 : i32
        %dma_start3A_232 = tpu.memref_slice %arg5[%add3A_136, %dma_start3A_231] : memref<204800x128xf32, #tpu.memory_space<hbm>> -> memref<128x128xf32, #tpu.memory_space<hbm>>
        %dma_start3A_233 = arith.constant 0 : i32
        %dma_start3A_234 = tpu.memref_slice %arg5[%add3A_136, %dma_start3A_233] : memref<204800x128xf32, #tpu.memory_space<hbm>> -> memref<128x128xf32, #tpu.memory_space<hbm>>
        tpu.enqueue_dma source(%arg10 : memref<128x128xf32, #tpu.memory_space<vmem>>) target(%dma_start3A_234 : memref<128x128xf32, #tpu.memory_space<hbm>>) target_semaphore(%run_scoped3A : memref<!tpu.dma_semaphore, #tpu.memory_space<semaphore_mem>>)
        %dma_wait3A_235 = arith.constant 0 : i32
        %dma_wait3A_236 = tpu.memref_slice %arg5[%add3A_136, %dma_wait3A_235] : memref<204800x128xf32, #tpu.memory_space<hbm>> -> memref<128x128xf32, #tpu.memory_space<hbm>>
        %dma_wait3A_237 = arith.constant 0 : i32
        %dma_wait3A_238 = tpu.memref_slice %arg5[%add3A_136, %dma_wait3A_237] : memref<204800x128xf32, #tpu.memory_space<hbm>> -> memref<128x128xf32, #tpu.memory_space<hbm>>
        tpu.wait_dma2 semaphore(%run_scoped3A : memref<!tpu.dma_semaphore, #tpu.memory_space<semaphore_mem>>) src(%arg10 : memref<128x128xf32, #tpu.memory_space<vmem>>) dst(%dma_wait3A_238 : memref<128x128xf32, #tpu.memory_space<hbm>>)
        tpu.yield
      }) : () -> ()
      "tpu.region"() ({
        %run_scoped3A = tpu.sem_alloc : memref<!tpu.dma_semaphore, #tpu.memory_space<semaphore_mem>>
        %dma_start3A_231 = arith.constant 0 : i32
        %dma_start3A_232 = tpu.memref_slice %arg6[%add3A_136, %dma_start3A_231] : memref<204800x128xf32, #tpu.memory_space<hbm>> -> memref<128x128xf32, #tpu.memory_space<hbm>>
        %dma_start3A_233 = arith.constant 0 : i32
        %dma_start3A_234 = tpu.memref_slice %arg6[%add3A_136, %dma_start3A_233] : memref<204800x128xf32, #tpu.memory_space<hbm>> -> memref<128x128xf32, #tpu.memory_space<hbm>>
        tpu.enqueue_dma source(%arg13 : memref<128x128xf32, #tpu.memory_space<vmem>>) target(%dma_start3A_234 : memref<128x128xf32, #tpu.memory_space<hbm>>) target_semaphore(%run_scoped3A : memref<!tpu.dma_semaphore, #tpu.memory_space<semaphore_mem>>)
        %dma_wait3A_235 = arith.constant 0 : i32
        %dma_wait3A_236 = tpu.memref_slice %arg6[%add3A_136, %dma_wait3A_235] : memref<204800x128xf32, #tpu.memory_space<hbm>> -> memref<128x128xf32, #tpu.memory_space<hbm>>
        %dma_wait3A_237 = arith.constant 0 : i32
        %dma_wait3A_238 = tpu.memref_slice %arg6[%add3A_136, %dma_wait3A_237] : memref<204800x128xf32, #tpu.memory_space<hbm>> -> memref<128x128xf32, #tpu.memory_space<hbm>>
        tpu.wait_dma2 semaphore(%run_scoped3A : memref<!tpu.dma_semaphore, #tpu.memory_space<semaphore_mem>>) src(%arg13 : memref<128x128xf32, #tpu.memory_space<vmem>>) dst(%dma_wait3A_238 : memref<128x128xf32, #tpu.memory_space<hbm>>)
        tpu.yield
      }) : () -> ()
      %mul3A_137 = arith.constant 3 : i32
      %mul3A_138 = arith.muli %scan3A_89, %mul3A_137 : i32
      %add3A_139 = arith.constant 1 : i32
      %add3A_140 = arith.addi %mul3A_138, %add3A_139 : i32
      %mul3A_141 = arith.constant 4 : i32
      %mul3A_142 = arith.muli %mul3A_4, %mul3A_141 : i32
      %mul3A_143 = arith.constant 128 : i32
      %mul3A_144 = arith.muli %mul3A_142, %mul3A_143 : i32
      %dma_wait3A_145 = tpu.memref_slice %arg2[%mul3A_144] : memref<819200xi32, #tpu.memory_space<hbm>> -> memref<512xi32, #tpu.memory_space<hbm>>
      %dma_wait3A_146 = tpu.memref_slice %arg2[%mul3A_144] : memref<819200xi32, #tpu.memory_space<hbm>> -> memref<512xi32, #tpu.memory_space<hbm>>
      tpu.wait_dma2 semaphore(%arg20 : memref<!tpu.dma_semaphore, #tpu.memory_space<semaphore_mem>>) src(%dma_wait3A_146 : memref<512xi32, #tpu.memory_space<hbm>>) dst(%arg9 : memref<512xi32, #tpu.memory_space<vmem>>)
      %dma_start3A_147 = arith.constant 0 : i32
      %dma_start3A_148 = tpu.memref_slice %arg9[%dma_start3A_147] : memref<512xi32, #tpu.memory_space<vmem>> -> memref<128xi32, #tpu.memory_space<vmem>>
      %dma_start3A_149 = arith.constant 0 : i32
      %dma_start3A_150 = arith.constant 0 : i32
      %dma_start3A_151 = tpu.memref_slice %arg3[%dma_start3A_149, %dma_start3A_150] : memref<100000x128xf32, #tpu.memory_space<hbm>> -> memref<100000x128xf32, #tpu.memory_space<hbm>>
      tpu.enqueue_indirect_dma source(%dma_start3A_151 : memref<100000x128xf32, #tpu.memory_space<hbm>>) target(%arg12 : memref<128x128xf32, #tpu.memory_space<vmem>>) offsets(%dma_start3A_148 : memref<128xi32, #tpu.memory_space<vmem>>) semaphore(%arg17 : memref<!tpu.dma_semaphore, #tpu.memory_space<semaphore_mem>>)
      %add3A_152 = arith.constant 2 : i32
      %add3A_153 = arith.addi %add3A_140, %add3A_152 : i32
      %add3A_154 = arith.addi %mul3A_4, %add3A_153 : i32
      %mul3A_155 = arith.constant 4 : i32
      %mul3A_156 = arith.muli %add3A_154, %mul3A_155 : i32
      %mul3A_157 = arith.constant 128 : i32
      %mul3A_158 = arith.muli %mul3A_156, %mul3A_157 : i32
      %dma_start3A_159 = tpu.memref_slice %arg2[%mul3A_158] : memref<819200xi32, #tpu.memory_space<hbm>> -> memref<512xi32, #tpu.memory_space<hbm>>
      %dma_start3A_160 = tpu.memref_slice %arg2[%mul3A_158] : memref<819200xi32, #tpu.memory_space<hbm>> -> memref<512xi32, #tpu.memory_space<hbm>>
      tpu.enqueue_dma source(%dma_start3A_160 : memref<512xi32, #tpu.memory_space<hbm>>) target(%arg7 : memref<512xi32, #tpu.memory_space<vmem>>) target_semaphore(%arg18 : memref<!tpu.dma_semaphore, #tpu.memory_space<semaphore_mem>>)
      %scan3A_161 = arith.constant 0 : i32
      %scan3A_162 = arith.constant 8 : i32
      %scan3A_163 = arith.addi %scan3A_161, %scan3A_162 : i32
      %scan3A_164 = arith.constant 1 : i32
      scf.for %scan3A_231 = %scan3A_161 to %scan3A_163 step %scan3A_164  : i32 {
        %mul3A_232 = arith.constant 16 : i32
        %mul3A_233 = arith.muli %scan3A_231, %mul3A_232 : i32
        %add3A_234 = arith.constant 128 : i32
        %add3A_235 = arith.addi %add3A_234, %mul3A_233 : i32
        %get3A = arith.index_cast %add3A_235 : i32 to index
        %get3A_236 = tpu.vector_load %arg8[%get3A] {strides = array<i32>} : memref<512xi32, #tpu.memory_space<vmem>>, vector<16xi32>,
        %slice3A = vector.extract_strided_slice %get3A_236 {offsets = [0], sizes = [1], strides = [1]} : vector<16xi32> to vector<1xi32>
        %squeeze3A = vector.extract %slice3A[0] : i32 from vector<1xi32>
        %add3A_237 = vector.broadcast %squeeze3A : i32 to vector<16xi32>
        %add3A_238 = arith.addi %add3A_237, %iota3A : vector<16xi32>
        %gather3A = tpu.vector_load_idx %arg14[%add3A_238] : memref<16864xf32, #tpu.memory_space<vmem>>[vector<16xi32>], vector<16xf32>,
        %mul3A_239 = arith.constant 16 : i32
        %mul3A_240 = arith.muli %scan3A_231, %mul3A_239 : i32
        %add3A_241 = arith.constant 0 : i32
        %add3A_242 = arith.addi %mul3A_240, %add3A_241 : i32
        %swap3A = arith.index_cast %add3A_242 : i32 to index
        %swap3A_243 = arith.constant 0 : index
        %swap3A_244 = tpu.vector_load %arg13[%swap3A, %swap3A_243] {strides = array<i32>} : memref<128x128xf32, #tpu.memory_space<vmem>>, vector<16xf32>,
        tpu.vector_store %arg13[%swap3A, %swap3A_243], %gather3A {strides = array<i32>} : memref<128x128xf32, #tpu.memory_space<vmem>>, vector<16xf32>,
        %slice3A_245 = vector.extract_strided_slice %get3A_236 {offsets = [1], sizes = [1], strides = [1]} : vector<16xi32> to vector<1xi32>
        %squeeze3A_246 = vector.extract %slice3A_245[0] : i32 from vector<1xi32>
        %add3A_247 = vector.broadcast %squeeze3A_246 : i32 to vector<16xi32>
        %add3A_248 = arith.addi %add3A_247, %iota3A : vector<16xi32>
        %gather3A_249 = tpu.vector_load_idx %arg14[%add3A_248] : memref<16864xf32, #tpu.memory_space<vmem>>[vector<16xi32>], vector<16xf32>,
        %mul3A_250 = arith.constant 16 : i32
        %mul3A_251 = arith.muli %scan3A_231, %mul3A_250 : i32
        %add3A_252 = arith.constant 1 : i32
        %add3A_253 = arith.addi %mul3A_251, %add3A_252 : i32
        %swap3A_254 = arith.index_cast %add3A_253 : i32 to index
        %swap3A_255 = arith.constant 0 : index
        %swap3A_256 = tpu.vector_load %arg13[%swap3A_254, %swap3A_255] {strides = array<i32>} : memref<128x128xf32, #tpu.memory_space<vmem>>, vector<16xf32>,
        tpu.vector_store %arg13[%swap3A_254, %swap3A_255], %gather3A_249 {strides = array<i32>} : memref<128x128xf32, #tpu.memory_space<vmem>>, vector<16xf32>,
        %slice3A_257 = vector.extract_strided_slice %get3A_236 {offsets = [2], sizes = [1], strides = [1]} : vector<16xi32> to vector<1xi32>
        %squeeze3A_258 = vector.extract %slice3A_257[0] : i32 from vector<1xi32>
        %add3A_259 = vector.broadcast %squeeze3A_258 : i32 to vector<16xi32>
        %add3A_260 = arith.addi %add3A_259, %iota3A : vector<16xi32>
        %gather3A_261 = tpu.vector_load_idx %arg14[%add3A_260] : memref<16864xf32, #tpu.memory_space<vmem>>[vector<16xi32>], vector<16xf32>,
        %mul3A_262 = arith.constant 16 : i32
        %mul3A_263 = arith.muli %scan3A_231, %mul3A_262 : i32
        %add3A_264 = arith.constant 2 : i32
        %add3A_265 = arith.addi %mul3A_263, %add3A_264 : i32
        %swap3A_266 = arith.index_cast %add3A_265 : i32 to index
        %swap3A_267 = arith.constant 0 : index
        %swap3A_268 = tpu.vector_load %arg13[%swap3A_266, %swap3A_267] {strides = array<i32>} : memref<128x128xf32, #tpu.memory_space<vmem>>, vector<16xf32>,
        tpu.vector_store %arg13[%swap3A_266, %swap3A_267], %gather3A_261 {strides = array<i32>} : memref<128x128xf32, #tpu.memory_space<vmem>>, vector<16xf32>,
        %slice3A_269 = vector.extract_strided_slice %get3A_236 {offsets = [3], sizes = [1], strides = [1]} : vector<16xi32> to vector<1xi32>
        %squeeze3A_270 = vector.extract %slice3A_269[0] : i32 from vector<1xi32>
        %add3A_271 = vector.broadcast %squeeze3A_270 : i32 to vector<16xi32>
        %add3A_272 = arith.addi %add3A_271, %iota3A : vector<16xi32>
        %gather3A_273 = tpu.vector_load_idx %arg14[%add3A_272] : memref<16864xf32, #tpu.memory_space<vmem>>[vector<16xi32>], vector<16xf32>,
        %mul3A_274 = arith.constant 16 : i32
        %mul3A_275 = arith.muli %scan3A_231, %mul3A_274 : i32
        %add3A_276 = arith.constant 3 : i32
        %add3A_277 = arith.addi %mul3A_275, %add3A_276 : i32
        %swap3A_278 = arith.index_cast %add3A_277 : i32 to index
        %swap3A_279 = arith.constant 0 : index
        %swap3A_280 = tpu.vector_load %arg13[%swap3A_278, %swap3A_279] {strides = array<i32>} : memref<128x128xf32, #tpu.memory_space<vmem>>, vector<16xf32>,
        tpu.vector_store %arg13[%swap3A_278, %swap3A_279], %gather3A_273 {strides = array<i32>} : memref<128x128xf32, #tpu.memory_space<vmem>>, vector<16xf32>,
        %slice3A_281 = vector.extract_strided_slice %get3A_236 {offsets = [4], sizes = [1], strides = [1]} : vector<16xi32> to vector<1xi32>
        %squeeze3A_282 = vector.extract %slice3A_281[0] : i32 from vector<1xi32>
        %add3A_283 = vector.broadcast %squeeze3A_282 : i32 to vector<16xi32>
        %add3A_284 = arith.addi %add3A_283, %iota3A : vector<16xi32>
        %gather3A_285 = tpu.vector_load_idx %arg14[%add3A_284] : memref<16864xf32, #tpu.memory_space<vmem>>[vector<16xi32>], vector<16xf32>,
        %mul3A_286 = arith.constant 16 : i32
        %mul3A_287 = arith.muli %scan3A_231, %mul3A_286 : i32
        %add3A_288 = arith.constant 4 : i32
        %add3A_289 = arith.addi %mul3A_287, %add3A_288 : i32
        %swap3A_290 = arith.index_cast %add3A_289 : i32 to index
        %swap3A_291 = arith.constant 0 : index
        %swap3A_292 = tpu.vector_load %arg13[%swap3A_290, %swap3A_291] {strides = array<i32>} : memref<128x128xf32, #tpu.memory_space<vmem>>, vector<16xf32>,
        tpu.vector_store %arg13[%swap3A_290, %swap3A_291], %gather3A_285 {strides = array<i32>} : memref<128x128xf32, #tpu.memory_space<vmem>>, vector<16xf32>,
        %slice3A_293 = vector.extract_strided_slice %get3A_236 {offsets = [5], sizes = [1], strides = [1]} : vector<16xi32> to vector<1xi32>
        %squeeze3A_294 = vector.extract %slice3A_293[0] : i32 from vector<1xi32>
        %add3A_295 = vector.broadcast %squeeze3A_294 : i32 to vector<16xi32>
        %add3A_296 = arith.addi %add3A_295, %iota3A : vector<16xi32>
        %gather3A_297 = tpu.vector_load_idx %arg14[%add3A_296] : memref<16864xf32, #tpu.memory_space<vmem>>[vector<16xi32>], vector<16xf32>,
        %mul3A_298 = arith.constant 16 : i32
        %mul3A_299 = arith.muli %scan3A_231, %mul3A_298 : i32
        %add3A_300 = arith.constant 5 : i32
        %add3A_301 = arith.addi %mul3A_299, %add3A_300 : i32
        %swap3A_302 = arith.index_cast %add3A_301 : i32 to index
        %swap3A_303 = arith.constant 0 : index
        %swap3A_304 = tpu.vector_load %arg13[%swap3A_302, %swap3A_303] {strides = array<i32>} : memref<128x128xf32, #tpu.memory_space<vmem>>, vector<16xf32>,
        tpu.vector_store %arg13[%swap3A_302, %swap3A_303], %gather3A_297 {strides = array<i32>} : memref<128x128xf32, #tpu.memory_space<vmem>>, vector<16xf32>,
        %slice3A_305 = vector.extract_strided_slice %get3A_236 {offsets = [6], sizes = [1], strides = [1]} : vector<16xi32> to vector<1xi32>
        %squeeze3A_306 = vector.extract %slice3A_305[0] : i32 from vector<1xi32>
        %add3A_307 = vector.broadcast %squeeze3A_306 : i32 to vector<16xi32>
        %add3A_308 = arith.addi %add3A_307, %iota3A : vector<16xi32>
        %gather3A_309 = tpu.vector_load_idx %arg14[%add3A_308] : memref<16864xf32, #tpu.memory_space<vmem>>[vector<16xi32>], vector<16xf32>,
        %mul3A_310 = arith.constant 16 : i32
        %mul3A_311 = arith.muli %scan3A_231, %mul3A_310 : i32
        %add3A_312 = arith.constant 6 : i32
        %add3A_313 = arith.addi %mul3A_311, %add3A_312 : i32
        %swap3A_314 = arith.index_cast %add3A_313 : i32 to index
        %swap3A_315 = arith.constant 0 : index
        %swap3A_316 = tpu.vector_load %arg13[%swap3A_314, %swap3A_315] {strides = array<i32>} : memref<128x128xf32, #tpu.memory_space<vmem>>, vector<16xf32>,
        tpu.vector_store %arg13[%swap3A_314, %swap3A_315], %gather3A_309 {strides = array<i32>} : memref<128x128xf32, #tpu.memory_space<vmem>>, vector<16xf32>,
        %slice3A_317 = vector.extract_strided_slice %get3A_236 {offsets = [7], sizes = [1], strides = [1]} : vector<16xi32> to vector<1xi32>
        %squeeze3A_318 = vector.extract %slice3A_317[0] : i32 from vector<1xi32>
        %add3A_319 = vector.broadcast %squeeze3A_318 : i32 to vector<16xi32>
        %add3A_320 = arith.addi %add3A_319, %iota3A : vector<16xi32>
        %gather3A_321 = tpu.vector_load_idx %arg14[%add3A_320] : memref<16864xf32, #tpu.memory_space<vmem>>[vector<16xi32>], vector<16xf32>,
        %mul3A_322 = arith.constant 16 : i32
        %mul3A_323 = arith.muli %scan3A_231, %mul3A_322 : i32
        %add3A_324 = arith.constant 7 : i32
        %add3A_325 = arith.addi %mul3A_323, %add3A_324 : i32
        %swap3A_326 = arith.index_cast %add3A_325 : i32 to index
        %swap3A_327 = arith.constant 0 : index
        %swap3A_328 = tpu.vector_load %arg13[%swap3A_326, %swap3A_327] {strides = array<i32>} : memref<128x128xf32, #tpu.memory_space<vmem>>, vector<16xf32>,
        tpu.vector_store %arg13[%swap3A_326, %swap3A_327], %gather3A_321 {strides = array<i32>} : memref<128x128xf32, #tpu.memory_space<vmem>>, vector<16xf32>,
        %slice3A_329 = vector.extract_strided_slice %get3A_236 {offsets = [8], sizes = [1], strides = [1]} : vector<16xi32> to vector<1xi32>
        %squeeze3A_330 = vector.extract %slice3A_329[0] : i32 from vector<1xi32>
        %add3A_331 = vector.broadcast %squeeze3A_330 : i32 to vector<16xi32>
        %add3A_332 = arith.addi %add3A_331, %iota3A : vector<16xi32>
        %gather3A_333 = tpu.vector_load_idx %arg14[%add3A_332] : memref<16864xf32, #tpu.memory_space<vmem>>[vector<16xi32>], vector<16xf32>,
        %mul3A_334 = arith.constant 16 : i32
        %mul3A_335 = arith.muli %scan3A_231, %mul3A_334 : i32
        %add3A_336 = arith.constant 8 : i32
        %add3A_337 = arith.addi %mul3A_335, %add3A_336 : i32
        %swap3A_338 = arith.index_cast %add3A_337 : i32 to index
        %swap3A_339 = arith.constant 0 : index
        %swap3A_340 = tpu.vector_load %arg13[%swap3A_338, %swap3A_339] {strides = array<i32>} : memref<128x128xf32, #tpu.memory_space<vmem>>, vector<16xf32>,
        tpu.vector_store %arg13[%swap3A_338, %swap3A_339], %gather3A_333 {strides = array<i32>} : memref<128x128xf32, #tpu.memory_space<vmem>>, vector<16xf32>,
        %slice3A_341 = vector.extract_strided_slice %get3A_236 {offsets = [9], sizes = [1], strides = [1]} : vector<16xi32> to vector<1xi32>
        %squeeze3A_342 = vector.extract %slice3A_341[0] : i32 from vector<1xi32>
        %add3A_343 = vector.broadcast %squeeze3A_342 : i32 to vector<16xi32>
        %add3A_344 = arith.addi %add3A_343, %iota3A : vector<16xi32>
        %gather3A_345 = tpu.vector_load_idx %arg14[%add3A_344] : memref<16864xf32, #tpu.memory_space<vmem>>[vector<16xi32>], vector<16xf32>,
        %mul3A_346 = arith.constant 16 : i32
        %mul3A_347 = arith.muli %scan3A_231, %mul3A_346 : i32
        %add3A_348 = arith.constant 9 : i32
        %add3A_349 = arith.addi %mul3A_347, %add3A_348 : i32
        %swap3A_350 = arith.index_cast %add3A_349 : i32 to index
        %swap3A_351 = arith.constant 0 : index
        %swap3A_352 = tpu.vector_load %arg13[%swap3A_350, %swap3A_351] {strides = array<i32>} : memref<128x128xf32, #tpu.memory_space<vmem>>, vector<16xf32>,
        tpu.vector_store %arg13[%swap3A_350, %swap3A_351], %gather3A_345 {strides = array<i32>} : memref<128x128xf32, #tpu.memory_space<vmem>>, vector<16xf32>,
        %slice3A_353 = vector.extract_strided_slice %get3A_236 {offsets = [10], sizes = [1], strides = [1]} : vector<16xi32> to vector<1xi32>
        %squeeze3A_354 = vector.extract %slice3A_353[0] : i32 from vector<1xi32>
        %add3A_355 = vector.broadcast %squeeze3A_354 : i32 to vector<16xi32>
        %add3A_356 = arith.addi %add3A_355, %iota3A : vector<16xi32>
        %gather3A_357 = tpu.vector_load_idx %arg14[%add3A_356] : memref<16864xf32, #tpu.memory_space<vmem>>[vector<16xi32>], vector<16xf32>,
        %mul3A_358 = arith.constant 16 : i32
        %mul3A_359 = arith.muli %scan3A_231, %mul3A_358 : i32
        %add3A_360 = arith.constant 10 : i32
        %add3A_361 = arith.addi %mul3A_359, %add3A_360 : i32
        %swap3A_362 = arith.index_cast %add3A_361 : i32 to index
        %swap3A_363 = arith.constant 0 : index
        %swap3A_364 = tpu.vector_load %arg13[%swap3A_362, %swap3A_363] {strides = array<i32>} : memref<128x128xf32, #tpu.memory_space<vmem>>, vector<16xf32>,
        tpu.vector_store %arg13[%swap3A_362, %swap3A_363], %gather3A_357 {strides = array<i32>} : memref<128x128xf32, #tpu.memory_space<vmem>>, vector<16xf32>,
        %slice3A_365 = vector.extract_strided_slice %get3A_236 {offsets = [11], sizes = [1], strides = [1]} : vector<16xi32> to vector<1xi32>
        %squeeze3A_366 = vector.extract %slice3A_365[0] : i32 from vector<1xi32>
        %add3A_367 = vector.broadcast %squeeze3A_366 : i32 to vector<16xi32>
        %add3A_368 = arith.addi %add3A_367, %iota3A : vector<16xi32>
        %gather3A_369 = tpu.vector_load_idx %arg14[%add3A_368] : memref<16864xf32, #tpu.memory_space<vmem>>[vector<16xi32>], vector<16xf32>,
        %mul3A_370 = arith.constant 16 : i32
        %mul3A_371 = arith.muli %scan3A_231, %mul3A_370 : i32
        %add3A_372 = arith.constant 11 : i32
        %add3A_373 = arith.addi %mul3A_371, %add3A_372 : i32
        %swap3A_374 = arith.index_cast %add3A_373 : i32 to index
        %swap3A_375 = arith.constant 0 : index
        %swap3A_376 = tpu.vector_load %arg13[%swap3A_374, %swap3A_375] {strides = array<i32>} : memref<128x128xf32, #tpu.memory_space<vmem>>, vector<16xf32>,
        tpu.vector_store %arg13[%swap3A_374, %swap3A_375], %gather3A_369 {strides = array<i32>} : memref<128x128xf32, #tpu.memory_space<vmem>>, vector<16xf32>,
        %slice3A_377 = vector.extract_strided_slice %get3A_236 {offsets = [12], sizes = [1], strides = [1]} : vector<16xi32> to vector<1xi32>
        %squeeze3A_378 = vector.extract %slice3A_377[0] : i32 from vector<1xi32>
        %add3A_379 = vector.broadcast %squeeze3A_378 : i32 to vector<16xi32>
        %add3A_380 = arith.addi %add3A_379, %iota3A : vector<16xi32>
        %gather3A_381 = tpu.vector_load_idx %arg14[%add3A_380] : memref<16864xf32, #tpu.memory_space<vmem>>[vector<16xi32>], vector<16xf32>,
        %mul3A_382 = arith.constant 16 : i32
        %mul3A_383 = arith.muli %scan3A_231, %mul3A_382 : i32
        %add3A_384 = arith.constant 12 : i32
        %add3A_385 = arith.addi %mul3A_383, %add3A_384 : i32
        %swap3A_386 = arith.index_cast %add3A_385 : i32 to index
        %swap3A_387 = arith.constant 0 : index
        %swap3A_388 = tpu.vector_load %arg13[%swap3A_386, %swap3A_387] {strides = array<i32>} : memref<128x128xf32, #tpu.memory_space<vmem>>, vector<16xf32>,
        tpu.vector_store %arg13[%swap3A_386, %swap3A_387], %gather3A_381 {strides = array<i32>} : memref<128x128xf32, #tpu.memory_space<vmem>>, vector<16xf32>,
        %slice3A_389 = vector.extract_strided_slice %get3A_236 {offsets = [13], sizes = [1], strides = [1]} : vector<16xi32> to vector<1xi32>
        %squeeze3A_390 = vector.extract %slice3A_389[0] : i32 from vector<1xi32>
        %add3A_391 = vector.broadcast %squeeze3A_390 : i32 to vector<16xi32>
        %add3A_392 = arith.addi %add3A_391, %iota3A : vector<16xi32>
        %gather3A_393 = tpu.vector_load_idx %arg14[%add3A_392] : memref<16864xf32, #tpu.memory_space<vmem>>[vector<16xi32>], vector<16xf32>,
        %mul3A_394 = arith.constant 16 : i32
        %mul3A_395 = arith.muli %scan3A_231, %mul3A_394 : i32
        %add3A_396 = arith.constant 13 : i32
        %add3A_397 = arith.addi %mul3A_395, %add3A_396 : i32
        %swap3A_398 = arith.index_cast %add3A_397 : i32 to index
        %swap3A_399 = arith.constant 0 : index
        %swap3A_400 = tpu.vector_load %arg13[%swap3A_398, %swap3A_399] {strides = array<i32>} : memref<128x128xf32, #tpu.memory_space<vmem>>, vector<16xf32>,
        tpu.vector_store %arg13[%swap3A_398, %swap3A_399], %gather3A_393 {strides = array<i32>} : memref<128x128xf32, #tpu.memory_space<vmem>>, vector<16xf32>,
        %slice3A_401 = vector.extract_strided_slice %get3A_236 {offsets = [14], sizes = [1], strides = [1]} : vector<16xi32> to vector<1xi32>
        %squeeze3A_402 = vector.extract %slice3A_401[0] : i32 from vector<1xi32>
        %add3A_403 = vector.broadcast %squeeze3A_402 : i32 to vector<16xi32>
        %add3A_404 = arith.addi %add3A_403, %iota3A : vector<16xi32>
        %gather3A_405 = tpu.vector_load_idx %arg14[%add3A_404] : memref<16864xf32, #tpu.memory_space<vmem>>[vector<16xi32>], vector<16xf32>,
        %mul3A_406 = arith.constant 16 : i32
        %mul3A_407 = arith.muli %scan3A_231, %mul3A_406 : i32
        %add3A_408 = arith.constant 14 : i32
        %add3A_409 = arith.addi %mul3A_407, %add3A_408 : i32
        %swap3A_410 = arith.index_cast %add3A_409 : i32 to index
        %swap3A_411 = arith.constant 0 : index
        %swap3A_412 = tpu.vector_load %arg13[%swap3A_410, %swap3A_411] {strides = array<i32>} : memref<128x128xf32, #tpu.memory_space<vmem>>, vector<16xf32>,
        tpu.vector_store %arg13[%swap3A_410, %swap3A_411], %gather3A_405 {strides = array<i32>} : memref<128x128xf32, #tpu.memory_space<vmem>>, vector<16xf32>,
        %slice3A_413 = vector.extract_strided_slice %get3A_236 {offsets = [15], sizes = [1], strides = [1]} : vector<16xi32> to vector<1xi32>
        %squeeze3A_414 = vector.extract %slice3A_413[0] : i32 from vector<1xi32>
        %add3A_415 = vector.broadcast %squeeze3A_414 : i32 to vector<16xi32>
        %add3A_416 = arith.addi %add3A_415, %iota3A : vector<16xi32>
        %gather3A_417 = tpu.vector_load_idx %arg14[%add3A_416] : memref<16864xf32, #tpu.memory_space<vmem>>[vector<16xi32>], vector<16xf32>,
        %mul3A_418 = arith.constant 16 : i32
        %mul3A_419 = arith.muli %scan3A_231, %mul3A_418 : i32
        %add3A_420 = arith.constant 15 : i32
        %add3A_421 = arith.addi %mul3A_419, %add3A_420 : i32
        %swap3A_422 = arith.index_cast %add3A_421 : i32 to index
        %swap3A_423 = arith.constant 0 : index
        %swap3A_424 = tpu.vector_load %arg13[%swap3A_422, %swap3A_423] {strides = array<i32>} : memref<128x128xf32, #tpu.memory_space<vmem>>, vector<16xf32>,
        tpu.vector_store %arg13[%swap3A_422, %swap3A_423], %gather3A_417 {strides = array<i32>} : memref<128x128xf32, #tpu.memory_space<vmem>>, vector<16xf32>,
      }
      %scan3A_165 = arith.constant 8 : i32
      %scan3A_166 = arith.constant 0 : i32
      %scan3A_167 = arith.constant 8 : i32
      %scan3A_168 = arith.addi %scan3A_166, %scan3A_167 : i32
      %scan3A_169 = arith.constant 1 : i32
      scf.for %scan3A_231 = %scan3A_166 to %scan3A_168 step %scan3A_169  : i32 {
        %mul3A_232 = arith.constant 16 : i32
        %mul3A_233 = arith.muli %scan3A_231, %mul3A_232 : i32
        %add3A_234 = arith.constant 256 : i32
        %add3A_235 = arith.addi %add3A_234, %mul3A_233 : i32
        %get3A = arith.index_cast %add3A_235 : i32 to index
        %get3A_236 = tpu.vector_load %arg8[%get3A] {strides = array<i32>} : memref<512xi32, #tpu.memory_space<vmem>>, vector<16xi32>,
        %slice3A = vector.extract_strided_slice %get3A_236 {offsets = [0], sizes = [1], strides = [1]} : vector<16xi32> to vector<1xi32>
        %squeeze3A = vector.extract %slice3A[0] : i32 from vector<1xi32>
        %add3A_237 = vector.broadcast %squeeze3A : i32 to vector<16xi32>
        %add3A_238 = arith.addi %add3A_237, %iota3A : vector<16xi32>
        %gather3A = tpu.vector_load_idx %arg14[%add3A_238] : memref<16864xf32, #tpu.memory_space<vmem>>[vector<16xi32>], vector<16xf32>,
        %mul3A_239 = arith.constant 16 : i32
        %mul3A_240 = arith.muli %scan3A_231, %mul3A_239 : i32
        %add3A_241 = arith.constant 0 : i32
        %add3A_242 = arith.addi %mul3A_240, %add3A_241 : i32
        %swap3A = arith.index_cast %add3A_242 : i32 to index
        %swap3A_243 = arith.constant 16 : index
        %swap3A_244 = tpu.vector_load %arg13[%swap3A, %swap3A_243] {strides = array<i32>} : memref<128x128xf32, #tpu.memory_space<vmem>>, vector<16xf32>,
        tpu.vector_store %arg13[%swap3A, %swap3A_243], %gather3A {strides = array<i32>} : memref<128x128xf32, #tpu.memory_space<vmem>>, vector<16xf32>,
        %slice3A_245 = vector.extract_strided_slice %get3A_236 {offsets = [1], sizes = [1], strides = [1]} : vector<16xi32> to vector<1xi32>
        %squeeze3A_246 = vector.extract %slice3A_245[0] : i32 from vector<1xi32>
        %add3A_247 = vector.broadcast %squeeze3A_246 : i32 to vector<16xi32>
        %add3A_248 = arith.addi %add3A_247, %iota3A : vector<16xi32>
        %gather3A_249 = tpu.vector_load_idx %arg14[%add3A_248] : memref<16864xf32, #tpu.memory_space<vmem>>[vector<16xi32>], vector<16xf32>,
        %mul3A_250 = arith.constant 16 : i32
        %mul3A_251 = arith.muli %scan3A_231, %mul3A_250 : i32
        %add3A_252 = arith.constant 1 : i32
        %add3A_253 = arith.addi %mul3A_251, %add3A_252 : i32
        %swap3A_254 = arith.index_cast %add3A_253 : i32 to index
        %swap3A_255 = arith.constant 16 : index
        %swap3A_256 = tpu.vector_load %arg13[%swap3A_254, %swap3A_255] {strides = array<i32>} : memref<128x128xf32, #tpu.memory_space<vmem>>, vector<16xf32>,
        tpu.vector_store %arg13[%swap3A_254, %swap3A_255], %gather3A_249 {strides = array<i32>} : memref<128x128xf32, #tpu.memory_space<vmem>>, vector<16xf32>,
        %slice3A_257 = vector.extract_strided_slice %get3A_236 {offsets = [2], sizes = [1], strides = [1]} : vector<16xi32> to vector<1xi32>
        %squeeze3A_258 = vector.extract %slice3A_257[0] : i32 from vector<1xi32>
        %add3A_259 = vector.broadcast %squeeze3A_258 : i32 to vector<16xi32>
        %add3A_260 = arith.addi %add3A_259, %iota3A : vector<16xi32>
        %gather3A_261 = tpu.vector_load_idx %arg14[%add3A_260] : memref<16864xf32, #tpu.memory_space<vmem>>[vector<16xi32>], vector<16xf32>,
        %mul3A_262 = arith.constant 16 : i32
        %mul3A_263 = arith.muli %scan3A_231, %mul3A_262 : i32
        %add3A_264 = arith.constant 2 : i32
        %add3A_265 = arith.addi %mul3A_263, %add3A_264 : i32
        %swap3A_266 = arith.index_cast %add3A_265 : i32 to index
        %swap3A_267 = arith.constant 16 : index
        %swap3A_268 = tpu.vector_load %arg13[%swap3A_266, %swap3A_267] {strides = array<i32>} : memref<128x128xf32, #tpu.memory_space<vmem>>, vector<16xf32>,
        tpu.vector_store %arg13[%swap3A_266, %swap3A_267], %gather3A_261 {strides = array<i32>} : memref<128x128xf32, #tpu.memory_space<vmem>>, vector<16xf32>,
        %slice3A_269 = vector.extract_strided_slice %get3A_236 {offsets = [3], sizes = [1], strides = [1]} : vector<16xi32> to vector<1xi32>
        %squeeze3A_270 = vector.extract %slice3A_269[0] : i32 from vector<1xi32>
        %add3A_271 = vector.broadcast %squeeze3A_270 : i32 to vector<16xi32>
        %add3A_272 = arith.addi %add3A_271, %iota3A : vector<16xi32>
        %gather3A_273 = tpu.vector_load_idx %arg14[%add3A_272] : memref<16864xf32, #tpu.memory_space<vmem>>[vector<16xi32>], vector<16xf32>,
        %mul3A_274 = arith.constant 16 : i32
        %mul3A_275 = arith.muli %scan3A_231, %mul3A_274 : i32
        %add3A_276 = arith.constant 3 : i32
        %add3A_277 = arith.addi %mul3A_275, %add3A_276 : i32
        %swap3A_278 = arith.index_cast %add3A_277 : i32 to index
        %swap3A_279 = arith.constant 16 : index
        %swap3A_280 = tpu.vector_load %arg13[%swap3A_278, %swap3A_279] {strides = array<i32>} : memref<128x128xf32, #tpu.memory_space<vmem>>, vector<16xf32>,
        tpu.vector_store %arg13[%swap3A_278, %swap3A_279], %gather3A_273 {strides = array<i32>} : memref<128x128xf32, #tpu.memory_space<vmem>>, vector<16xf32>,
        %slice3A_281 = vector.extract_strided_slice %get3A_236 {offsets = [4], sizes = [1], strides = [1]} : vector<16xi32> to vector<1xi32>
        %squeeze3A_282 = vector.extract %slice3A_281[0] : i32 from vector<1xi32>
        %add3A_283 = vector.broadcast %squeeze3A_282 : i32 to vector<16xi32>
        %add3A_284 = arith.addi %add3A_283, %iota3A : vector<16xi32>
        %gather3A_285 = tpu.vector_load_idx %arg14[%add3A_284] : memref<16864xf32, #tpu.memory_space<vmem>>[vector<16xi32>], vector<16xf32>,
        %mul3A_286 = arith.constant 16 : i32
        %mul3A_287 = arith.muli %scan3A_231, %mul3A_286 : i32
        %add3A_288 = arith.constant 4 : i32
        %add3A_289 = arith.addi %mul3A_287, %add3A_288 : i32
        %swap3A_290 = arith.index_cast %add3A_289 : i32 to index
        %swap3A_291 = arith.constant 16 : index
        %swap3A_292 = tpu.vector_load %arg13[%swap3A_290, %swap3A_291] {strides = array<i32>} : memref<128x128xf32, #tpu.memory_space<vmem>>, vector<16xf32>,
        tpu.vector_store %arg13[%swap3A_290, %swap3A_291], %gather3A_285 {strides = array<i32>} : memref<128x128xf32, #tpu.memory_space<vmem>>, vector<16xf32>,
        %slice3A_293 = vector.extract_strided_slice %get3A_236 {offsets = [5], sizes = [1], strides = [1]} : vector<16xi32> to vector<1xi32>
        %squeeze3A_294 = vector.extract %slice3A_293[0] : i32 from vector<1xi32>
        %add3A_295 = vector.broadcast %squeeze3A_294 : i32 to vector<16xi32>
        %add3A_296 = arith.addi %add3A_295, %iota3A : vector<16xi32>
        %gather3A_297 = tpu.vector_load_idx %arg14[%add3A_296] : memref<16864xf32, #tpu.memory_space<vmem>>[vector<16xi32>], vector<16xf32>,
        %mul3A_298 = arith.constant 16 : i32
        %mul3A_299 = arith.muli %scan3A_231, %mul3A_298 : i32
        %add3A_300 = arith.constant 5 : i32
        %add3A_301 = arith.addi %mul3A_299, %add3A_300 : i32
        %swap3A_302 = arith.index_cast %add3A_301 : i32 to index
        %swap3A_303 = arith.constant 16 : index
        %swap3A_304 = tpu.vector_load %arg13[%swap3A_302, %swap3A_303] {strides = array<i32>} : memref<128x128xf32, #tpu.memory_space<vmem>>, vector<16xf32>,
        tpu.vector_store %arg13[%swap3A_302, %swap3A_303], %gather3A_297 {strides = array<i32>} : memref<128x128xf32, #tpu.memory_space<vmem>>, vector<16xf32>,
        %slice3A_305 = vector.extract_strided_slice %get3A_236 {offsets = [6], sizes = [1], strides = [1]} : vector<16xi32> to vector<1xi32>
        %squeeze3A_306 = vector.extract %slice3A_305[0] : i32 from vector<1xi32>
        %add3A_307 = vector.broadcast %squeeze3A_306 : i32 to vector<16xi32>
        %add3A_308 = arith.addi %add3A_307, %iota3A : vector<16xi32>
        %gather3A_309 = tpu.vector_load_idx %arg14[%add3A_308] : memref<16864xf32, #tpu.memory_space<vmem>>[vector<16xi32>], vector<16xf32>,
        %mul3A_310 = arith.constant 16 : i32
        %mul3A_311 = arith.muli %scan3A_231, %mul3A_310 : i32
        %add3A_312 = arith.constant 6 : i32
        %add3A_313 = arith.addi %mul3A_311, %add3A_312 : i32
        %swap3A_314 = arith.index_cast %add3A_313 : i32 to index
        %swap3A_315 = arith.constant 16 : index
        %swap3A_316 = tpu.vector_load %arg13[%swap3A_314, %swap3A_315] {strides = array<i32>} : memref<128x128xf32, #tpu.memory_space<vmem>>, vector<16xf32>,
        tpu.vector_store %arg13[%swap3A_314, %swap3A_315], %gather3A_309 {strides = array<i32>} : memref<128x128xf32, #tpu.memory_space<vmem>>, vector<16xf32>,
        %slice3A_317 = vector.extract_strided_slice %get3A_236 {offsets = [7], sizes = [1], strides = [1]} : vector<16xi32> to vector<1xi32>
        %squeeze3A_318 = vector.extract %slice3A_317[0] : i32 from vector<1xi32>
        %add3A_319 = vector.broadcast %squeeze3A_318 : i32 to vector<16xi32>
        %add3A_320 = arith.addi %add3A_319, %iota3A : vector<16xi32>
        %gather3A_321 = tpu.vector_load_idx %arg14[%add3A_320] : memref<16864xf32, #tpu.memory_space<vmem>>[vector<16xi32>], vector<16xf32>,
        %mul3A_322 = arith.constant 16 : i32
        %mul3A_323 = arith.muli %scan3A_231, %mul3A_322 : i32
        %add3A_324 = arith.constant 7 : i32
        %add3A_325 = arith.addi %mul3A_323, %add3A_324 : i32
        %swap3A_326 = arith.index_cast %add3A_325 : i32 to index
        %swap3A_327 = arith.constant 16 : index
        %swap3A_328 = tpu.vector_load %arg13[%swap3A_326, %swap3A_327] {strides = array<i32>} : memref<128x128xf32, #tpu.memory_space<vmem>>, vector<16xf32>,
        tpu.vector_store %arg13[%swap3A_326, %swap3A_327], %gather3A_321 {strides = array<i32>} : memref<128x128xf32, #tpu.memory_space<vmem>>, vector<16xf32>,
        %slice3A_329 = vector.extract_strided_slice %get3A_236 {offsets = [8], sizes = [1], strides = [1]} : vector<16xi32> to vector<1xi32>
        %squeeze3A_330 = vector.extract %slice3A_329[0] : i32 from vector<1xi32>
        %add3A_331 = vector.broadcast %squeeze3A_330 : i32 to vector<16xi32>
        %add3A_332 = arith.addi %add3A_331, %iota3A : vector<16xi32>
        %gather3A_333 = tpu.vector_load_idx %arg14[%add3A_332] : memref<16864xf32, #tpu.memory_space<vmem>>[vector<16xi32>], vector<16xf32>,
        %mul3A_334 = arith.constant 16 : i32
        %mul3A_335 = arith.muli %scan3A_231, %mul3A_334 : i32
        %add3A_336 = arith.constant 8 : i32
        %add3A_337 = arith.addi %mul3A_335, %add3A_336 : i32
        %swap3A_338 = arith.index_cast %add3A_337 : i32 to index
        %swap3A_339 = arith.constant 16 : index
        %swap3A_340 = tpu.vector_load %arg13[%swap3A_338, %swap3A_339] {strides = array<i32>} : memref<128x128xf32, #tpu.memory_space<vmem>>, vector<16xf32>,
        tpu.vector_store %arg13[%swap3A_338, %swap3A_339], %gather3A_333 {strides = array<i32>} : memref<128x128xf32, #tpu.memory_space<vmem>>, vector<16xf32>,
        %slice3A_341 = vector.extract_strided_slice %get3A_236 {offsets = [9], sizes = [1], strides = [1]} : vector<16xi32> to vector<1xi32>
        %squeeze3A_342 = vector.extract %slice3A_341[0] : i32 from vector<1xi32>
        %add3A_343 = vector.broadcast %squeeze3A_342 : i32 to vector<16xi32>
        %add3A_344 = arith.addi %add3A_343, %iota3A : vector<16xi32>
        %gather3A_345 = tpu.vector_load_idx %arg14[%add3A_344] : memref<16864xf32, #tpu.memory_space<vmem>>[vector<16xi32>], vector<16xf32>,
        %mul3A_346 = arith.constant 16 : i32
        %mul3A_347 = arith.muli %scan3A_231, %mul3A_346 : i32
        %add3A_348 = arith.constant 9 : i32
        %add3A_349 = arith.addi %mul3A_347, %add3A_348 : i32
        %swap3A_350 = arith.index_cast %add3A_349 : i32 to index
        %swap3A_351 = arith.constant 16 : index
        %swap3A_352 = tpu.vector_load %arg13[%swap3A_350, %swap3A_351] {strides = array<i32>} : memref<128x128xf32, #tpu.memory_space<vmem>>, vector<16xf32>,
        tpu.vector_store %arg13[%swap3A_350, %swap3A_351], %gather3A_345 {strides = array<i32>} : memref<128x128xf32, #tpu.memory_space<vmem>>, vector<16xf32>,
        %slice3A_353 = vector.extract_strided_slice %get3A_236 {offsets = [10], sizes = [1], strides = [1]} : vector<16xi32> to vector<1xi32>
        %squeeze3A_354 = vector.extract %slice3A_353[0] : i32 from vector<1xi32>
        %add3A_355 = vector.broadcast %squeeze3A_354 : i32 to vector<16xi32>
        %add3A_356 = arith.addi %add3A_355, %iota3A : vector<16xi32>
        %gather3A_357 = tpu.vector_load_idx %arg14[%add3A_356] : memref<16864xf32, #tpu.memory_space<vmem>>[vector<16xi32>], vector<16xf32>,
        %mul3A_358 = arith.constant 16 : i32
        %mul3A_359 = arith.muli %scan3A_231, %mul3A_358 : i32
        %add3A_360 = arith.constant 10 : i32
        %add3A_361 = arith.addi %mul3A_359, %add3A_360 : i32
        %swap3A_362 = arith.index_cast %add3A_361 : i32 to index
        %swap3A_363 = arith.constant 16 : index
        %swap3A_364 = tpu.vector_load %arg13[%swap3A_362, %swap3A_363] {strides = array<i32>} : memref<128x128xf32, #tpu.memory_space<vmem>>, vector<16xf32>,
        tpu.vector_store %arg13[%swap3A_362, %swap3A_363], %gather3A_357 {strides = array<i32>} : memref<128x128xf32, #tpu.memory_space<vmem>>, vector<16xf32>,
        %slice3A_365 = vector.extract_strided_slice %get3A_236 {offsets = [11], sizes = [1], strides = [1]} : vector<16xi32> to vector<1xi32>
        %squeeze3A_366 = vector.extract %slice3A_365[0] : i32 from vector<1xi32>
        %add3A_367 = vector.broadcast %squeeze3A_366 : i32 to vector<16xi32>
        %add3A_368 = arith.addi %add3A_367, %iota3A : vector<16xi32>
        %gather3A_369 = tpu.vector_load_idx %arg14[%add3A_368] : memref<16864xf32, #tpu.memory_space<vmem>>[vector<16xi32>], vector<16xf32>,
        %mul3A_370 = arith.constant 16 : i32
        %mul3A_371 = arith.muli %scan3A_231, %mul3A_370 : i32
        %add3A_372 = arith.constant 11 : i32
        %add3A_373 = arith.addi %mul3A_371, %add3A_372 : i32
        %swap3A_374 = arith.index_cast %add3A_373 : i32 to index
        %swap3A_375 = arith.constant 16 : index
        %swap3A_376 = tpu.vector_load %arg13[%swap3A_374, %swap3A_375] {strides = array<i32>} : memref<128x128xf32, #tpu.memory_space<vmem>>, vector<16xf32>,
        tpu.vector_store %arg13[%swap3A_374, %swap3A_375], %gather3A_369 {strides = array<i32>} : memref<128x128xf32, #tpu.memory_space<vmem>>, vector<16xf32>,
        %slice3A_377 = vector.extract_strided_slice %get3A_236 {offsets = [12], sizes = [1], strides = [1]} : vector<16xi32> to vector<1xi32>
        %squeeze3A_378 = vector.extract %slice3A_377[0] : i32 from vector<1xi32>
        %add3A_379 = vector.broadcast %squeeze3A_378 : i32 to vector<16xi32>
        %add3A_380 = arith.addi %add3A_379, %iota3A : vector<16xi32>
        %gather3A_381 = tpu.vector_load_idx %arg14[%add3A_380] : memref<16864xf32, #tpu.memory_space<vmem>>[vector<16xi32>], vector<16xf32>,
        %mul3A_382 = arith.constant 16 : i32
        %mul3A_383 = arith.muli %scan3A_231, %mul3A_382 : i32
        %add3A_384 = arith.constant 12 : i32
        %add3A_385 = arith.addi %mul3A_383, %add3A_384 : i32
        %swap3A_386 = arith.index_cast %add3A_385 : i32 to index
        %swap3A_387 = arith.constant 16 : index
        %swap3A_388 = tpu.vector_load %arg13[%swap3A_386, %swap3A_387] {strides = array<i32>} : memref<128x128xf32, #tpu.memory_space<vmem>>, vector<16xf32>,
        tpu.vector_store %arg13[%swap3A_386, %swap3A_387], %gather3A_381 {strides = array<i32>} : memref<128x128xf32, #tpu.memory_space<vmem>>, vector<16xf32>,
        %slice3A_389 = vector.extract_strided_slice %get3A_236 {offsets = [13], sizes = [1], strides = [1]} : vector<16xi32> to vector<1xi32>
        %squeeze3A_390 = vector.extract %slice3A_389[0] : i32 from vector<1xi32>
        %add3A_391 = vector.broadcast %squeeze3A_390 : i32 to vector<16xi32>
        %add3A_392 = arith.addi %add3A_391, %iota3A : vector<16xi32>
        %gather3A_393 = tpu.vector_load_idx %arg14[%add3A_392] : memref<16864xf32, #tpu.memory_space<vmem>>[vector<16xi32>], vector<16xf32>,
        %mul3A_394 = arith.constant 16 : i32
        %mul3A_395 = arith.muli %scan3A_231, %mul3A_394 : i32
        %add3A_396 = arith.constant 13 : i32
        %add3A_397 = arith.addi %mul3A_395, %add3A_396 : i32
        %swap3A_398 = arith.index_cast %add3A_397 : i32 to index
        %swap3A_399 = arith.constant 16 : index
        %swap3A_400 = tpu.vector_load %arg13[%swap3A_398, %swap3A_399] {strides = array<i32>} : memref<128x128xf32, #tpu.memory_space<vmem>>, vector<16xf32>,
        tpu.vector_store %arg13[%swap3A_398, %swap3A_399], %gather3A_393 {strides = array<i32>} : memref<128x128xf32, #tpu.memory_space<vmem>>, vector<16xf32>,
        %slice3A_401 = vector.extract_strided_slice %get3A_236 {offsets = [14], sizes = [1], strides = [1]} : vector<16xi32> to vector<1xi32>
        %squeeze3A_402 = vector.extract %slice3A_401[0] : i32 from vector<1xi32>
        %add3A_403 = vector.broadcast %squeeze3A_402 : i32 to vector<16xi32>
        %add3A_404 = arith.addi %add3A_403, %iota3A : vector<16xi32>
        %gather3A_405 = tpu.vector_load_idx %arg14[%add3A_404] : memref<16864xf32, #tpu.memory_space<vmem>>[vector<16xi32>], vector<16xf32>,
        %mul3A_406 = arith.constant 16 : i32
        %mul3A_407 = arith.muli %scan3A_231, %mul3A_406 : i32
        %add3A_408 = arith.constant 14 : i32
        %add3A_409 = arith.addi %mul3A_407, %add3A_408 : i32
        %swap3A_410 = arith.index_cast %add3A_409 : i32 to index
        %swap3A_411 = arith.constant 16 : index
        %swap3A_412 = tpu.vector_load %arg13[%swap3A_410, %swap3A_411] {strides = array<i32>} : memref<128x128xf32, #tpu.memory_space<vmem>>, vector<16xf32>,
        tpu.vector_store %arg13[%swap3A_410, %swap3A_411], %gather3A_405 {strides = array<i32>} : memref<128x128xf32, #tpu.memory_space<vmem>>, vector<16xf32>,
        %slice3A_413 = vector.extract_strided_slice %get3A_236 {offsets = [15], sizes = [1], strides = [1]} : vector<16xi32> to vector<1xi32>
        %squeeze3A_414 = vector.extract %slice3A_413[0] : i32 from vector<1xi32>
        %add3A_415 = vector.broadcast %squeeze3A_414 : i32 to vector<16xi32>
        %add3A_416 = arith.addi %add3A_415, %iota3A : vector<16xi32>
        %gather3A_417 = tpu.vector_load_idx %arg14[%add3A_416] : memref<16864xf32, #tpu.memory_space<vmem>>[vector<16xi32>], vector<16xf32>,
        %mul3A_418 = arith.constant 16 : i32
        %mul3A_419 = arith.muli %scan3A_231, %mul3A_418 : i32
        %add3A_420 = arith.constant 15 : i32
        %add3A_421 = arith.addi %mul3A_419, %add3A_420 : i32
        %swap3A_422 = arith.index_cast %add3A_421 : i32 to index
        %swap3A_423 = arith.constant 16 : index
        %swap3A_424 = tpu.vector_load %arg13[%swap3A_422, %swap3A_423] {strides = array<i32>} : memref<128x128xf32, #tpu.memory_space<vmem>>, vector<16xf32>,
        tpu.vector_store %arg13[%swap3A_422, %swap3A_423], %gather3A_417 {strides = array<i32>} : memref<128x128xf32, #tpu.memory_space<vmem>>, vector<16xf32>,
      }
      %scan3A_170 = arith.constant 8 : i32
      %scan3A_171 = arith.constant 0 : i32
      %scan3A_172 = arith.constant 8 : i32
      %scan3A_173 = arith.addi %scan3A_171, %scan3A_172 : i32
      %scan3A_174 = arith.constant 1 : i32
      scf.for %scan3A_231 = %scan3A_171 to %scan3A_173 step %scan3A_174  : i32 {
        %mul3A_232 = arith.constant 16 : i32
        %mul3A_233 = arith.muli %scan3A_231, %mul3A_232 : i32
        %add3A_234 = arith.constant 384 : i32
        %add3A_235 = arith.addi %add3A_234, %mul3A_233 : i32
        %get3A = arith.index_cast %add3A_235 : i32 to index
        %get3A_236 = tpu.vector_load %arg8[%get3A] {strides = array<i32>} : memref<512xi32, #tpu.memory_space<vmem>>, vector<16xi32>,
        %slice3A = vector.extract_strided_slice %get3A_236 {offsets = [0], sizes = [1], strides = [1]} : vector<16xi32> to vector<1xi32>
        %squeeze3A = vector.extract %slice3A[0] : i32 from vector<1xi32>
        %add3A_237 = vector.broadcast %squeeze3A : i32 to vector<16xi32>
        %add3A_238 = arith.addi %add3A_237, %iota3A : vector<16xi32>
        %gather3A = tpu.vector_load_idx %arg14[%add3A_238] : memref<16864xf32, #tpu.memory_space<vmem>>[vector<16xi32>], vector<16xf32>,
        %mul3A_239 = arith.constant 16 : i32
        %mul3A_240 = arith.muli %scan3A_231, %mul3A_239 : i32
        %add3A_241 = arith.constant 0 : i32
        %add3A_242 = arith.addi %mul3A_240, %add3A_241 : i32
        %swap3A = arith.index_cast %add3A_242 : i32 to index
        %swap3A_243 = arith.constant 32 : index
        %swap3A_244 = tpu.vector_load %arg13[%swap3A, %swap3A_243] {strides = array<i32>} : memref<128x128xf32, #tpu.memory_space<vmem>>, vector<16xf32>,
        tpu.vector_store %arg13[%swap3A, %swap3A_243], %gather3A {strides = array<i32>} : memref<128x128xf32, #tpu.memory_space<vmem>>, vector<16xf32>,
        %slice3A_245 = vector.extract_strided_slice %get3A_236 {offsets = [1], sizes = [1], strides = [1]} : vector<16xi32> to vector<1xi32>
        %squeeze3A_246 = vector.extract %slice3A_245[0] : i32 from vector<1xi32>
        %add3A_247 = vector.broadcast %squeeze3A_246 : i32 to vector<16xi32>
        %add3A_248 = arith.addi %add3A_247, %iota3A : vector<16xi32>
        %gather3A_249 = tpu.vector_load_idx %arg14[%add3A_248] : memref<16864xf32, #tpu.memory_space<vmem>>[vector<16xi32>], vector<16xf32>,
        %mul3A_250 = arith.constant 16 : i32
        %mul3A_251 = arith.muli %scan3A_231, %mul3A_250 : i32
        %add3A_252 = arith.constant 1 : i32
        %add3A_253 = arith.addi %mul3A_251, %add3A_252 : i32
        %swap3A_254 = arith.index_cast %add3A_253 : i32 to index
        %swap3A_255 = arith.constant 32 : index
        %swap3A_256 = tpu.vector_load %arg13[%swap3A_254, %swap3A_255] {strides = array<i32>} : memref<128x128xf32, #tpu.memory_space<vmem>>, vector<16xf32>,
        tpu.vector_store %arg13[%swap3A_254, %swap3A_255], %gather3A_249 {strides = array<i32>} : memref<128x128xf32, #tpu.memory_space<vmem>>, vector<16xf32>,
        %slice3A_257 = vector.extract_strided_slice %get3A_236 {offsets = [2], sizes = [1], strides = [1]} : vector<16xi32> to vector<1xi32>
        %squeeze3A_258 = vector.extract %slice3A_257[0] : i32 from vector<1xi32>
        %add3A_259 = vector.broadcast %squeeze3A_258 : i32 to vector<16xi32>
        %add3A_260 = arith.addi %add3A_259, %iota3A : vector<16xi32>
        %gather3A_261 = tpu.vector_load_idx %arg14[%add3A_260] : memref<16864xf32, #tpu.memory_space<vmem>>[vector<16xi32>], vector<16xf32>,
        %mul3A_262 = arith.constant 16 : i32
        %mul3A_263 = arith.muli %scan3A_231, %mul3A_262 : i32
        %add3A_264 = arith.constant 2 : i32
        %add3A_265 = arith.addi %mul3A_263, %add3A_264 : i32
        %swap3A_266 = arith.index_cast %add3A_265 : i32 to index
        %swap3A_267 = arith.constant 32 : index
        %swap3A_268 = tpu.vector_load %arg13[%swap3A_266, %swap3A_267] {strides = array<i32>} : memref<128x128xf32, #tpu.memory_space<vmem>>, vector<16xf32>,
        tpu.vector_store %arg13[%swap3A_266, %swap3A_267], %gather3A_261 {strides = array<i32>} : memref<128x128xf32, #tpu.memory_space<vmem>>, vector<16xf32>,
        %slice3A_269 = vector.extract_strided_slice %get3A_236 {offsets = [3], sizes = [1], strides = [1]} : vector<16xi32> to vector<1xi32>
        %squeeze3A_270 = vector.extract %slice3A_269[0] : i32 from vector<1xi32>
        %add3A_271 = vector.broadcast %squeeze3A_270 : i32 to vector<16xi32>
        %add3A_272 = arith.addi %add3A_271, %iota3A : vector<16xi32>
        %gather3A_273 = tpu.vector_load_idx %arg14[%add3A_272] : memref<16864xf32, #tpu.memory_space<vmem>>[vector<16xi32>], vector<16xf32>,
        %mul3A_274 = arith.constant 16 : i32
        %mul3A_275 = arith.muli %scan3A_231, %mul3A_274 : i32
        %add3A_276 = arith.constant 3 : i32
        %add3A_277 = arith.addi %mul3A_275, %add3A_276 : i32
        %swap3A_278 = arith.index_cast %add3A_277 : i32 to index
        %swap3A_279 = arith.constant 32 : index
        %swap3A_280 = tpu.vector_load %arg13[%swap3A_278, %swap3A_279] {strides = array<i32>} : memref<128x128xf32, #tpu.memory_space<vmem>>, vector<16xf32>,
        tpu.vector_store %arg13[%swap3A_278, %swap3A_279], %gather3A_273 {strides = array<i32>} : memref<128x128xf32, #tpu.memory_space<vmem>>, vector<16xf32>,
        %slice3A_281 = vector.extract_strided_slice %get3A_236 {offsets = [4], sizes = [1], strides = [1]} : vector<16xi32> to vector<1xi32>
        %squeeze3A_282 = vector.extract %slice3A_281[0] : i32 from vector<1xi32>
        %add3A_283 = vector.broadcast %squeeze3A_282 : i32 to vector<16xi32>
        %add3A_284 = arith.addi %add3A_283, %iota3A : vector<16xi32>
        %gather3A_285 = tpu.vector_load_idx %arg14[%add3A_284] : memref<16864xf32, #tpu.memory_space<vmem>>[vector<16xi32>], vector<16xf32>,
        %mul3A_286 = arith.constant 16 : i32
        %mul3A_287 = arith.muli %scan3A_231, %mul3A_286 : i32
        %add3A_288 = arith.constant 4 : i32
        %add3A_289 = arith.addi %mul3A_287, %add3A_288 : i32
        %swap3A_290 = arith.index_cast %add3A_289 : i32 to index
        %swap3A_291 = arith.constant 32 : index
        %swap3A_292 = tpu.vector_load %arg13[%swap3A_290, %swap3A_291] {strides = array<i32>} : memref<128x128xf32, #tpu.memory_space<vmem>>, vector<16xf32>,
        tpu.vector_store %arg13[%swap3A_290, %swap3A_291], %gather3A_285 {strides = array<i32>} : memref<128x128xf32, #tpu.memory_space<vmem>>, vector<16xf32>,
        %slice3A_293 = vector.extract_strided_slice %get3A_236 {offsets = [5], sizes = [1], strides = [1]} : vector<16xi32> to vector<1xi32>
        %squeeze3A_294 = vector.extract %slice3A_293[0] : i32 from vector<1xi32>
        %add3A_295 = vector.broadcast %squeeze3A_294 : i32 to vector<16xi32>
        %add3A_296 = arith.addi %add3A_295, %iota3A : vector<16xi32>
        %gather3A_297 = tpu.vector_load_idx %arg14[%add3A_296] : memref<16864xf32, #tpu.memory_space<vmem>>[vector<16xi32>], vector<16xf32>,
        %mul3A_298 = arith.constant 16 : i32
        %mul3A_299 = arith.muli %scan3A_231, %mul3A_298 : i32
        %add3A_300 = arith.constant 5 : i32
        %add3A_301 = arith.addi %mul3A_299, %add3A_300 : i32
        %swap3A_302 = arith.index_cast %add3A_301 : i32 to index
        %swap3A_303 = arith.constant 32 : index
        %swap3A_304 = tpu.vector_load %arg13[%swap3A_302, %swap3A_303] {strides = array<i32>} : memref<128x128xf32, #tpu.memory_space<vmem>>, vector<16xf32>,
        tpu.vector_store %arg13[%swap3A_302, %swap3A_303], %gather3A_297 {strides = array<i32>} : memref<128x128xf32, #tpu.memory_space<vmem>>, vector<16xf32>,
        %slice3A_305 = vector.extract_strided_slice %get3A_236 {offsets = [6], sizes = [1], strides = [1]} : vector<16xi32> to vector<1xi32>
        %squeeze3A_306 = vector.extract %slice3A_305[0] : i32 from vector<1xi32>
        %add3A_307 = vector.broadcast %squeeze3A_306 : i32 to vector<16xi32>
        %add3A_308 = arith.addi %add3A_307, %iota3A : vector<16xi32>
        %gather3A_309 = tpu.vector_load_idx %arg14[%add3A_308] : memref<16864xf32, #tpu.memory_space<vmem>>[vector<16xi32>], vector<16xf32>,
        %mul3A_310 = arith.constant 16 : i32
        %mul3A_311 = arith.muli %scan3A_231, %mul3A_310 : i32
        %add3A_312 = arith.constant 6 : i32
        %add3A_313 = arith.addi %mul3A_311, %add3A_312 : i32
        %swap3A_314 = arith.index_cast %add3A_313 : i32 to index
        %swap3A_315 = arith.constant 32 : index
        %swap3A_316 = tpu.vector_load %arg13[%swap3A_314, %swap3A_315] {strides = array<i32>} : memref<128x128xf32, #tpu.memory_space<vmem>>, vector<16xf32>,
        tpu.vector_store %arg13[%swap3A_314, %swap3A_315], %gather3A_309 {strides = array<i32>} : memref<128x128xf32, #tpu.memory_space<vmem>>, vector<16xf32>,
        %slice3A_317 = vector.extract_strided_slice %get3A_236 {offsets = [7], sizes = [1], strides = [1]} : vector<16xi32> to vector<1xi32>
        %squeeze3A_318 = vector.extract %slice3A_317[0] : i32 from vector<1xi32>
        %add3A_319 = vector.broadcast %squeeze3A_318 : i32 to vector<16xi32>
        %add3A_320 = arith.addi %add3A_319, %iota3A : vector<16xi32>
        %gather3A_321 = tpu.vector_load_idx %arg14[%add3A_320] : memref<16864xf32, #tpu.memory_space<vmem>>[vector<16xi32>], vector<16xf32>,
        %mul3A_322 = arith.constant 16 : i32
        %mul3A_323 = arith.muli %scan3A_231, %mul3A_322 : i32
        %add3A_324 = arith.constant 7 : i32
        %add3A_325 = arith.addi %mul3A_323, %add3A_324 : i32
        %swap3A_326 = arith.index_cast %add3A_325 : i32 to index
        %swap3A_327 = arith.constant 32 : index
        %swap3A_328 = tpu.vector_load %arg13[%swap3A_326, %swap3A_327] {strides = array<i32>} : memref<128x128xf32, #tpu.memory_space<vmem>>, vector<16xf32>,
        tpu.vector_store %arg13[%swap3A_326, %swap3A_327], %gather3A_321 {strides = array<i32>} : memref<128x128xf32, #tpu.memory_space<vmem>>, vector<16xf32>,
        %slice3A_329 = vector.extract_strided_slice %get3A_236 {offsets = [8], sizes = [1], strides = [1]} : vector<16xi32> to vector<1xi32>
        %squeeze3A_330 = vector.extract %slice3A_329[0] : i32 from vector<1xi32>
        %add3A_331 = vector.broadcast %squeeze3A_330 : i32 to vector<16xi32>
        %add3A_332 = arith.addi %add3A_331, %iota3A : vector<16xi32>
        %gather3A_333 = tpu.vector_load_idx %arg14[%add3A_332] : memref<16864xf32, #tpu.memory_space<vmem>>[vector<16xi32>], vector<16xf32>,
        %mul3A_334 = arith.constant 16 : i32
        %mul3A_335 = arith.muli %scan3A_231, %mul3A_334 : i32
        %add3A_336 = arith.constant 8 : i32
        %add3A_337 = arith.addi %mul3A_335, %add3A_336 : i32
        %swap3A_338 = arith.index_cast %add3A_337 : i32 to index
        %swap3A_339 = arith.constant 32 : index
        %swap3A_340 = tpu.vector_load %arg13[%swap3A_338, %swap3A_339] {strides = array<i32>} : memref<128x128xf32, #tpu.memory_space<vmem>>, vector<16xf32>,
        tpu.vector_store %arg13[%swap3A_338, %swap3A_339], %gather3A_333 {strides = array<i32>} : memref<128x128xf32, #tpu.memory_space<vmem>>, vector<16xf32>,
        %slice3A_341 = vector.extract_strided_slice %get3A_236 {offsets = [9], sizes = [1], strides = [1]} : vector<16xi32> to vector<1xi32>
        %squeeze3A_342 = vector.extract %slice3A_341[0] : i32 from vector<1xi32>
        %add3A_343 = vector.broadcast %squeeze3A_342 : i32 to vector<16xi32>
        %add3A_344 = arith.addi %add3A_343, %iota3A : vector<16xi32>
        %gather3A_345 = tpu.vector_load_idx %arg14[%add3A_344] : memref<16864xf32, #tpu.memory_space<vmem>>[vector<16xi32>], vector<16xf32>,
        %mul3A_346 = arith.constant 16 : i32
        %mul3A_347 = arith.muli %scan3A_231, %mul3A_346 : i32
        %add3A_348 = arith.constant 9 : i32
        %add3A_349 = arith.addi %mul3A_347, %add3A_348 : i32
        %swap3A_350 = arith.index_cast %add3A_349 : i32 to index
        %swap3A_351 = arith.constant 32 : index
        %swap3A_352 = tpu.vector_load %arg13[%swap3A_350, %swap3A_351] {strides = array<i32>} : memref<128x128xf32, #tpu.memory_space<vmem>>, vector<16xf32>,
        tpu.vector_store %arg13[%swap3A_350, %swap3A_351], %gather3A_345 {strides = array<i32>} : memref<128x128xf32, #tpu.memory_space<vmem>>, vector<16xf32>,
        %slice3A_353 = vector.extract_strided_slice %get3A_236 {offsets = [10], sizes = [1], strides = [1]} : vector<16xi32> to vector<1xi32>
        %squeeze3A_354 = vector.extract %slice3A_353[0] : i32 from vector<1xi32>
        %add3A_355 = vector.broadcast %squeeze3A_354 : i32 to vector<16xi32>
        %add3A_356 = arith.addi %add3A_355, %iota3A : vector<16xi32>
        %gather3A_357 = tpu.vector_load_idx %arg14[%add3A_356] : memref<16864xf32, #tpu.memory_space<vmem>>[vector<16xi32>], vector<16xf32>,
        %mul3A_358 = arith.constant 16 : i32
        %mul3A_359 = arith.muli %scan3A_231, %mul3A_358 : i32
        %add3A_360 = arith.constant 10 : i32
        %add3A_361 = arith.addi %mul3A_359, %add3A_360 : i32
        %swap3A_362 = arith.index_cast %add3A_361 : i32 to index
        %swap3A_363 = arith.constant 32 : index
        %swap3A_364 = tpu.vector_load %arg13[%swap3A_362, %swap3A_363] {strides = array<i32>} : memref<128x128xf32, #tpu.memory_space<vmem>>, vector<16xf32>,
        tpu.vector_store %arg13[%swap3A_362, %swap3A_363], %gather3A_357 {strides = array<i32>} : memref<128x128xf32, #tpu.memory_space<vmem>>, vector<16xf32>,
        %slice3A_365 = vector.extract_strided_slice %get3A_236 {offsets = [11], sizes = [1], strides = [1]} : vector<16xi32> to vector<1xi32>
        %squeeze3A_366 = vector.extract %slice3A_365[0] : i32 from vector<1xi32>
        %add3A_367 = vector.broadcast %squeeze3A_366 : i32 to vector<16xi32>
        %add3A_368 = arith.addi %add3A_367, %iota3A : vector<16xi32>
        %gather3A_369 = tpu.vector_load_idx %arg14[%add3A_368] : memref<16864xf32, #tpu.memory_space<vmem>>[vector<16xi32>], vector<16xf32>,
        %mul3A_370 = arith.constant 16 : i32
        %mul3A_371 = arith.muli %scan3A_231, %mul3A_370 : i32
        %add3A_372 = arith.constant 11 : i32
        %add3A_373 = arith.addi %mul3A_371, %add3A_372 : i32
        %swap3A_374 = arith.index_cast %add3A_373 : i32 to index
        %swap3A_375 = arith.constant 32 : index
        %swap3A_376 = tpu.vector_load %arg13[%swap3A_374, %swap3A_375] {strides = array<i32>} : memref<128x128xf32, #tpu.memory_space<vmem>>, vector<16xf32>,
        tpu.vector_store %arg13[%swap3A_374, %swap3A_375], %gather3A_369 {strides = array<i32>} : memref<128x128xf32, #tpu.memory_space<vmem>>, vector<16xf32>,
        %slice3A_377 = vector.extract_strided_slice %get3A_236 {offsets = [12], sizes = [1], strides = [1]} : vector<16xi32> to vector<1xi32>
        %squeeze3A_378 = vector.extract %slice3A_377[0] : i32 from vector<1xi32>
        %add3A_379 = vector.broadcast %squeeze3A_378 : i32 to vector<16xi32>
        %add3A_380 = arith.addi %add3A_379, %iota3A : vector<16xi32>
        %gather3A_381 = tpu.vector_load_idx %arg14[%add3A_380] : memref<16864xf32, #tpu.memory_space<vmem>>[vector<16xi32>], vector<16xf32>,
        %mul3A_382 = arith.constant 16 : i32
        %mul3A_383 = arith.muli %scan3A_231, %mul3A_382 : i32
        %add3A_384 = arith.constant 12 : i32
        %add3A_385 = arith.addi %mul3A_383, %add3A_384 : i32
        %swap3A_386 = arith.index_cast %add3A_385 : i32 to index
        %swap3A_387 = arith.constant 32 : index
        %swap3A_388 = tpu.vector_load %arg13[%swap3A_386, %swap3A_387] {strides = array<i32>} : memref<128x128xf32, #tpu.memory_space<vmem>>, vector<16xf32>,
        tpu.vector_store %arg13[%swap3A_386, %swap3A_387], %gather3A_381 {strides = array<i32>} : memref<128x128xf32, #tpu.memory_space<vmem>>, vector<16xf32>,
        %slice3A_389 = vector.extract_strided_slice %get3A_236 {offsets = [13], sizes = [1], strides = [1]} : vector<16xi32> to vector<1xi32>
        %squeeze3A_390 = vector.extract %slice3A_389[0] : i32 from vector<1xi32>
        %add3A_391 = vector.broadcast %squeeze3A_390 : i32 to vector<16xi32>
        %add3A_392 = arith.addi %add3A_391, %iota3A : vector<16xi32>
        %gather3A_393 = tpu.vector_load_idx %arg14[%add3A_392] : memref<16864xf32, #tpu.memory_space<vmem>>[vector<16xi32>], vector<16xf32>,
        %mul3A_394 = arith.constant 16 : i32
        %mul3A_395 = arith.muli %scan3A_231, %mul3A_394 : i32
        %add3A_396 = arith.constant 13 : i32
        %add3A_397 = arith.addi %mul3A_395, %add3A_396 : i32
        %swap3A_398 = arith.index_cast %add3A_397 : i32 to index
        %swap3A_399 = arith.constant 32 : index
        %swap3A_400 = tpu.vector_load %arg13[%swap3A_398, %swap3A_399] {strides = array<i32>} : memref<128x128xf32, #tpu.memory_space<vmem>>, vector<16xf32>,
        tpu.vector_store %arg13[%swap3A_398, %swap3A_399], %gather3A_393 {strides = array<i32>} : memref<128x128xf32, #tpu.memory_space<vmem>>, vector<16xf32>,
        %slice3A_401 = vector.extract_strided_slice %get3A_236 {offsets = [14], sizes = [1], strides = [1]} : vector<16xi32> to vector<1xi32>
        %squeeze3A_402 = vector.extract %slice3A_401[0] : i32 from vector<1xi32>
        %add3A_403 = vector.broadcast %squeeze3A_402 : i32 to vector<16xi32>
        %add3A_404 = arith.addi %add3A_403, %iota3A : vector<16xi32>
        %gather3A_405 = tpu.vector_load_idx %arg14[%add3A_404] : memref<16864xf32, #tpu.memory_space<vmem>>[vector<16xi32>], vector<16xf32>,
        %mul3A_406 = arith.constant 16 : i32
        %mul3A_407 = arith.muli %scan3A_231, %mul3A_406 : i32
        %add3A_408 = arith.constant 14 : i32
        %add3A_409 = arith.addi %mul3A_407, %add3A_408 : i32
        %swap3A_410 = arith.index_cast %add3A_409 : i32 to index
        %swap3A_411 = arith.constant 32 : index
        %swap3A_412 = tpu.vector_load %arg13[%swap3A_410, %swap3A_411] {strides = array<i32>} : memref<128x128xf32, #tpu.memory_space<vmem>>, vector<16xf32>,
        tpu.vector_store %arg13[%swap3A_410, %swap3A_411], %gather3A_405 {strides = array<i32>} : memref<128x128xf32, #tpu.memory_space<vmem>>, vector<16xf32>,
        %slice3A_413 = vector.extract_strided_slice %get3A_236 {offsets = [15], sizes = [1], strides = [1]} : vector<16xi32> to vector<1xi32>
        %squeeze3A_414 = vector.extract %slice3A_413[0] : i32 from vector<1xi32>
        %add3A_415 = vector.broadcast %squeeze3A_414 : i32 to vector<16xi32>
        %add3A_416 = arith.addi %add3A_415, %iota3A : vector<16xi32>
        %gather3A_417 = tpu.vector_load_idx %arg14[%add3A_416] : memref<16864xf32, #tpu.memory_space<vmem>>[vector<16xi32>], vector<16xf32>,
        %mul3A_418 = arith.constant 16 : i32
        %mul3A_419 = arith.muli %scan3A_231, %mul3A_418 : i32
        %add3A_420 = arith.constant 15 : i32
        %add3A_421 = arith.addi %mul3A_419, %add3A_420 : i32
        %swap3A_422 = arith.index_cast %add3A_421 : i32 to index
        %swap3A_423 = arith.constant 32 : index
        %swap3A_424 = tpu.vector_load %arg13[%swap3A_422, %swap3A_423] {strides = array<i32>} : memref<128x128xf32, #tpu.memory_space<vmem>>, vector<16xf32>,
        tpu.vector_store %arg13[%swap3A_422, %swap3A_423], %gather3A_417 {strides = array<i32>} : memref<128x128xf32, #tpu.memory_space<vmem>>, vector<16xf32>,
      }
      %scan3A_175 = arith.constant 8 : i32
      %dma_wait3A_176 = arith.constant 0 : i32
      %dma_wait3A_177 = tpu.memref_slice %arg8[%dma_wait3A_176] : memref<512xi32, #tpu.memory_space<vmem>> -> memref<128xi32, #tpu.memory_space<vmem>>
      %dma_wait3A_178 = arith.constant 0 : i32
      %dma_wait3A_179 = arith.constant 0 : i32
      %dma_wait3A_180 = tpu.memref_slice %arg3[%dma_wait3A_178, %dma_wait3A_179] : memref<100000x128xf32, #tpu.memory_space<hbm>> -> memref<100000x128xf32, #tpu.memory_space<hbm>>
      tpu.wait_indirect_dma semaphore(%arg16 : memref<!tpu.dma_semaphore, #tpu.memory_space<semaphore_mem>>) src(%dma_wait3A_180 : memref<100000x128xf32, #tpu.memory_space<hbm>>) dst(%arg11 : memref<128x128xf32, #tpu.memory_space<vmem>>)
      %mul3A_181 = arith.constant 128 : i32
      %mul3A_182 = arith.muli %add3A_140, %mul3A_181 : i32
      %add3A_183 = arith.addi %mul3A_2, %mul3A_182 : i32
      "tpu.region"() ({
        %run_scoped3A = tpu.sem_alloc : memref<!tpu.dma_semaphore, #tpu.memory_space<semaphore_mem>>
        %dma_start3A_231 = arith.constant 0 : i32
        %dma_start3A_232 = tpu.memref_slice %arg5[%add3A_183, %dma_start3A_231] : memref<204800x128xf32, #tpu.memory_space<hbm>> -> memref<128x128xf32, #tpu.memory_space<hbm>>
        %dma_start3A_233 = arith.constant 0 : i32
        %dma_start3A_234 = tpu.memref_slice %arg5[%add3A_183, %dma_start3A_233] : memref<204800x128xf32, #tpu.memory_space<hbm>> -> memref<128x128xf32, #tpu.memory_space<hbm>>
        tpu.enqueue_dma source(%arg11 : memref<128x128xf32, #tpu.memory_space<vmem>>) target(%dma_start3A_234 : memref<128x128xf32, #tpu.memory_space<hbm>>) target_semaphore(%run_scoped3A : memref<!tpu.dma_semaphore, #tpu.memory_space<semaphore_mem>>)
        %dma_wait3A_235 = arith.constant 0 : i32
        %dma_wait3A_236 = tpu.memref_slice %arg5[%add3A_183, %dma_wait3A_235] : memref<204800x128xf32, #tpu.memory_space<hbm>> -> memref<128x128xf32, #tpu.memory_space<hbm>>
        %dma_wait3A_237 = arith.constant 0 : i32
        %dma_wait3A_238 = tpu.memref_slice %arg5[%add3A_183, %dma_wait3A_237] : memref<204800x128xf32, #tpu.memory_space<hbm>> -> memref<128x128xf32, #tpu.memory_space<hbm>>
        tpu.wait_dma2 semaphore(%run_scoped3A : memref<!tpu.dma_semaphore, #tpu.memory_space<semaphore_mem>>) src(%arg11 : memref<128x128xf32, #tpu.memory_space<vmem>>) dst(%dma_wait3A_238 : memref<128x128xf32, #tpu.memory_space<hbm>>)
        tpu.yield
      }) : () -> ()
      "tpu.region"() ({
        %run_scoped3A = tpu.sem_alloc : memref<!tpu.dma_semaphore, #tpu.memory_space<semaphore_mem>>
        %dma_start3A_231 = arith.constant 0 : i32
        %dma_start3A_232 = tpu.memref_slice %arg6[%add3A_183, %dma_start3A_231] : memref<204800x128xf32, #tpu.memory_space<hbm>> -> memref<128x128xf32, #tpu.memory_space<hbm>>
        %dma_start3A_233 = arith.constant 0 : i32
        %dma_start3A_234 = tpu.memref_slice %arg6[%add3A_183, %dma_start3A_233] : memref<204800x128xf32, #tpu.memory_space<hbm>> -> memref<128x128xf32, #tpu.memory_space<hbm>>
        tpu.enqueue_dma source(%arg13 : memref<128x128xf32, #tpu.memory_space<vmem>>) target(%dma_start3A_234 : memref<128x128xf32, #tpu.memory_space<hbm>>) target_semaphore(%run_scoped3A : memref<!tpu.dma_semaphore, #tpu.memory_space<semaphore_mem>>)
        %dma_wait3A_235 = arith.constant 0 : i32
        %dma_wait3A_236 = tpu.memref_slice %arg6[%add3A_183, %dma_wait3A_235] : memref<204800x128xf32, #tpu.memory_space<hbm>> -> memref<128x128xf32, #tpu.memory_space<hbm>>
        %dma_wait3A_237 = arith.constant 0 : i32
        %dma_wait3A_238 = tpu.memref_slice %arg6[%add3A_183, %dma_wait3A_237] : memref<204800x128xf32, #tpu.memory_space<hbm>> -> memref<128x128xf32, #tpu.memory_space<hbm>>
        tpu.wait_dma2 semaphore(%run_scoped3A : memref<!tpu.dma_semaphore, #tpu.memory_space<semaphore_mem>>) src(%arg13 : memref<128x128xf32, #tpu.memory_space<vmem>>) dst(%dma_wait3A_238 : memref<128x128xf32, #tpu.memory_space<hbm>>)
        tpu.yield
      }) : () -> ()
      %mul3A_184 = arith.constant 3 : i32
      %mul3A_185 = arith.muli %scan3A_89, %mul3A_184 : i32
      %add3A_186 = arith.constant 2 : i32
      %add3A_187 = arith.addi %mul3A_185, %add3A_186 : i32
      %mul3A_188 = arith.constant 4 : i32
      %mul3A_189 = arith.muli %mul3A_4, %mul3A_188 : i32
      %mul3A_190 = arith.constant 128 : i32
      %mul3A_191 = arith.muli %mul3A_189, %mul3A_190 : i32
      %dma_wait3A_192 = tpu.memref_slice %arg2[%mul3A_191] : memref<819200xi32, #tpu.memory_space<hbm>> -> memref<512xi32, #tpu.memory_space<hbm>>
      %dma_wait3A_193 = tpu.memref_slice %arg2[%mul3A_191] : memref<819200xi32, #tpu.memory_space<hbm>> -> memref<512xi32, #tpu.memory_space<hbm>>
      tpu.wait_dma2 semaphore(%arg18 : memref<!tpu.dma_semaphore, #tpu.memory_space<semaphore_mem>>) src(%dma_wait3A_193 : memref<512xi32, #tpu.memory_space<hbm>>) dst(%arg7 : memref<512xi32, #tpu.memory_space<vmem>>)
      %dma_start3A_194 = arith.constant 0 : i32
      %dma_start3A_195 = tpu.memref_slice %arg7[%dma_start3A_194] : memref<512xi32, #tpu.memory_space<vmem>> -> memref<128xi32, #tpu.memory_space<vmem>>
      %dma_start3A_196 = arith.constant 0 : i32
      %dma_start3A_197 = arith.constant 0 : i32
      %dma_start3A_198 = tpu.memref_slice %arg3[%dma_start3A_196, %dma_start3A_197] : memref<100000x128xf32, #tpu.memory_space<hbm>> -> memref<100000x128xf32, #tpu.memory_space<hbm>>
      tpu.enqueue_indirect_dma source(%dma_start3A_198 : memref<100000x128xf32, #tpu.memory_space<hbm>>) target(%arg10 : memref<128x128xf32, #tpu.memory_space<vmem>>) offsets(%dma_start3A_195 : memref<128xi32, #tpu.memory_space<vmem>>) semaphore(%arg15 : memref<!tpu.dma_semaphore, #tpu.memory_space<semaphore_mem>>)
      %add3A_199 = arith.constant 2 : i32
      %add3A_200 = arith.addi %add3A_187, %add3A_199 : i32
      %add3A_201 = arith.addi %mul3A_4, %add3A_200 : i32
      %mul3A_202 = arith.constant 4 : i32
      %mul3A_203 = arith.muli %add3A_201, %mul3A_202 : i32
      %mul3A_204 = arith.constant 128 : i32
      %mul3A_205 = arith.muli %mul3A_203, %mul3A_204 : i32
      %dma_start3A_206 = tpu.memref_slice %arg2[%mul3A_205] : memref<819200xi32, #tpu.memory_space<hbm>> -> memref<512xi32, #tpu.memory_space<hbm>>
      %dma_start3A_207 = tpu.memref_slice %arg2[%mul3A_205] : memref<819200xi32, #tpu.memory_space<hbm>> -> memref<512xi32, #tpu.memory_space<hbm>>
      tpu.enqueue_dma source(%dma_start3A_207 : memref<512xi32, #tpu.memory_space<hbm>>) target(%arg8 : memref<512xi32, #tpu.memory_space<vmem>>) target_semaphore(%arg19 : memref<!tpu.dma_semaphore, #tpu.memory_space<semaphore_mem>>)
      %scan3A_208 = arith.constant 0 : i32
      %scan3A_209 = arith.constant 8 : i32
      %scan3A_210 = arith.addi %scan3A_208, %scan3A_209 : i32
      %scan3A_211 = arith.constant 1 : i32
      scf.for %scan3A_231 = %scan3A_208 to %scan3A_210 step %scan3A_211  : i32 {
        %mul3A_232 = arith.constant 16 : i32
        %mul3A_233 = arith.muli %scan3A_231, %mul3A_232 : i32
        %add3A_234 = arith.constant 128 : i32
        %add3A_235 = arith.addi %add3A_234, %mul3A_233 : i32
        %get3A = arith.index_cast %add3A_235 : i32 to index
        %get3A_236 = tpu.vector_load %arg9[%get3A] {strides = array<i32>} : memref<512xi32, #tpu.memory_space<vmem>>, vector<16xi32>,
        %slice3A = vector.extract_strided_slice %get3A_236 {offsets = [0], sizes = [1], strides = [1]} : vector<16xi32> to vector<1xi32>
        %squeeze3A = vector.extract %slice3A[0] : i32 from vector<1xi32>
        %add3A_237 = vector.broadcast %squeeze3A : i32 to vector<16xi32>
        %add3A_238 = arith.addi %add3A_237, %iota3A : vector<16xi32>
        %gather3A = tpu.vector_load_idx %arg14[%add3A_238] : memref<16864xf32, #tpu.memory_space<vmem>>[vector<16xi32>], vector<16xf32>,
        %mul3A_239 = arith.constant 16 : i32
        %mul3A_240 = arith.muli %scan3A_231, %mul3A_239 : i32
        %add3A_241 = arith.constant 0 : i32
        %add3A_242 = arith.addi %mul3A_240, %add3A_241 : i32
        %swap3A = arith.index_cast %add3A_242 : i32 to index
        %swap3A_243 = arith.constant 0 : index
        %swap3A_244 = tpu.vector_load %arg13[%swap3A, %swap3A_243] {strides = array<i32>} : memref<128x128xf32, #tpu.memory_space<vmem>>, vector<16xf32>,
        tpu.vector_store %arg13[%swap3A, %swap3A_243], %gather3A {strides = array<i32>} : memref<128x128xf32, #tpu.memory_space<vmem>>, vector<16xf32>,
        %slice3A_245 = vector.extract_strided_slice %get3A_236 {offsets = [1], sizes = [1], strides = [1]} : vector<16xi32> to vector<1xi32>
        %squeeze3A_246 = vector.extract %slice3A_245[0] : i32 from vector<1xi32>
        %add3A_247 = vector.broadcast %squeeze3A_246 : i32 to vector<16xi32>
        %add3A_248 = arith.addi %add3A_247, %iota3A : vector<16xi32>
        %gather3A_249 = tpu.vector_load_idx %arg14[%add3A_248] : memref<16864xf32, #tpu.memory_space<vmem>>[vector<16xi32>], vector<16xf32>,
        %mul3A_250 = arith.constant 16 : i32
        %mul3A_251 = arith.muli %scan3A_231, %mul3A_250 : i32
        %add3A_252 = arith.constant 1 : i32
        %add3A_253 = arith.addi %mul3A_251, %add3A_252 : i32
        %swap3A_254 = arith.index_cast %add3A_253 : i32 to index
        %swap3A_255 = arith.constant 0 : index
        %swap3A_256 = tpu.vector_load %arg13[%swap3A_254, %swap3A_255] {strides = array<i32>} : memref<128x128xf32, #tpu.memory_space<vmem>>, vector<16xf32>,
        tpu.vector_store %arg13[%swap3A_254, %swap3A_255], %gather3A_249 {strides = array<i32>} : memref<128x128xf32, #tpu.memory_space<vmem>>, vector<16xf32>,
        %slice3A_257 = vector.extract_strided_slice %get3A_236 {offsets = [2], sizes = [1], strides = [1]} : vector<16xi32> to vector<1xi32>
        %squeeze3A_258 = vector.extract %slice3A_257[0] : i32 from vector<1xi32>
        %add3A_259 = vector.broadcast %squeeze3A_258 : i32 to vector<16xi32>
        %add3A_260 = arith.addi %add3A_259, %iota3A : vector<16xi32>
        %gather3A_261 = tpu.vector_load_idx %arg14[%add3A_260] : memref<16864xf32, #tpu.memory_space<vmem>>[vector<16xi32>], vector<16xf32>,
        %mul3A_262 = arith.constant 16 : i32
        %mul3A_263 = arith.muli %scan3A_231, %mul3A_262 : i32
        %add3A_264 = arith.constant 2 : i32
        %add3A_265 = arith.addi %mul3A_263, %add3A_264 : i32
        %swap3A_266 = arith.index_cast %add3A_265 : i32 to index
        %swap3A_267 = arith.constant 0 : index
        %swap3A_268 = tpu.vector_load %arg13[%swap3A_266, %swap3A_267] {strides = array<i32>} : memref<128x128xf32, #tpu.memory_space<vmem>>, vector<16xf32>,
        tpu.vector_store %arg13[%swap3A_266, %swap3A_267], %gather3A_261 {strides = array<i32>} : memref<128x128xf32, #tpu.memory_space<vmem>>, vector<16xf32>,
        %slice3A_269 = vector.extract_strided_slice %get3A_236 {offsets = [3], sizes = [1], strides = [1]} : vector<16xi32> to vector<1xi32>
        %squeeze3A_270 = vector.extract %slice3A_269[0] : i32 from vector<1xi32>
        %add3A_271 = vector.broadcast %squeeze3A_270 : i32 to vector<16xi32>
        %add3A_272 = arith.addi %add3A_271, %iota3A : vector<16xi32>
        %gather3A_273 = tpu.vector_load_idx %arg14[%add3A_272] : memref<16864xf32, #tpu.memory_space<vmem>>[vector<16xi32>], vector<16xf32>,
        %mul3A_274 = arith.constant 16 : i32
        %mul3A_275 = arith.muli %scan3A_231, %mul3A_274 : i32
        %add3A_276 = arith.constant 3 : i32
        %add3A_277 = arith.addi %mul3A_275, %add3A_276 : i32
        %swap3A_278 = arith.index_cast %add3A_277 : i32 to index
        %swap3A_279 = arith.constant 0 : index
        %swap3A_280 = tpu.vector_load %arg13[%swap3A_278, %swap3A_279] {strides = array<i32>} : memref<128x128xf32, #tpu.memory_space<vmem>>, vector<16xf32>,
        tpu.vector_store %arg13[%swap3A_278, %swap3A_279], %gather3A_273 {strides = array<i32>} : memref<128x128xf32, #tpu.memory_space<vmem>>, vector<16xf32>,
        %slice3A_281 = vector.extract_strided_slice %get3A_236 {offsets = [4], sizes = [1], strides = [1]} : vector<16xi32> to vector<1xi32>
        %squeeze3A_282 = vector.extract %slice3A_281[0] : i32 from vector<1xi32>
        %add3A_283 = vector.broadcast %squeeze3A_282 : i32 to vector<16xi32>
        %add3A_284 = arith.addi %add3A_283, %iota3A : vector<16xi32>
        %gather3A_285 = tpu.vector_load_idx %arg14[%add3A_284] : memref<16864xf32, #tpu.memory_space<vmem>>[vector<16xi32>], vector<16xf32>,
        %mul3A_286 = arith.constant 16 : i32
        %mul3A_287 = arith.muli %scan3A_231, %mul3A_286 : i32
        %add3A_288 = arith.constant 4 : i32
        %add3A_289 = arith.addi %mul3A_287, %add3A_288 : i32
        %swap3A_290 = arith.index_cast %add3A_289 : i32 to index
        %swap3A_291 = arith.constant 0 : index
        %swap3A_292 = tpu.vector_load %arg13[%swap3A_290, %swap3A_291] {strides = array<i32>} : memref<128x128xf32, #tpu.memory_space<vmem>>, vector<16xf32>,
        tpu.vector_store %arg13[%swap3A_290, %swap3A_291], %gather3A_285 {strides = array<i32>} : memref<128x128xf32, #tpu.memory_space<vmem>>, vector<16xf32>,
        %slice3A_293 = vector.extract_strided_slice %get3A_236 {offsets = [5], sizes = [1], strides = [1]} : vector<16xi32> to vector<1xi32>
        %squeeze3A_294 = vector.extract %slice3A_293[0] : i32 from vector<1xi32>
        %add3A_295 = vector.broadcast %squeeze3A_294 : i32 to vector<16xi32>
        %add3A_296 = arith.addi %add3A_295, %iota3A : vector<16xi32>
        %gather3A_297 = tpu.vector_load_idx %arg14[%add3A_296] : memref<16864xf32, #tpu.memory_space<vmem>>[vector<16xi32>], vector<16xf32>,
        %mul3A_298 = arith.constant 16 : i32
        %mul3A_299 = arith.muli %scan3A_231, %mul3A_298 : i32
        %add3A_300 = arith.constant 5 : i32
        %add3A_301 = arith.addi %mul3A_299, %add3A_300 : i32
        %swap3A_302 = arith.index_cast %add3A_301 : i32 to index
        %swap3A_303 = arith.constant 0 : index
        %swap3A_304 = tpu.vector_load %arg13[%swap3A_302, %swap3A_303] {strides = array<i32>} : memref<128x128xf32, #tpu.memory_space<vmem>>, vector<16xf32>,
        tpu.vector_store %arg13[%swap3A_302, %swap3A_303], %gather3A_297 {strides = array<i32>} : memref<128x128xf32, #tpu.memory_space<vmem>>, vector<16xf32>,
        %slice3A_305 = vector.extract_strided_slice %get3A_236 {offsets = [6], sizes = [1], strides = [1]} : vector<16xi32> to vector<1xi32>
        %squeeze3A_306 = vector.extract %slice3A_305[0] : i32 from vector<1xi32>
        %add3A_307 = vector.broadcast %squeeze3A_306 : i32 to vector<16xi32>
        %add3A_308 = arith.addi %add3A_307, %iota3A : vector<16xi32>
        %gather3A_309 = tpu.vector_load_idx %arg14[%add3A_308] : memref<16864xf32, #tpu.memory_space<vmem>>[vector<16xi32>], vector<16xf32>,
        %mul3A_310 = arith.constant 16 : i32
        %mul3A_311 = arith.muli %scan3A_231, %mul3A_310 : i32
        %add3A_312 = arith.constant 6 : i32
        %add3A_313 = arith.addi %mul3A_311, %add3A_312 : i32
        %swap3A_314 = arith.index_cast %add3A_313 : i32 to index
        %swap3A_315 = arith.constant 0 : index
        %swap3A_316 = tpu.vector_load %arg13[%swap3A_314, %swap3A_315] {strides = array<i32>} : memref<128x128xf32, #tpu.memory_space<vmem>>, vector<16xf32>,
        tpu.vector_store %arg13[%swap3A_314, %swap3A_315], %gather3A_309 {strides = array<i32>} : memref<128x128xf32, #tpu.memory_space<vmem>>, vector<16xf32>,
        %slice3A_317 = vector.extract_strided_slice %get3A_236 {offsets = [7], sizes = [1], strides = [1]} : vector<16xi32> to vector<1xi32>
        %squeeze3A_318 = vector.extract %slice3A_317[0] : i32 from vector<1xi32>
        %add3A_319 = vector.broadcast %squeeze3A_318 : i32 to vector<16xi32>
        %add3A_320 = arith.addi %add3A_319, %iota3A : vector<16xi32>
        %gather3A_321 = tpu.vector_load_idx %arg14[%add3A_320] : memref<16864xf32, #tpu.memory_space<vmem>>[vector<16xi32>], vector<16xf32>,
        %mul3A_322 = arith.constant 16 : i32
        %mul3A_323 = arith.muli %scan3A_231, %mul3A_322 : i32
        %add3A_324 = arith.constant 7 : i32
        %add3A_325 = arith.addi %mul3A_323, %add3A_324 : i32
        %swap3A_326 = arith.index_cast %add3A_325 : i32 to index
        %swap3A_327 = arith.constant 0 : index
        %swap3A_328 = tpu.vector_load %arg13[%swap3A_326, %swap3A_327] {strides = array<i32>} : memref<128x128xf32, #tpu.memory_space<vmem>>, vector<16xf32>,
        tpu.vector_store %arg13[%swap3A_326, %swap3A_327], %gather3A_321 {strides = array<i32>} : memref<128x128xf32, #tpu.memory_space<vmem>>, vector<16xf32>,
        %slice3A_329 = vector.extract_strided_slice %get3A_236 {offsets = [8], sizes = [1], strides = [1]} : vector<16xi32> to vector<1xi32>
        %squeeze3A_330 = vector.extract %slice3A_329[0] : i32 from vector<1xi32>
        %add3A_331 = vector.broadcast %squeeze3A_330 : i32 to vector<16xi32>
        %add3A_332 = arith.addi %add3A_331, %iota3A : vector<16xi32>
        %gather3A_333 = tpu.vector_load_idx %arg14[%add3A_332] : memref<16864xf32, #tpu.memory_space<vmem>>[vector<16xi32>], vector<16xf32>,
        %mul3A_334 = arith.constant 16 : i32
        %mul3A_335 = arith.muli %scan3A_231, %mul3A_334 : i32
        %add3A_336 = arith.constant 8 : i32
        %add3A_337 = arith.addi %mul3A_335, %add3A_336 : i32
        %swap3A_338 = arith.index_cast %add3A_337 : i32 to index
        %swap3A_339 = arith.constant 0 : index
        %swap3A_340 = tpu.vector_load %arg13[%swap3A_338, %swap3A_339] {strides = array<i32>} : memref<128x128xf32, #tpu.memory_space<vmem>>, vector<16xf32>,
        tpu.vector_store %arg13[%swap3A_338, %swap3A_339], %gather3A_333 {strides = array<i32>} : memref<128x128xf32, #tpu.memory_space<vmem>>, vector<16xf32>,
        %slice3A_341 = vector.extract_strided_slice %get3A_236 {offsets = [9], sizes = [1], strides = [1]} : vector<16xi32> to vector<1xi32>
        %squeeze3A_342 = vector.extract %slice3A_341[0] : i32 from vector<1xi32>
        %add3A_343 = vector.broadcast %squeeze3A_342 : i32 to vector<16xi32>
        %add3A_344 = arith.addi %add3A_343, %iota3A : vector<16xi32>
        %gather3A_345 = tpu.vector_load_idx %arg14[%add3A_344] : memref<16864xf32, #tpu.memory_space<vmem>>[vector<16xi32>], vector<16xf32>,
        %mul3A_346 = arith.constant 16 : i32
        %mul3A_347 = arith.muli %scan3A_231, %mul3A_346 : i32
        %add3A_348 = arith.constant 9 : i32
        %add3A_349 = arith.addi %mul3A_347, %add3A_348 : i32
        %swap3A_350 = arith.index_cast %add3A_349 : i32 to index
        %swap3A_351 = arith.constant 0 : index
        %swap3A_352 = tpu.vector_load %arg13[%swap3A_350, %swap3A_351] {strides = array<i32>} : memref<128x128xf32, #tpu.memory_space<vmem>>, vector<16xf32>,
        tpu.vector_store %arg13[%swap3A_350, %swap3A_351], %gather3A_345 {strides = array<i32>} : memref<128x128xf32, #tpu.memory_space<vmem>>, vector<16xf32>,
        %slice3A_353 = vector.extract_strided_slice %get3A_236 {offsets = [10], sizes = [1], strides = [1]} : vector<16xi32> to vector<1xi32>
        %squeeze3A_354 = vector.extract %slice3A_353[0] : i32 from vector<1xi32>
        %add3A_355 = vector.broadcast %squeeze3A_354 : i32 to vector<16xi32>
        %add3A_356 = arith.addi %add3A_355, %iota3A : vector<16xi32>
        %gather3A_357 = tpu.vector_load_idx %arg14[%add3A_356] : memref<16864xf32, #tpu.memory_space<vmem>>[vector<16xi32>], vector<16xf32>,
        %mul3A_358 = arith.constant 16 : i32
        %mul3A_359 = arith.muli %scan3A_231, %mul3A_358 : i32
        %add3A_360 = arith.constant 10 : i32
        %add3A_361 = arith.addi %mul3A_359, %add3A_360 : i32
        %swap3A_362 = arith.index_cast %add3A_361 : i32 to index
        %swap3A_363 = arith.constant 0 : index
        %swap3A_364 = tpu.vector_load %arg13[%swap3A_362, %swap3A_363] {strides = array<i32>} : memref<128x128xf32, #tpu.memory_space<vmem>>, vector<16xf32>,
        tpu.vector_store %arg13[%swap3A_362, %swap3A_363], %gather3A_357 {strides = array<i32>} : memref<128x128xf32, #tpu.memory_space<vmem>>, vector<16xf32>,
        %slice3A_365 = vector.extract_strided_slice %get3A_236 {offsets = [11], sizes = [1], strides = [1]} : vector<16xi32> to vector<1xi32>
        %squeeze3A_366 = vector.extract %slice3A_365[0] : i32 from vector<1xi32>
        %add3A_367 = vector.broadcast %squeeze3A_366 : i32 to vector<16xi32>
        %add3A_368 = arith.addi %add3A_367, %iota3A : vector<16xi32>
        %gather3A_369 = tpu.vector_load_idx %arg14[%add3A_368] : memref<16864xf32, #tpu.memory_space<vmem>>[vector<16xi32>], vector<16xf32>,
        %mul3A_370 = arith.constant 16 : i32
        %mul3A_371 = arith.muli %scan3A_231, %mul3A_370 : i32
        %add3A_372 = arith.constant 11 : i32
        %add3A_373 = arith.addi %mul3A_371, %add3A_372 : i32
        %swap3A_374 = arith.index_cast %add3A_373 : i32 to index
        %swap3A_375 = arith.constant 0 : index
        %swap3A_376 = tpu.vector_load %arg13[%swap3A_374, %swap3A_375] {strides = array<i32>} : memref<128x128xf32, #tpu.memory_space<vmem>>, vector<16xf32>,
        tpu.vector_store %arg13[%swap3A_374, %swap3A_375], %gather3A_369 {strides = array<i32>} : memref<128x128xf32, #tpu.memory_space<vmem>>, vector<16xf32>,
        %slice3A_377 = vector.extract_strided_slice %get3A_236 {offsets = [12], sizes = [1], strides = [1]} : vector<16xi32> to vector<1xi32>
        %squeeze3A_378 = vector.extract %slice3A_377[0] : i32 from vector<1xi32>
        %add3A_379 = vector.broadcast %squeeze3A_378 : i32 to vector<16xi32>
        %add3A_380 = arith.addi %add3A_379, %iota3A : vector<16xi32>
        %gather3A_381 = tpu.vector_load_idx %arg14[%add3A_380] : memref<16864xf32, #tpu.memory_space<vmem>>[vector<16xi32>], vector<16xf32>,
        %mul3A_382 = arith.constant 16 : i32
        %mul3A_383 = arith.muli %scan3A_231, %mul3A_382 : i32
        %add3A_384 = arith.constant 12 : i32
        %add3A_385 = arith.addi %mul3A_383, %add3A_384 : i32
        %swap3A_386 = arith.index_cast %add3A_385 : i32 to index
        %swap3A_387 = arith.constant 0 : index
        %swap3A_388 = tpu.vector_load %arg13[%swap3A_386, %swap3A_387] {strides = array<i32>} : memref<128x128xf32, #tpu.memory_space<vmem>>, vector<16xf32>,
        tpu.vector_store %arg13[%swap3A_386, %swap3A_387], %gather3A_381 {strides = array<i32>} : memref<128x128xf32, #tpu.memory_space<vmem>>, vector<16xf32>,
        %slice3A_389 = vector.extract_strided_slice %get3A_236 {offsets = [13], sizes = [1], strides = [1]} : vector<16xi32> to vector<1xi32>
        %squeeze3A_390 = vector.extract %slice3A_389[0] : i32 from vector<1xi32>
        %add3A_391 = vector.broadcast %squeeze3A_390 : i32 to vector<16xi32>
        %add3A_392 = arith.addi %add3A_391, %iota3A : vector<16xi32>
        %gather3A_393 = tpu.vector_load_idx %arg14[%add3A_392] : memref<16864xf32, #tpu.memory_space<vmem>>[vector<16xi32>], vector<16xf32>,
        %mul3A_394 = arith.constant 16 : i32
        %mul3A_395 = arith.muli %scan3A_231, %mul3A_394 : i32
        %add3A_396 = arith.constant 13 : i32
        %add3A_397 = arith.addi %mul3A_395, %add3A_396 : i32
        %swap3A_398 = arith.index_cast %add3A_397 : i32 to index
        %swap3A_399 = arith.constant 0 : index
        %swap3A_400 = tpu.vector_load %arg13[%swap3A_398, %swap3A_399] {strides = array<i32>} : memref<128x128xf32, #tpu.memory_space<vmem>>, vector<16xf32>,
        tpu.vector_store %arg13[%swap3A_398, %swap3A_399], %gather3A_393 {strides = array<i32>} : memref<128x128xf32, #tpu.memory_space<vmem>>, vector<16xf32>,
        %slice3A_401 = vector.extract_strided_slice %get3A_236 {offsets = [14], sizes = [1], strides = [1]} : vector<16xi32> to vector<1xi32>
        %squeeze3A_402 = vector.extract %slice3A_401[0] : i32 from vector<1xi32>
        %add3A_403 = vector.broadcast %squeeze3A_402 : i32 to vector<16xi32>
        %add3A_404 = arith.addi %add3A_403, %iota3A : vector<16xi32>
        %gather3A_405 = tpu.vector_load_idx %arg14[%add3A_404] : memref<16864xf32, #tpu.memory_space<vmem>>[vector<16xi32>], vector<16xf32>,
        %mul3A_406 = arith.constant 16 : i32
        %mul3A_407 = arith.muli %scan3A_231, %mul3A_406 : i32
        %add3A_408 = arith.constant 14 : i32
        %add3A_409 = arith.addi %mul3A_407, %add3A_408 : i32
        %swap3A_410 = arith.index_cast %add3A_409 : i32 to index
        %swap3A_411 = arith.constant 0 : index
        %swap3A_412 = tpu.vector_load %arg13[%swap3A_410, %swap3A_411] {strides = array<i32>} : memref<128x128xf32, #tpu.memory_space<vmem>>, vector<16xf32>,
        tpu.vector_store %arg13[%swap3A_410, %swap3A_411], %gather3A_405 {strides = array<i32>} : memref<128x128xf32, #tpu.memory_space<vmem>>, vector<16xf32>,
        %slice3A_413 = vector.extract_strided_slice %get3A_236 {offsets = [15], sizes = [1], strides = [1]} : vector<16xi32> to vector<1xi32>
        %squeeze3A_414 = vector.extract %slice3A_413[0] : i32 from vector<1xi32>
        %add3A_415 = vector.broadcast %squeeze3A_414 : i32 to vector<16xi32>
        %add3A_416 = arith.addi %add3A_415, %iota3A : vector<16xi32>
        %gather3A_417 = tpu.vector_load_idx %arg14[%add3A_416] : memref<16864xf32, #tpu.memory_space<vmem>>[vector<16xi32>], vector<16xf32>,
        %mul3A_418 = arith.constant 16 : i32
        %mul3A_419 = arith.muli %scan3A_231, %mul3A_418 : i32
        %add3A_420 = arith.constant 15 : i32
        %add3A_421 = arith.addi %mul3A_419, %add3A_420 : i32
        %swap3A_422 = arith.index_cast %add3A_421 : i32 to index
        %swap3A_423 = arith.constant 0 : index
        %swap3A_424 = tpu.vector_load %arg13[%swap3A_422, %swap3A_423] {strides = array<i32>} : memref<128x128xf32, #tpu.memory_space<vmem>>, vector<16xf32>,
        tpu.vector_store %arg13[%swap3A_422, %swap3A_423], %gather3A_417 {strides = array<i32>} : memref<128x128xf32, #tpu.memory_space<vmem>>, vector<16xf32>,
      }
      %scan3A_212 = arith.constant 8 : i32
      %scan3A_213 = arith.constant 0 : i32
      %scan3A_214 = arith.constant 8 : i32
      %scan3A_215 = arith.addi %scan3A_213, %scan3A_214 : i32
      %scan3A_216 = arith.constant 1 : i32
      scf.for %scan3A_231 = %scan3A_213 to %scan3A_215 step %scan3A_216  : i32 {
        %mul3A_232 = arith.constant 16 : i32
        %mul3A_233 = arith.muli %scan3A_231, %mul3A_232 : i32
        %add3A_234 = arith.constant 256 : i32
        %add3A_235 = arith.addi %add3A_234, %mul3A_233 : i32
        %get3A = arith.index_cast %add3A_235 : i32 to index
        %get3A_236 = tpu.vector_load %arg9[%get3A] {strides = array<i32>} : memref<512xi32, #tpu.memory_space<vmem>>, vector<16xi32>,
        %slice3A = vector.extract_strided_slice %get3A_236 {offsets = [0], sizes = [1], strides = [1]} : vector<16xi32> to vector<1xi32>
        %squeeze3A = vector.extract %slice3A[0] : i32 from vector<1xi32>
        %add3A_237 = vector.broadcast %squeeze3A : i32 to vector<16xi32>
        %add3A_238 = arith.addi %add3A_237, %iota3A : vector<16xi32>
        %gather3A = tpu.vector_load_idx %arg14[%add3A_238] : memref<16864xf32, #tpu.memory_space<vmem>>[vector<16xi32>], vector<16xf32>,
        %mul3A_239 = arith.constant 16 : i32
        %mul3A_240 = arith.muli %scan3A_231, %mul3A_239 : i32
        %add3A_241 = arith.constant 0 : i32
        %add3A_242 = arith.addi %mul3A_240, %add3A_241 : i32
        %swap3A = arith.index_cast %add3A_242 : i32 to index
        %swap3A_243 = arith.constant 16 : index
        %swap3A_244 = tpu.vector_load %arg13[%swap3A, %swap3A_243] {strides = array<i32>} : memref<128x128xf32, #tpu.memory_space<vmem>>, vector<16xf32>,
        tpu.vector_store %arg13[%swap3A, %swap3A_243], %gather3A {strides = array<i32>} : memref<128x128xf32, #tpu.memory_space<vmem>>, vector<16xf32>,
        %slice3A_245 = vector.extract_strided_slice %get3A_236 {offsets = [1], sizes = [1], strides = [1]} : vector<16xi32> to vector<1xi32>
        %squeeze3A_246 = vector.extract %slice3A_245[0] : i32 from vector<1xi32>
        %add3A_247 = vector.broadcast %squeeze3A_246 : i32 to vector<16xi32>
        %add3A_248 = arith.addi %add3A_247, %iota3A : vector<16xi32>
        %gather3A_249 = tpu.vector_load_idx %arg14[%add3A_248] : memref<16864xf32, #tpu.memory_space<vmem>>[vector<16xi32>], vector<16xf32>,
        %mul3A_250 = arith.constant 16 : i32
        %mul3A_251 = arith.muli %scan3A_231, %mul3A_250 : i32
        %add3A_252 = arith.constant 1 : i32
        %add3A_253 = arith.addi %mul3A_251, %add3A_252 : i32
        %swap3A_254 = arith.index_cast %add3A_253 : i32 to index
        %swap3A_255 = arith.constant 16 : index
        %swap3A_256 = tpu.vector_load %arg13[%swap3A_254, %swap3A_255] {strides = array<i32>} : memref<128x128xf32, #tpu.memory_space<vmem>>, vector<16xf32>,
        tpu.vector_store %arg13[%swap3A_254, %swap3A_255], %gather3A_249 {strides = array<i32>} : memref<128x128xf32, #tpu.memory_space<vmem>>, vector<16xf32>,
        %slice3A_257 = vector.extract_strided_slice %get3A_236 {offsets = [2], sizes = [1], strides = [1]} : vector<16xi32> to vector<1xi32>
        %squeeze3A_258 = vector.extract %slice3A_257[0] : i32 from vector<1xi32>
        %add3A_259 = vector.broadcast %squeeze3A_258 : i32 to vector<16xi32>
        %add3A_260 = arith.addi %add3A_259, %iota3A : vector<16xi32>
        %gather3A_261 = tpu.vector_load_idx %arg14[%add3A_260] : memref<16864xf32, #tpu.memory_space<vmem>>[vector<16xi32>], vector<16xf32>,
        %mul3A_262 = arith.constant 16 : i32
        %mul3A_263 = arith.muli %scan3A_231, %mul3A_262 : i32
        %add3A_264 = arith.constant 2 : i32
        %add3A_265 = arith.addi %mul3A_263, %add3A_264 : i32
        %swap3A_266 = arith.index_cast %add3A_265 : i32 to index
        %swap3A_267 = arith.constant 16 : index
        %swap3A_268 = tpu.vector_load %arg13[%swap3A_266, %swap3A_267] {strides = array<i32>} : memref<128x128xf32, #tpu.memory_space<vmem>>, vector<16xf32>,
        tpu.vector_store %arg13[%swap3A_266, %swap3A_267], %gather3A_261 {strides = array<i32>} : memref<128x128xf32, #tpu.memory_space<vmem>>, vector<16xf32>,
        %slice3A_269 = vector.extract_strided_slice %get3A_236 {offsets = [3], sizes = [1], strides = [1]} : vector<16xi32> to vector<1xi32>
        %squeeze3A_270 = vector.extract %slice3A_269[0] : i32 from vector<1xi32>
        %add3A_271 = vector.broadcast %squeeze3A_270 : i32 to vector<16xi32>
        %add3A_272 = arith.addi %add3A_271, %iota3A : vector<16xi32>
        %gather3A_273 = tpu.vector_load_idx %arg14[%add3A_272] : memref<16864xf32, #tpu.memory_space<vmem>>[vector<16xi32>], vector<16xf32>,
        %mul3A_274 = arith.constant 16 : i32
        %mul3A_275 = arith.muli %scan3A_231, %mul3A_274 : i32
        %add3A_276 = arith.constant 3 : i32
        %add3A_277 = arith.addi %mul3A_275, %add3A_276 : i32
        %swap3A_278 = arith.index_cast %add3A_277 : i32 to index
        %swap3A_279 = arith.constant 16 : index
        %swap3A_280 = tpu.vector_load %arg13[%swap3A_278, %swap3A_279] {strides = array<i32>} : memref<128x128xf32, #tpu.memory_space<vmem>>, vector<16xf32>,
        tpu.vector_store %arg13[%swap3A_278, %swap3A_279], %gather3A_273 {strides = array<i32>} : memref<128x128xf32, #tpu.memory_space<vmem>>, vector<16xf32>,
        %slice3A_281 = vector.extract_strided_slice %get3A_236 {offsets = [4], sizes = [1], strides = [1]} : vector<16xi32> to vector<1xi32>
        %squeeze3A_282 = vector.extract %slice3A_281[0] : i32 from vector<1xi32>
        %add3A_283 = vector.broadcast %squeeze3A_282 : i32 to vector<16xi32>
        %add3A_284 = arith.addi %add3A_283, %iota3A : vector<16xi32>
        %gather3A_285 = tpu.vector_load_idx %arg14[%add3A_284] : memref<16864xf32, #tpu.memory_space<vmem>>[vector<16xi32>], vector<16xf32>,
        %mul3A_286 = arith.constant 16 : i32
        %mul3A_287 = arith.muli %scan3A_231, %mul3A_286 : i32
        %add3A_288 = arith.constant 4 : i32
        %add3A_289 = arith.addi %mul3A_287, %add3A_288 : i32
        %swap3A_290 = arith.index_cast %add3A_289 : i32 to index
        %swap3A_291 = arith.constant 16 : index
        %swap3A_292 = tpu.vector_load %arg13[%swap3A_290, %swap3A_291] {strides = array<i32>} : memref<128x128xf32, #tpu.memory_space<vmem>>, vector<16xf32>,
        tpu.vector_store %arg13[%swap3A_290, %swap3A_291], %gather3A_285 {strides = array<i32>} : memref<128x128xf32, #tpu.memory_space<vmem>>, vector<16xf32>,
        %slice3A_293 = vector.extract_strided_slice %get3A_236 {offsets = [5], sizes = [1], strides = [1]} : vector<16xi32> to vector<1xi32>
        %squeeze3A_294 = vector.extract %slice3A_293[0] : i32 from vector<1xi32>
        %add3A_295 = vector.broadcast %squeeze3A_294 : i32 to vector<16xi32>
        %add3A_296 = arith.addi %add3A_295, %iota3A : vector<16xi32>
        %gather3A_297 = tpu.vector_load_idx %arg14[%add3A_296] : memref<16864xf32, #tpu.memory_space<vmem>>[vector<16xi32>], vector<16xf32>,
        %mul3A_298 = arith.constant 16 : i32
        %mul3A_299 = arith.muli %scan3A_231, %mul3A_298 : i32
        %add3A_300 = arith.constant 5 : i32
        %add3A_301 = arith.addi %mul3A_299, %add3A_300 : i32
        %swap3A_302 = arith.index_cast %add3A_301 : i32 to index
        %swap3A_303 = arith.constant 16 : index
        %swap3A_304 = tpu.vector_load %arg13[%swap3A_302, %swap3A_303] {strides = array<i32>} : memref<128x128xf32, #tpu.memory_space<vmem>>, vector<16xf32>,
        tpu.vector_store %arg13[%swap3A_302, %swap3A_303], %gather3A_297 {strides = array<i32>} : memref<128x128xf32, #tpu.memory_space<vmem>>, vector<16xf32>,
        %slice3A_305 = vector.extract_strided_slice %get3A_236 {offsets = [6], sizes = [1], strides = [1]} : vector<16xi32> to vector<1xi32>
        %squeeze3A_306 = vector.extract %slice3A_305[0] : i32 from vector<1xi32>
        %add3A_307 = vector.broadcast %squeeze3A_306 : i32 to vector<16xi32>
        %add3A_308 = arith.addi %add3A_307, %iota3A : vector<16xi32>
        %gather3A_309 = tpu.vector_load_idx %arg14[%add3A_308] : memref<16864xf32, #tpu.memory_space<vmem>>[vector<16xi32>], vector<16xf32>,
        %mul3A_310 = arith.constant 16 : i32
        %mul3A_311 = arith.muli %scan3A_231, %mul3A_310 : i32
        %add3A_312 = arith.constant 6 : i32
        %add3A_313 = arith.addi %mul3A_311, %add3A_312 : i32
        %swap3A_314 = arith.index_cast %add3A_313 : i32 to index
        %swap3A_315 = arith.constant 16 : index
        %swap3A_316 = tpu.vector_load %arg13[%swap3A_314, %swap3A_315] {strides = array<i32>} : memref<128x128xf32, #tpu.memory_space<vmem>>, vector<16xf32>,
        tpu.vector_store %arg13[%swap3A_314, %swap3A_315], %gather3A_309 {strides = array<i32>} : memref<128x128xf32, #tpu.memory_space<vmem>>, vector<16xf32>,
        %slice3A_317 = vector.extract_strided_slice %get3A_236 {offsets = [7], sizes = [1], strides = [1]} : vector<16xi32> to vector<1xi32>
        %squeeze3A_318 = vector.extract %slice3A_317[0] : i32 from vector<1xi32>
        %add3A_319 = vector.broadcast %squeeze3A_318 : i32 to vector<16xi32>
        %add3A_320 = arith.addi %add3A_319, %iota3A : vector<16xi32>
        %gather3A_321 = tpu.vector_load_idx %arg14[%add3A_320] : memref<16864xf32, #tpu.memory_space<vmem>>[vector<16xi32>], vector<16xf32>,
        %mul3A_322 = arith.constant 16 : i32
        %mul3A_323 = arith.muli %scan3A_231, %mul3A_322 : i32
        %add3A_324 = arith.constant 7 : i32
        %add3A_325 = arith.addi %mul3A_323, %add3A_324 : i32
        %swap3A_326 = arith.index_cast %add3A_325 : i32 to index
        %swap3A_327 = arith.constant 16 : index
        %swap3A_328 = tpu.vector_load %arg13[%swap3A_326, %swap3A_327] {strides = array<i32>} : memref<128x128xf32, #tpu.memory_space<vmem>>, vector<16xf32>,
        tpu.vector_store %arg13[%swap3A_326, %swap3A_327], %gather3A_321 {strides = array<i32>} : memref<128x128xf32, #tpu.memory_space<vmem>>, vector<16xf32>,
        %slice3A_329 = vector.extract_strided_slice %get3A_236 {offsets = [8], sizes = [1], strides = [1]} : vector<16xi32> to vector<1xi32>
        %squeeze3A_330 = vector.extract %slice3A_329[0] : i32 from vector<1xi32>
        %add3A_331 = vector.broadcast %squeeze3A_330 : i32 to vector<16xi32>
        %add3A_332 = arith.addi %add3A_331, %iota3A : vector<16xi32>
        %gather3A_333 = tpu.vector_load_idx %arg14[%add3A_332] : memref<16864xf32, #tpu.memory_space<vmem>>[vector<16xi32>], vector<16xf32>,
        %mul3A_334 = arith.constant 16 : i32
        %mul3A_335 = arith.muli %scan3A_231, %mul3A_334 : i32
        %add3A_336 = arith.constant 8 : i32
        %add3A_337 = arith.addi %mul3A_335, %add3A_336 : i32
        %swap3A_338 = arith.index_cast %add3A_337 : i32 to index
        %swap3A_339 = arith.constant 16 : index
        %swap3A_340 = tpu.vector_load %arg13[%swap3A_338, %swap3A_339] {strides = array<i32>} : memref<128x128xf32, #tpu.memory_space<vmem>>, vector<16xf32>,
        tpu.vector_store %arg13[%swap3A_338, %swap3A_339], %gather3A_333 {strides = array<i32>} : memref<128x128xf32, #tpu.memory_space<vmem>>, vector<16xf32>,
        %slice3A_341 = vector.extract_strided_slice %get3A_236 {offsets = [9], sizes = [1], strides = [1]} : vector<16xi32> to vector<1xi32>
        %squeeze3A_342 = vector.extract %slice3A_341[0] : i32 from vector<1xi32>
        %add3A_343 = vector.broadcast %squeeze3A_342 : i32 to vector<16xi32>
        %add3A_344 = arith.addi %add3A_343, %iota3A : vector<16xi32>
        %gather3A_345 = tpu.vector_load_idx %arg14[%add3A_344] : memref<16864xf32, #tpu.memory_space<vmem>>[vector<16xi32>], vector<16xf32>,
        %mul3A_346 = arith.constant 16 : i32
        %mul3A_347 = arith.muli %scan3A_231, %mul3A_346 : i32
        %add3A_348 = arith.constant 9 : i32
        %add3A_349 = arith.addi %mul3A_347, %add3A_348 : i32
        %swap3A_350 = arith.index_cast %add3A_349 : i32 to index
        %swap3A_351 = arith.constant 16 : index
        %swap3A_352 = tpu.vector_load %arg13[%swap3A_350, %swap3A_351] {strides = array<i32>} : memref<128x128xf32, #tpu.memory_space<vmem>>, vector<16xf32>,
        tpu.vector_store %arg13[%swap3A_350, %swap3A_351], %gather3A_345 {strides = array<i32>} : memref<128x128xf32, #tpu.memory_space<vmem>>, vector<16xf32>,
        %slice3A_353 = vector.extract_strided_slice %get3A_236 {offsets = [10], sizes = [1], strides = [1]} : vector<16xi32> to vector<1xi32>
        %squeeze3A_354 = vector.extract %slice3A_353[0] : i32 from vector<1xi32>
        %add3A_355 = vector.broadcast %squeeze3A_354 : i32 to vector<16xi32>
        %add3A_356 = arith.addi %add3A_355, %iota3A : vector<16xi32>
        %gather3A_357 = tpu.vector_load_idx %arg14[%add3A_356] : memref<16864xf32, #tpu.memory_space<vmem>>[vector<16xi32>], vector<16xf32>,
        %mul3A_358 = arith.constant 16 : i32
        %mul3A_359 = arith.muli %scan3A_231, %mul3A_358 : i32
        %add3A_360 = arith.constant 10 : i32
        %add3A_361 = arith.addi %mul3A_359, %add3A_360 : i32
        %swap3A_362 = arith.index_cast %add3A_361 : i32 to index
        %swap3A_363 = arith.constant 16 : index
        %swap3A_364 = tpu.vector_load %arg13[%swap3A_362, %swap3A_363] {strides = array<i32>} : memref<128x128xf32, #tpu.memory_space<vmem>>, vector<16xf32>,
        tpu.vector_store %arg13[%swap3A_362, %swap3A_363], %gather3A_357 {strides = array<i32>} : memref<128x128xf32, #tpu.memory_space<vmem>>, vector<16xf32>,
        %slice3A_365 = vector.extract_strided_slice %get3A_236 {offsets = [11], sizes = [1], strides = [1]} : vector<16xi32> to vector<1xi32>
        %squeeze3A_366 = vector.extract %slice3A_365[0] : i32 from vector<1xi32>
        %add3A_367 = vector.broadcast %squeeze3A_366 : i32 to vector<16xi32>
        %add3A_368 = arith.addi %add3A_367, %iota3A : vector<16xi32>
        %gather3A_369 = tpu.vector_load_idx %arg14[%add3A_368] : memref<16864xf32, #tpu.memory_space<vmem>>[vector<16xi32>], vector<16xf32>,
        %mul3A_370 = arith.constant 16 : i32
        %mul3A_371 = arith.muli %scan3A_231, %mul3A_370 : i32
        %add3A_372 = arith.constant 11 : i32
        %add3A_373 = arith.addi %mul3A_371, %add3A_372 : i32
        %swap3A_374 = arith.index_cast %add3A_373 : i32 to index
        %swap3A_375 = arith.constant 16 : index
        %swap3A_376 = tpu.vector_load %arg13[%swap3A_374, %swap3A_375] {strides = array<i32>} : memref<128x128xf32, #tpu.memory_space<vmem>>, vector<16xf32>,
        tpu.vector_store %arg13[%swap3A_374, %swap3A_375], %gather3A_369 {strides = array<i32>} : memref<128x128xf32, #tpu.memory_space<vmem>>, vector<16xf32>,
        %slice3A_377 = vector.extract_strided_slice %get3A_236 {offsets = [12], sizes = [1], strides = [1]} : vector<16xi32> to vector<1xi32>
        %squeeze3A_378 = vector.extract %slice3A_377[0] : i32 from vector<1xi32>
        %add3A_379 = vector.broadcast %squeeze3A_378 : i32 to vector<16xi32>
        %add3A_380 = arith.addi %add3A_379, %iota3A : vector<16xi32>
        %gather3A_381 = tpu.vector_load_idx %arg14[%add3A_380] : memref<16864xf32, #tpu.memory_space<vmem>>[vector<16xi32>], vector<16xf32>,
        %mul3A_382 = arith.constant 16 : i32
        %mul3A_383 = arith.muli %scan3A_231, %mul3A_382 : i32
        %add3A_384 = arith.constant 12 : i32
        %add3A_385 = arith.addi %mul3A_383, %add3A_384 : i32
        %swap3A_386 = arith.index_cast %add3A_385 : i32 to index
        %swap3A_387 = arith.constant 16 : index
        %swap3A_388 = tpu.vector_load %arg13[%swap3A_386, %swap3A_387] {strides = array<i32>} : memref<128x128xf32, #tpu.memory_space<vmem>>, vector<16xf32>,
        tpu.vector_store %arg13[%swap3A_386, %swap3A_387], %gather3A_381 {strides = array<i32>} : memref<128x128xf32, #tpu.memory_space<vmem>>, vector<16xf32>,
        %slice3A_389 = vector.extract_strided_slice %get3A_236 {offsets = [13], sizes = [1], strides = [1]} : vector<16xi32> to vector<1xi32>
        %squeeze3A_390 = vector.extract %slice3A_389[0] : i32 from vector<1xi32>
        %add3A_391 = vector.broadcast %squeeze3A_390 : i32 to vector<16xi32>
        %add3A_392 = arith.addi %add3A_391, %iota3A : vector<16xi32>
        %gather3A_393 = tpu.vector_load_idx %arg14[%add3A_392] : memref<16864xf32, #tpu.memory_space<vmem>>[vector<16xi32>], vector<16xf32>,
        %mul3A_394 = arith.constant 16 : i32
        %mul3A_395 = arith.muli %scan3A_231, %mul3A_394 : i32
        %add3A_396 = arith.constant 13 : i32
        %add3A_397 = arith.addi %mul3A_395, %add3A_396 : i32
        %swap3A_398 = arith.index_cast %add3A_397 : i32 to index
        %swap3A_399 = arith.constant 16 : index
        %swap3A_400 = tpu.vector_load %arg13[%swap3A_398, %swap3A_399] {strides = array<i32>} : memref<128x128xf32, #tpu.memory_space<vmem>>, vector<16xf32>,
        tpu.vector_store %arg13[%swap3A_398, %swap3A_399], %gather3A_393 {strides = array<i32>} : memref<128x128xf32, #tpu.memory_space<vmem>>, vector<16xf32>,
        %slice3A_401 = vector.extract_strided_slice %get3A_236 {offsets = [14], sizes = [1], strides = [1]} : vector<16xi32> to vector<1xi32>
        %squeeze3A_402 = vector.extract %slice3A_401[0] : i32 from vector<1xi32>
        %add3A_403 = vector.broadcast %squeeze3A_402 : i32 to vector<16xi32>
        %add3A_404 = arith.addi %add3A_403, %iota3A : vector<16xi32>
        %gather3A_405 = tpu.vector_load_idx %arg14[%add3A_404] : memref<16864xf32, #tpu.memory_space<vmem>>[vector<16xi32>], vector<16xf32>,
        %mul3A_406 = arith.constant 16 : i32
        %mul3A_407 = arith.muli %scan3A_231, %mul3A_406 : i32
        %add3A_408 = arith.constant 14 : i32
        %add3A_409 = arith.addi %mul3A_407, %add3A_408 : i32
        %swap3A_410 = arith.index_cast %add3A_409 : i32 to index
        %swap3A_411 = arith.constant 16 : index
        %swap3A_412 = tpu.vector_load %arg13[%swap3A_410, %swap3A_411] {strides = array<i32>} : memref<128x128xf32, #tpu.memory_space<vmem>>, vector<16xf32>,
        tpu.vector_store %arg13[%swap3A_410, %swap3A_411], %gather3A_405 {strides = array<i32>} : memref<128x128xf32, #tpu.memory_space<vmem>>, vector<16xf32>,
        %slice3A_413 = vector.extract_strided_slice %get3A_236 {offsets = [15], sizes = [1], strides = [1]} : vector<16xi32> to vector<1xi32>
        %squeeze3A_414 = vector.extract %slice3A_413[0] : i32 from vector<1xi32>
        %add3A_415 = vector.broadcast %squeeze3A_414 : i32 to vector<16xi32>
        %add3A_416 = arith.addi %add3A_415, %iota3A : vector<16xi32>
        %gather3A_417 = tpu.vector_load_idx %arg14[%add3A_416] : memref<16864xf32, #tpu.memory_space<vmem>>[vector<16xi32>], vector<16xf32>,
        %mul3A_418 = arith.constant 16 : i32
        %mul3A_419 = arith.muli %scan3A_231, %mul3A_418 : i32
        %add3A_420 = arith.constant 15 : i32
        %add3A_421 = arith.addi %mul3A_419, %add3A_420 : i32
        %swap3A_422 = arith.index_cast %add3A_421 : i32 to index
        %swap3A_423 = arith.constant 16 : index
        %swap3A_424 = tpu.vector_load %arg13[%swap3A_422, %swap3A_423] {strides = array<i32>} : memref<128x128xf32, #tpu.memory_space<vmem>>, vector<16xf32>,
        tpu.vector_store %arg13[%swap3A_422, %swap3A_423], %gather3A_417 {strides = array<i32>} : memref<128x128xf32, #tpu.memory_space<vmem>>, vector<16xf32>,
      }
      %scan3A_217 = arith.constant 8 : i32
      %scan3A_218 = arith.constant 0 : i32
      %scan3A_219 = arith.constant 8 : i32
      %scan3A_220 = arith.addi %scan3A_218, %scan3A_219 : i32
      %scan3A_221 = arith.constant 1 : i32
      scf.for %scan3A_231 = %scan3A_218 to %scan3A_220 step %scan3A_221  : i32 {
        %mul3A_232 = arith.constant 16 : i32
        %mul3A_233 = arith.muli %scan3A_231, %mul3A_232 : i32
        %add3A_234 = arith.constant 384 : i32
        %add3A_235 = arith.addi %add3A_234, %mul3A_233 : i32
        %get3A = arith.index_cast %add3A_235 : i32 to index
        %get3A_236 = tpu.vector_load %arg9[%get3A] {strides = array<i32>} : memref<512xi32, #tpu.memory_space<vmem>>, vector<16xi32>,
        %slice3A = vector.extract_strided_slice %get3A_236 {offsets = [0], sizes = [1], strides = [1]} : vector<16xi32> to vector<1xi32>
        %squeeze3A = vector.extract %slice3A[0] : i32 from vector<1xi32>
        %add3A_237 = vector.broadcast %squeeze3A : i32 to vector<16xi32>
        %add3A_238 = arith.addi %add3A_237, %iota3A : vector<16xi32>
        %gather3A = tpu.vector_load_idx %arg14[%add3A_238] : memref<16864xf32, #tpu.memory_space<vmem>>[vector<16xi32>], vector<16xf32>,
        %mul3A_239 = arith.constant 16 : i32
        %mul3A_240 = arith.muli %scan3A_231, %mul3A_239 : i32
        %add3A_241 = arith.constant 0 : i32
        %add3A_242 = arith.addi %mul3A_240, %add3A_241 : i32
        %swap3A = arith.index_cast %add3A_242 : i32 to index
        %swap3A_243 = arith.constant 32 : index
        %swap3A_244 = tpu.vector_load %arg13[%swap3A, %swap3A_243] {strides = array<i32>} : memref<128x128xf32, #tpu.memory_space<vmem>>, vector<16xf32>,
        tpu.vector_store %arg13[%swap3A, %swap3A_243], %gather3A {strides = array<i32>} : memref<128x128xf32, #tpu.memory_space<vmem>>, vector<16xf32>,
        %slice3A_245 = vector.extract_strided_slice %get3A_236 {offsets = [1], sizes = [1], strides = [1]} : vector<16xi32> to vector<1xi32>
        %squeeze3A_246 = vector.extract %slice3A_245[0] : i32 from vector<1xi32>
        %add3A_247 = vector.broadcast %squeeze3A_246 : i32 to vector<16xi32>
        %add3A_248 = arith.addi %add3A_247, %iota3A : vector<16xi32>
        %gather3A_249 = tpu.vector_load_idx %arg14[%add3A_248] : memref<16864xf32, #tpu.memory_space<vmem>>[vector<16xi32>], vector<16xf32>,
        %mul3A_250 = arith.constant 16 : i32
        %mul3A_251 = arith.muli %scan3A_231, %mul3A_250 : i32
        %add3A_252 = arith.constant 1 : i32
        %add3A_253 = arith.addi %mul3A_251, %add3A_252 : i32
        %swap3A_254 = arith.index_cast %add3A_253 : i32 to index
        %swap3A_255 = arith.constant 32 : index
        %swap3A_256 = tpu.vector_load %arg13[%swap3A_254, %swap3A_255] {strides = array<i32>} : memref<128x128xf32, #tpu.memory_space<vmem>>, vector<16xf32>,
        tpu.vector_store %arg13[%swap3A_254, %swap3A_255], %gather3A_249 {strides = array<i32>} : memref<128x128xf32, #tpu.memory_space<vmem>>, vector<16xf32>,
        %slice3A_257 = vector.extract_strided_slice %get3A_236 {offsets = [2], sizes = [1], strides = [1]} : vector<16xi32> to vector<1xi32>
        %squeeze3A_258 = vector.extract %slice3A_257[0] : i32 from vector<1xi32>
        %add3A_259 = vector.broadcast %squeeze3A_258 : i32 to vector<16xi32>
        %add3A_260 = arith.addi %add3A_259, %iota3A : vector<16xi32>
        %gather3A_261 = tpu.vector_load_idx %arg14[%add3A_260] : memref<16864xf32, #tpu.memory_space<vmem>>[vector<16xi32>], vector<16xf32>,
        %mul3A_262 = arith.constant 16 : i32
        %mul3A_263 = arith.muli %scan3A_231, %mul3A_262 : i32
        %add3A_264 = arith.constant 2 : i32
        %add3A_265 = arith.addi %mul3A_263, %add3A_264 : i32
        %swap3A_266 = arith.index_cast %add3A_265 : i32 to index
        %swap3A_267 = arith.constant 32 : index
        %swap3A_268 = tpu.vector_load %arg13[%swap3A_266, %swap3A_267] {strides = array<i32>} : memref<128x128xf32, #tpu.memory_space<vmem>>, vector<16xf32>,
        tpu.vector_store %arg13[%swap3A_266, %swap3A_267], %gather3A_261 {strides = array<i32>} : memref<128x128xf32, #tpu.memory_space<vmem>>, vector<16xf32>,
        %slice3A_269 = vector.extract_strided_slice %get3A_236 {offsets = [3], sizes = [1], strides = [1]} : vector<16xi32> to vector<1xi32>
        %squeeze3A_270 = vector.extract %slice3A_269[0] : i32 from vector<1xi32>
        %add3A_271 = vector.broadcast %squeeze3A_270 : i32 to vector<16xi32>
        %add3A_272 = arith.addi %add3A_271, %iota3A : vector<16xi32>
        %gather3A_273 = tpu.vector_load_idx %arg14[%add3A_272] : memref<16864xf32, #tpu.memory_space<vmem>>[vector<16xi32>], vector<16xf32>,
        %mul3A_274 = arith.constant 16 : i32
        %mul3A_275 = arith.muli %scan3A_231, %mul3A_274 : i32
        %add3A_276 = arith.constant 3 : i32
        %add3A_277 = arith.addi %mul3A_275, %add3A_276 : i32
        %swap3A_278 = arith.index_cast %add3A_277 : i32 to index
        %swap3A_279 = arith.constant 32 : index
        %swap3A_280 = tpu.vector_load %arg13[%swap3A_278, %swap3A_279] {strides = array<i32>} : memref<128x128xf32, #tpu.memory_space<vmem>>, vector<16xf32>,
        tpu.vector_store %arg13[%swap3A_278, %swap3A_279], %gather3A_273 {strides = array<i32>} : memref<128x128xf32, #tpu.memory_space<vmem>>, vector<16xf32>,
        %slice3A_281 = vector.extract_strided_slice %get3A_236 {offsets = [4], sizes = [1], strides = [1]} : vector<16xi32> to vector<1xi32>
        %squeeze3A_282 = vector.extract %slice3A_281[0] : i32 from vector<1xi32>
        %add3A_283 = vector.broadcast %squeeze3A_282 : i32 to vector<16xi32>
        %add3A_284 = arith.addi %add3A_283, %iota3A : vector<16xi32>
        %gather3A_285 = tpu.vector_load_idx %arg14[%add3A_284] : memref<16864xf32, #tpu.memory_space<vmem>>[vector<16xi32>], vector<16xf32>,
        %mul3A_286 = arith.constant 16 : i32
        %mul3A_287 = arith.muli %scan3A_231, %mul3A_286 : i32
        %add3A_288 = arith.constant 4 : i32
        %add3A_289 = arith.addi %mul3A_287, %add3A_288 : i32
        %swap3A_290 = arith.index_cast %add3A_289 : i32 to index
        %swap3A_291 = arith.constant 32 : index
        %swap3A_292 = tpu.vector_load %arg13[%swap3A_290, %swap3A_291] {strides = array<i32>} : memref<128x128xf32, #tpu.memory_space<vmem>>, vector<16xf32>,
        tpu.vector_store %arg13[%swap3A_290, %swap3A_291], %gather3A_285 {strides = array<i32>} : memref<128x128xf32, #tpu.memory_space<vmem>>, vector<16xf32>,
        %slice3A_293 = vector.extract_strided_slice %get3A_236 {offsets = [5], sizes = [1], strides = [1]} : vector<16xi32> to vector<1xi32>
        %squeeze3A_294 = vector.extract %slice3A_293[0] : i32 from vector<1xi32>
        %add3A_295 = vector.broadcast %squeeze3A_294 : i32 to vector<16xi32>
        %add3A_296 = arith.addi %add3A_295, %iota3A : vector<16xi32>
        %gather3A_297 = tpu.vector_load_idx %arg14[%add3A_296] : memref<16864xf32, #tpu.memory_space<vmem>>[vector<16xi32>], vector<16xf32>,
        %mul3A_298 = arith.constant 16 : i32
        %mul3A_299 = arith.muli %scan3A_231, %mul3A_298 : i32
        %add3A_300 = arith.constant 5 : i32
        %add3A_301 = arith.addi %mul3A_299, %add3A_300 : i32
        %swap3A_302 = arith.index_cast %add3A_301 : i32 to index
        %swap3A_303 = arith.constant 32 : index
        %swap3A_304 = tpu.vector_load %arg13[%swap3A_302, %swap3A_303] {strides = array<i32>} : memref<128x128xf32, #tpu.memory_space<vmem>>, vector<16xf32>,
        tpu.vector_store %arg13[%swap3A_302, %swap3A_303], %gather3A_297 {strides = array<i32>} : memref<128x128xf32, #tpu.memory_space<vmem>>, vector<16xf32>,
        %slice3A_305 = vector.extract_strided_slice %get3A_236 {offsets = [6], sizes = [1], strides = [1]} : vector<16xi32> to vector<1xi32>
        %squeeze3A_306 = vector.extract %slice3A_305[0] : i32 from vector<1xi32>
        %add3A_307 = vector.broadcast %squeeze3A_306 : i32 to vector<16xi32>
        %add3A_308 = arith.addi %add3A_307, %iota3A : vector<16xi32>
        %gather3A_309 = tpu.vector_load_idx %arg14[%add3A_308] : memref<16864xf32, #tpu.memory_space<vmem>>[vector<16xi32>], vector<16xf32>,
        %mul3A_310 = arith.constant 16 : i32
        %mul3A_311 = arith.muli %scan3A_231, %mul3A_310 : i32
        %add3A_312 = arith.constant 6 : i32
        %add3A_313 = arith.addi %mul3A_311, %add3A_312 : i32
        %swap3A_314 = arith.index_cast %add3A_313 : i32 to index
        %swap3A_315 = arith.constant 32 : index
        %swap3A_316 = tpu.vector_load %arg13[%swap3A_314, %swap3A_315] {strides = array<i32>} : memref<128x128xf32, #tpu.memory_space<vmem>>, vector<16xf32>,
        tpu.vector_store %arg13[%swap3A_314, %swap3A_315], %gather3A_309 {strides = array<i32>} : memref<128x128xf32, #tpu.memory_space<vmem>>, vector<16xf32>,
        %slice3A_317 = vector.extract_strided_slice %get3A_236 {offsets = [7], sizes = [1], strides = [1]} : vector<16xi32> to vector<1xi32>
        %squeeze3A_318 = vector.extract %slice3A_317[0] : i32 from vector<1xi32>
        %add3A_319 = vector.broadcast %squeeze3A_318 : i32 to vector<16xi32>
        %add3A_320 = arith.addi %add3A_319, %iota3A : vector<16xi32>
        %gather3A_321 = tpu.vector_load_idx %arg14[%add3A_320] : memref<16864xf32, #tpu.memory_space<vmem>>[vector<16xi32>], vector<16xf32>,
        %mul3A_322 = arith.constant 16 : i32
        %mul3A_323 = arith.muli %scan3A_231, %mul3A_322 : i32
        %add3A_324 = arith.constant 7 : i32
        %add3A_325 = arith.addi %mul3A_323, %add3A_324 : i32
        %swap3A_326 = arith.index_cast %add3A_325 : i32 to index
        %swap3A_327 = arith.constant 32 : index
        %swap3A_328 = tpu.vector_load %arg13[%swap3A_326, %swap3A_327] {strides = array<i32>} : memref<128x128xf32, #tpu.memory_space<vmem>>, vector<16xf32>,
        tpu.vector_store %arg13[%swap3A_326, %swap3A_327], %gather3A_321 {strides = array<i32>} : memref<128x128xf32, #tpu.memory_space<vmem>>, vector<16xf32>,
        %slice3A_329 = vector.extract_strided_slice %get3A_236 {offsets = [8], sizes = [1], strides = [1]} : vector<16xi32> to vector<1xi32>
        %squeeze3A_330 = vector.extract %slice3A_329[0] : i32 from vector<1xi32>
        %add3A_331 = vector.broadcast %squeeze3A_330 : i32 to vector<16xi32>
        %add3A_332 = arith.addi %add3A_331, %iota3A : vector<16xi32>
        %gather3A_333 = tpu.vector_load_idx %arg14[%add3A_332] : memref<16864xf32, #tpu.memory_space<vmem>>[vector<16xi32>], vector<16xf32>,
        %mul3A_334 = arith.constant 16 : i32
        %mul3A_335 = arith.muli %scan3A_231, %mul3A_334 : i32
        %add3A_336 = arith.constant 8 : i32
        %add3A_337 = arith.addi %mul3A_335, %add3A_336 : i32
        %swap3A_338 = arith.index_cast %add3A_337 : i32 to index
        %swap3A_339 = arith.constant 32 : index
        %swap3A_340 = tpu.vector_load %arg13[%swap3A_338, %swap3A_339] {strides = array<i32>} : memref<128x128xf32, #tpu.memory_space<vmem>>, vector<16xf32>,
        tpu.vector_store %arg13[%swap3A_338, %swap3A_339], %gather3A_333 {strides = array<i32>} : memref<128x128xf32, #tpu.memory_space<vmem>>, vector<16xf32>,
        %slice3A_341 = vector.extract_strided_slice %get3A_236 {offsets = [9], sizes = [1], strides = [1]} : vector<16xi32> to vector<1xi32>
        %squeeze3A_342 = vector.extract %slice3A_341[0] : i32 from vector<1xi32>
        %add3A_343 = vector.broadcast %squeeze3A_342 : i32 to vector<16xi32>
        %add3A_344 = arith.addi %add3A_343, %iota3A : vector<16xi32>
        %gather3A_345 = tpu.vector_load_idx %arg14[%add3A_344] : memref<16864xf32, #tpu.memory_space<vmem>>[vector<16xi32>], vector<16xf32>,
        %mul3A_346 = arith.constant 16 : i32
        %mul3A_347 = arith.muli %scan3A_231, %mul3A_346 : i32
        %add3A_348 = arith.constant 9 : i32
        %add3A_349 = arith.addi %mul3A_347, %add3A_348 : i32
        %swap3A_350 = arith.index_cast %add3A_349 : i32 to index
        %swap3A_351 = arith.constant 32 : index
        %swap3A_352 = tpu.vector_load %arg13[%swap3A_350, %swap3A_351] {strides = array<i32>} : memref<128x128xf32, #tpu.memory_space<vmem>>, vector<16xf32>,
        tpu.vector_store %arg13[%swap3A_350, %swap3A_351], %gather3A_345 {strides = array<i32>} : memref<128x128xf32, #tpu.memory_space<vmem>>, vector<16xf32>,
        %slice3A_353 = vector.extract_strided_slice %get3A_236 {offsets = [10], sizes = [1], strides = [1]} : vector<16xi32> to vector<1xi32>
        %squeeze3A_354 = vector.extract %slice3A_353[0] : i32 from vector<1xi32>
        %add3A_355 = vector.broadcast %squeeze3A_354 : i32 to vector<16xi32>
        %add3A_356 = arith.addi %add3A_355, %iota3A : vector<16xi32>
        %gather3A_357 = tpu.vector_load_idx %arg14[%add3A_356] : memref<16864xf32, #tpu.memory_space<vmem>>[vector<16xi32>], vector<16xf32>,
        %mul3A_358 = arith.constant 16 : i32
        %mul3A_359 = arith.muli %scan3A_231, %mul3A_358 : i32
        %add3A_360 = arith.constant 10 : i32
        %add3A_361 = arith.addi %mul3A_359, %add3A_360 : i32
        %swap3A_362 = arith.index_cast %add3A_361 : i32 to index
        %swap3A_363 = arith.constant 32 : index
        %swap3A_364 = tpu.vector_load %arg13[%swap3A_362, %swap3A_363] {strides = array<i32>} : memref<128x128xf32, #tpu.memory_space<vmem>>, vector<16xf32>,
        tpu.vector_store %arg13[%swap3A_362, %swap3A_363], %gather3A_357 {strides = array<i32>} : memref<128x128xf32, #tpu.memory_space<vmem>>, vector<16xf32>,
        %slice3A_365 = vector.extract_strided_slice %get3A_236 {offsets = [11], sizes = [1], strides = [1]} : vector<16xi32> to vector<1xi32>
        %squeeze3A_366 = vector.extract %slice3A_365[0] : i32 from vector<1xi32>
        %add3A_367 = vector.broadcast %squeeze3A_366 : i32 to vector<16xi32>
        %add3A_368 = arith.addi %add3A_367, %iota3A : vector<16xi32>
        %gather3A_369 = tpu.vector_load_idx %arg14[%add3A_368] : memref<16864xf32, #tpu.memory_space<vmem>>[vector<16xi32>], vector<16xf32>,
        %mul3A_370 = arith.constant 16 : i32
        %mul3A_371 = arith.muli %scan3A_231, %mul3A_370 : i32
        %add3A_372 = arith.constant 11 : i32
        %add3A_373 = arith.addi %mul3A_371, %add3A_372 : i32
        %swap3A_374 = arith.index_cast %add3A_373 : i32 to index
        %swap3A_375 = arith.constant 32 : index
        %swap3A_376 = tpu.vector_load %arg13[%swap3A_374, %swap3A_375] {strides = array<i32>} : memref<128x128xf32, #tpu.memory_space<vmem>>, vector<16xf32>,
        tpu.vector_store %arg13[%swap3A_374, %swap3A_375], %gather3A_369 {strides = array<i32>} : memref<128x128xf32, #tpu.memory_space<vmem>>, vector<16xf32>,
        %slice3A_377 = vector.extract_strided_slice %get3A_236 {offsets = [12], sizes = [1], strides = [1]} : vector<16xi32> to vector<1xi32>
        %squeeze3A_378 = vector.extract %slice3A_377[0] : i32 from vector<1xi32>
        %add3A_379 = vector.broadcast %squeeze3A_378 : i32 to vector<16xi32>
        %add3A_380 = arith.addi %add3A_379, %iota3A : vector<16xi32>
        %gather3A_381 = tpu.vector_load_idx %arg14[%add3A_380] : memref<16864xf32, #tpu.memory_space<vmem>>[vector<16xi32>], vector<16xf32>,
        %mul3A_382 = arith.constant 16 : i32
        %mul3A_383 = arith.muli %scan3A_231, %mul3A_382 : i32
        %add3A_384 = arith.constant 12 : i32
        %add3A_385 = arith.addi %mul3A_383, %add3A_384 : i32
        %swap3A_386 = arith.index_cast %add3A_385 : i32 to index
        %swap3A_387 = arith.constant 32 : index
        %swap3A_388 = tpu.vector_load %arg13[%swap3A_386, %swap3A_387] {strides = array<i32>} : memref<128x128xf32, #tpu.memory_space<vmem>>, vector<16xf32>,
        tpu.vector_store %arg13[%swap3A_386, %swap3A_387], %gather3A_381 {strides = array<i32>} : memref<128x128xf32, #tpu.memory_space<vmem>>, vector<16xf32>,
        %slice3A_389 = vector.extract_strided_slice %get3A_236 {offsets = [13], sizes = [1], strides = [1]} : vector<16xi32> to vector<1xi32>
        %squeeze3A_390 = vector.extract %slice3A_389[0] : i32 from vector<1xi32>
        %add3A_391 = vector.broadcast %squeeze3A_390 : i32 to vector<16xi32>
        %add3A_392 = arith.addi %add3A_391, %iota3A : vector<16xi32>
        %gather3A_393 = tpu.vector_load_idx %arg14[%add3A_392] : memref<16864xf32, #tpu.memory_space<vmem>>[vector<16xi32>], vector<16xf32>,
        %mul3A_394 = arith.constant 16 : i32
        %mul3A_395 = arith.muli %scan3A_231, %mul3A_394 : i32
        %add3A_396 = arith.constant 13 : i32
        %add3A_397 = arith.addi %mul3A_395, %add3A_396 : i32
        %swap3A_398 = arith.index_cast %add3A_397 : i32 to index
        %swap3A_399 = arith.constant 32 : index
        %swap3A_400 = tpu.vector_load %arg13[%swap3A_398, %swap3A_399] {strides = array<i32>} : memref<128x128xf32, #tpu.memory_space<vmem>>, vector<16xf32>,
        tpu.vector_store %arg13[%swap3A_398, %swap3A_399], %gather3A_393 {strides = array<i32>} : memref<128x128xf32, #tpu.memory_space<vmem>>, vector<16xf32>,
        %slice3A_401 = vector.extract_strided_slice %get3A_236 {offsets = [14], sizes = [1], strides = [1]} : vector<16xi32> to vector<1xi32>
        %squeeze3A_402 = vector.extract %slice3A_401[0] : i32 from vector<1xi32>
        %add3A_403 = vector.broadcast %squeeze3A_402 : i32 to vector<16xi32>
        %add3A_404 = arith.addi %add3A_403, %iota3A : vector<16xi32>
        %gather3A_405 = tpu.vector_load_idx %arg14[%add3A_404] : memref<16864xf32, #tpu.memory_space<vmem>>[vector<16xi32>], vector<16xf32>,
        %mul3A_406 = arith.constant 16 : i32
        %mul3A_407 = arith.muli %scan3A_231, %mul3A_406 : i32
        %add3A_408 = arith.constant 14 : i32
        %add3A_409 = arith.addi %mul3A_407, %add3A_408 : i32
        %swap3A_410 = arith.index_cast %add3A_409 : i32 to index
        %swap3A_411 = arith.constant 32 : index
        %swap3A_412 = tpu.vector_load %arg13[%swap3A_410, %swap3A_411] {strides = array<i32>} : memref<128x128xf32, #tpu.memory_space<vmem>>, vector<16xf32>,
        tpu.vector_store %arg13[%swap3A_410, %swap3A_411], %gather3A_405 {strides = array<i32>} : memref<128x128xf32, #tpu.memory_space<vmem>>, vector<16xf32>,
        %slice3A_413 = vector.extract_strided_slice %get3A_236 {offsets = [15], sizes = [1], strides = [1]} : vector<16xi32> to vector<1xi32>
        %squeeze3A_414 = vector.extract %slice3A_413[0] : i32 from vector<1xi32>
        %add3A_415 = vector.broadcast %squeeze3A_414 : i32 to vector<16xi32>
        %add3A_416 = arith.addi %add3A_415, %iota3A : vector<16xi32>
        %gather3A_417 = tpu.vector_load_idx %arg14[%add3A_416] : memref<16864xf32, #tpu.memory_space<vmem>>[vector<16xi32>], vector<16xf32>,
        %mul3A_418 = arith.constant 16 : i32
        %mul3A_419 = arith.muli %scan3A_231, %mul3A_418 : i32
        %add3A_420 = arith.constant 15 : i32
        %add3A_421 = arith.addi %mul3A_419, %add3A_420 : i32
        %swap3A_422 = arith.index_cast %add3A_421 : i32 to index
        %swap3A_423 = arith.constant 32 : index
        %swap3A_424 = tpu.vector_load %arg13[%swap3A_422, %swap3A_423] {strides = array<i32>} : memref<128x128xf32, #tpu.memory_space<vmem>>, vector<16xf32>,
        tpu.vector_store %arg13[%swap3A_422, %swap3A_423], %gather3A_417 {strides = array<i32>} : memref<128x128xf32, #tpu.memory_space<vmem>>, vector<16xf32>,
      }
      %scan3A_222 = arith.constant 8 : i32
      %dma_wait3A_223 = arith.constant 0 : i32
      %dma_wait3A_224 = tpu.memref_slice %arg9[%dma_wait3A_223] : memref<512xi32, #tpu.memory_space<vmem>> -> memref<128xi32, #tpu.memory_space<vmem>>
      %dma_wait3A_225 = arith.constant 0 : i32
      %dma_wait3A_226 = arith.constant 0 : i32
      %dma_wait3A_227 = tpu.memref_slice %arg3[%dma_wait3A_225, %dma_wait3A_226] : memref<100000x128xf32, #tpu.memory_space<hbm>> -> memref<100000x128xf32, #tpu.memory_space<hbm>>
      tpu.wait_indirect_dma semaphore(%arg17 : memref<!tpu.dma_semaphore, #tpu.memory_space<semaphore_mem>>) src(%dma_wait3A_227 : memref<100000x128xf32, #tpu.memory_space<hbm>>) dst(%arg12 : memref<128x128xf32, #tpu.memory_space<vmem>>)
      %mul3A_228 = arith.constant 128 : i32
      %mul3A_229 = arith.muli %add3A_187, %mul3A_228 : i32
      %add3A_230 = arith.addi %mul3A_2, %mul3A_229 : i32
      "tpu.region"() ({
        %run_scoped3A = tpu.sem_alloc : memref<!tpu.dma_semaphore, #tpu.memory_space<semaphore_mem>>
        %dma_start3A_231 = arith.constant 0 : i32
        %dma_start3A_232 = tpu.memref_slice %arg5[%add3A_230, %dma_start3A_231] : memref<204800x128xf32, #tpu.memory_space<hbm>> -> memref<128x128xf32, #tpu.memory_space<hbm>>
        %dma_start3A_233 = arith.constant 0 : i32
        %dma_start3A_234 = tpu.memref_slice %arg5[%add3A_230, %dma_start3A_233] : memref<204800x128xf32, #tpu.memory_space<hbm>> -> memref<128x128xf32, #tpu.memory_space<hbm>>
        tpu.enqueue_dma source(%arg12 : memref<128x128xf32, #tpu.memory_space<vmem>>) target(%dma_start3A_234 : memref<128x128xf32, #tpu.memory_space<hbm>>) target_semaphore(%run_scoped3A : memref<!tpu.dma_semaphore, #tpu.memory_space<semaphore_mem>>)
        %dma_wait3A_235 = arith.constant 0 : i32
        %dma_wait3A_236 = tpu.memref_slice %arg5[%add3A_230, %dma_wait3A_235] : memref<204800x128xf32, #tpu.memory_space<hbm>> -> memref<128x128xf32, #tpu.memory_space<hbm>>
        %dma_wait3A_237 = arith.constant 0 : i32
        %dma_wait3A_238 = tpu.memref_slice %arg5[%add3A_230, %dma_wait3A_237] : memref<204800x128xf32, #tpu.memory_space<hbm>> -> memref<128x128xf32, #tpu.memory_space<hbm>>
        tpu.wait_dma2 semaphore(%run_scoped3A : memref<!tpu.dma_semaphore, #tpu.memory_space<semaphore_mem>>) src(%arg12 : memref<128x128xf32, #tpu.memory_space<vmem>>) dst(%dma_wait3A_238 : memref<128x128xf32, #tpu.memory_space<hbm>>)
        tpu.yield
      }) : () -> ()
      "tpu.region"() ({
        %run_scoped3A = tpu.sem_alloc : memref<!tpu.dma_semaphore, #tpu.memory_space<semaphore_mem>>
        %dma_start3A_231 = arith.constant 0 : i32
        %dma_start3A_232 = tpu.memref_slice %arg6[%add3A_230, %dma_start3A_231] : memref<204800x128xf32, #tpu.memory_space<hbm>> -> memref<128x128xf32, #tpu.memory_space<hbm>>
        %dma_start3A_233 = arith.constant 0 : i32
        %dma_start3A_234 = tpu.memref_slice %arg6[%add3A_230, %dma_start3A_233] : memref<204800x128xf32, #tpu.memory_space<hbm>> -> memref<128x128xf32, #tpu.memory_space<hbm>>
        tpu.enqueue_dma source(%arg13 : memref<128x128xf32, #tpu.memory_space<vmem>>) target(%dma_start3A_234 : memref<128x128xf32, #tpu.memory_space<hbm>>) target_semaphore(%run_scoped3A : memref<!tpu.dma_semaphore, #tpu.memory_space<semaphore_mem>>)
        %dma_wait3A_235 = arith.constant 0 : i32
        %dma_wait3A_236 = tpu.memref_slice %arg6[%add3A_230, %dma_wait3A_235] : memref<204800x128xf32, #tpu.memory_space<hbm>> -> memref<128x128xf32, #tpu.memory_space<hbm>>
        %dma_wait3A_237 = arith.constant 0 : i32
        %dma_wait3A_238 = tpu.memref_slice %arg6[%add3A_230, %dma_wait3A_237] : memref<204800x128xf32, #tpu.memory_space<hbm>> -> memref<128x128xf32, #tpu.memory_space<hbm>>
        tpu.wait_dma2 semaphore(%run_scoped3A : memref<!tpu.dma_semaphore, #tpu.memory_space<semaphore_mem>>) src(%arg13 : memref<128x128xf32, #tpu.memory_space<vmem>>) dst(%dma_wait3A_238 : memref<128x128xf32, #tpu.memory_space<hbm>>)
        tpu.yield
      }) : () -> ()
    }
    %scan3A_33 = arith.constant 16 : i32
    %mul3A_34 = arith.constant 4 : i32
    %mul3A_35 = arith.muli %mul3A_4, %mul3A_34 : i32
    %mul3A_36 = arith.constant 128 : i32
    %mul3A_37 = arith.muli %mul3A_35, %mul3A_36 : i32
    %dma_wait3A_38 = tpu.memref_slice %arg2[%mul3A_37] : memref<819200xi32, #tpu.memory_space<hbm>> -> memref<512xi32, #tpu.memory_space<hbm>>
    %dma_wait3A_39 = tpu.memref_slice %arg2[%mul3A_37] : memref<819200xi32, #tpu.memory_space<hbm>> -> memref<512xi32, #tpu.memory_space<hbm>>
    tpu.wait_dma2 semaphore(%arg19 : memref<!tpu.dma_semaphore, #tpu.memory_space<semaphore_mem>>) src(%dma_wait3A_39 : memref<512xi32, #tpu.memory_space<hbm>>) dst(%arg8 : memref<512xi32, #tpu.memory_space<vmem>>)
    %dma_start3A_40 = arith.constant 0 : i32
    %dma_start3A_41 = tpu.memref_slice %arg8[%dma_start3A_40] : memref<512xi32, #tpu.memory_space<vmem>> -> memref<128xi32, #tpu.memory_space<vmem>>
    %dma_start3A_42 = arith.constant 0 : i32
    %dma_start3A_43 = arith.constant 0 : i32
    %dma_start3A_44 = tpu.memref_slice %arg3[%dma_start3A_42, %dma_start3A_43] : memref<100000x128xf32, #tpu.memory_space<hbm>> -> memref<100000x128xf32, #tpu.memory_space<hbm>>
    tpu.enqueue_indirect_dma source(%dma_start3A_44 : memref<100000x128xf32, #tpu.memory_space<hbm>>) target(%arg11 : memref<128x128xf32, #tpu.memory_space<vmem>>) offsets(%dma_start3A_41 : memref<128xi32, #tpu.memory_space<vmem>>) semaphore(%arg16 : memref<!tpu.dma_semaphore, #tpu.memory_space<semaphore_mem>>)
    %scan3A_45 = arith.constant 0 : i32
    %scan3A_46 = arith.constant 8 : i32
    %scan3A_47 = arith.addi %scan3A_45, %scan3A_46 : i32
    %scan3A_48 = arith.constant 1 : i32
    scf.for %scan3A_89 = %scan3A_45 to %scan3A_47 step %scan3A_48  : i32 {
      %mul3A_90 = arith.constant 16 : i32
      %mul3A_91 = arith.muli %scan3A_89, %mul3A_90 : i32
      %add3A_92 = arith.constant 128 : i32
      %add3A_93 = arith.addi %add3A_92, %mul3A_91 : i32
      %get3A = arith.index_cast %add3A_93 : i32 to index
      %get3A_94 = tpu.vector_load %arg7[%get3A] {strides = array<i32>} : memref<512xi32, #tpu.memory_space<vmem>>, vector<16xi32>,
      %slice3A = vector.extract_strided_slice %get3A_94 {offsets = [0], sizes = [1], strides = [1]} : vector<16xi32> to vector<1xi32>
      %squeeze3A = vector.extract %slice3A[0] : i32 from vector<1xi32>
      %add3A_95 = vector.broadcast %squeeze3A : i32 to vector<16xi32>
      %add3A_96 = arith.addi %add3A_95, %iota3A : vector<16xi32>
      %gather3A = tpu.vector_load_idx %arg14[%add3A_96] : memref<16864xf32, #tpu.memory_space<vmem>>[vector<16xi32>], vector<16xf32>,
      %mul3A_97 = arith.constant 16 : i32
      %mul3A_98 = arith.muli %scan3A_89, %mul3A_97 : i32
      %add3A_99 = arith.constant 0 : i32
      %add3A_100 = arith.addi %mul3A_98, %add3A_99 : i32
      %swap3A = arith.index_cast %add3A_100 : i32 to index
      %swap3A_101 = arith.constant 0 : index
      %swap3A_102 = tpu.vector_load %arg13[%swap3A, %swap3A_101] {strides = array<i32>} : memref<128x128xf32, #tpu.memory_space<vmem>>, vector<16xf32>,
      tpu.vector_store %arg13[%swap3A, %swap3A_101], %gather3A {strides = array<i32>} : memref<128x128xf32, #tpu.memory_space<vmem>>, vector<16xf32>,
      %slice3A_103 = vector.extract_strided_slice %get3A_94 {offsets = [1], sizes = [1], strides = [1]} : vector<16xi32> to vector<1xi32>
      %squeeze3A_104 = vector.extract %slice3A_103[0] : i32 from vector<1xi32>
      %add3A_105 = vector.broadcast %squeeze3A_104 : i32 to vector<16xi32>
      %add3A_106 = arith.addi %add3A_105, %iota3A : vector<16xi32>
      %gather3A_107 = tpu.vector_load_idx %arg14[%add3A_106] : memref<16864xf32, #tpu.memory_space<vmem>>[vector<16xi32>], vector<16xf32>,
      %mul3A_108 = arith.constant 16 : i32
      %mul3A_109 = arith.muli %scan3A_89, %mul3A_108 : i32
      %add3A_110 = arith.constant 1 : i32
      %add3A_111 = arith.addi %mul3A_109, %add3A_110 : i32
      %swap3A_112 = arith.index_cast %add3A_111 : i32 to index
      %swap3A_113 = arith.constant 0 : index
      %swap3A_114 = tpu.vector_load %arg13[%swap3A_112, %swap3A_113] {strides = array<i32>} : memref<128x128xf32, #tpu.memory_space<vmem>>, vector<16xf32>,
      tpu.vector_store %arg13[%swap3A_112, %swap3A_113], %gather3A_107 {strides = array<i32>} : memref<128x128xf32, #tpu.memory_space<vmem>>, vector<16xf32>,
      %slice3A_115 = vector.extract_strided_slice %get3A_94 {offsets = [2], sizes = [1], strides = [1]} : vector<16xi32> to vector<1xi32>
      %squeeze3A_116 = vector.extract %slice3A_115[0] : i32 from vector<1xi32>
      %add3A_117 = vector.broadcast %squeeze3A_116 : i32 to vector<16xi32>
      %add3A_118 = arith.addi %add3A_117, %iota3A : vector<16xi32>
      %gather3A_119 = tpu.vector_load_idx %arg14[%add3A_118] : memref<16864xf32, #tpu.memory_space<vmem>>[vector<16xi32>], vector<16xf32>,
      %mul3A_120 = arith.constant 16 : i32
      %mul3A_121 = arith.muli %scan3A_89, %mul3A_120 : i32
      %add3A_122 = arith.constant 2 : i32
      %add3A_123 = arith.addi %mul3A_121, %add3A_122 : i32
      %swap3A_124 = arith.index_cast %add3A_123 : i32 to index
      %swap3A_125 = arith.constant 0 : index
      %swap3A_126 = tpu.vector_load %arg13[%swap3A_124, %swap3A_125] {strides = array<i32>} : memref<128x128xf32, #tpu.memory_space<vmem>>, vector<16xf32>,
      tpu.vector_store %arg13[%swap3A_124, %swap3A_125], %gather3A_119 {strides = array<i32>} : memref<128x128xf32, #tpu.memory_space<vmem>>, vector<16xf32>,
      %slice3A_127 = vector.extract_strided_slice %get3A_94 {offsets = [3], sizes = [1], strides = [1]} : vector<16xi32> to vector<1xi32>
      %squeeze3A_128 = vector.extract %slice3A_127[0] : i32 from vector<1xi32>
      %add3A_129 = vector.broadcast %squeeze3A_128 : i32 to vector<16xi32>
      %add3A_130 = arith.addi %add3A_129, %iota3A : vector<16xi32>
      %gather3A_131 = tpu.vector_load_idx %arg14[%add3A_130] : memref<16864xf32, #tpu.memory_space<vmem>>[vector<16xi32>], vector<16xf32>,
      %mul3A_132 = arith.constant 16 : i32
      %mul3A_133 = arith.muli %scan3A_89, %mul3A_132 : i32
      %add3A_134 = arith.constant 3 : i32
      %add3A_135 = arith.addi %mul3A_133, %add3A_134 : i32
      %swap3A_136 = arith.index_cast %add3A_135 : i32 to index
      %swap3A_137 = arith.constant 0 : index
      %swap3A_138 = tpu.vector_load %arg13[%swap3A_136, %swap3A_137] {strides = array<i32>} : memref<128x128xf32, #tpu.memory_space<vmem>>, vector<16xf32>,
      tpu.vector_store %arg13[%swap3A_136, %swap3A_137], %gather3A_131 {strides = array<i32>} : memref<128x128xf32, #tpu.memory_space<vmem>>, vector<16xf32>,
      %slice3A_139 = vector.extract_strided_slice %get3A_94 {offsets = [4], sizes = [1], strides = [1]} : vector<16xi32> to vector<1xi32>
      %squeeze3A_140 = vector.extract %slice3A_139[0] : i32 from vector<1xi32>
      %add3A_141 = vector.broadcast %squeeze3A_140 : i32 to vector<16xi32>
      %add3A_142 = arith.addi %add3A_141, %iota3A : vector<16xi32>
      %gather3A_143 = tpu.vector_load_idx %arg14[%add3A_142] : memref<16864xf32, #tpu.memory_space<vmem>>[vector<16xi32>], vector<16xf32>,
      %mul3A_144 = arith.constant 16 : i32
      %mul3A_145 = arith.muli %scan3A_89, %mul3A_144 : i32
      %add3A_146 = arith.constant 4 : i32
      %add3A_147 = arith.addi %mul3A_145, %add3A_146 : i32
      %swap3A_148 = arith.index_cast %add3A_147 : i32 to index
      %swap3A_149 = arith.constant 0 : index
      %swap3A_150 = tpu.vector_load %arg13[%swap3A_148, %swap3A_149] {strides = array<i32>} : memref<128x128xf32, #tpu.memory_space<vmem>>, vector<16xf32>,
      tpu.vector_store %arg13[%swap3A_148, %swap3A_149], %gather3A_143 {strides = array<i32>} : memref<128x128xf32, #tpu.memory_space<vmem>>, vector<16xf32>,
      %slice3A_151 = vector.extract_strided_slice %get3A_94 {offsets = [5], sizes = [1], strides = [1]} : vector<16xi32> to vector<1xi32>
      %squeeze3A_152 = vector.extract %slice3A_151[0] : i32 from vector<1xi32>
      %add3A_153 = vector.broadcast %squeeze3A_152 : i32 to vector<16xi32>
      %add3A_154 = arith.addi %add3A_153, %iota3A : vector<16xi32>
      %gather3A_155 = tpu.vector_load_idx %arg14[%add3A_154] : memref<16864xf32, #tpu.memory_space<vmem>>[vector<16xi32>], vector<16xf32>,
      %mul3A_156 = arith.constant 16 : i32
      %mul3A_157 = arith.muli %scan3A_89, %mul3A_156 : i32
      %add3A_158 = arith.constant 5 : i32
      %add3A_159 = arith.addi %mul3A_157, %add3A_158 : i32
      %swap3A_160 = arith.index_cast %add3A_159 : i32 to index
      %swap3A_161 = arith.constant 0 : index
      %swap3A_162 = tpu.vector_load %arg13[%swap3A_160, %swap3A_161] {strides = array<i32>} : memref<128x128xf32, #tpu.memory_space<vmem>>, vector<16xf32>,
      tpu.vector_store %arg13[%swap3A_160, %swap3A_161], %gather3A_155 {strides = array<i32>} : memref<128x128xf32, #tpu.memory_space<vmem>>, vector<16xf32>,
      %slice3A_163 = vector.extract_strided_slice %get3A_94 {offsets = [6], sizes = [1], strides = [1]} : vector<16xi32> to vector<1xi32>
      %squeeze3A_164 = vector.extract %slice3A_163[0] : i32 from vector<1xi32>
      %add3A_165 = vector.broadcast %squeeze3A_164 : i32 to vector<16xi32>
      %add3A_166 = arith.addi %add3A_165, %iota3A : vector<16xi32>
      %gather3A_167 = tpu.vector_load_idx %arg14[%add3A_166] : memref<16864xf32, #tpu.memory_space<vmem>>[vector<16xi32>], vector<16xf32>,
      %mul3A_168 = arith.constant 16 : i32
      %mul3A_169 = arith.muli %scan3A_89, %mul3A_168 : i32
      %add3A_170 = arith.constant 6 : i32
      %add3A_171 = arith.addi %mul3A_169, %add3A_170 : i32
      %swap3A_172 = arith.index_cast %add3A_171 : i32 to index
      %swap3A_173 = arith.constant 0 : index
      %swap3A_174 = tpu.vector_load %arg13[%swap3A_172, %swap3A_173] {strides = array<i32>} : memref<128x128xf32, #tpu.memory_space<vmem>>, vector<16xf32>,
      tpu.vector_store %arg13[%swap3A_172, %swap3A_173], %gather3A_167 {strides = array<i32>} : memref<128x128xf32, #tpu.memory_space<vmem>>, vector<16xf32>,
      %slice3A_175 = vector.extract_strided_slice %get3A_94 {offsets = [7], sizes = [1], strides = [1]} : vector<16xi32> to vector<1xi32>
      %squeeze3A_176 = vector.extract %slice3A_175[0] : i32 from vector<1xi32>
      %add3A_177 = vector.broadcast %squeeze3A_176 : i32 to vector<16xi32>
      %add3A_178 = arith.addi %add3A_177, %iota3A : vector<16xi32>
      %gather3A_179 = tpu.vector_load_idx %arg14[%add3A_178] : memref<16864xf32, #tpu.memory_space<vmem>>[vector<16xi32>], vector<16xf32>,
      %mul3A_180 = arith.constant 16 : i32
      %mul3A_181 = arith.muli %scan3A_89, %mul3A_180 : i32
      %add3A_182 = arith.constant 7 : i32
      %add3A_183 = arith.addi %mul3A_181, %add3A_182 : i32
      %swap3A_184 = arith.index_cast %add3A_183 : i32 to index
      %swap3A_185 = arith.constant 0 : index
      %swap3A_186 = tpu.vector_load %arg13[%swap3A_184, %swap3A_185] {strides = array<i32>} : memref<128x128xf32, #tpu.memory_space<vmem>>, vector<16xf32>,
      tpu.vector_store %arg13[%swap3A_184, %swap3A_185], %gather3A_179 {strides = array<i32>} : memref<128x128xf32, #tpu.memory_space<vmem>>, vector<16xf32>,
      %slice3A_187 = vector.extract_strided_slice %get3A_94 {offsets = [8], sizes = [1], strides = [1]} : vector<16xi32> to vector<1xi32>
      %squeeze3A_188 = vector.extract %slice3A_187[0] : i32 from vector<1xi32>
      %add3A_189 = vector.broadcast %squeeze3A_188 : i32 to vector<16xi32>
      %add3A_190 = arith.addi %add3A_189, %iota3A : vector<16xi32>
      %gather3A_191 = tpu.vector_load_idx %arg14[%add3A_190] : memref<16864xf32, #tpu.memory_space<vmem>>[vector<16xi32>], vector<16xf32>,
      %mul3A_192 = arith.constant 16 : i32
      %mul3A_193 = arith.muli %scan3A_89, %mul3A_192 : i32
      %add3A_194 = arith.constant 8 : i32
      %add3A_195 = arith.addi %mul3A_193, %add3A_194 : i32
      %swap3A_196 = arith.index_cast %add3A_195 : i32 to index
      %swap3A_197 = arith.constant 0 : index
      %swap3A_198 = tpu.vector_load %arg13[%swap3A_196, %swap3A_197] {strides = array<i32>} : memref<128x128xf32, #tpu.memory_space<vmem>>, vector<16xf32>,
      tpu.vector_store %arg13[%swap3A_196, %swap3A_197], %gather3A_191 {strides = array<i32>} : memref<128x128xf32, #tpu.memory_space<vmem>>, vector<16xf32>,
      %slice3A_199 = vector.extract_strided_slice %get3A_94 {offsets = [9], sizes = [1], strides = [1]} : vector<16xi32> to vector<1xi32>
      %squeeze3A_200 = vector.extract %slice3A_199[0] : i32 from vector<1xi32>
      %add3A_201 = vector.broadcast %squeeze3A_200 : i32 to vector<16xi32>
      %add3A_202 = arith.addi %add3A_201, %iota3A : vector<16xi32>
      %gather3A_203 = tpu.vector_load_idx %arg14[%add3A_202] : memref<16864xf32, #tpu.memory_space<vmem>>[vector<16xi32>], vector<16xf32>,
      %mul3A_204 = arith.constant 16 : i32
      %mul3A_205 = arith.muli %scan3A_89, %mul3A_204 : i32
      %add3A_206 = arith.constant 9 : i32
      %add3A_207 = arith.addi %mul3A_205, %add3A_206 : i32
      %swap3A_208 = arith.index_cast %add3A_207 : i32 to index
      %swap3A_209 = arith.constant 0 : index
      %swap3A_210 = tpu.vector_load %arg13[%swap3A_208, %swap3A_209] {strides = array<i32>} : memref<128x128xf32, #tpu.memory_space<vmem>>, vector<16xf32>,
      tpu.vector_store %arg13[%swap3A_208, %swap3A_209], %gather3A_203 {strides = array<i32>} : memref<128x128xf32, #tpu.memory_space<vmem>>, vector<16xf32>,
      %slice3A_211 = vector.extract_strided_slice %get3A_94 {offsets = [10], sizes = [1], strides = [1]} : vector<16xi32> to vector<1xi32>
      %squeeze3A_212 = vector.extract %slice3A_211[0] : i32 from vector<1xi32>
      %add3A_213 = vector.broadcast %squeeze3A_212 : i32 to vector<16xi32>
      %add3A_214 = arith.addi %add3A_213, %iota3A : vector<16xi32>
      %gather3A_215 = tpu.vector_load_idx %arg14[%add3A_214] : memref<16864xf32, #tpu.memory_space<vmem>>[vector<16xi32>], vector<16xf32>,
      %mul3A_216 = arith.constant 16 : i32
      %mul3A_217 = arith.muli %scan3A_89, %mul3A_216 : i32
      %add3A_218 = arith.constant 10 : i32
      %add3A_219 = arith.addi %mul3A_217, %add3A_218 : i32
      %swap3A_220 = arith.index_cast %add3A_219 : i32 to index
      %swap3A_221 = arith.constant 0 : index
      %swap3A_222 = tpu.vector_load %arg13[%swap3A_220, %swap3A_221] {strides = array<i32>} : memref<128x128xf32, #tpu.memory_space<vmem>>, vector<16xf32>,
      tpu.vector_store %arg13[%swap3A_220, %swap3A_221], %gather3A_215 {strides = array<i32>} : memref<128x128xf32, #tpu.memory_space<vmem>>, vector<16xf32>,
      %slice3A_223 = vector.extract_strided_slice %get3A_94 {offsets = [11], sizes = [1], strides = [1]} : vector<16xi32> to vector<1xi32>
      %squeeze3A_224 = vector.extract %slice3A_223[0] : i32 from vector<1xi32>
      %add3A_225 = vector.broadcast %squeeze3A_224 : i32 to vector<16xi32>
      %add3A_226 = arith.addi %add3A_225, %iota3A : vector<16xi32>
      %gather3A_227 = tpu.vector_load_idx %arg14[%add3A_226] : memref<16864xf32, #tpu.memory_space<vmem>>[vector<16xi32>], vector<16xf32>,
      %mul3A_228 = arith.constant 16 : i32
      %mul3A_229 = arith.muli %scan3A_89, %mul3A_228 : i32
      %add3A_230 = arith.constant 11 : i32
      %add3A_231 = arith.addi %mul3A_229, %add3A_230 : i32
      %swap3A_232 = arith.index_cast %add3A_231 : i32 to index
      %swap3A_233 = arith.constant 0 : index
      %swap3A_234 = tpu.vector_load %arg13[%swap3A_232, %swap3A_233] {strides = array<i32>} : memref<128x128xf32, #tpu.memory_space<vmem>>, vector<16xf32>,
      tpu.vector_store %arg13[%swap3A_232, %swap3A_233], %gather3A_227 {strides = array<i32>} : memref<128x128xf32, #tpu.memory_space<vmem>>, vector<16xf32>,
      %slice3A_235 = vector.extract_strided_slice %get3A_94 {offsets = [12], sizes = [1], strides = [1]} : vector<16xi32> to vector<1xi32>
      %squeeze3A_236 = vector.extract %slice3A_235[0] : i32 from vector<1xi32>
      %add3A_237 = vector.broadcast %squeeze3A_236 : i32 to vector<16xi32>
      %add3A_238 = arith.addi %add3A_237, %iota3A : vector<16xi32>
      %gather3A_239 = tpu.vector_load_idx %arg14[%add3A_238] : memref<16864xf32, #tpu.memory_space<vmem>>[vector<16xi32>], vector<16xf32>,
      %mul3A_240 = arith.constant 16 : i32
      %mul3A_241 = arith.muli %scan3A_89, %mul3A_240 : i32
      %add3A_242 = arith.constant 12 : i32
      %add3A_243 = arith.addi %mul3A_241, %add3A_242 : i32
      %swap3A_244 = arith.index_cast %add3A_243 : i32 to index
      %swap3A_245 = arith.constant 0 : index
      %swap3A_246 = tpu.vector_load %arg13[%swap3A_244, %swap3A_245] {strides = array<i32>} : memref<128x128xf32, #tpu.memory_space<vmem>>, vector<16xf32>,
      tpu.vector_store %arg13[%swap3A_244, %swap3A_245], %gather3A_239 {strides = array<i32>} : memref<128x128xf32, #tpu.memory_space<vmem>>, vector<16xf32>,
      %slice3A_247 = vector.extract_strided_slice %get3A_94 {offsets = [13], sizes = [1], strides = [1]} : vector<16xi32> to vector<1xi32>
      %squeeze3A_248 = vector.extract %slice3A_247[0] : i32 from vector<1xi32>
      %add3A_249 = vector.broadcast %squeeze3A_248 : i32 to vector<16xi32>
      %add3A_250 = arith.addi %add3A_249, %iota3A : vector<16xi32>
      %gather3A_251 = tpu.vector_load_idx %arg14[%add3A_250] : memref<16864xf32, #tpu.memory_space<vmem>>[vector<16xi32>], vector<16xf32>,
      %mul3A_252 = arith.constant 16 : i32
      %mul3A_253 = arith.muli %scan3A_89, %mul3A_252 : i32
      %add3A_254 = arith.constant 13 : i32
      %add3A_255 = arith.addi %mul3A_253, %add3A_254 : i32
      %swap3A_256 = arith.index_cast %add3A_255 : i32 to index
      %swap3A_257 = arith.constant 0 : index
      %swap3A_258 = tpu.vector_load %arg13[%swap3A_256, %swap3A_257] {strides = array<i32>} : memref<128x128xf32, #tpu.memory_space<vmem>>, vector<16xf32>,
      tpu.vector_store %arg13[%swap3A_256, %swap3A_257], %gather3A_251 {strides = array<i32>} : memref<128x128xf32, #tpu.memory_space<vmem>>, vector<16xf32>,
      %slice3A_259 = vector.extract_strided_slice %get3A_94 {offsets = [14], sizes = [1], strides = [1]} : vector<16xi32> to vector<1xi32>
      %squeeze3A_260 = vector.extract %slice3A_259[0] : i32 from vector<1xi32>
      %add3A_261 = vector.broadcast %squeeze3A_260 : i32 to vector<16xi32>
      %add3A_262 = arith.addi %add3A_261, %iota3A : vector<16xi32>
      %gather3A_263 = tpu.vector_load_idx %arg14[%add3A_262] : memref<16864xf32, #tpu.memory_space<vmem>>[vector<16xi32>], vector<16xf32>,
      %mul3A_264 = arith.constant 16 : i32
      %mul3A_265 = arith.muli %scan3A_89, %mul3A_264 : i32
      %add3A_266 = arith.constant 14 : i32
      %add3A_267 = arith.addi %mul3A_265, %add3A_266 : i32
      %swap3A_268 = arith.index_cast %add3A_267 : i32 to index
      %swap3A_269 = arith.constant 0 : index
      %swap3A_270 = tpu.vector_load %arg13[%swap3A_268, %swap3A_269] {strides = array<i32>} : memref<128x128xf32, #tpu.memory_space<vmem>>, vector<16xf32>,
      tpu.vector_store %arg13[%swap3A_268, %swap3A_269], %gather3A_263 {strides = array<i32>} : memref<128x128xf32, #tpu.memory_space<vmem>>, vector<16xf32>,
      %slice3A_271 = vector.extract_strided_slice %get3A_94 {offsets = [15], sizes = [1], strides = [1]} : vector<16xi32> to vector<1xi32>
      %squeeze3A_272 = vector.extract %slice3A_271[0] : i32 from vector<1xi32>
      %add3A_273 = vector.broadcast %squeeze3A_272 : i32 to vector<16xi32>
      %add3A_274 = arith.addi %add3A_273, %iota3A : vector<16xi32>
      %gather3A_275 = tpu.vector_load_idx %arg14[%add3A_274] : memref<16864xf32, #tpu.memory_space<vmem>>[vector<16xi32>], vector<16xf32>,
      %mul3A_276 = arith.constant 16 : i32
      %mul3A_277 = arith.muli %scan3A_89, %mul3A_276 : i32
      %add3A_278 = arith.constant 15 : i32
      %add3A_279 = arith.addi %mul3A_277, %add3A_278 : i32
      %swap3A_280 = arith.index_cast %add3A_279 : i32 to index
      %swap3A_281 = arith.constant 0 : index
      %swap3A_282 = tpu.vector_load %arg13[%swap3A_280, %swap3A_281] {strides = array<i32>} : memref<128x128xf32, #tpu.memory_space<vmem>>, vector<16xf32>,
      tpu.vector_store %arg13[%swap3A_280, %swap3A_281], %gather3A_275 {strides = array<i32>} : memref<128x128xf32, #tpu.memory_space<vmem>>, vector<16xf32>,
    }
    %scan3A_49 = arith.constant 8 : i32
    %scan3A_50 = arith.constant 0 : i32
    %scan3A_51 = arith.constant 8 : i32
    %scan3A_52 = arith.addi %scan3A_50, %scan3A_51 : i32
    %scan3A_53 = arith.constant 1 : i32
    scf.for %scan3A_89 = %scan3A_50 to %scan3A_52 step %scan3A_53  : i32 {
      %mul3A_90 = arith.constant 16 : i32
      %mul3A_91 = arith.muli %scan3A_89, %mul3A_90 : i32
      %add3A_92 = arith.constant 256 : i32
      %add3A_93 = arith.addi %add3A_92, %mul3A_91 : i32
      %get3A = arith.index_cast %add3A_93 : i32 to index
      %get3A_94 = tpu.vector_load %arg7[%get3A] {strides = array<i32>} : memref<512xi32, #tpu.memory_space<vmem>>, vector<16xi32>,
      %slice3A = vector.extract_strided_slice %get3A_94 {offsets = [0], sizes = [1], strides = [1]} : vector<16xi32> to vector<1xi32>
      %squeeze3A = vector.extract %slice3A[0] : i32 from vector<1xi32>
      %add3A_95 = vector.broadcast %squeeze3A : i32 to vector<16xi32>
      %add3A_96 = arith.addi %add3A_95, %iota3A : vector<16xi32>
      %gather3A = tpu.vector_load_idx %arg14[%add3A_96] : memref<16864xf32, #tpu.memory_space<vmem>>[vector<16xi32>], vector<16xf32>,
      %mul3A_97 = arith.constant 16 : i32
      %mul3A_98 = arith.muli %scan3A_89, %mul3A_97 : i32
      %add3A_99 = arith.constant 0 : i32
      %add3A_100 = arith.addi %mul3A_98, %add3A_99 : i32
      %swap3A = arith.index_cast %add3A_100 : i32 to index
      %swap3A_101 = arith.constant 16 : index
      %swap3A_102 = tpu.vector_load %arg13[%swap3A, %swap3A_101] {strides = array<i32>} : memref<128x128xf32, #tpu.memory_space<vmem>>, vector<16xf32>,
      tpu.vector_store %arg13[%swap3A, %swap3A_101], %gather3A {strides = array<i32>} : memref<128x128xf32, #tpu.memory_space<vmem>>, vector<16xf32>,
      %slice3A_103 = vector.extract_strided_slice %get3A_94 {offsets = [1], sizes = [1], strides = [1]} : vector<16xi32> to vector<1xi32>
      %squeeze3A_104 = vector.extract %slice3A_103[0] : i32 from vector<1xi32>
      %add3A_105 = vector.broadcast %squeeze3A_104 : i32 to vector<16xi32>
      %add3A_106 = arith.addi %add3A_105, %iota3A : vector<16xi32>
      %gather3A_107 = tpu.vector_load_idx %arg14[%add3A_106] : memref<16864xf32, #tpu.memory_space<vmem>>[vector<16xi32>], vector<16xf32>,
      %mul3A_108 = arith.constant 16 : i32
      %mul3A_109 = arith.muli %scan3A_89, %mul3A_108 : i32
      %add3A_110 = arith.constant 1 : i32
      %add3A_111 = arith.addi %mul3A_109, %add3A_110 : i32
      %swap3A_112 = arith.index_cast %add3A_111 : i32 to index
      %swap3A_113 = arith.constant 16 : index
      %swap3A_114 = tpu.vector_load %arg13[%swap3A_112, %swap3A_113] {strides = array<i32>} : memref<128x128xf32, #tpu.memory_space<vmem>>, vector<16xf32>,
      tpu.vector_store %arg13[%swap3A_112, %swap3A_113], %gather3A_107 {strides = array<i32>} : memref<128x128xf32, #tpu.memory_space<vmem>>, vector<16xf32>,
      %slice3A_115 = vector.extract_strided_slice %get3A_94 {offsets = [2], sizes = [1], strides = [1]} : vector<16xi32> to vector<1xi32>
      %squeeze3A_116 = vector.extract %slice3A_115[0] : i32 from vector<1xi32>
      %add3A_117 = vector.broadcast %squeeze3A_116 : i32 to vector<16xi32>
      %add3A_118 = arith.addi %add3A_117, %iota3A : vector<16xi32>
      %gather3A_119 = tpu.vector_load_idx %arg14[%add3A_118] : memref<16864xf32, #tpu.memory_space<vmem>>[vector<16xi32>], vector<16xf32>,
      %mul3A_120 = arith.constant 16 : i32
      %mul3A_121 = arith.muli %scan3A_89, %mul3A_120 : i32
      %add3A_122 = arith.constant 2 : i32
      %add3A_123 = arith.addi %mul3A_121, %add3A_122 : i32
      %swap3A_124 = arith.index_cast %add3A_123 : i32 to index
      %swap3A_125 = arith.constant 16 : index
      %swap3A_126 = tpu.vector_load %arg13[%swap3A_124, %swap3A_125] {strides = array<i32>} : memref<128x128xf32, #tpu.memory_space<vmem>>, vector<16xf32>,
      tpu.vector_store %arg13[%swap3A_124, %swap3A_125], %gather3A_119 {strides = array<i32>} : memref<128x128xf32, #tpu.memory_space<vmem>>, vector<16xf32>,
      %slice3A_127 = vector.extract_strided_slice %get3A_94 {offsets = [3], sizes = [1], strides = [1]} : vector<16xi32> to vector<1xi32>
      %squeeze3A_128 = vector.extract %slice3A_127[0] : i32 from vector<1xi32>
      %add3A_129 = vector.broadcast %squeeze3A_128 : i32 to vector<16xi32>
      %add3A_130 = arith.addi %add3A_129, %iota3A : vector<16xi32>
      %gather3A_131 = tpu.vector_load_idx %arg14[%add3A_130] : memref<16864xf32, #tpu.memory_space<vmem>>[vector<16xi32>], vector<16xf32>,
      %mul3A_132 = arith.constant 16 : i32
      %mul3A_133 = arith.muli %scan3A_89, %mul3A_132 : i32
      %add3A_134 = arith.constant 3 : i32
      %add3A_135 = arith.addi %mul3A_133, %add3A_134 : i32
      %swap3A_136 = arith.index_cast %add3A_135 : i32 to index
      %swap3A_137 = arith.constant 16 : index
      %swap3A_138 = tpu.vector_load %arg13[%swap3A_136, %swap3A_137] {strides = array<i32>} : memref<128x128xf32, #tpu.memory_space<vmem>>, vector<16xf32>,
      tpu.vector_store %arg13[%swap3A_136, %swap3A_137], %gather3A_131 {strides = array<i32>} : memref<128x128xf32, #tpu.memory_space<vmem>>, vector<16xf32>,
      %slice3A_139 = vector.extract_strided_slice %get3A_94 {offsets = [4], sizes = [1], strides = [1]} : vector<16xi32> to vector<1xi32>
      %squeeze3A_140 = vector.extract %slice3A_139[0] : i32 from vector<1xi32>
      %add3A_141 = vector.broadcast %squeeze3A_140 : i32 to vector<16xi32>
      %add3A_142 = arith.addi %add3A_141, %iota3A : vector<16xi32>
      %gather3A_143 = tpu.vector_load_idx %arg14[%add3A_142] : memref<16864xf32, #tpu.memory_space<vmem>>[vector<16xi32>], vector<16xf32>,
      %mul3A_144 = arith.constant 16 : i32
      %mul3A_145 = arith.muli %scan3A_89, %mul3A_144 : i32
      %add3A_146 = arith.constant 4 : i32
      %add3A_147 = arith.addi %mul3A_145, %add3A_146 : i32
      %swap3A_148 = arith.index_cast %add3A_147 : i32 to index
      %swap3A_149 = arith.constant 16 : index
      %swap3A_150 = tpu.vector_load %arg13[%swap3A_148, %swap3A_149] {strides = array<i32>} : memref<128x128xf32, #tpu.memory_space<vmem>>, vector<16xf32>,
      tpu.vector_store %arg13[%swap3A_148, %swap3A_149], %gather3A_143 {strides = array<i32>} : memref<128x128xf32, #tpu.memory_space<vmem>>, vector<16xf32>,
      %slice3A_151 = vector.extract_strided_slice %get3A_94 {offsets = [5], sizes = [1], strides = [1]} : vector<16xi32> to vector<1xi32>
      %squeeze3A_152 = vector.extract %slice3A_151[0] : i32 from vector<1xi32>
      %add3A_153 = vector.broadcast %squeeze3A_152 : i32 to vector<16xi32>
      %add3A_154 = arith.addi %add3A_153, %iota3A : vector<16xi32>
      %gather3A_155 = tpu.vector_load_idx %arg14[%add3A_154] : memref<16864xf32, #tpu.memory_space<vmem>>[vector<16xi32>], vector<16xf32>,
      %mul3A_156 = arith.constant 16 : i32
      %mul3A_157 = arith.muli %scan3A_89, %mul3A_156 : i32
      %add3A_158 = arith.constant 5 : i32
      %add3A_159 = arith.addi %mul3A_157, %add3A_158 : i32
      %swap3A_160 = arith.index_cast %add3A_159 : i32 to index
      %swap3A_161 = arith.constant 16 : index
      %swap3A_162 = tpu.vector_load %arg13[%swap3A_160, %swap3A_161] {strides = array<i32>} : memref<128x128xf32, #tpu.memory_space<vmem>>, vector<16xf32>,
      tpu.vector_store %arg13[%swap3A_160, %swap3A_161], %gather3A_155 {strides = array<i32>} : memref<128x128xf32, #tpu.memory_space<vmem>>, vector<16xf32>,
      %slice3A_163 = vector.extract_strided_slice %get3A_94 {offsets = [6], sizes = [1], strides = [1]} : vector<16xi32> to vector<1xi32>
      %squeeze3A_164 = vector.extract %slice3A_163[0] : i32 from vector<1xi32>
      %add3A_165 = vector.broadcast %squeeze3A_164 : i32 to vector<16xi32>
      %add3A_166 = arith.addi %add3A_165, %iota3A : vector<16xi32>
      %gather3A_167 = tpu.vector_load_idx %arg14[%add3A_166] : memref<16864xf32, #tpu.memory_space<vmem>>[vector<16xi32>], vector<16xf32>,
      %mul3A_168 = arith.constant 16 : i32
      %mul3A_169 = arith.muli %scan3A_89, %mul3A_168 : i32
      %add3A_170 = arith.constant 6 : i32
      %add3A_171 = arith.addi %mul3A_169, %add3A_170 : i32
      %swap3A_172 = arith.index_cast %add3A_171 : i32 to index
      %swap3A_173 = arith.constant 16 : index
      %swap3A_174 = tpu.vector_load %arg13[%swap3A_172, %swap3A_173] {strides = array<i32>} : memref<128x128xf32, #tpu.memory_space<vmem>>, vector<16xf32>,
      tpu.vector_store %arg13[%swap3A_172, %swap3A_173], %gather3A_167 {strides = array<i32>} : memref<128x128xf32, #tpu.memory_space<vmem>>, vector<16xf32>,
      %slice3A_175 = vector.extract_strided_slice %get3A_94 {offsets = [7], sizes = [1], strides = [1]} : vector<16xi32> to vector<1xi32>
      %squeeze3A_176 = vector.extract %slice3A_175[0] : i32 from vector<1xi32>
      %add3A_177 = vector.broadcast %squeeze3A_176 : i32 to vector<16xi32>
      %add3A_178 = arith.addi %add3A_177, %iota3A : vector<16xi32>
      %gather3A_179 = tpu.vector_load_idx %arg14[%add3A_178] : memref<16864xf32, #tpu.memory_space<vmem>>[vector<16xi32>], vector<16xf32>,
      %mul3A_180 = arith.constant 16 : i32
      %mul3A_181 = arith.muli %scan3A_89, %mul3A_180 : i32
      %add3A_182 = arith.constant 7 : i32
      %add3A_183 = arith.addi %mul3A_181, %add3A_182 : i32
      %swap3A_184 = arith.index_cast %add3A_183 : i32 to index
      %swap3A_185 = arith.constant 16 : index
      %swap3A_186 = tpu.vector_load %arg13[%swap3A_184, %swap3A_185] {strides = array<i32>} : memref<128x128xf32, #tpu.memory_space<vmem>>, vector<16xf32>,
      tpu.vector_store %arg13[%swap3A_184, %swap3A_185], %gather3A_179 {strides = array<i32>} : memref<128x128xf32, #tpu.memory_space<vmem>>, vector<16xf32>,
      %slice3A_187 = vector.extract_strided_slice %get3A_94 {offsets = [8], sizes = [1], strides = [1]} : vector<16xi32> to vector<1xi32>
      %squeeze3A_188 = vector.extract %slice3A_187[0] : i32 from vector<1xi32>
      %add3A_189 = vector.broadcast %squeeze3A_188 : i32 to vector<16xi32>
      %add3A_190 = arith.addi %add3A_189, %iota3A : vector<16xi32>
      %gather3A_191 = tpu.vector_load_idx %arg14[%add3A_190] : memref<16864xf32, #tpu.memory_space<vmem>>[vector<16xi32>], vector<16xf32>,
      %mul3A_192 = arith.constant 16 : i32
      %mul3A_193 = arith.muli %scan3A_89, %mul3A_192 : i32
      %add3A_194 = arith.constant 8 : i32
      %add3A_195 = arith.addi %mul3A_193, %add3A_194 : i32
      %swap3A_196 = arith.index_cast %add3A_195 : i32 to index
      %swap3A_197 = arith.constant 16 : index
      %swap3A_198 = tpu.vector_load %arg13[%swap3A_196, %swap3A_197] {strides = array<i32>} : memref<128x128xf32, #tpu.memory_space<vmem>>, vector<16xf32>,
      tpu.vector_store %arg13[%swap3A_196, %swap3A_197], %gather3A_191 {strides = array<i32>} : memref<128x128xf32, #tpu.memory_space<vmem>>, vector<16xf32>,
      %slice3A_199 = vector.extract_strided_slice %get3A_94 {offsets = [9], sizes = [1], strides = [1]} : vector<16xi32> to vector<1xi32>
      %squeeze3A_200 = vector.extract %slice3A_199[0] : i32 from vector<1xi32>
      %add3A_201 = vector.broadcast %squeeze3A_200 : i32 to vector<16xi32>
      %add3A_202 = arith.addi %add3A_201, %iota3A : vector<16xi32>
      %gather3A_203 = tpu.vector_load_idx %arg14[%add3A_202] : memref<16864xf32, #tpu.memory_space<vmem>>[vector<16xi32>], vector<16xf32>,
      %mul3A_204 = arith.constant 16 : i32
      %mul3A_205 = arith.muli %scan3A_89, %mul3A_204 : i32
      %add3A_206 = arith.constant 9 : i32
      %add3A_207 = arith.addi %mul3A_205, %add3A_206 : i32
      %swap3A_208 = arith.index_cast %add3A_207 : i32 to index
      %swap3A_209 = arith.constant 16 : index
      %swap3A_210 = tpu.vector_load %arg13[%swap3A_208, %swap3A_209] {strides = array<i32>} : memref<128x128xf32, #tpu.memory_space<vmem>>, vector<16xf32>,
      tpu.vector_store %arg13[%swap3A_208, %swap3A_209], %gather3A_203 {strides = array<i32>} : memref<128x128xf32, #tpu.memory_space<vmem>>, vector<16xf32>,
      %slice3A_211 = vector.extract_strided_slice %get3A_94 {offsets = [10], sizes = [1], strides = [1]} : vector<16xi32> to vector<1xi32>
      %squeeze3A_212 = vector.extract %slice3A_211[0] : i32 from vector<1xi32>
      %add3A_213 = vector.broadcast %squeeze3A_212 : i32 to vector<16xi32>
      %add3A_214 = arith.addi %add3A_213, %iota3A : vector<16xi32>
      %gather3A_215 = tpu.vector_load_idx %arg14[%add3A_214] : memref<16864xf32, #tpu.memory_space<vmem>>[vector<16xi32>], vector<16xf32>,
      %mul3A_216 = arith.constant 16 : i32
      %mul3A_217 = arith.muli %scan3A_89, %mul3A_216 : i32
      %add3A_218 = arith.constant 10 : i32
      %add3A_219 = arith.addi %mul3A_217, %add3A_218 : i32
      %swap3A_220 = arith.index_cast %add3A_219 : i32 to index
      %swap3A_221 = arith.constant 16 : index
      %swap3A_222 = tpu.vector_load %arg13[%swap3A_220, %swap3A_221] {strides = array<i32>} : memref<128x128xf32, #tpu.memory_space<vmem>>, vector<16xf32>,
      tpu.vector_store %arg13[%swap3A_220, %swap3A_221], %gather3A_215 {strides = array<i32>} : memref<128x128xf32, #tpu.memory_space<vmem>>, vector<16xf32>,
      %slice3A_223 = vector.extract_strided_slice %get3A_94 {offsets = [11], sizes = [1], strides = [1]} : vector<16xi32> to vector<1xi32>
      %squeeze3A_224 = vector.extract %slice3A_223[0] : i32 from vector<1xi32>
      %add3A_225 = vector.broadcast %squeeze3A_224 : i32 to vector<16xi32>
      %add3A_226 = arith.addi %add3A_225, %iota3A : vector<16xi32>
      %gather3A_227 = tpu.vector_load_idx %arg14[%add3A_226] : memref<16864xf32, #tpu.memory_space<vmem>>[vector<16xi32>], vector<16xf32>,
      %mul3A_228 = arith.constant 16 : i32
      %mul3A_229 = arith.muli %scan3A_89, %mul3A_228 : i32
      %add3A_230 = arith.constant 11 : i32
      %add3A_231 = arith.addi %mul3A_229, %add3A_230 : i32
      %swap3A_232 = arith.index_cast %add3A_231 : i32 to index
      %swap3A_233 = arith.constant 16 : index
      %swap3A_234 = tpu.vector_load %arg13[%swap3A_232, %swap3A_233] {strides = array<i32>} : memref<128x128xf32, #tpu.memory_space<vmem>>, vector<16xf32>,
      tpu.vector_store %arg13[%swap3A_232, %swap3A_233], %gather3A_227 {strides = array<i32>} : memref<128x128xf32, #tpu.memory_space<vmem>>, vector<16xf32>,
      %slice3A_235 = vector.extract_strided_slice %get3A_94 {offsets = [12], sizes = [1], strides = [1]} : vector<16xi32> to vector<1xi32>
      %squeeze3A_236 = vector.extract %slice3A_235[0] : i32 from vector<1xi32>
      %add3A_237 = vector.broadcast %squeeze3A_236 : i32 to vector<16xi32>
      %add3A_238 = arith.addi %add3A_237, %iota3A : vector<16xi32>
      %gather3A_239 = tpu.vector_load_idx %arg14[%add3A_238] : memref<16864xf32, #tpu.memory_space<vmem>>[vector<16xi32>], vector<16xf32>,
      %mul3A_240 = arith.constant 16 : i32
      %mul3A_241 = arith.muli %scan3A_89, %mul3A_240 : i32
      %add3A_242 = arith.constant 12 : i32
      %add3A_243 = arith.addi %mul3A_241, %add3A_242 : i32
      %swap3A_244 = arith.index_cast %add3A_243 : i32 to index
      %swap3A_245 = arith.constant 16 : index
      %swap3A_246 = tpu.vector_load %arg13[%swap3A_244, %swap3A_245] {strides = array<i32>} : memref<128x128xf32, #tpu.memory_space<vmem>>, vector<16xf32>,
      tpu.vector_store %arg13[%swap3A_244, %swap3A_245], %gather3A_239 {strides = array<i32>} : memref<128x128xf32, #tpu.memory_space<vmem>>, vector<16xf32>,
      %slice3A_247 = vector.extract_strided_slice %get3A_94 {offsets = [13], sizes = [1], strides = [1]} : vector<16xi32> to vector<1xi32>
      %squeeze3A_248 = vector.extract %slice3A_247[0] : i32 from vector<1xi32>
      %add3A_249 = vector.broadcast %squeeze3A_248 : i32 to vector<16xi32>
      %add3A_250 = arith.addi %add3A_249, %iota3A : vector<16xi32>
      %gather3A_251 = tpu.vector_load_idx %arg14[%add3A_250] : memref<16864xf32, #tpu.memory_space<vmem>>[vector<16xi32>], vector<16xf32>,
      %mul3A_252 = arith.constant 16 : i32
      %mul3A_253 = arith.muli %scan3A_89, %mul3A_252 : i32
      %add3A_254 = arith.constant 13 : i32
      %add3A_255 = arith.addi %mul3A_253, %add3A_254 : i32
      %swap3A_256 = arith.index_cast %add3A_255 : i32 to index
      %swap3A_257 = arith.constant 16 : index
      %swap3A_258 = tpu.vector_load %arg13[%swap3A_256, %swap3A_257] {strides = array<i32>} : memref<128x128xf32, #tpu.memory_space<vmem>>, vector<16xf32>,
      tpu.vector_store %arg13[%swap3A_256, %swap3A_257], %gather3A_251 {strides = array<i32>} : memref<128x128xf32, #tpu.memory_space<vmem>>, vector<16xf32>,
      %slice3A_259 = vector.extract_strided_slice %get3A_94 {offsets = [14], sizes = [1], strides = [1]} : vector<16xi32> to vector<1xi32>
      %squeeze3A_260 = vector.extract %slice3A_259[0] : i32 from vector<1xi32>
      %add3A_261 = vector.broadcast %squeeze3A_260 : i32 to vector<16xi32>
      %add3A_262 = arith.addi %add3A_261, %iota3A : vector<16xi32>
      %gather3A_263 = tpu.vector_load_idx %arg14[%add3A_262] : memref<16864xf32, #tpu.memory_space<vmem>>[vector<16xi32>], vector<16xf32>,
      %mul3A_264 = arith.constant 16 : i32
      %mul3A_265 = arith.muli %scan3A_89, %mul3A_264 : i32
      %add3A_266 = arith.constant 14 : i32
      %add3A_267 = arith.addi %mul3A_265, %add3A_266 : i32
      %swap3A_268 = arith.index_cast %add3A_267 : i32 to index
      %swap3A_269 = arith.constant 16 : index
      %swap3A_270 = tpu.vector_load %arg13[%swap3A_268, %swap3A_269] {strides = array<i32>} : memref<128x128xf32, #tpu.memory_space<vmem>>, vector<16xf32>,
      tpu.vector_store %arg13[%swap3A_268, %swap3A_269], %gather3A_263 {strides = array<i32>} : memref<128x128xf32, #tpu.memory_space<vmem>>, vector<16xf32>,
      %slice3A_271 = vector.extract_strided_slice %get3A_94 {offsets = [15], sizes = [1], strides = [1]} : vector<16xi32> to vector<1xi32>
      %squeeze3A_272 = vector.extract %slice3A_271[0] : i32 from vector<1xi32>
      %add3A_273 = vector.broadcast %squeeze3A_272 : i32 to vector<16xi32>
      %add3A_274 = arith.addi %add3A_273, %iota3A : vector<16xi32>
      %gather3A_275 = tpu.vector_load_idx %arg14[%add3A_274] : memref<16864xf32, #tpu.memory_space<vmem>>[vector<16xi32>], vector<16xf32>,
      %mul3A_276 = arith.constant 16 : i32
      %mul3A_277 = arith.muli %scan3A_89, %mul3A_276 : i32
      %add3A_278 = arith.constant 15 : i32
      %add3A_279 = arith.addi %mul3A_277, %add3A_278 : i32
      %swap3A_280 = arith.index_cast %add3A_279 : i32 to index
      %swap3A_281 = arith.constant 16 : index
      %swap3A_282 = tpu.vector_load %arg13[%swap3A_280, %swap3A_281] {strides = array<i32>} : memref<128x128xf32, #tpu.memory_space<vmem>>, vector<16xf32>,
      tpu.vector_store %arg13[%swap3A_280, %swap3A_281], %gather3A_275 {strides = array<i32>} : memref<128x128xf32, #tpu.memory_space<vmem>>, vector<16xf32>,
    }
    %scan3A_54 = arith.constant 8 : i32
    %scan3A_55 = arith.constant 0 : i32
    %scan3A_56 = arith.constant 8 : i32
    %scan3A_57 = arith.addi %scan3A_55, %scan3A_56 : i32
    %scan3A_58 = arith.constant 1 : i32
    scf.for %scan3A_89 = %scan3A_55 to %scan3A_57 step %scan3A_58  : i32 {
      %mul3A_90 = arith.constant 16 : i32
      %mul3A_91 = arith.muli %scan3A_89, %mul3A_90 : i32
      %add3A_92 = arith.constant 384 : i32
      %add3A_93 = arith.addi %add3A_92, %mul3A_91 : i32
      %get3A = arith.index_cast %add3A_93 : i32 to index
      %get3A_94 = tpu.vector_load %arg7[%get3A] {strides = array<i32>} : memref<512xi32, #tpu.memory_space<vmem>>, vector<16xi32>,
      %slice3A = vector.extract_strided_slice %get3A_94 {offsets = [0], sizes = [1], strides = [1]} : vector<16xi32> to vector<1xi32>
      %squeeze3A = vector.extract %slice3A[0] : i32 from vector<1xi32>
      %add3A_95 = vector.broadcast %squeeze3A : i32 to vector<16xi32>
      %add3A_96 = arith.addi %add3A_95, %iota3A : vector<16xi32>
      %gather3A = tpu.vector_load_idx %arg14[%add3A_96] : memref<16864xf32, #tpu.memory_space<vmem>>[vector<16xi32>], vector<16xf32>,
      %mul3A_97 = arith.constant 16 : i32
      %mul3A_98 = arith.muli %scan3A_89, %mul3A_97 : i32
      %add3A_99 = arith.constant 0 : i32
      %add3A_100 = arith.addi %mul3A_98, %add3A_99 : i32
      %swap3A = arith.index_cast %add3A_100 : i32 to index
      %swap3A_101 = arith.constant 32 : index
      %swap3A_102 = tpu.vector_load %arg13[%swap3A, %swap3A_101] {strides = array<i32>} : memref<128x128xf32, #tpu.memory_space<vmem>>, vector<16xf32>,
      tpu.vector_store %arg13[%swap3A, %swap3A_101], %gather3A {strides = array<i32>} : memref<128x128xf32, #tpu.memory_space<vmem>>, vector<16xf32>,
      %slice3A_103 = vector.extract_strided_slice %get3A_94 {offsets = [1], sizes = [1], strides = [1]} : vector<16xi32> to vector<1xi32>
      %squeeze3A_104 = vector.extract %slice3A_103[0] : i32 from vector<1xi32>
      %add3A_105 = vector.broadcast %squeeze3A_104 : i32 to vector<16xi32>
      %add3A_106 = arith.addi %add3A_105, %iota3A : vector<16xi32>
      %gather3A_107 = tpu.vector_load_idx %arg14[%add3A_106] : memref<16864xf32, #tpu.memory_space<vmem>>[vector<16xi32>], vector<16xf32>,
      %mul3A_108 = arith.constant 16 : i32
      %mul3A_109 = arith.muli %scan3A_89, %mul3A_108 : i32
      %add3A_110 = arith.constant 1 : i32
      %add3A_111 = arith.addi %mul3A_109, %add3A_110 : i32
      %swap3A_112 = arith.index_cast %add3A_111 : i32 to index
      %swap3A_113 = arith.constant 32 : index
      %swap3A_114 = tpu.vector_load %arg13[%swap3A_112, %swap3A_113] {strides = array<i32>} : memref<128x128xf32, #tpu.memory_space<vmem>>, vector<16xf32>,
      tpu.vector_store %arg13[%swap3A_112, %swap3A_113], %gather3A_107 {strides = array<i32>} : memref<128x128xf32, #tpu.memory_space<vmem>>, vector<16xf32>,
      %slice3A_115 = vector.extract_strided_slice %get3A_94 {offsets = [2], sizes = [1], strides = [1]} : vector<16xi32> to vector<1xi32>
      %squeeze3A_116 = vector.extract %slice3A_115[0] : i32 from vector<1xi32>
      %add3A_117 = vector.broadcast %squeeze3A_116 : i32 to vector<16xi32>
      %add3A_118 = arith.addi %add3A_117, %iota3A : vector<16xi32>
      %gather3A_119 = tpu.vector_load_idx %arg14[%add3A_118] : memref<16864xf32, #tpu.memory_space<vmem>>[vector<16xi32>], vector<16xf32>,
      %mul3A_120 = arith.constant 16 : i32
      %mul3A_121 = arith.muli %scan3A_89, %mul3A_120 : i32
      %add3A_122 = arith.constant 2 : i32
      %add3A_123 = arith.addi %mul3A_121, %add3A_122 : i32
      %swap3A_124 = arith.index_cast %add3A_123 : i32 to index
      %swap3A_125 = arith.constant 32 : index
      %swap3A_126 = tpu.vector_load %arg13[%swap3A_124, %swap3A_125] {strides = array<i32>} : memref<128x128xf32, #tpu.memory_space<vmem>>, vector<16xf32>,
      tpu.vector_store %arg13[%swap3A_124, %swap3A_125], %gather3A_119 {strides = array<i32>} : memref<128x128xf32, #tpu.memory_space<vmem>>, vector<16xf32>,
      %slice3A_127 = vector.extract_strided_slice %get3A_94 {offsets = [3], sizes = [1], strides = [1]} : vector<16xi32> to vector<1xi32>
      %squeeze3A_128 = vector.extract %slice3A_127[0] : i32 from vector<1xi32>
      %add3A_129 = vector.broadcast %squeeze3A_128 : i32 to vector<16xi32>
      %add3A_130 = arith.addi %add3A_129, %iota3A : vector<16xi32>
      %gather3A_131 = tpu.vector_load_idx %arg14[%add3A_130] : memref<16864xf32, #tpu.memory_space<vmem>>[vector<16xi32>], vector<16xf32>,
      %mul3A_132 = arith.constant 16 : i32
      %mul3A_133 = arith.muli %scan3A_89, %mul3A_132 : i32
      %add3A_134 = arith.constant 3 : i32
      %add3A_135 = arith.addi %mul3A_133, %add3A_134 : i32
      %swap3A_136 = arith.index_cast %add3A_135 : i32 to index
      %swap3A_137 = arith.constant 32 : index
      %swap3A_138 = tpu.vector_load %arg13[%swap3A_136, %swap3A_137] {strides = array<i32>} : memref<128x128xf32, #tpu.memory_space<vmem>>, vector<16xf32>,
      tpu.vector_store %arg13[%swap3A_136, %swap3A_137], %gather3A_131 {strides = array<i32>} : memref<128x128xf32, #tpu.memory_space<vmem>>, vector<16xf32>,
      %slice3A_139 = vector.extract_strided_slice %get3A_94 {offsets = [4], sizes = [1], strides = [1]} : vector<16xi32> to vector<1xi32>
      %squeeze3A_140 = vector.extract %slice3A_139[0] : i32 from vector<1xi32>
      %add3A_141 = vector.broadcast %squeeze3A_140 : i32 to vector<16xi32>
      %add3A_142 = arith.addi %add3A_141, %iota3A : vector<16xi32>
      %gather3A_143 = tpu.vector_load_idx %arg14[%add3A_142] : memref<16864xf32, #tpu.memory_space<vmem>>[vector<16xi32>], vector<16xf32>,
      %mul3A_144 = arith.constant 16 : i32
      %mul3A_145 = arith.muli %scan3A_89, %mul3A_144 : i32
      %add3A_146 = arith.constant 4 : i32
      %add3A_147 = arith.addi %mul3A_145, %add3A_146 : i32
      %swap3A_148 = arith.index_cast %add3A_147 : i32 to index
      %swap3A_149 = arith.constant 32 : index
      %swap3A_150 = tpu.vector_load %arg13[%swap3A_148, %swap3A_149] {strides = array<i32>} : memref<128x128xf32, #tpu.memory_space<vmem>>, vector<16xf32>,
      tpu.vector_store %arg13[%swap3A_148, %swap3A_149], %gather3A_143 {strides = array<i32>} : memref<128x128xf32, #tpu.memory_space<vmem>>, vector<16xf32>,
      %slice3A_151 = vector.extract_strided_slice %get3A_94 {offsets = [5], sizes = [1], strides = [1]} : vector<16xi32> to vector<1xi32>
      %squeeze3A_152 = vector.extract %slice3A_151[0] : i32 from vector<1xi32>
      %add3A_153 = vector.broadcast %squeeze3A_152 : i32 to vector<16xi32>
      %add3A_154 = arith.addi %add3A_153, %iota3A : vector<16xi32>
      %gather3A_155 = tpu.vector_load_idx %arg14[%add3A_154] : memref<16864xf32, #tpu.memory_space<vmem>>[vector<16xi32>], vector<16xf32>,
      %mul3A_156 = arith.constant 16 : i32
      %mul3A_157 = arith.muli %scan3A_89, %mul3A_156 : i32
      %add3A_158 = arith.constant 5 : i32
      %add3A_159 = arith.addi %mul3A_157, %add3A_158 : i32
      %swap3A_160 = arith.index_cast %add3A_159 : i32 to index
      %swap3A_161 = arith.constant 32 : index
      %swap3A_162 = tpu.vector_load %arg13[%swap3A_160, %swap3A_161] {strides = array<i32>} : memref<128x128xf32, #tpu.memory_space<vmem>>, vector<16xf32>,
      tpu.vector_store %arg13[%swap3A_160, %swap3A_161], %gather3A_155 {strides = array<i32>} : memref<128x128xf32, #tpu.memory_space<vmem>>, vector<16xf32>,
      %slice3A_163 = vector.extract_strided_slice %get3A_94 {offsets = [6], sizes = [1], strides = [1]} : vector<16xi32> to vector<1xi32>
      %squeeze3A_164 = vector.extract %slice3A_163[0] : i32 from vector<1xi32>
      %add3A_165 = vector.broadcast %squeeze3A_164 : i32 to vector<16xi32>
      %add3A_166 = arith.addi %add3A_165, %iota3A : vector<16xi32>
      %gather3A_167 = tpu.vector_load_idx %arg14[%add3A_166] : memref<16864xf32, #tpu.memory_space<vmem>>[vector<16xi32>], vector<16xf32>,
      %mul3A_168 = arith.constant 16 : i32
      %mul3A_169 = arith.muli %scan3A_89, %mul3A_168 : i32
      %add3A_170 = arith.constant 6 : i32
      %add3A_171 = arith.addi %mul3A_169, %add3A_170 : i32
      %swap3A_172 = arith.index_cast %add3A_171 : i32 to index
      %swap3A_173 = arith.constant 32 : index
      %swap3A_174 = tpu.vector_load %arg13[%swap3A_172, %swap3A_173] {strides = array<i32>} : memref<128x128xf32, #tpu.memory_space<vmem>>, vector<16xf32>,
      tpu.vector_store %arg13[%swap3A_172, %swap3A_173], %gather3A_167 {strides = array<i32>} : memref<128x128xf32, #tpu.memory_space<vmem>>, vector<16xf32>,
      %slice3A_175 = vector.extract_strided_slice %get3A_94 {offsets = [7], sizes = [1], strides = [1]} : vector<16xi32> to vector<1xi32>
      %squeeze3A_176 = vector.extract %slice3A_175[0] : i32 from vector<1xi32>
      %add3A_177 = vector.broadcast %squeeze3A_176 : i32 to vector<16xi32>
      %add3A_178 = arith.addi %add3A_177, %iota3A : vector<16xi32>
      %gather3A_179 = tpu.vector_load_idx %arg14[%add3A_178] : memref<16864xf32, #tpu.memory_space<vmem>>[vector<16xi32>], vector<16xf32>,
      %mul3A_180 = arith.constant 16 : i32
      %mul3A_181 = arith.muli %scan3A_89, %mul3A_180 : i32
      %add3A_182 = arith.constant 7 : i32
      %add3A_183 = arith.addi %mul3A_181, %add3A_182 : i32
      %swap3A_184 = arith.index_cast %add3A_183 : i32 to index
      %swap3A_185 = arith.constant 32 : index
      %swap3A_186 = tpu.vector_load %arg13[%swap3A_184, %swap3A_185] {strides = array<i32>} : memref<128x128xf32, #tpu.memory_space<vmem>>, vector<16xf32>,
      tpu.vector_store %arg13[%swap3A_184, %swap3A_185], %gather3A_179 {strides = array<i32>} : memref<128x128xf32, #tpu.memory_space<vmem>>, vector<16xf32>,
      %slice3A_187 = vector.extract_strided_slice %get3A_94 {offsets = [8], sizes = [1], strides = [1]} : vector<16xi32> to vector<1xi32>
      %squeeze3A_188 = vector.extract %slice3A_187[0] : i32 from vector<1xi32>
      %add3A_189 = vector.broadcast %squeeze3A_188 : i32 to vector<16xi32>
      %add3A_190 = arith.addi %add3A_189, %iota3A : vector<16xi32>
      %gather3A_191 = tpu.vector_load_idx %arg14[%add3A_190] : memref<16864xf32, #tpu.memory_space<vmem>>[vector<16xi32>], vector<16xf32>,
      %mul3A_192 = arith.constant 16 : i32
      %mul3A_193 = arith.muli %scan3A_89, %mul3A_192 : i32
      %add3A_194 = arith.constant 8 : i32
      %add3A_195 = arith.addi %mul3A_193, %add3A_194 : i32
      %swap3A_196 = arith.index_cast %add3A_195 : i32 to index
      %swap3A_197 = arith.constant 32 : index
      %swap3A_198 = tpu.vector_load %arg13[%swap3A_196, %swap3A_197] {strides = array<i32>} : memref<128x128xf32, #tpu.memory_space<vmem>>, vector<16xf32>,
      tpu.vector_store %arg13[%swap3A_196, %swap3A_197], %gather3A_191 {strides = array<i32>} : memref<128x128xf32, #tpu.memory_space<vmem>>, vector<16xf32>,
      %slice3A_199 = vector.extract_strided_slice %get3A_94 {offsets = [9], sizes = [1], strides = [1]} : vector<16xi32> to vector<1xi32>
      %squeeze3A_200 = vector.extract %slice3A_199[0] : i32 from vector<1xi32>
      %add3A_201 = vector.broadcast %squeeze3A_200 : i32 to vector<16xi32>
      %add3A_202 = arith.addi %add3A_201, %iota3A : vector<16xi32>
      %gather3A_203 = tpu.vector_load_idx %arg14[%add3A_202] : memref<16864xf32, #tpu.memory_space<vmem>>[vector<16xi32>], vector<16xf32>,
      %mul3A_204 = arith.constant 16 : i32
      %mul3A_205 = arith.muli %scan3A_89, %mul3A_204 : i32
      %add3A_206 = arith.constant 9 : i32
      %add3A_207 = arith.addi %mul3A_205, %add3A_206 : i32
      %swap3A_208 = arith.index_cast %add3A_207 : i32 to index
      %swap3A_209 = arith.constant 32 : index
      %swap3A_210 = tpu.vector_load %arg13[%swap3A_208, %swap3A_209] {strides = array<i32>} : memref<128x128xf32, #tpu.memory_space<vmem>>, vector<16xf32>,
      tpu.vector_store %arg13[%swap3A_208, %swap3A_209], %gather3A_203 {strides = array<i32>} : memref<128x128xf32, #tpu.memory_space<vmem>>, vector<16xf32>,
      %slice3A_211 = vector.extract_strided_slice %get3A_94 {offsets = [10], sizes = [1], strides = [1]} : vector<16xi32> to vector<1xi32>
      %squeeze3A_212 = vector.extract %slice3A_211[0] : i32 from vector<1xi32>
      %add3A_213 = vector.broadcast %squeeze3A_212 : i32 to vector<16xi32>
      %add3A_214 = arith.addi %add3A_213, %iota3A : vector<16xi32>
      %gather3A_215 = tpu.vector_load_idx %arg14[%add3A_214] : memref<16864xf32, #tpu.memory_space<vmem>>[vector<16xi32>], vector<16xf32>,
      %mul3A_216 = arith.constant 16 : i32
      %mul3A_217 = arith.muli %scan3A_89, %mul3A_216 : i32
      %add3A_218 = arith.constant 10 : i32
      %add3A_219 = arith.addi %mul3A_217, %add3A_218 : i32
      %swap3A_220 = arith.index_cast %add3A_219 : i32 to index
      %swap3A_221 = arith.constant 32 : index
      %swap3A_222 = tpu.vector_load %arg13[%swap3A_220, %swap3A_221] {strides = array<i32>} : memref<128x128xf32, #tpu.memory_space<vmem>>, vector<16xf32>,
      tpu.vector_store %arg13[%swap3A_220, %swap3A_221], %gather3A_215 {strides = array<i32>} : memref<128x128xf32, #tpu.memory_space<vmem>>, vector<16xf32>,
      %slice3A_223 = vector.extract_strided_slice %get3A_94 {offsets = [11], sizes = [1], strides = [1]} : vector<16xi32> to vector<1xi32>
      %squeeze3A_224 = vector.extract %slice3A_223[0] : i32 from vector<1xi32>
      %add3A_225 = vector.broadcast %squeeze3A_224 : i32 to vector<16xi32>
      %add3A_226 = arith.addi %add3A_225, %iota3A : vector<16xi32>
      %gather3A_227 = tpu.vector_load_idx %arg14[%add3A_226] : memref<16864xf32, #tpu.memory_space<vmem>>[vector<16xi32>], vector<16xf32>,
      %mul3A_228 = arith.constant 16 : i32
      %mul3A_229 = arith.muli %scan3A_89, %mul3A_228 : i32
      %add3A_230 = arith.constant 11 : i32
      %add3A_231 = arith.addi %mul3A_229, %add3A_230 : i32
      %swap3A_232 = arith.index_cast %add3A_231 : i32 to index
      %swap3A_233 = arith.constant 32 : index
      %swap3A_234 = tpu.vector_load %arg13[%swap3A_232, %swap3A_233] {strides = array<i32>} : memref<128x128xf32, #tpu.memory_space<vmem>>, vector<16xf32>,
      tpu.vector_store %arg13[%swap3A_232, %swap3A_233], %gather3A_227 {strides = array<i32>} : memref<128x128xf32, #tpu.memory_space<vmem>>, vector<16xf32>,
      %slice3A_235 = vector.extract_strided_slice %get3A_94 {offsets = [12], sizes = [1], strides = [1]} : vector<16xi32> to vector<1xi32>
      %squeeze3A_236 = vector.extract %slice3A_235[0] : i32 from vector<1xi32>
      %add3A_237 = vector.broadcast %squeeze3A_236 : i32 to vector<16xi32>
      %add3A_238 = arith.addi %add3A_237, %iota3A : vector<16xi32>
      %gather3A_239 = tpu.vector_load_idx %arg14[%add3A_238] : memref<16864xf32, #tpu.memory_space<vmem>>[vector<16xi32>], vector<16xf32>,
      %mul3A_240 = arith.constant 16 : i32
      %mul3A_241 = arith.muli %scan3A_89, %mul3A_240 : i32
      %add3A_242 = arith.constant 12 : i32
      %add3A_243 = arith.addi %mul3A_241, %add3A_242 : i32
      %swap3A_244 = arith.index_cast %add3A_243 : i32 to index
      %swap3A_245 = arith.constant 32 : index
      %swap3A_246 = tpu.vector_load %arg13[%swap3A_244, %swap3A_245] {strides = array<i32>} : memref<128x128xf32, #tpu.memory_space<vmem>>, vector<16xf32>,
      tpu.vector_store %arg13[%swap3A_244, %swap3A_245], %gather3A_239 {strides = array<i32>} : memref<128x128xf32, #tpu.memory_space<vmem>>, vector<16xf32>,
      %slice3A_247 = vector.extract_strided_slice %get3A_94 {offsets = [13], sizes = [1], strides = [1]} : vector<16xi32> to vector<1xi32>
      %squeeze3A_248 = vector.extract %slice3A_247[0] : i32 from vector<1xi32>
      %add3A_249 = vector.broadcast %squeeze3A_248 : i32 to vector<16xi32>
      %add3A_250 = arith.addi %add3A_249, %iota3A : vector<16xi32>
      %gather3A_251 = tpu.vector_load_idx %arg14[%add3A_250] : memref<16864xf32, #tpu.memory_space<vmem>>[vector<16xi32>], vector<16xf32>,
      %mul3A_252 = arith.constant 16 : i32
      %mul3A_253 = arith.muli %scan3A_89, %mul3A_252 : i32
      %add3A_254 = arith.constant 13 : i32
      %add3A_255 = arith.addi %mul3A_253, %add3A_254 : i32
      %swap3A_256 = arith.index_cast %add3A_255 : i32 to index
      %swap3A_257 = arith.constant 32 : index
      %swap3A_258 = tpu.vector_load %arg13[%swap3A_256, %swap3A_257] {strides = array<i32>} : memref<128x128xf32, #tpu.memory_space<vmem>>, vector<16xf32>,
      tpu.vector_store %arg13[%swap3A_256, %swap3A_257], %gather3A_251 {strides = array<i32>} : memref<128x128xf32, #tpu.memory_space<vmem>>, vector<16xf32>,
      %slice3A_259 = vector.extract_strided_slice %get3A_94 {offsets = [14], sizes = [1], strides = [1]} : vector<16xi32> to vector<1xi32>
      %squeeze3A_260 = vector.extract %slice3A_259[0] : i32 from vector<1xi32>
      %add3A_261 = vector.broadcast %squeeze3A_260 : i32 to vector<16xi32>
      %add3A_262 = arith.addi %add3A_261, %iota3A : vector<16xi32>
      %gather3A_263 = tpu.vector_load_idx %arg14[%add3A_262] : memref<16864xf32, #tpu.memory_space<vmem>>[vector<16xi32>], vector<16xf32>,
      %mul3A_264 = arith.constant 16 : i32
      %mul3A_265 = arith.muli %scan3A_89, %mul3A_264 : i32
      %add3A_266 = arith.constant 14 : i32
      %add3A_267 = arith.addi %mul3A_265, %add3A_266 : i32
      %swap3A_268 = arith.index_cast %add3A_267 : i32 to index
      %swap3A_269 = arith.constant 32 : index
      %swap3A_270 = tpu.vector_load %arg13[%swap3A_268, %swap3A_269] {strides = array<i32>} : memref<128x128xf32, #tpu.memory_space<vmem>>, vector<16xf32>,
      tpu.vector_store %arg13[%swap3A_268, %swap3A_269], %gather3A_263 {strides = array<i32>} : memref<128x128xf32, #tpu.memory_space<vmem>>, vector<16xf32>,
      %slice3A_271 = vector.extract_strided_slice %get3A_94 {offsets = [15], sizes = [1], strides = [1]} : vector<16xi32> to vector<1xi32>
      %squeeze3A_272 = vector.extract %slice3A_271[0] : i32 from vector<1xi32>
      %add3A_273 = vector.broadcast %squeeze3A_272 : i32 to vector<16xi32>
      %add3A_274 = arith.addi %add3A_273, %iota3A : vector<16xi32>
      %gather3A_275 = tpu.vector_load_idx %arg14[%add3A_274] : memref<16864xf32, #tpu.memory_space<vmem>>[vector<16xi32>], vector<16xf32>,
      %mul3A_276 = arith.constant 16 : i32
      %mul3A_277 = arith.muli %scan3A_89, %mul3A_276 : i32
      %add3A_278 = arith.constant 15 : i32
      %add3A_279 = arith.addi %mul3A_277, %add3A_278 : i32
      %swap3A_280 = arith.index_cast %add3A_279 : i32 to index
      %swap3A_281 = arith.constant 32 : index
      %swap3A_282 = tpu.vector_load %arg13[%swap3A_280, %swap3A_281] {strides = array<i32>} : memref<128x128xf32, #tpu.memory_space<vmem>>, vector<16xf32>,
      tpu.vector_store %arg13[%swap3A_280, %swap3A_281], %gather3A_275 {strides = array<i32>} : memref<128x128xf32, #tpu.memory_space<vmem>>, vector<16xf32>,
    }
    %scan3A_59 = arith.constant 8 : i32
    %dma_wait3A_60 = arith.constant 0 : i32
    %dma_wait3A_61 = tpu.memref_slice %arg7[%dma_wait3A_60] : memref<512xi32, #tpu.memory_space<vmem>> -> memref<128xi32, #tpu.memory_space<vmem>>
    %dma_wait3A_62 = arith.constant 0 : i32
    %dma_wait3A_63 = arith.constant 0 : i32
    %dma_wait3A_64 = tpu.memref_slice %arg3[%dma_wait3A_62, %dma_wait3A_63] : memref<100000x128xf32, #tpu.memory_space<hbm>> -> memref<100000x128xf32, #tpu.memory_space<hbm>>
    tpu.wait_indirect_dma semaphore(%arg15 : memref<!tpu.dma_semaphore, #tpu.memory_space<semaphore_mem>>) src(%dma_wait3A_64 : memref<100000x128xf32, #tpu.memory_space<hbm>>) dst(%arg10 : memref<128x128xf32, #tpu.memory_space<vmem>>)
    %add3A_65 = arith.constant 6144 : i32
    %add3A_66 = arith.addi %mul3A_2, %add3A_65 : i32
    "tpu.region"() ({
      %run_scoped3A = tpu.sem_alloc : memref<!tpu.dma_semaphore, #tpu.memory_space<semaphore_mem>>
      %dma_start3A_89 = arith.constant 0 : i32
      %dma_start3A_90 = tpu.memref_slice %arg5[%add3A_66, %dma_start3A_89] : memref<204800x128xf32, #tpu.memory_space<hbm>> -> memref<128x128xf32, #tpu.memory_space<hbm>>
      %dma_start3A_91 = arith.constant 0 : i32
      %dma_start3A_92 = tpu.memref_slice %arg5[%add3A_66, %dma_start3A_91] : memref<204800x128xf32, #tpu.memory_space<hbm>> -> memref<128x128xf32, #tpu.memory_space<hbm>>
      tpu.enqueue_dma source(%arg10 : memref<128x128xf32, #tpu.memory_space<vmem>>) target(%dma_start3A_92 : memref<128x128xf32, #tpu.memory_space<hbm>>) target_semaphore(%run_scoped3A : memref<!tpu.dma_semaphore, #tpu.memory_space<semaphore_mem>>)
      %dma_wait3A_93 = arith.constant 0 : i32
      %dma_wait3A_94 = tpu.memref_slice %arg5[%add3A_66, %dma_wait3A_93] : memref<204800x128xf32, #tpu.memory_space<hbm>> -> memref<128x128xf32, #tpu.memory_space<hbm>>
      %dma_wait3A_95 = arith.constant 0 : i32
      %dma_wait3A_96 = tpu.memref_slice %arg5[%add3A_66, %dma_wait3A_95] : memref<204800x128xf32, #tpu.memory_space<hbm>> -> memref<128x128xf32, #tpu.memory_space<hbm>>
      tpu.wait_dma2 semaphore(%run_scoped3A : memref<!tpu.dma_semaphore, #tpu.memory_space<semaphore_mem>>) src(%arg10 : memref<128x128xf32, #tpu.memory_space<vmem>>) dst(%dma_wait3A_96 : memref<128x128xf32, #tpu.memory_space<hbm>>)
      tpu.yield
    }) : () -> ()
    "tpu.region"() ({
      %run_scoped3A = tpu.sem_alloc : memref<!tpu.dma_semaphore, #tpu.memory_space<semaphore_mem>>
      %dma_start3A_89 = arith.constant 0 : i32
      %dma_start3A_90 = tpu.memref_slice %arg6[%add3A_66, %dma_start3A_89] : memref<204800x128xf32, #tpu.memory_space<hbm>> -> memref<128x128xf32, #tpu.memory_space<hbm>>
      %dma_start3A_91 = arith.constant 0 : i32
      %dma_start3A_92 = tpu.memref_slice %arg6[%add3A_66, %dma_start3A_91] : memref<204800x128xf32, #tpu.memory_space<hbm>> -> memref<128x128xf32, #tpu.memory_space<hbm>>
      tpu.enqueue_dma source(%arg13 : memref<128x128xf32, #tpu.memory_space<vmem>>) target(%dma_start3A_92 : memref<128x128xf32, #tpu.memory_space<hbm>>) target_semaphore(%run_scoped3A : memref<!tpu.dma_semaphore, #tpu.memory_space<semaphore_mem>>)
      %dma_wait3A_93 = arith.constant 0 : i32
      %dma_wait3A_94 = tpu.memref_slice %arg6[%add3A_66, %dma_wait3A_93] : memref<204800x128xf32, #tpu.memory_space<hbm>> -> memref<128x128xf32, #tpu.memory_space<hbm>>
      %dma_wait3A_95 = arith.constant 0 : i32
      %dma_wait3A_96 = tpu.memref_slice %arg6[%add3A_66, %dma_wait3A_95] : memref<204800x128xf32, #tpu.memory_space<hbm>> -> memref<128x128xf32, #tpu.memory_space<hbm>>
      tpu.wait_dma2 semaphore(%run_scoped3A : memref<!tpu.dma_semaphore, #tpu.memory_space<semaphore_mem>>) src(%arg13 : memref<128x128xf32, #tpu.memory_space<vmem>>) dst(%dma_wait3A_96 : memref<128x128xf32, #tpu.memory_space<hbm>>)
      tpu.yield
    }) : () -> ()
    %scan3A_67 = arith.constant 0 : i32
    %scan3A_68 = arith.constant 8 : i32
    %scan3A_69 = arith.addi %scan3A_67, %scan3A_68 : i32
    %scan3A_70 = arith.constant 1 : i32
    scf.for %scan3A_89 = %scan3A_67 to %scan3A_69 step %scan3A_70  : i32 {
      %mul3A_90 = arith.constant 16 : i32
      %mul3A_91 = arith.muli %scan3A_89, %mul3A_90 : i32
      %add3A_92 = arith.constant 128 : i32
      %add3A_93 = arith.addi %add3A_92, %mul3A_91 : i32
      %get3A = arith.index_cast %add3A_93 : i32 to index
      %get3A_94 = tpu.vector_load %arg8[%get3A] {strides = array<i32>} : memref<512xi32, #tpu.memory_space<vmem>>, vector<16xi32>,
      %slice3A = vector.extract_strided_slice %get3A_94 {offsets = [0], sizes = [1], strides = [1]} : vector<16xi32> to vector<1xi32>
      %squeeze3A = vector.extract %slice3A[0] : i32 from vector<1xi32>
      %add3A_95 = vector.broadcast %squeeze3A : i32 to vector<16xi32>
      %add3A_96 = arith.addi %add3A_95, %iota3A : vector<16xi32>
      %gather3A = tpu.vector_load_idx %arg14[%add3A_96] : memref<16864xf32, #tpu.memory_space<vmem>>[vector<16xi32>], vector<16xf32>,
      %mul3A_97 = arith.constant 16 : i32
      %mul3A_98 = arith.muli %scan3A_89, %mul3A_97 : i32
      %add3A_99 = arith.constant 0 : i32
      %add3A_100 = arith.addi %mul3A_98, %add3A_99 : i32
      %swap3A = arith.index_cast %add3A_100 : i32 to index
      %swap3A_101 = arith.constant 0 : index
      %swap3A_102 = tpu.vector_load %arg13[%swap3A, %swap3A_101] {strides = array<i32>} : memref<128x128xf32, #tpu.memory_space<vmem>>, vector<16xf32>,
      tpu.vector_store %arg13[%swap3A, %swap3A_101], %gather3A {strides = array<i32>} : memref<128x128xf32, #tpu.memory_space<vmem>>, vector<16xf32>,
      %slice3A_103 = vector.extract_strided_slice %get3A_94 {offsets = [1], sizes = [1], strides = [1]} : vector<16xi32> to vector<1xi32>
      %squeeze3A_104 = vector.extract %slice3A_103[0] : i32 from vector<1xi32>
      %add3A_105 = vector.broadcast %squeeze3A_104 : i32 to vector<16xi32>
      %add3A_106 = arith.addi %add3A_105, %iota3A : vector<16xi32>
      %gather3A_107 = tpu.vector_load_idx %arg14[%add3A_106] : memref<16864xf32, #tpu.memory_space<vmem>>[vector<16xi32>], vector<16xf32>,
      %mul3A_108 = arith.constant 16 : i32
      %mul3A_109 = arith.muli %scan3A_89, %mul3A_108 : i32
      %add3A_110 = arith.constant 1 : i32
      %add3A_111 = arith.addi %mul3A_109, %add3A_110 : i32
      %swap3A_112 = arith.index_cast %add3A_111 : i32 to index
      %swap3A_113 = arith.constant 0 : index
      %swap3A_114 = tpu.vector_load %arg13[%swap3A_112, %swap3A_113] {strides = array<i32>} : memref<128x128xf32, #tpu.memory_space<vmem>>, vector<16xf32>,
      tpu.vector_store %arg13[%swap3A_112, %swap3A_113], %gather3A_107 {strides = array<i32>} : memref<128x128xf32, #tpu.memory_space<vmem>>, vector<16xf32>,
      %slice3A_115 = vector.extract_strided_slice %get3A_94 {offsets = [2], sizes = [1], strides = [1]} : vector<16xi32> to vector<1xi32>
      %squeeze3A_116 = vector.extract %slice3A_115[0] : i32 from vector<1xi32>
      %add3A_117 = vector.broadcast %squeeze3A_116 : i32 to vector<16xi32>
      %add3A_118 = arith.addi %add3A_117, %iota3A : vector<16xi32>
      %gather3A_119 = tpu.vector_load_idx %arg14[%add3A_118] : memref<16864xf32, #tpu.memory_space<vmem>>[vector<16xi32>], vector<16xf32>,
      %mul3A_120 = arith.constant 16 : i32
      %mul3A_121 = arith.muli %scan3A_89, %mul3A_120 : i32
      %add3A_122 = arith.constant 2 : i32
      %add3A_123 = arith.addi %mul3A_121, %add3A_122 : i32
      %swap3A_124 = arith.index_cast %add3A_123 : i32 to index
      %swap3A_125 = arith.constant 0 : index
      %swap3A_126 = tpu.vector_load %arg13[%swap3A_124, %swap3A_125] {strides = array<i32>} : memref<128x128xf32, #tpu.memory_space<vmem>>, vector<16xf32>,
      tpu.vector_store %arg13[%swap3A_124, %swap3A_125], %gather3A_119 {strides = array<i32>} : memref<128x128xf32, #tpu.memory_space<vmem>>, vector<16xf32>,
      %slice3A_127 = vector.extract_strided_slice %get3A_94 {offsets = [3], sizes = [1], strides = [1]} : vector<16xi32> to vector<1xi32>
      %squeeze3A_128 = vector.extract %slice3A_127[0] : i32 from vector<1xi32>
      %add3A_129 = vector.broadcast %squeeze3A_128 : i32 to vector<16xi32>
      %add3A_130 = arith.addi %add3A_129, %iota3A : vector<16xi32>
      %gather3A_131 = tpu.vector_load_idx %arg14[%add3A_130] : memref<16864xf32, #tpu.memory_space<vmem>>[vector<16xi32>], vector<16xf32>,
      %mul3A_132 = arith.constant 16 : i32
      %mul3A_133 = arith.muli %scan3A_89, %mul3A_132 : i32
      %add3A_134 = arith.constant 3 : i32
      %add3A_135 = arith.addi %mul3A_133, %add3A_134 : i32
      %swap3A_136 = arith.index_cast %add3A_135 : i32 to index
      %swap3A_137 = arith.constant 0 : index
      %swap3A_138 = tpu.vector_load %arg13[%swap3A_136, %swap3A_137] {strides = array<i32>} : memref<128x128xf32, #tpu.memory_space<vmem>>, vector<16xf32>,
      tpu.vector_store %arg13[%swap3A_136, %swap3A_137], %gather3A_131 {strides = array<i32>} : memref<128x128xf32, #tpu.memory_space<vmem>>, vector<16xf32>,
      %slice3A_139 = vector.extract_strided_slice %get3A_94 {offsets = [4], sizes = [1], strides = [1]} : vector<16xi32> to vector<1xi32>
      %squeeze3A_140 = vector.extract %slice3A_139[0] : i32 from vector<1xi32>
      %add3A_141 = vector.broadcast %squeeze3A_140 : i32 to vector<16xi32>
      %add3A_142 = arith.addi %add3A_141, %iota3A : vector<16xi32>
      %gather3A_143 = tpu.vector_load_idx %arg14[%add3A_142] : memref<16864xf32, #tpu.memory_space<vmem>>[vector<16xi32>], vector<16xf32>,
      %mul3A_144 = arith.constant 16 : i32
      %mul3A_145 = arith.muli %scan3A_89, %mul3A_144 : i32
      %add3A_146 = arith.constant 4 : i32
      %add3A_147 = arith.addi %mul3A_145, %add3A_146 : i32
      %swap3A_148 = arith.index_cast %add3A_147 : i32 to index
      %swap3A_149 = arith.constant 0 : index
      %swap3A_150 = tpu.vector_load %arg13[%swap3A_148, %swap3A_149] {strides = array<i32>} : memref<128x128xf32, #tpu.memory_space<vmem>>, vector<16xf32>,
      tpu.vector_store %arg13[%swap3A_148, %swap3A_149], %gather3A_143 {strides = array<i32>} : memref<128x128xf32, #tpu.memory_space<vmem>>, vector<16xf32>,
      %slice3A_151 = vector.extract_strided_slice %get3A_94 {offsets = [5], sizes = [1], strides = [1]} : vector<16xi32> to vector<1xi32>
      %squeeze3A_152 = vector.extract %slice3A_151[0] : i32 from vector<1xi32>
      %add3A_153 = vector.broadcast %squeeze3A_152 : i32 to vector<16xi32>
      %add3A_154 = arith.addi %add3A_153, %iota3A : vector<16xi32>
      %gather3A_155 = tpu.vector_load_idx %arg14[%add3A_154] : memref<16864xf32, #tpu.memory_space<vmem>>[vector<16xi32>], vector<16xf32>,
      %mul3A_156 = arith.constant 16 : i32
      %mul3A_157 = arith.muli %scan3A_89, %mul3A_156 : i32
      %add3A_158 = arith.constant 5 : i32
      %add3A_159 = arith.addi %mul3A_157, %add3A_158 : i32
      %swap3A_160 = arith.index_cast %add3A_159 : i32 to index
      %swap3A_161 = arith.constant 0 : index
      %swap3A_162 = tpu.vector_load %arg13[%swap3A_160, %swap3A_161] {strides = array<i32>} : memref<128x128xf32, #tpu.memory_space<vmem>>, vector<16xf32>,
      tpu.vector_store %arg13[%swap3A_160, %swap3A_161], %gather3A_155 {strides = array<i32>} : memref<128x128xf32, #tpu.memory_space<vmem>>, vector<16xf32>,
      %slice3A_163 = vector.extract_strided_slice %get3A_94 {offsets = [6], sizes = [1], strides = [1]} : vector<16xi32> to vector<1xi32>
      %squeeze3A_164 = vector.extract %slice3A_163[0] : i32 from vector<1xi32>
      %add3A_165 = vector.broadcast %squeeze3A_164 : i32 to vector<16xi32>
      %add3A_166 = arith.addi %add3A_165, %iota3A : vector<16xi32>
      %gather3A_167 = tpu.vector_load_idx %arg14[%add3A_166] : memref<16864xf32, #tpu.memory_space<vmem>>[vector<16xi32>], vector<16xf32>,
      %mul3A_168 = arith.constant 16 : i32
      %mul3A_169 = arith.muli %scan3A_89, %mul3A_168 : i32
      %add3A_170 = arith.constant 6 : i32
      %add3A_171 = arith.addi %mul3A_169, %add3A_170 : i32
      %swap3A_172 = arith.index_cast %add3A_171 : i32 to index
      %swap3A_173 = arith.constant 0 : index
      %swap3A_174 = tpu.vector_load %arg13[%swap3A_172, %swap3A_173] {strides = array<i32>} : memref<128x128xf32, #tpu.memory_space<vmem>>, vector<16xf32>,
      tpu.vector_store %arg13[%swap3A_172, %swap3A_173], %gather3A_167 {strides = array<i32>} : memref<128x128xf32, #tpu.memory_space<vmem>>, vector<16xf32>,
      %slice3A_175 = vector.extract_strided_slice %get3A_94 {offsets = [7], sizes = [1], strides = [1]} : vector<16xi32> to vector<1xi32>
      %squeeze3A_176 = vector.extract %slice3A_175[0] : i32 from vector<1xi32>
      %add3A_177 = vector.broadcast %squeeze3A_176 : i32 to vector<16xi32>
      %add3A_178 = arith.addi %add3A_177, %iota3A : vector<16xi32>
      %gather3A_179 = tpu.vector_load_idx %arg14[%add3A_178] : memref<16864xf32, #tpu.memory_space<vmem>>[vector<16xi32>], vector<16xf32>,
      %mul3A_180 = arith.constant 16 : i32
      %mul3A_181 = arith.muli %scan3A_89, %mul3A_180 : i32
      %add3A_182 = arith.constant 7 : i32
      %add3A_183 = arith.addi %mul3A_181, %add3A_182 : i32
      %swap3A_184 = arith.index_cast %add3A_183 : i32 to index
      %swap3A_185 = arith.constant 0 : index
      %swap3A_186 = tpu.vector_load %arg13[%swap3A_184, %swap3A_185] {strides = array<i32>} : memref<128x128xf32, #tpu.memory_space<vmem>>, vector<16xf32>,
      tpu.vector_store %arg13[%swap3A_184, %swap3A_185], %gather3A_179 {strides = array<i32>} : memref<128x128xf32, #tpu.memory_space<vmem>>, vector<16xf32>,
      %slice3A_187 = vector.extract_strided_slice %get3A_94 {offsets = [8], sizes = [1], strides = [1]} : vector<16xi32> to vector<1xi32>
      %squeeze3A_188 = vector.extract %slice3A_187[0] : i32 from vector<1xi32>
      %add3A_189 = vector.broadcast %squeeze3A_188 : i32 to vector<16xi32>
      %add3A_190 = arith.addi %add3A_189, %iota3A : vector<16xi32>
      %gather3A_191 = tpu.vector_load_idx %arg14[%add3A_190] : memref<16864xf32, #tpu.memory_space<vmem>>[vector<16xi32>], vector<16xf32>,
      %mul3A_192 = arith.constant 16 : i32
      %mul3A_193 = arith.muli %scan3A_89, %mul3A_192 : i32
      %add3A_194 = arith.constant 8 : i32
      %add3A_195 = arith.addi %mul3A_193, %add3A_194 : i32
      %swap3A_196 = arith.index_cast %add3A_195 : i32 to index
      %swap3A_197 = arith.constant 0 : index
      %swap3A_198 = tpu.vector_load %arg13[%swap3A_196, %swap3A_197] {strides = array<i32>} : memref<128x128xf32, #tpu.memory_space<vmem>>, vector<16xf32>,
      tpu.vector_store %arg13[%swap3A_196, %swap3A_197], %gather3A_191 {strides = array<i32>} : memref<128x128xf32, #tpu.memory_space<vmem>>, vector<16xf32>,
      %slice3A_199 = vector.extract_strided_slice %get3A_94 {offsets = [9], sizes = [1], strides = [1]} : vector<16xi32> to vector<1xi32>
      %squeeze3A_200 = vector.extract %slice3A_199[0] : i32 from vector<1xi32>
      %add3A_201 = vector.broadcast %squeeze3A_200 : i32 to vector<16xi32>
      %add3A_202 = arith.addi %add3A_201, %iota3A : vector<16xi32>
      %gather3A_203 = tpu.vector_load_idx %arg14[%add3A_202] : memref<16864xf32, #tpu.memory_space<vmem>>[vector<16xi32>], vector<16xf32>,
      %mul3A_204 = arith.constant 16 : i32
      %mul3A_205 = arith.muli %scan3A_89, %mul3A_204 : i32
      %add3A_206 = arith.constant 9 : i32
      %add3A_207 = arith.addi %mul3A_205, %add3A_206 : i32
      %swap3A_208 = arith.index_cast %add3A_207 : i32 to index
      %swap3A_209 = arith.constant 0 : index
      %swap3A_210 = tpu.vector_load %arg13[%swap3A_208, %swap3A_209] {strides = array<i32>} : memref<128x128xf32, #tpu.memory_space<vmem>>, vector<16xf32>,
      tpu.vector_store %arg13[%swap3A_208, %swap3A_209], %gather3A_203 {strides = array<i32>} : memref<128x128xf32, #tpu.memory_space<vmem>>, vector<16xf32>,
      %slice3A_211 = vector.extract_strided_slice %get3A_94 {offsets = [10], sizes = [1], strides = [1]} : vector<16xi32> to vector<1xi32>
      %squeeze3A_212 = vector.extract %slice3A_211[0] : i32 from vector<1xi32>
      %add3A_213 = vector.broadcast %squeeze3A_212 : i32 to vector<16xi32>
      %add3A_214 = arith.addi %add3A_213, %iota3A : vector<16xi32>
      %gather3A_215 = tpu.vector_load_idx %arg14[%add3A_214] : memref<16864xf32, #tpu.memory_space<vmem>>[vector<16xi32>], vector<16xf32>,
      %mul3A_216 = arith.constant 16 : i32
      %mul3A_217 = arith.muli %scan3A_89, %mul3A_216 : i32
      %add3A_218 = arith.constant 10 : i32
      %add3A_219 = arith.addi %mul3A_217, %add3A_218 : i32
      %swap3A_220 = arith.index_cast %add3A_219 : i32 to index
      %swap3A_221 = arith.constant 0 : index
      %swap3A_222 = tpu.vector_load %arg13[%swap3A_220, %swap3A_221] {strides = array<i32>} : memref<128x128xf32, #tpu.memory_space<vmem>>, vector<16xf32>,
      tpu.vector_store %arg13[%swap3A_220, %swap3A_221], %gather3A_215 {strides = array<i32>} : memref<128x128xf32, #tpu.memory_space<vmem>>, vector<16xf32>,
      %slice3A_223 = vector.extract_strided_slice %get3A_94 {offsets = [11], sizes = [1], strides = [1]} : vector<16xi32> to vector<1xi32>
      %squeeze3A_224 = vector.extract %slice3A_223[0] : i32 from vector<1xi32>
      %add3A_225 = vector.broadcast %squeeze3A_224 : i32 to vector<16xi32>
      %add3A_226 = arith.addi %add3A_225, %iota3A : vector<16xi32>
      %gather3A_227 = tpu.vector_load_idx %arg14[%add3A_226] : memref<16864xf32, #tpu.memory_space<vmem>>[vector<16xi32>], vector<16xf32>,
      %mul3A_228 = arith.constant 16 : i32
      %mul3A_229 = arith.muli %scan3A_89, %mul3A_228 : i32
      %add3A_230 = arith.constant 11 : i32
      %add3A_231 = arith.addi %mul3A_229, %add3A_230 : i32
      %swap3A_232 = arith.index_cast %add3A_231 : i32 to index
      %swap3A_233 = arith.constant 0 : index
      %swap3A_234 = tpu.vector_load %arg13[%swap3A_232, %swap3A_233] {strides = array<i32>} : memref<128x128xf32, #tpu.memory_space<vmem>>, vector<16xf32>,
      tpu.vector_store %arg13[%swap3A_232, %swap3A_233], %gather3A_227 {strides = array<i32>} : memref<128x128xf32, #tpu.memory_space<vmem>>, vector<16xf32>,
      %slice3A_235 = vector.extract_strided_slice %get3A_94 {offsets = [12], sizes = [1], strides = [1]} : vector<16xi32> to vector<1xi32>
      %squeeze3A_236 = vector.extract %slice3A_235[0] : i32 from vector<1xi32>
      %add3A_237 = vector.broadcast %squeeze3A_236 : i32 to vector<16xi32>
      %add3A_238 = arith.addi %add3A_237, %iota3A : vector<16xi32>
      %gather3A_239 = tpu.vector_load_idx %arg14[%add3A_238] : memref<16864xf32, #tpu.memory_space<vmem>>[vector<16xi32>], vector<16xf32>,
      %mul3A_240 = arith.constant 16 : i32
      %mul3A_241 = arith.muli %scan3A_89, %mul3A_240 : i32
      %add3A_242 = arith.constant 12 : i32
      %add3A_243 = arith.addi %mul3A_241, %add3A_242 : i32
      %swap3A_244 = arith.index_cast %add3A_243 : i32 to index
      %swap3A_245 = arith.constant 0 : index
      %swap3A_246 = tpu.vector_load %arg13[%swap3A_244, %swap3A_245] {strides = array<i32>} : memref<128x128xf32, #tpu.memory_space<vmem>>, vector<16xf32>,
      tpu.vector_store %arg13[%swap3A_244, %swap3A_245], %gather3A_239 {strides = array<i32>} : memref<128x128xf32, #tpu.memory_space<vmem>>, vector<16xf32>,
      %slice3A_247 = vector.extract_strided_slice %get3A_94 {offsets = [13], sizes = [1], strides = [1]} : vector<16xi32> to vector<1xi32>
      %squeeze3A_248 = vector.extract %slice3A_247[0] : i32 from vector<1xi32>
      %add3A_249 = vector.broadcast %squeeze3A_248 : i32 to vector<16xi32>
      %add3A_250 = arith.addi %add3A_249, %iota3A : vector<16xi32>
      %gather3A_251 = tpu.vector_load_idx %arg14[%add3A_250] : memref<16864xf32, #tpu.memory_space<vmem>>[vector<16xi32>], vector<16xf32>,
      %mul3A_252 = arith.constant 16 : i32
      %mul3A_253 = arith.muli %scan3A_89, %mul3A_252 : i32
      %add3A_254 = arith.constant 13 : i32
      %add3A_255 = arith.addi %mul3A_253, %add3A_254 : i32
      %swap3A_256 = arith.index_cast %add3A_255 : i32 to index
      %swap3A_257 = arith.constant 0 : index
      %swap3A_258 = tpu.vector_load %arg13[%swap3A_256, %swap3A_257] {strides = array<i32>} : memref<128x128xf32, #tpu.memory_space<vmem>>, vector<16xf32>,
      tpu.vector_store %arg13[%swap3A_256, %swap3A_257], %gather3A_251 {strides = array<i32>} : memref<128x128xf32, #tpu.memory_space<vmem>>, vector<16xf32>,
      %slice3A_259 = vector.extract_strided_slice %get3A_94 {offsets = [14], sizes = [1], strides = [1]} : vector<16xi32> to vector<1xi32>
      %squeeze3A_260 = vector.extract %slice3A_259[0] : i32 from vector<1xi32>
      %add3A_261 = vector.broadcast %squeeze3A_260 : i32 to vector<16xi32>
      %add3A_262 = arith.addi %add3A_261, %iota3A : vector<16xi32>
      %gather3A_263 = tpu.vector_load_idx %arg14[%add3A_262] : memref<16864xf32, #tpu.memory_space<vmem>>[vector<16xi32>], vector<16xf32>,
      %mul3A_264 = arith.constant 16 : i32
      %mul3A_265 = arith.muli %scan3A_89, %mul3A_264 : i32
      %add3A_266 = arith.constant 14 : i32
      %add3A_267 = arith.addi %mul3A_265, %add3A_266 : i32
      %swap3A_268 = arith.index_cast %add3A_267 : i32 to index
      %swap3A_269 = arith.constant 0 : index
      %swap3A_270 = tpu.vector_load %arg13[%swap3A_268, %swap3A_269] {strides = array<i32>} : memref<128x128xf32, #tpu.memory_space<vmem>>, vector<16xf32>,
      tpu.vector_store %arg13[%swap3A_268, %swap3A_269], %gather3A_263 {strides = array<i32>} : memref<128x128xf32, #tpu.memory_space<vmem>>, vector<16xf32>,
      %slice3A_271 = vector.extract_strided_slice %get3A_94 {offsets = [15], sizes = [1], strides = [1]} : vector<16xi32> to vector<1xi32>
      %squeeze3A_272 = vector.extract %slice3A_271[0] : i32 from vector<1xi32>
      %add3A_273 = vector.broadcast %squeeze3A_272 : i32 to vector<16xi32>
      %add3A_274 = arith.addi %add3A_273, %iota3A : vector<16xi32>
      %gather3A_275 = tpu.vector_load_idx %arg14[%add3A_274] : memref<16864xf32, #tpu.memory_space<vmem>>[vector<16xi32>], vector<16xf32>,
      %mul3A_276 = arith.constant 16 : i32
      %mul3A_277 = arith.muli %scan3A_89, %mul3A_276 : i32
      %add3A_278 = arith.constant 15 : i32
      %add3A_279 = arith.addi %mul3A_277, %add3A_278 : i32
      %swap3A_280 = arith.index_cast %add3A_279 : i32 to index
      %swap3A_281 = arith.constant 0 : index
      %swap3A_282 = tpu.vector_load %arg13[%swap3A_280, %swap3A_281] {strides = array<i32>} : memref<128x128xf32, #tpu.memory_space<vmem>>, vector<16xf32>,
      tpu.vector_store %arg13[%swap3A_280, %swap3A_281], %gather3A_275 {strides = array<i32>} : memref<128x128xf32, #tpu.memory_space<vmem>>, vector<16xf32>,
    }
    %scan3A_71 = arith.constant 8 : i32
    %scan3A_72 = arith.constant 0 : i32
    %scan3A_73 = arith.constant 8 : i32
    %scan3A_74 = arith.addi %scan3A_72, %scan3A_73 : i32
    %scan3A_75 = arith.constant 1 : i32
    scf.for %scan3A_89 = %scan3A_72 to %scan3A_74 step %scan3A_75  : i32 {
      %mul3A_90 = arith.constant 16 : i32
      %mul3A_91 = arith.muli %scan3A_89, %mul3A_90 : i32
      %add3A_92 = arith.constant 256 : i32
      %add3A_93 = arith.addi %add3A_92, %mul3A_91 : i32
      %get3A = arith.index_cast %add3A_93 : i32 to index
      %get3A_94 = tpu.vector_load %arg8[%get3A] {strides = array<i32>} : memref<512xi32, #tpu.memory_space<vmem>>, vector<16xi32>,
      %slice3A = vector.extract_strided_slice %get3A_94 {offsets = [0], sizes = [1], strides = [1]} : vector<16xi32> to vector<1xi32>
      %squeeze3A = vector.extract %slice3A[0] : i32 from vector<1xi32>
      %add3A_95 = vector.broadcast %squeeze3A : i32 to vector<16xi32>
      %add3A_96 = arith.addi %add3A_95, %iota3A : vector<16xi32>
      %gather3A = tpu.vector_load_idx %arg14[%add3A_96] : memref<16864xf32, #tpu.memory_space<vmem>>[vector<16xi32>], vector<16xf32>,
      %mul3A_97 = arith.constant 16 : i32
      %mul3A_98 = arith.muli %scan3A_89, %mul3A_97 : i32
      %add3A_99 = arith.constant 0 : i32
      %add3A_100 = arith.addi %mul3A_98, %add3A_99 : i32
      %swap3A = arith.index_cast %add3A_100 : i32 to index
      %swap3A_101 = arith.constant 16 : index
      %swap3A_102 = tpu.vector_load %arg13[%swap3A, %swap3A_101] {strides = array<i32>} : memref<128x128xf32, #tpu.memory_space<vmem>>, vector<16xf32>,
      tpu.vector_store %arg13[%swap3A, %swap3A_101], %gather3A {strides = array<i32>} : memref<128x128xf32, #tpu.memory_space<vmem>>, vector<16xf32>,
      %slice3A_103 = vector.extract_strided_slice %get3A_94 {offsets = [1], sizes = [1], strides = [1]} : vector<16xi32> to vector<1xi32>
      %squeeze3A_104 = vector.extract %slice3A_103[0] : i32 from vector<1xi32>
      %add3A_105 = vector.broadcast %squeeze3A_104 : i32 to vector<16xi32>
      %add3A_106 = arith.addi %add3A_105, %iota3A : vector<16xi32>
      %gather3A_107 = tpu.vector_load_idx %arg14[%add3A_106] : memref<16864xf32, #tpu.memory_space<vmem>>[vector<16xi32>], vector<16xf32>,
      %mul3A_108 = arith.constant 16 : i32
      %mul3A_109 = arith.muli %scan3A_89, %mul3A_108 : i32
      %add3A_110 = arith.constant 1 : i32
      %add3A_111 = arith.addi %mul3A_109, %add3A_110 : i32
      %swap3A_112 = arith.index_cast %add3A_111 : i32 to index
      %swap3A_113 = arith.constant 16 : index
      %swap3A_114 = tpu.vector_load %arg13[%swap3A_112, %swap3A_113] {strides = array<i32>} : memref<128x128xf32, #tpu.memory_space<vmem>>, vector<16xf32>,
      tpu.vector_store %arg13[%swap3A_112, %swap3A_113], %gather3A_107 {strides = array<i32>} : memref<128x128xf32, #tpu.memory_space<vmem>>, vector<16xf32>,
      %slice3A_115 = vector.extract_strided_slice %get3A_94 {offsets = [2], sizes = [1], strides = [1]} : vector<16xi32> to vector<1xi32>
      %squeeze3A_116 = vector.extract %slice3A_115[0] : i32 from vector<1xi32>
      %add3A_117 = vector.broadcast %squeeze3A_116 : i32 to vector<16xi32>
      %add3A_118 = arith.addi %add3A_117, %iota3A : vector<16xi32>
      %gather3A_119 = tpu.vector_load_idx %arg14[%add3A_118] : memref<16864xf32, #tpu.memory_space<vmem>>[vector<16xi32>], vector<16xf32>,
      %mul3A_120 = arith.constant 16 : i32
      %mul3A_121 = arith.muli %scan3A_89, %mul3A_120 : i32
      %add3A_122 = arith.constant 2 : i32
      %add3A_123 = arith.addi %mul3A_121, %add3A_122 : i32
      %swap3A_124 = arith.index_cast %add3A_123 : i32 to index
      %swap3A_125 = arith.constant 16 : index
      %swap3A_126 = tpu.vector_load %arg13[%swap3A_124, %swap3A_125] {strides = array<i32>} : memref<128x128xf32, #tpu.memory_space<vmem>>, vector<16xf32>,
      tpu.vector_store %arg13[%swap3A_124, %swap3A_125], %gather3A_119 {strides = array<i32>} : memref<128x128xf32, #tpu.memory_space<vmem>>, vector<16xf32>,
      %slice3A_127 = vector.extract_strided_slice %get3A_94 {offsets = [3], sizes = [1], strides = [1]} : vector<16xi32> to vector<1xi32>
      %squeeze3A_128 = vector.extract %slice3A_127[0] : i32 from vector<1xi32>
      %add3A_129 = vector.broadcast %squeeze3A_128 : i32 to vector<16xi32>
      %add3A_130 = arith.addi %add3A_129, %iota3A : vector<16xi32>
      %gather3A_131 = tpu.vector_load_idx %arg14[%add3A_130] : memref<16864xf32, #tpu.memory_space<vmem>>[vector<16xi32>], vector<16xf32>,
      %mul3A_132 = arith.constant 16 : i32
      %mul3A_133 = arith.muli %scan3A_89, %mul3A_132 : i32
      %add3A_134 = arith.constant 3 : i32
      %add3A_135 = arith.addi %mul3A_133, %add3A_134 : i32
      %swap3A_136 = arith.index_cast %add3A_135 : i32 to index
      %swap3A_137 = arith.constant 16 : index
      %swap3A_138 = tpu.vector_load %arg13[%swap3A_136, %swap3A_137] {strides = array<i32>} : memref<128x128xf32, #tpu.memory_space<vmem>>, vector<16xf32>,
      tpu.vector_store %arg13[%swap3A_136, %swap3A_137], %gather3A_131 {strides = array<i32>} : memref<128x128xf32, #tpu.memory_space<vmem>>, vector<16xf32>,
      %slice3A_139 = vector.extract_strided_slice %get3A_94 {offsets = [4], sizes = [1], strides = [1]} : vector<16xi32> to vector<1xi32>
      %squeeze3A_140 = vector.extract %slice3A_139[0] : i32 from vector<1xi32>
      %add3A_141 = vector.broadcast %squeeze3A_140 : i32 to vector<16xi32>
      %add3A_142 = arith.addi %add3A_141, %iota3A : vector<16xi32>
      %gather3A_143 = tpu.vector_load_idx %arg14[%add3A_142] : memref<16864xf32, #tpu.memory_space<vmem>>[vector<16xi32>], vector<16xf32>,
      %mul3A_144 = arith.constant 16 : i32
      %mul3A_145 = arith.muli %scan3A_89, %mul3A_144 : i32
      %add3A_146 = arith.constant 4 : i32
      %add3A_147 = arith.addi %mul3A_145, %add3A_146 : i32
      %swap3A_148 = arith.index_cast %add3A_147 : i32 to index
      %swap3A_149 = arith.constant 16 : index
      %swap3A_150 = tpu.vector_load %arg13[%swap3A_148, %swap3A_149] {strides = array<i32>} : memref<128x128xf32, #tpu.memory_space<vmem>>, vector<16xf32>,
      tpu.vector_store %arg13[%swap3A_148, %swap3A_149], %gather3A_143 {strides = array<i32>} : memref<128x128xf32, #tpu.memory_space<vmem>>, vector<16xf32>,
      %slice3A_151 = vector.extract_strided_slice %get3A_94 {offsets = [5], sizes = [1], strides = [1]} : vector<16xi32> to vector<1xi32>
      %squeeze3A_152 = vector.extract %slice3A_151[0] : i32 from vector<1xi32>
      %add3A_153 = vector.broadcast %squeeze3A_152 : i32 to vector<16xi32>
      %add3A_154 = arith.addi %add3A_153, %iota3A : vector<16xi32>
      %gather3A_155 = tpu.vector_load_idx %arg14[%add3A_154] : memref<16864xf32, #tpu.memory_space<vmem>>[vector<16xi32>], vector<16xf32>,
      %mul3A_156 = arith.constant 16 : i32
      %mul3A_157 = arith.muli %scan3A_89, %mul3A_156 : i32
      %add3A_158 = arith.constant 5 : i32
      %add3A_159 = arith.addi %mul3A_157, %add3A_158 : i32
      %swap3A_160 = arith.index_cast %add3A_159 : i32 to index
      %swap3A_161 = arith.constant 16 : index
      %swap3A_162 = tpu.vector_load %arg13[%swap3A_160, %swap3A_161] {strides = array<i32>} : memref<128x128xf32, #tpu.memory_space<vmem>>, vector<16xf32>,
      tpu.vector_store %arg13[%swap3A_160, %swap3A_161], %gather3A_155 {strides = array<i32>} : memref<128x128xf32, #tpu.memory_space<vmem>>, vector<16xf32>,
      %slice3A_163 = vector.extract_strided_slice %get3A_94 {offsets = [6], sizes = [1], strides = [1]} : vector<16xi32> to vector<1xi32>
      %squeeze3A_164 = vector.extract %slice3A_163[0] : i32 from vector<1xi32>
      %add3A_165 = vector.broadcast %squeeze3A_164 : i32 to vector<16xi32>
      %add3A_166 = arith.addi %add3A_165, %iota3A : vector<16xi32>
      %gather3A_167 = tpu.vector_load_idx %arg14[%add3A_166] : memref<16864xf32, #tpu.memory_space<vmem>>[vector<16xi32>], vector<16xf32>,
      %mul3A_168 = arith.constant 16 : i32
      %mul3A_169 = arith.muli %scan3A_89, %mul3A_168 : i32
      %add3A_170 = arith.constant 6 : i32
      %add3A_171 = arith.addi %mul3A_169, %add3A_170 : i32
      %swap3A_172 = arith.index_cast %add3A_171 : i32 to index
      %swap3A_173 = arith.constant 16 : index
      %swap3A_174 = tpu.vector_load %arg13[%swap3A_172, %swap3A_173] {strides = array<i32>} : memref<128x128xf32, #tpu.memory_space<vmem>>, vector<16xf32>,
      tpu.vector_store %arg13[%swap3A_172, %swap3A_173], %gather3A_167 {strides = array<i32>} : memref<128x128xf32, #tpu.memory_space<vmem>>, vector<16xf32>,
      %slice3A_175 = vector.extract_strided_slice %get3A_94 {offsets = [7], sizes = [1], strides = [1]} : vector<16xi32> to vector<1xi32>
      %squeeze3A_176 = vector.extract %slice3A_175[0] : i32 from vector<1xi32>
      %add3A_177 = vector.broadcast %squeeze3A_176 : i32 to vector<16xi32>
      %add3A_178 = arith.addi %add3A_177, %iota3A : vector<16xi32>
      %gather3A_179 = tpu.vector_load_idx %arg14[%add3A_178] : memref<16864xf32, #tpu.memory_space<vmem>>[vector<16xi32>], vector<16xf32>,
      %mul3A_180 = arith.constant 16 : i32
      %mul3A_181 = arith.muli %scan3A_89, %mul3A_180 : i32
      %add3A_182 = arith.constant 7 : i32
      %add3A_183 = arith.addi %mul3A_181, %add3A_182 : i32
      %swap3A_184 = arith.index_cast %add3A_183 : i32 to index
      %swap3A_185 = arith.constant 16 : index
      %swap3A_186 = tpu.vector_load %arg13[%swap3A_184, %swap3A_185] {strides = array<i32>} : memref<128x128xf32, #tpu.memory_space<vmem>>, vector<16xf32>,
      tpu.vector_store %arg13[%swap3A_184, %swap3A_185], %gather3A_179 {strides = array<i32>} : memref<128x128xf32, #tpu.memory_space<vmem>>, vector<16xf32>,
      %slice3A_187 = vector.extract_strided_slice %get3A_94 {offsets = [8], sizes = [1], strides = [1]} : vector<16xi32> to vector<1xi32>
      %squeeze3A_188 = vector.extract %slice3A_187[0] : i32 from vector<1xi32>
      %add3A_189 = vector.broadcast %squeeze3A_188 : i32 to vector<16xi32>
      %add3A_190 = arith.addi %add3A_189, %iota3A : vector<16xi32>
      %gather3A_191 = tpu.vector_load_idx %arg14[%add3A_190] : memref<16864xf32, #tpu.memory_space<vmem>>[vector<16xi32>], vector<16xf32>,
      %mul3A_192 = arith.constant 16 : i32
      %mul3A_193 = arith.muli %scan3A_89, %mul3A_192 : i32
      %add3A_194 = arith.constant 8 : i32
      %add3A_195 = arith.addi %mul3A_193, %add3A_194 : i32
      %swap3A_196 = arith.index_cast %add3A_195 : i32 to index
      %swap3A_197 = arith.constant 16 : index
      %swap3A_198 = tpu.vector_load %arg13[%swap3A_196, %swap3A_197] {strides = array<i32>} : memref<128x128xf32, #tpu.memory_space<vmem>>, vector<16xf32>,
      tpu.vector_store %arg13[%swap3A_196, %swap3A_197], %gather3A_191 {strides = array<i32>} : memref<128x128xf32, #tpu.memory_space<vmem>>, vector<16xf32>,
      %slice3A_199 = vector.extract_strided_slice %get3A_94 {offsets = [9], sizes = [1], strides = [1]} : vector<16xi32> to vector<1xi32>
      %squeeze3A_200 = vector.extract %slice3A_199[0] : i32 from vector<1xi32>
      %add3A_201 = vector.broadcast %squeeze3A_200 : i32 to vector<16xi32>
      %add3A_202 = arith.addi %add3A_201, %iota3A : vector<16xi32>
      %gather3A_203 = tpu.vector_load_idx %arg14[%add3A_202] : memref<16864xf32, #tpu.memory_space<vmem>>[vector<16xi32>], vector<16xf32>,
      %mul3A_204 = arith.constant 16 : i32
      %mul3A_205 = arith.muli %scan3A_89, %mul3A_204 : i32
      %add3A_206 = arith.constant 9 : i32
      %add3A_207 = arith.addi %mul3A_205, %add3A_206 : i32
      %swap3A_208 = arith.index_cast %add3A_207 : i32 to index
      %swap3A_209 = arith.constant 16 : index
      %swap3A_210 = tpu.vector_load %arg13[%swap3A_208, %swap3A_209] {strides = array<i32>} : memref<128x128xf32, #tpu.memory_space<vmem>>, vector<16xf32>,
      tpu.vector_store %arg13[%swap3A_208, %swap3A_209], %gather3A_203 {strides = array<i32>} : memref<128x128xf32, #tpu.memory_space<vmem>>, vector<16xf32>,
      %slice3A_211 = vector.extract_strided_slice %get3A_94 {offsets = [10], sizes = [1], strides = [1]} : vector<16xi32> to vector<1xi32>
      %squeeze3A_212 = vector.extract %slice3A_211[0] : i32 from vector<1xi32>
      %add3A_213 = vector.broadcast %squeeze3A_212 : i32 to vector<16xi32>
      %add3A_214 = arith.addi %add3A_213, %iota3A : vector<16xi32>
      %gather3A_215 = tpu.vector_load_idx %arg14[%add3A_214] : memref<16864xf32, #tpu.memory_space<vmem>>[vector<16xi32>], vector<16xf32>,
      %mul3A_216 = arith.constant 16 : i32
      %mul3A_217 = arith.muli %scan3A_89, %mul3A_216 : i32
      %add3A_218 = arith.constant 10 : i32
      %add3A_219 = arith.addi %mul3A_217, %add3A_218 : i32
      %swap3A_220 = arith.index_cast %add3A_219 : i32 to index
      %swap3A_221 = arith.constant 16 : index
      %swap3A_222 = tpu.vector_load %arg13[%swap3A_220, %swap3A_221] {strides = array<i32>} : memref<128x128xf32, #tpu.memory_space<vmem>>, vector<16xf32>,
      tpu.vector_store %arg13[%swap3A_220, %swap3A_221], %gather3A_215 {strides = array<i32>} : memref<128x128xf32, #tpu.memory_space<vmem>>, vector<16xf32>,
      %slice3A_223 = vector.extract_strided_slice %get3A_94 {offsets = [11], sizes = [1], strides = [1]} : vector<16xi32> to vector<1xi32>
      %squeeze3A_224 = vector.extract %slice3A_223[0] : i32 from vector<1xi32>
      %add3A_225 = vector.broadcast %squeeze3A_224 : i32 to vector<16xi32>
      %add3A_226 = arith.addi %add3A_225, %iota3A : vector<16xi32>
      %gather3A_227 = tpu.vector_load_idx %arg14[%add3A_226] : memref<16864xf32, #tpu.memory_space<vmem>>[vector<16xi32>], vector<16xf32>,
      %mul3A_228 = arith.constant 16 : i32
      %mul3A_229 = arith.muli %scan3A_89, %mul3A_228 : i32
      %add3A_230 = arith.constant 11 : i32
      %add3A_231 = arith.addi %mul3A_229, %add3A_230 : i32
      %swap3A_232 = arith.index_cast %add3A_231 : i32 to index
      %swap3A_233 = arith.constant 16 : index
      %swap3A_234 = tpu.vector_load %arg13[%swap3A_232, %swap3A_233] {strides = array<i32>} : memref<128x128xf32, #tpu.memory_space<vmem>>, vector<16xf32>,
      tpu.vector_store %arg13[%swap3A_232, %swap3A_233], %gather3A_227 {strides = array<i32>} : memref<128x128xf32, #tpu.memory_space<vmem>>, vector<16xf32>,
      %slice3A_235 = vector.extract_strided_slice %get3A_94 {offsets = [12], sizes = [1], strides = [1]} : vector<16xi32> to vector<1xi32>
      %squeeze3A_236 = vector.extract %slice3A_235[0] : i32 from vector<1xi32>
      %add3A_237 = vector.broadcast %squeeze3A_236 : i32 to vector<16xi32>
      %add3A_238 = arith.addi %add3A_237, %iota3A : vector<16xi32>
      %gather3A_239 = tpu.vector_load_idx %arg14[%add3A_238] : memref<16864xf32, #tpu.memory_space<vmem>>[vector<16xi32>], vector<16xf32>,
      %mul3A_240 = arith.constant 16 : i32
      %mul3A_241 = arith.muli %scan3A_89, %mul3A_240 : i32
      %add3A_242 = arith.constant 12 : i32
      %add3A_243 = arith.addi %mul3A_241, %add3A_242 : i32
      %swap3A_244 = arith.index_cast %add3A_243 : i32 to index
      %swap3A_245 = arith.constant 16 : index
      %swap3A_246 = tpu.vector_load %arg13[%swap3A_244, %swap3A_245] {strides = array<i32>} : memref<128x128xf32, #tpu.memory_space<vmem>>, vector<16xf32>,
      tpu.vector_store %arg13[%swap3A_244, %swap3A_245], %gather3A_239 {strides = array<i32>} : memref<128x128xf32, #tpu.memory_space<vmem>>, vector<16xf32>,
      %slice3A_247 = vector.extract_strided_slice %get3A_94 {offsets = [13], sizes = [1], strides = [1]} : vector<16xi32> to vector<1xi32>
      %squeeze3A_248 = vector.extract %slice3A_247[0] : i32 from vector<1xi32>
      %add3A_249 = vector.broadcast %squeeze3A_248 : i32 to vector<16xi32>
      %add3A_250 = arith.addi %add3A_249, %iota3A : vector<16xi32>
      %gather3A_251 = tpu.vector_load_idx %arg14[%add3A_250] : memref<16864xf32, #tpu.memory_space<vmem>>[vector<16xi32>], vector<16xf32>,
      %mul3A_252 = arith.constant 16 : i32
      %mul3A_253 = arith.muli %scan3A_89, %mul3A_252 : i32
      %add3A_254 = arith.constant 13 : i32
      %add3A_255 = arith.addi %mul3A_253, %add3A_254 : i32
      %swap3A_256 = arith.index_cast %add3A_255 : i32 to index
      %swap3A_257 = arith.constant 16 : index
      %swap3A_258 = tpu.vector_load %arg13[%swap3A_256, %swap3A_257] {strides = array<i32>} : memref<128x128xf32, #tpu.memory_space<vmem>>, vector<16xf32>,
      tpu.vector_store %arg13[%swap3A_256, %swap3A_257], %gather3A_251 {strides = array<i32>} : memref<128x128xf32, #tpu.memory_space<vmem>>, vector<16xf32>,
      %slice3A_259 = vector.extract_strided_slice %get3A_94 {offsets = [14], sizes = [1], strides = [1]} : vector<16xi32> to vector<1xi32>
      %squeeze3A_260 = vector.extract %slice3A_259[0] : i32 from vector<1xi32>
      %add3A_261 = vector.broadcast %squeeze3A_260 : i32 to vector<16xi32>
      %add3A_262 = arith.addi %add3A_261, %iota3A : vector<16xi32>
      %gather3A_263 = tpu.vector_load_idx %arg14[%add3A_262] : memref<16864xf32, #tpu.memory_space<vmem>>[vector<16xi32>], vector<16xf32>,
      %mul3A_264 = arith.constant 16 : i32
      %mul3A_265 = arith.muli %scan3A_89, %mul3A_264 : i32
      %add3A_266 = arith.constant 14 : i32
      %add3A_267 = arith.addi %mul3A_265, %add3A_266 : i32
      %swap3A_268 = arith.index_cast %add3A_267 : i32 to index
      %swap3A_269 = arith.constant 16 : index
      %swap3A_270 = tpu.vector_load %arg13[%swap3A_268, %swap3A_269] {strides = array<i32>} : memref<128x128xf32, #tpu.memory_space<vmem>>, vector<16xf32>,
      tpu.vector_store %arg13[%swap3A_268, %swap3A_269], %gather3A_263 {strides = array<i32>} : memref<128x128xf32, #tpu.memory_space<vmem>>, vector<16xf32>,
      %slice3A_271 = vector.extract_strided_slice %get3A_94 {offsets = [15], sizes = [1], strides = [1]} : vector<16xi32> to vector<1xi32>
      %squeeze3A_272 = vector.extract %slice3A_271[0] : i32 from vector<1xi32>
      %add3A_273 = vector.broadcast %squeeze3A_272 : i32 to vector<16xi32>
      %add3A_274 = arith.addi %add3A_273, %iota3A : vector<16xi32>
      %gather3A_275 = tpu.vector_load_idx %arg14[%add3A_274] : memref<16864xf32, #tpu.memory_space<vmem>>[vector<16xi32>], vector<16xf32>,
      %mul3A_276 = arith.constant 16 : i32
      %mul3A_277 = arith.muli %scan3A_89, %mul3A_276 : i32
      %add3A_278 = arith.constant 15 : i32
      %add3A_279 = arith.addi %mul3A_277, %add3A_278 : i32
      %swap3A_280 = arith.index_cast %add3A_279 : i32 to index
      %swap3A_281 = arith.constant 16 : index
      %swap3A_282 = tpu.vector_load %arg13[%swap3A_280, %swap3A_281] {strides = array<i32>} : memref<128x128xf32, #tpu.memory_space<vmem>>, vector<16xf32>,
      tpu.vector_store %arg13[%swap3A_280, %swap3A_281], %gather3A_275 {strides = array<i32>} : memref<128x128xf32, #tpu.memory_space<vmem>>, vector<16xf32>,
    }
    %scan3A_76 = arith.constant 8 : i32
    %scan3A_77 = arith.constant 0 : i32
    %scan3A_78 = arith.constant 8 : i32
    %scan3A_79 = arith.addi %scan3A_77, %scan3A_78 : i32
    %scan3A_80 = arith.constant 1 : i32
    scf.for %scan3A_89 = %scan3A_77 to %scan3A_79 step %scan3A_80  : i32 {
      %mul3A_90 = arith.constant 16 : i32
      %mul3A_91 = arith.muli %scan3A_89, %mul3A_90 : i32
      %add3A_92 = arith.constant 384 : i32
      %add3A_93 = arith.addi %add3A_92, %mul3A_91 : i32
      %get3A = arith.index_cast %add3A_93 : i32 to index
      %get3A_94 = tpu.vector_load %arg8[%get3A] {strides = array<i32>} : memref<512xi32, #tpu.memory_space<vmem>>, vector<16xi32>,
      %slice3A = vector.extract_strided_slice %get3A_94 {offsets = [0], sizes = [1], strides = [1]} : vector<16xi32> to vector<1xi32>
      %squeeze3A = vector.extract %slice3A[0] : i32 from vector<1xi32>
      %add3A_95 = vector.broadcast %squeeze3A : i32 to vector<16xi32>
      %add3A_96 = arith.addi %add3A_95, %iota3A : vector<16xi32>
      %gather3A = tpu.vector_load_idx %arg14[%add3A_96] : memref<16864xf32, #tpu.memory_space<vmem>>[vector<16xi32>], vector<16xf32>,
      %mul3A_97 = arith.constant 16 : i32
      %mul3A_98 = arith.muli %scan3A_89, %mul3A_97 : i32
      %add3A_99 = arith.constant 0 : i32
      %add3A_100 = arith.addi %mul3A_98, %add3A_99 : i32
      %swap3A = arith.index_cast %add3A_100 : i32 to index
      %swap3A_101 = arith.constant 32 : index
      %swap3A_102 = tpu.vector_load %arg13[%swap3A, %swap3A_101] {strides = array<i32>} : memref<128x128xf32, #tpu.memory_space<vmem>>, vector<16xf32>,
      tpu.vector_store %arg13[%swap3A, %swap3A_101], %gather3A {strides = array<i32>} : memref<128x128xf32, #tpu.memory_space<vmem>>, vector<16xf32>,
      %slice3A_103 = vector.extract_strided_slice %get3A_94 {offsets = [1], sizes = [1], strides = [1]} : vector<16xi32> to vector<1xi32>
      %squeeze3A_104 = vector.extract %slice3A_103[0] : i32 from vector<1xi32>
      %add3A_105 = vector.broadcast %squeeze3A_104 : i32 to vector<16xi32>
      %add3A_106 = arith.addi %add3A_105, %iota3A : vector<16xi32>
      %gather3A_107 = tpu.vector_load_idx %arg14[%add3A_106] : memref<16864xf32, #tpu.memory_space<vmem>>[vector<16xi32>], vector<16xf32>,
      %mul3A_108 = arith.constant 16 : i32
      %mul3A_109 = arith.muli %scan3A_89, %mul3A_108 : i32
      %add3A_110 = arith.constant 1 : i32
      %add3A_111 = arith.addi %mul3A_109, %add3A_110 : i32
      %swap3A_112 = arith.index_cast %add3A_111 : i32 to index
      %swap3A_113 = arith.constant 32 : index
      %swap3A_114 = tpu.vector_load %arg13[%swap3A_112, %swap3A_113] {strides = array<i32>} : memref<128x128xf32, #tpu.memory_space<vmem>>, vector<16xf32>,
      tpu.vector_store %arg13[%swap3A_112, %swap3A_113], %gather3A_107 {strides = array<i32>} : memref<128x128xf32, #tpu.memory_space<vmem>>, vector<16xf32>,
      %slice3A_115 = vector.extract_strided_slice %get3A_94 {offsets = [2], sizes = [1], strides = [1]} : vector<16xi32> to vector<1xi32>
      %squeeze3A_116 = vector.extract %slice3A_115[0] : i32 from vector<1xi32>
      %add3A_117 = vector.broadcast %squeeze3A_116 : i32 to vector<16xi32>
      %add3A_118 = arith.addi %add3A_117, %iota3A : vector<16xi32>
      %gather3A_119 = tpu.vector_load_idx %arg14[%add3A_118] : memref<16864xf32, #tpu.memory_space<vmem>>[vector<16xi32>], vector<16xf32>,
      %mul3A_120 = arith.constant 16 : i32
      %mul3A_121 = arith.muli %scan3A_89, %mul3A_120 : i32
      %add3A_122 = arith.constant 2 : i32
      %add3A_123 = arith.addi %mul3A_121, %add3A_122 : i32
      %swap3A_124 = arith.index_cast %add3A_123 : i32 to index
      %swap3A_125 = arith.constant 32 : index
      %swap3A_126 = tpu.vector_load %arg13[%swap3A_124, %swap3A_125] {strides = array<i32>} : memref<128x128xf32, #tpu.memory_space<vmem>>, vector<16xf32>,
      tpu.vector_store %arg13[%swap3A_124, %swap3A_125], %gather3A_119 {strides = array<i32>} : memref<128x128xf32, #tpu.memory_space<vmem>>, vector<16xf32>,
      %slice3A_127 = vector.extract_strided_slice %get3A_94 {offsets = [3], sizes = [1], strides = [1]} : vector<16xi32> to vector<1xi32>
      %squeeze3A_128 = vector.extract %slice3A_127[0] : i32 from vector<1xi32>
      %add3A_129 = vector.broadcast %squeeze3A_128 : i32 to vector<16xi32>
      %add3A_130 = arith.addi %add3A_129, %iota3A : vector<16xi32>
      %gather3A_131 = tpu.vector_load_idx %arg14[%add3A_130] : memref<16864xf32, #tpu.memory_space<vmem>>[vector<16xi32>], vector<16xf32>,
      %mul3A_132 = arith.constant 16 : i32
      %mul3A_133 = arith.muli %scan3A_89, %mul3A_132 : i32
      %add3A_134 = arith.constant 3 : i32
      %add3A_135 = arith.addi %mul3A_133, %add3A_134 : i32
      %swap3A_136 = arith.index_cast %add3A_135 : i32 to index
      %swap3A_137 = arith.constant 32 : index
      %swap3A_138 = tpu.vector_load %arg13[%swap3A_136, %swap3A_137] {strides = array<i32>} : memref<128x128xf32, #tpu.memory_space<vmem>>, vector<16xf32>,
      tpu.vector_store %arg13[%swap3A_136, %swap3A_137], %gather3A_131 {strides = array<i32>} : memref<128x128xf32, #tpu.memory_space<vmem>>, vector<16xf32>,
      %slice3A_139 = vector.extract_strided_slice %get3A_94 {offsets = [4], sizes = [1], strides = [1]} : vector<16xi32> to vector<1xi32>
      %squeeze3A_140 = vector.extract %slice3A_139[0] : i32 from vector<1xi32>
      %add3A_141 = vector.broadcast %squeeze3A_140 : i32 to vector<16xi32>
      %add3A_142 = arith.addi %add3A_141, %iota3A : vector<16xi32>
      %gather3A_143 = tpu.vector_load_idx %arg14[%add3A_142] : memref<16864xf32, #tpu.memory_space<vmem>>[vector<16xi32>], vector<16xf32>,
      %mul3A_144 = arith.constant 16 : i32
      %mul3A_145 = arith.muli %scan3A_89, %mul3A_144 : i32
      %add3A_146 = arith.constant 4 : i32
      %add3A_147 = arith.addi %mul3A_145, %add3A_146 : i32
      %swap3A_148 = arith.index_cast %add3A_147 : i32 to index
      %swap3A_149 = arith.constant 32 : index
      %swap3A_150 = tpu.vector_load %arg13[%swap3A_148, %swap3A_149] {strides = array<i32>} : memref<128x128xf32, #tpu.memory_space<vmem>>, vector<16xf32>,
      tpu.vector_store %arg13[%swap3A_148, %swap3A_149], %gather3A_143 {strides = array<i32>} : memref<128x128xf32, #tpu.memory_space<vmem>>, vector<16xf32>,
      %slice3A_151 = vector.extract_strided_slice %get3A_94 {offsets = [5], sizes = [1], strides = [1]} : vector<16xi32> to vector<1xi32>
      %squeeze3A_152 = vector.extract %slice3A_151[0] : i32 from vector<1xi32>
      %add3A_153 = vector.broadcast %squeeze3A_152 : i32 to vector<16xi32>
      %add3A_154 = arith.addi %add3A_153, %iota3A : vector<16xi32>
      %gather3A_155 = tpu.vector_load_idx %arg14[%add3A_154] : memref<16864xf32, #tpu.memory_space<vmem>>[vector<16xi32>], vector<16xf32>,
      %mul3A_156 = arith.constant 16 : i32
      %mul3A_157 = arith.muli %scan3A_89, %mul3A_156 : i32
      %add3A_158 = arith.constant 5 : i32
      %add3A_159 = arith.addi %mul3A_157, %add3A_158 : i32
      %swap3A_160 = arith.index_cast %add3A_159 : i32 to index
      %swap3A_161 = arith.constant 32 : index
      %swap3A_162 = tpu.vector_load %arg13[%swap3A_160, %swap3A_161] {strides = array<i32>} : memref<128x128xf32, #tpu.memory_space<vmem>>, vector<16xf32>,
      tpu.vector_store %arg13[%swap3A_160, %swap3A_161], %gather3A_155 {strides = array<i32>} : memref<128x128xf32, #tpu.memory_space<vmem>>, vector<16xf32>,
      %slice3A_163 = vector.extract_strided_slice %get3A_94 {offsets = [6], sizes = [1], strides = [1]} : vector<16xi32> to vector<1xi32>
      %squeeze3A_164 = vector.extract %slice3A_163[0] : i32 from vector<1xi32>
      %add3A_165 = vector.broadcast %squeeze3A_164 : i32 to vector<16xi32>
      %add3A_166 = arith.addi %add3A_165, %iota3A : vector<16xi32>
      %gather3A_167 = tpu.vector_load_idx %arg14[%add3A_166] : memref<16864xf32, #tpu.memory_space<vmem>>[vector<16xi32>], vector<16xf32>,
      %mul3A_168 = arith.constant 16 : i32
      %mul3A_169 = arith.muli %scan3A_89, %mul3A_168 : i32
      %add3A_170 = arith.constant 6 : i32
      %add3A_171 = arith.addi %mul3A_169, %add3A_170 : i32
      %swap3A_172 = arith.index_cast %add3A_171 : i32 to index
      %swap3A_173 = arith.constant 32 : index
      %swap3A_174 = tpu.vector_load %arg13[%swap3A_172, %swap3A_173] {strides = array<i32>} : memref<128x128xf32, #tpu.memory_space<vmem>>, vector<16xf32>,
      tpu.vector_store %arg13[%swap3A_172, %swap3A_173], %gather3A_167 {strides = array<i32>} : memref<128x128xf32, #tpu.memory_space<vmem>>, vector<16xf32>,
      %slice3A_175 = vector.extract_strided_slice %get3A_94 {offsets = [7], sizes = [1], strides = [1]} : vector<16xi32> to vector<1xi32>
      %squeeze3A_176 = vector.extract %slice3A_175[0] : i32 from vector<1xi32>
      %add3A_177 = vector.broadcast %squeeze3A_176 : i32 to vector<16xi32>
      %add3A_178 = arith.addi %add3A_177, %iota3A : vector<16xi32>
      %gather3A_179 = tpu.vector_load_idx %arg14[%add3A_178] : memref<16864xf32, #tpu.memory_space<vmem>>[vector<16xi32>], vector<16xf32>,
      %mul3A_180 = arith.constant 16 : i32
      %mul3A_181 = arith.muli %scan3A_89, %mul3A_180 : i32
      %add3A_182 = arith.constant 7 : i32
      %add3A_183 = arith.addi %mul3A_181, %add3A_182 : i32
      %swap3A_184 = arith.index_cast %add3A_183 : i32 to index
      %swap3A_185 = arith.constant 32 : index
      %swap3A_186 = tpu.vector_load %arg13[%swap3A_184, %swap3A_185] {strides = array<i32>} : memref<128x128xf32, #tpu.memory_space<vmem>>, vector<16xf32>,
      tpu.vector_store %arg13[%swap3A_184, %swap3A_185], %gather3A_179 {strides = array<i32>} : memref<128x128xf32, #tpu.memory_space<vmem>>, vector<16xf32>,
      %slice3A_187 = vector.extract_strided_slice %get3A_94 {offsets = [8], sizes = [1], strides = [1]} : vector<16xi32> to vector<1xi32>
      %squeeze3A_188 = vector.extract %slice3A_187[0] : i32 from vector<1xi32>
      %add3A_189 = vector.broadcast %squeeze3A_188 : i32 to vector<16xi32>
      %add3A_190 = arith.addi %add3A_189, %iota3A : vector<16xi32>
      %gather3A_191 = tpu.vector_load_idx %arg14[%add3A_190] : memref<16864xf32, #tpu.memory_space<vmem>>[vector<16xi32>], vector<16xf32>,
      %mul3A_192 = arith.constant 16 : i32
      %mul3A_193 = arith.muli %scan3A_89, %mul3A_192 : i32
      %add3A_194 = arith.constant 8 : i32
      %add3A_195 = arith.addi %mul3A_193, %add3A_194 : i32
      %swap3A_196 = arith.index_cast %add3A_195 : i32 to index
      %swap3A_197 = arith.constant 32 : index
      %swap3A_198 = tpu.vector_load %arg13[%swap3A_196, %swap3A_197] {strides = array<i32>} : memref<128x128xf32, #tpu.memory_space<vmem>>, vector<16xf32>,
      tpu.vector_store %arg13[%swap3A_196, %swap3A_197], %gather3A_191 {strides = array<i32>} : memref<128x128xf32, #tpu.memory_space<vmem>>, vector<16xf32>,
      %slice3A_199 = vector.extract_strided_slice %get3A_94 {offsets = [9], sizes = [1], strides = [1]} : vector<16xi32> to vector<1xi32>
      %squeeze3A_200 = vector.extract %slice3A_199[0] : i32 from vector<1xi32>
      %add3A_201 = vector.broadcast %squeeze3A_200 : i32 to vector<16xi32>
      %add3A_202 = arith.addi %add3A_201, %iota3A : vector<16xi32>
      %gather3A_203 = tpu.vector_load_idx %arg14[%add3A_202] : memref<16864xf32, #tpu.memory_space<vmem>>[vector<16xi32>], vector<16xf32>,
      %mul3A_204 = arith.constant 16 : i32
      %mul3A_205 = arith.muli %scan3A_89, %mul3A_204 : i32
      %add3A_206 = arith.constant 9 : i32
      %add3A_207 = arith.addi %mul3A_205, %add3A_206 : i32
      %swap3A_208 = arith.index_cast %add3A_207 : i32 to index
      %swap3A_209 = arith.constant 32 : index
      %swap3A_210 = tpu.vector_load %arg13[%swap3A_208, %swap3A_209] {strides = array<i32>} : memref<128x128xf32, #tpu.memory_space<vmem>>, vector<16xf32>,
      tpu.vector_store %arg13[%swap3A_208, %swap3A_209], %gather3A_203 {strides = array<i32>} : memref<128x128xf32, #tpu.memory_space<vmem>>, vector<16xf32>,
      %slice3A_211 = vector.extract_strided_slice %get3A_94 {offsets = [10], sizes = [1], strides = [1]} : vector<16xi32> to vector<1xi32>
      %squeeze3A_212 = vector.extract %slice3A_211[0] : i32 from vector<1xi32>
      %add3A_213 = vector.broadcast %squeeze3A_212 : i32 to vector<16xi32>
      %add3A_214 = arith.addi %add3A_213, %iota3A : vector<16xi32>
      %gather3A_215 = tpu.vector_load_idx %arg14[%add3A_214] : memref<16864xf32, #tpu.memory_space<vmem>>[vector<16xi32>], vector<16xf32>,
      %mul3A_216 = arith.constant 16 : i32
      %mul3A_217 = arith.muli %scan3A_89, %mul3A_216 : i32
      %add3A_218 = arith.constant 10 : i32
      %add3A_219 = arith.addi %mul3A_217, %add3A_218 : i32
      %swap3A_220 = arith.index_cast %add3A_219 : i32 to index
      %swap3A_221 = arith.constant 32 : index
      %swap3A_222 = tpu.vector_load %arg13[%swap3A_220, %swap3A_221] {strides = array<i32>} : memref<128x128xf32, #tpu.memory_space<vmem>>, vector<16xf32>,
      tpu.vector_store %arg13[%swap3A_220, %swap3A_221], %gather3A_215 {strides = array<i32>} : memref<128x128xf32, #tpu.memory_space<vmem>>, vector<16xf32>,
      %slice3A_223 = vector.extract_strided_slice %get3A_94 {offsets = [11], sizes = [1], strides = [1]} : vector<16xi32> to vector<1xi32>
      %squeeze3A_224 = vector.extract %slice3A_223[0] : i32 from vector<1xi32>
      %add3A_225 = vector.broadcast %squeeze3A_224 : i32 to vector<16xi32>
      %add3A_226 = arith.addi %add3A_225, %iota3A : vector<16xi32>
      %gather3A_227 = tpu.vector_load_idx %arg14[%add3A_226] : memref<16864xf32, #tpu.memory_space<vmem>>[vector<16xi32>], vector<16xf32>,
      %mul3A_228 = arith.constant 16 : i32
      %mul3A_229 = arith.muli %scan3A_89, %mul3A_228 : i32
      %add3A_230 = arith.constant 11 : i32
      %add3A_231 = arith.addi %mul3A_229, %add3A_230 : i32
      %swap3A_232 = arith.index_cast %add3A_231 : i32 to index
      %swap3A_233 = arith.constant 32 : index
      %swap3A_234 = tpu.vector_load %arg13[%swap3A_232, %swap3A_233] {strides = array<i32>} : memref<128x128xf32, #tpu.memory_space<vmem>>, vector<16xf32>,
      tpu.vector_store %arg13[%swap3A_232, %swap3A_233], %gather3A_227 {strides = array<i32>} : memref<128x128xf32, #tpu.memory_space<vmem>>, vector<16xf32>,
      %slice3A_235 = vector.extract_strided_slice %get3A_94 {offsets = [12], sizes = [1], strides = [1]} : vector<16xi32> to vector<1xi32>
      %squeeze3A_236 = vector.extract %slice3A_235[0] : i32 from vector<1xi32>
      %add3A_237 = vector.broadcast %squeeze3A_236 : i32 to vector<16xi32>
      %add3A_238 = arith.addi %add3A_237, %iota3A : vector<16xi32>
      %gather3A_239 = tpu.vector_load_idx %arg14[%add3A_238] : memref<16864xf32, #tpu.memory_space<vmem>>[vector<16xi32>], vector<16xf32>,
      %mul3A_240 = arith.constant 16 : i32
      %mul3A_241 = arith.muli %scan3A_89, %mul3A_240 : i32
      %add3A_242 = arith.constant 12 : i32
      %add3A_243 = arith.addi %mul3A_241, %add3A_242 : i32
      %swap3A_244 = arith.index_cast %add3A_243 : i32 to index
      %swap3A_245 = arith.constant 32 : index
      %swap3A_246 = tpu.vector_load %arg13[%swap3A_244, %swap3A_245] {strides = array<i32>} : memref<128x128xf32, #tpu.memory_space<vmem>>, vector<16xf32>,
      tpu.vector_store %arg13[%swap3A_244, %swap3A_245], %gather3A_239 {strides = array<i32>} : memref<128x128xf32, #tpu.memory_space<vmem>>, vector<16xf32>,
      %slice3A_247 = vector.extract_strided_slice %get3A_94 {offsets = [13], sizes = [1], strides = [1]} : vector<16xi32> to vector<1xi32>
      %squeeze3A_248 = vector.extract %slice3A_247[0] : i32 from vector<1xi32>
      %add3A_249 = vector.broadcast %squeeze3A_248 : i32 to vector<16xi32>
      %add3A_250 = arith.addi %add3A_249, %iota3A : vector<16xi32>
      %gather3A_251 = tpu.vector_load_idx %arg14[%add3A_250] : memref<16864xf32, #tpu.memory_space<vmem>>[vector<16xi32>], vector<16xf32>,
      %mul3A_252 = arith.constant 16 : i32
      %mul3A_253 = arith.muli %scan3A_89, %mul3A_252 : i32
      %add3A_254 = arith.constant 13 : i32
      %add3A_255 = arith.addi %mul3A_253, %add3A_254 : i32
      %swap3A_256 = arith.index_cast %add3A_255 : i32 to index
      %swap3A_257 = arith.constant 32 : index
      %swap3A_258 = tpu.vector_load %arg13[%swap3A_256, %swap3A_257] {strides = array<i32>} : memref<128x128xf32, #tpu.memory_space<vmem>>, vector<16xf32>,
      tpu.vector_store %arg13[%swap3A_256, %swap3A_257], %gather3A_251 {strides = array<i32>} : memref<128x128xf32, #tpu.memory_space<vmem>>, vector<16xf32>,
      %slice3A_259 = vector.extract_strided_slice %get3A_94 {offsets = [14], sizes = [1], strides = [1]} : vector<16xi32> to vector<1xi32>
      %squeeze3A_260 = vector.extract %slice3A_259[0] : i32 from vector<1xi32>
      %add3A_261 = vector.broadcast %squeeze3A_260 : i32 to vector<16xi32>
      %add3A_262 = arith.addi %add3A_261, %iota3A : vector<16xi32>
      %gather3A_263 = tpu.vector_load_idx %arg14[%add3A_262] : memref<16864xf32, #tpu.memory_space<vmem>>[vector<16xi32>], vector<16xf32>,
      %mul3A_264 = arith.constant 16 : i32
      %mul3A_265 = arith.muli %scan3A_89, %mul3A_264 : i32
      %add3A_266 = arith.constant 14 : i32
      %add3A_267 = arith.addi %mul3A_265, %add3A_266 : i32
      %swap3A_268 = arith.index_cast %add3A_267 : i32 to index
      %swap3A_269 = arith.constant 32 : index
      %swap3A_270 = tpu.vector_load %arg13[%swap3A_268, %swap3A_269] {strides = array<i32>} : memref<128x128xf32, #tpu.memory_space<vmem>>, vector<16xf32>,
      tpu.vector_store %arg13[%swap3A_268, %swap3A_269], %gather3A_263 {strides = array<i32>} : memref<128x128xf32, #tpu.memory_space<vmem>>, vector<16xf32>,
      %slice3A_271 = vector.extract_strided_slice %get3A_94 {offsets = [15], sizes = [1], strides = [1]} : vector<16xi32> to vector<1xi32>
      %squeeze3A_272 = vector.extract %slice3A_271[0] : i32 from vector<1xi32>
      %add3A_273 = vector.broadcast %squeeze3A_272 : i32 to vector<16xi32>
      %add3A_274 = arith.addi %add3A_273, %iota3A : vector<16xi32>
      %gather3A_275 = tpu.vector_load_idx %arg14[%add3A_274] : memref<16864xf32, #tpu.memory_space<vmem>>[vector<16xi32>], vector<16xf32>,
      %mul3A_276 = arith.constant 16 : i32
      %mul3A_277 = arith.muli %scan3A_89, %mul3A_276 : i32
      %add3A_278 = arith.constant 15 : i32
      %add3A_279 = arith.addi %mul3A_277, %add3A_278 : i32
      %swap3A_280 = arith.index_cast %add3A_279 : i32 to index
      %swap3A_281 = arith.constant 32 : index
      %swap3A_282 = tpu.vector_load %arg13[%swap3A_280, %swap3A_281] {strides = array<i32>} : memref<128x128xf32, #tpu.memory_space<vmem>>, vector<16xf32>,
      tpu.vector_store %arg13[%swap3A_280, %swap3A_281], %gather3A_275 {strides = array<i32>} : memref<128x128xf32, #tpu.memory_space<vmem>>, vector<16xf32>,
    }
    %scan3A_81 = arith.constant 8 : i32
    %dma_wait3A_82 = arith.constant 0 : i32
    %dma_wait3A_83 = tpu.memref_slice %arg8[%dma_wait3A_82] : memref<512xi32, #tpu.memory_space<vmem>> -> memref<128xi32, #tpu.memory_space<vmem>>
    %dma_wait3A_84 = arith.constant 0 : i32
    %dma_wait3A_85 = arith.constant 0 : i32
    %dma_wait3A_86 = tpu.memref_slice %arg3[%dma_wait3A_84, %dma_wait3A_85] : memref<100000x128xf32, #tpu.memory_space<hbm>> -> memref<100000x128xf32, #tpu.memory_space<hbm>>
    tpu.wait_indirect_dma semaphore(%arg16 : memref<!tpu.dma_semaphore, #tpu.memory_space<semaphore_mem>>) src(%dma_wait3A_86 : memref<100000x128xf32, #tpu.memory_space<hbm>>) dst(%arg11 : memref<128x128xf32, #tpu.memory_space<vmem>>)
    %add3A_87 = arith.constant 6272 : i32
    %add3A_88 = arith.addi %mul3A_2, %add3A_87 : i32
    "tpu.region"() ({
      %run_scoped3A = tpu.sem_alloc : memref<!tpu.dma_semaphore, #tpu.memory_space<semaphore_mem>>
      %dma_start3A_89 = arith.constant 0 : i32
      %dma_start3A_90 = tpu.memref_slice %arg5[%add3A_88, %dma_start3A_89] : memref<204800x128xf32, #tpu.memory_space<hbm>> -> memref<128x128xf32, #tpu.memory_space<hbm>>
      %dma_start3A_91 = arith.constant 0 : i32
      %dma_start3A_92 = tpu.memref_slice %arg5[%add3A_88, %dma_start3A_91] : memref<204800x128xf32, #tpu.memory_space<hbm>> -> memref<128x128xf32, #tpu.memory_space<hbm>>
      tpu.enqueue_dma source(%arg11 : memref<128x128xf32, #tpu.memory_space<vmem>>) target(%dma_start3A_92 : memref<128x128xf32, #tpu.memory_space<hbm>>) target_semaphore(%run_scoped3A : memref<!tpu.dma_semaphore, #tpu.memory_space<semaphore_mem>>)
      %dma_wait3A_93 = arith.constant 0 : i32
      %dma_wait3A_94 = tpu.memref_slice %arg5[%add3A_88, %dma_wait3A_93] : memref<204800x128xf32, #tpu.memory_space<hbm>> -> memref<128x128xf32, #tpu.memory_space<hbm>>
      %dma_wait3A_95 = arith.constant 0 : i32
      %dma_wait3A_96 = tpu.memref_slice %arg5[%add3A_88, %dma_wait3A_95] : memref<204800x128xf32, #tpu.memory_space<hbm>> -> memref<128x128xf32, #tpu.memory_space<hbm>>
      tpu.wait_dma2 semaphore(%run_scoped3A : memref<!tpu.dma_semaphore, #tpu.memory_space<semaphore_mem>>) src(%arg11 : memref<128x128xf32, #tpu.memory_space<vmem>>) dst(%dma_wait3A_96 : memref<128x128xf32, #tpu.memory_space<hbm>>)
      tpu.yield
    }) : () -> ()
    "tpu.region"() ({
      %run_scoped3A = tpu.sem_alloc : memref<!tpu.dma_semaphore, #tpu.memory_space<semaphore_mem>>
      %dma_start3A_89 = arith.constant 0 : i32
      %dma_start3A_90 = tpu.memref_slice %arg6[%add3A_88, %dma_start3A_89] : memref<204800x128xf32, #tpu.memory_space<hbm>> -> memref<128x128xf32, #tpu.memory_space<hbm>>
      %dma_start3A_91 = arith.constant 0 : i32
      %dma_start3A_92 = tpu.memref_slice %arg6[%add3A_88, %dma_start3A_91] : memref<204800x128xf32, #tpu.memory_space<hbm>> -> memref<128x128xf32, #tpu.memory_space<hbm>>
      tpu.enqueue_dma source(%arg13 : memref<128x128xf32, #tpu.memory_space<vmem>>) target(%dma_start3A_92 : memref<128x128xf32, #tpu.memory_space<hbm>>) target_semaphore(%run_scoped3A : memref<!tpu.dma_semaphore, #tpu.memory_space<semaphore_mem>>)
      %dma_wait3A_93 = arith.constant 0 : i32
      %dma_wait3A_94 = tpu.memref_slice %arg6[%add3A_88, %dma_wait3A_93] : memref<204800x128xf32, #tpu.memory_space<hbm>> -> memref<128x128xf32, #tpu.memory_space<hbm>>
      %dma_wait3A_95 = arith.constant 0 : i32
      %dma_wait3A_96 = tpu.memref_slice %arg6[%add3A_88, %dma_wait3A_95] : memref<204800x128xf32, #tpu.memory_space<hbm>> -> memref<128x128xf32, #tpu.memory_space<hbm>>
      tpu.wait_dma2 semaphore(%run_scoped3A : memref<!tpu.dma_semaphore, #tpu.memory_space<semaphore_mem>>) src(%arg13 : memref<128x128xf32, #tpu.memory_space<vmem>>) dst(%dma_wait3A_96 : memref<128x128xf32, #tpu.memory_space<hbm>>)
      tpu.yield
    }) : () -> ()
    return
  }
}

module attributes {stable_mosaic.version = 14 : i64} {
  func.func @_tc_assemble_body(%arg0: i32, %arg1: memref<1024x128xf32, #tpu.memory_space<vmem>>, %arg2: memref<1024x128xf32, #tpu.memory_space<vmem>>, %arg3: memref<1024x176xf32, #tpu.memory_space<vmem>>) attributes {dimension_semantics = [#tpu.dimension_semantics<arbitrary>], iteration_bounds = array<i64: 200>, scalar_prefetch = 0 : i64, scratch_operands = 0 : i64, tpu.core_type = #tpu.core_type<tc>, window_params = [{transform_indices = @transform_0, window_bounds = array<i64: 1024, 128>}, {transform_indices = @transform_1, window_bounds = array<i64: 1024, 128>}, {transform_indices = @transform_2, window_bounds = array<i64: 1024, 176>}]} {
    %get3A = arith.constant 0 : index
    %get3A_0 = arith.constant 0 : index
    %get3A_1 = vector.load %arg1[%get3A, %get3A_0] : memref<1024x128xf32, #tpu.memory_space<vmem>>, vector<1024x128xf32>
    %swap3A = arith.constant 0 : index
    %swap3A_2 = arith.constant 0 : index
    %swap3A_3 = vector.load %arg3[%swap3A, %swap3A_2] : memref<1024x176xf32, #tpu.memory_space<vmem>>, vector<1024x128xf32>
    tpu.vector_store %arg3[%swap3A, %swap3A_2], %get3A_1 {strides = array<i32>} : memref<1024x176xf32, #tpu.memory_space<vmem>>, vector<1024x128xf32>,
    %get3A_4 = arith.constant 0 : index
    %get3A_5 = arith.constant 0 : index
    %get3A_6 = vector.load %arg2[%get3A_4, %get3A_5] : memref<1024x128xf32, #tpu.memory_space<vmem>>, vector<1024x48xf32>
    %swap3A_7 = arith.constant 0 : index
    %swap3A_8 = arith.constant 128 : index
    %swap3A_9 = vector.load %arg3[%swap3A_7, %swap3A_8] : memref<1024x176xf32, #tpu.memory_space<vmem>>, vector<1024x48xf32>
    tpu.vector_store %arg3[%swap3A_7, %swap3A_8], %get3A_6 {strides = array<i32>} : memref<1024x176xf32, #tpu.memory_space<vmem>>, vector<1024x48xf32>,
    return
  }
  func.func @transform_0(%arg0: i32) -> (i32, i32) {
    %c0_i32 = arith.constant 0 : i32
    %c0_i32_0 = arith.constant 0 : i32
    return %arg0, %c0_i32 : i32, i32
  }
  func.func @transform_1(%arg0: i32) -> (i32, i32) {
    %c0_i32 = arith.constant 0 : i32
    %c0_i32_0 = arith.constant 0 : i32
    return %arg0, %c0_i32 : i32, i32
  }
  func.func @transform_2(%arg0: i32) -> (i32, i32) {
    %c0_i32 = arith.constant 0 : i32
    %c0_i32_0 = arith.constant 0 : i32
    return %arg0, %c0_i32 : i32, i32
  }
}

</mosaic_0001>

<sc_bundles>
// kernel: _embed.4.cloned.1.call-start
scs
__scs_entry_jumppad:
0x0: {  	(pc) =	sbr.rel $0x88, $3  }
0x1: {  	(tag) =	ssettag $0x0;
	lr =	simm.s32 $0x1  }
0x2: {  	[smem:$0x3F99] =	sst lr;
	_ =	strace $0xD0000000  }
0x3: {  	_ = 	snop  }
0x4: {  	_ = 	snop  }
0x5: {  	_ = 	snop  }
0x6: {  	_ = 	snop  }
0x7: {  	_ = 	snop  }
__scs_overlays_trampoline_lowered:
0x8: {  	[smem:$0x3FA8] =	sst s0  }
0x9: {  	[smem:$0x3FA9] =	sst s1  }
0xa: {  	[smem:$0x3FAA] =	sst s2  }
0xb: {  	[smem:$0x3FAB] =	sst s3  }
0xc: {  	[smem:$0x3FAC] =	sst s4  }
0xd: {  	[smem:$0x3FAD] =	sst s5  }
0xe: {  	[smem:$0x3FAE] =	sst s6  }
0xf: {  	[smem:$0x3FAF] =	sst s7  }
0x10: {  	[smem:$0x3FB0] =	sst s8  }
0x11: {  	[smem:$0x3FB1] =	sst s9;
	s0 =	simm.s32 @!p0 $0x0  }
0x12: {  	s1 =	sld [smem:$0x3F97];
	s0 =	simm.s32 @p0 $0x1  }
0x13: {  	[smem:$0x3FB2] =	sst s0;
	s0 =	simm.s32 @!p1 $0x0  }
0x14: {  	s2 =	sld [smem:$0x3F96];
	s0 =	simm.s32 @p1 $0x1  }
0x15: {  	[smem:$0x3FB3] =	sst s0;
	s0 =	simm.s32 @!p2 $0x0  }
0x16: {  	s3 =	sld [smem:$0x3FDB];
	s0 =	simm.s32 @p2 $0x1  }
0x17: {  	s4 =	simm.s32 $0x1BF5;
	[smem:$0x3FB5] =	sst s0  }
0x18: {  	s0 =	sld [smem:$0x3F98];
	_ =	swait.ge [sflag:s4], $0x0  }
0x19: {  	s7 =	sld [smem:$0x3F99]  }
0x1a: {  	s8 =	sadd.s32 $0xFFFFE003, lr  }
0x1b: {  	s9 =	sadd.s32 $0xFFFFFEF7, lr;
	s5 =	simm.s32 $0xFFFFFFFF;
	p2 =	slt.u32 s8, $0xFFFFF086  }
0x1c: {  	p1 =	slt.u32 s9, $0xF7A;
	s5 =	simm.s32 @!p2 $0x0  }
0x1d: {  	s5 =	simm.s32 @p1 $0x1;
	p0 =	seq.s32 s7, s2  }
0x1e: {  	s7 =	smul.u32 @!p0 $0xF7A, s2;
	p2 =	seq.s32 @!p0 s5, $0x0  }
0x1f: {  	s9 =	smul.u32 $0xF7A, s1;
	s8 =	simm.s32 @!p0 $0x1BF5;
	p2 =	por !p2, p0  }
0x20: {  	[sflag:s8] =	ssyncset.s32 @!p0 $0xFFFFF086;
	s6 =	sadd.s32 @!p0 s3, s7;
	s7 =	simm.s32 @!p0 $0x108  }
0x21: {  	s3 =	sadd.s32 s3, s9;
	s6 =	sadd.s32 @!p0 $0x88, s6;
	s7 =	simm.s32 @p2 $0x1082  }
0x22: {  	[simem:s7], [sflag:s8] =	dma.local @!p0 [hbm:s6], $0xF7A  }
0x23: {  	s9 =	sor.u32 $0xD0000000, s2;
	s6 =	simm.s32 $0x108;
	_ =	swait.ge @!p0 [sflag:s8], $0x0  }
0x24: {  	s3 =	sadd.s32 $0x88, s3;
	s6 =	simm.s32 @!p1 $0x1082;
	[sflag:s4] =	ssyncset.s32 $0xFFFFF086  }
0x25: {  	[simem:s6], [sflag:s4] =	dma.local [hbm:s3], $0xF7A  }
0x26: {  	[smem:$0x3F99] =	sst s1;
	(tag) =	ssettag s2;
	_ =	strace s9  }
0x27: {  	s1 =	sld [smem:$0x3FA9]  }
0x28: {  	s2 =	sld [smem:$0x3FAA]  }
0x29: {  	s4 =	sld [smem:$0x3FAC]  }
0x2a: {  	p0 =	seq.s32 s5, $0x0;
	s5 =	sld [smem:$0x3FAD]  }
0x2b: {  	s6 =	sld [smem:$0x3FAE]  }
0x2c: {  	s7 =	sld [smem:$0x3FAF]  }
0x2d: {  	s3 =	simm.s32 $0x108;
	s8 =	sld [smem:$0x3FB0]  }
0x2e: {  	s3 =	simm.s32 @!p0 $0x1082;
	s9 =	sld [smem:$0x3FB1]  }
0x2f: {  	lr =	sadd.s32 s0, s3;
	s0 =	sld [smem:$0x3FA8]  }
0x30: {  	s3 =	sld [smem:$0x3FAB]  }
0x31: {  	[smem:$0x3FB4] =	sst s10  }
0x32: {  	s10 =	sld [smem:$0x3FB2];
	_ =	sdelay $0x3  }
0x33: {  	p0 =	seq.s32 s10, $0x1;
	s10 =	sld [smem:$0x3FB4];
	_ =	sdelay $0x3  }
0x34: {  	[smem:$0x3FB4] =	sst s10  }
0x35: {  	s10 =	sld [smem:$0x3FB3];
	_ =	sdelay $0x3  }
0x36: {  	p1 =	seq.s32 s10, $0x1;
	s10 =	sld [smem:$0x3FB4];
	_ =	sdelay $0x3  }
0x37: {  	[smem:$0x3FB4] =	sst s10  }
0x38: {  	s10 =	sld [smem:$0x3FB5]  }
0x39: {  	_ = 	snop;
	(pc) =	sbr.ind lr, $3  }
0x3a: {  	_ = 	snop  }
0x3b: {  	_ = 	snop  }
0x3c: {  	p2 =	seq.s32 s10, $0x1;
	s10 =	sld [smem:$0x3FB4]  }
0x3d: {  	_ =	shalt  }
0x3e: {  	_ =	shalt  }
0x3f: {  	_ =	shalt  }
0x40: {  	_ =	shalt  }
0x41: {  	_ =	shalt  }
0x42: {  	_ =	shalt  }
0x43: {  	_ =	shalt  }
0x44: {  	_ =	shalt  }
0x45: {  	_ =	shalt  }
0x46: {  	_ =	shalt  }
0x47: {  	_ =	shalt  }
0x48: {  	_ =	shalt  }
0x49: {  	_ =	shalt  }
0x4a: {  	_ =	shalt  }
0x4b: {  	_ =	shalt  }
0x4c: {  	_ =	shalt  }
0x4d: {  	_ =	shalt  }
0x4e: {  	_ =	shalt  }
0x4f: {  	_ =	shalt  }
0x50: {  	_ =	shalt  }
0x51: {  	_ =	shalt  }
0x52: {  	_ =	shalt  }
0x53: {  	_ =	shalt  }
0x54: {  	_ =	shalt  }
0x55: {  	_ =	shalt  }
0x56: {  	_ =	shalt  }
0x57: {  	_ =	shalt  }
0x58: {  	_ =	shalt  }
0x59: {  	_ =	shalt  }
0x5a: {  	_ =	shalt  }
0x5b: {  	_ =	shalt  }
0x5c: {  	_ =	shalt  }
0x5d: {  	_ =	shalt  }
0x5e: {  	_ =	shalt  }
0x5f: {  	_ =	shalt  }
0x60: {  	_ =	shalt  }
0x61: {  	_ =	shalt  }
0x62: {  	_ =	shalt  }
0x63: {  	_ =	shalt  }
0x64: {  	_ =	shalt  }
0x65: {  	_ =	shalt  }
0x66: {  	_ =	shalt  }
0x67: {  	_ =	shalt  }
0x68: {  	_ =	shalt  }
0x69: {  	_ =	shalt  }
0x6a: {  	_ =	shalt  }
0x6b: {  	_ =	shalt  }
0x6c: {  	_ =	shalt  }
0x6d: {  	_ =	shalt  }
0x6e: {  	_ =	shalt  }
0x6f: {  	_ =	shalt  }
0x70: {  	_ =	shalt  }
0x71: {  	_ =	shalt  }
0x72: {  	_ =	shalt  }
0x73: {  	_ =	shalt  }
0x74: {  	_ =	shalt  }
0x75: {  	_ =	shalt  }
0x76: {  	_ =	shalt  }
0x77: {  	_ =	shalt  }
0x78: {  	_ =	shalt  }
0x79: {  	_ =	shalt  }
0x7a: {  	_ =	shalt  }
0x7b: {  	_ =	shalt  }
0x7c: {  	_ =	shalt  }
0x7d: {  	_ =	shalt  }
0x7e: {  	_ =	shalt  }
0x7f: {  	_ =	shalt  }
0x80: {  	_ =	shalt  }
0x81: {  	_ =	shalt  }
0x82: {  	_ =	shalt  }
0x83: {  	_ =	shalt  }
0x84: {  	_ =	shalt  }
0x85: {  	_ =	shalt  }
0x86: {  	_ =	shalt  }
0x87: {  	_ =	shalt  }
.Lfunc_end0:
.L_simem_size_0:
called_computation.1_lowered:
.L_overlay_start_0:
0x88: {  	s2 =	sld [smem:$0x3FD9]  }
0x89: {  	s3 =	sld [smem:$0x3FFE];
	_ =	sdelay $0x1  }
0x8a: {  	s1 =	srdreg.scid  }
0x8b: {  	s0 =	sand.u32 $0x1, s1  }
0x8c: {  	s17 =	sshll.u32 s0, $0xA;
	s2 =	sadd.s32 s3, s2  }
0x8d: {  	s2 =	sadd.s32 s2, s17  }
0x8e: {  	[smem:$0x3FC0] =	sst s2  }
0x8f: {  	_ = 	snop  }
0x90: {  	s2 =	sld [smem:$0x3FC5]  }
0x91: {  	s18 =	sld [smem:$0x3FD0];
	(tm) =	ssettm $0x1  }
0x92: {  	s4 =	sld [smem:$0x3FFB];
	_ =	sdelay $0x3  }
0x93: {  	_ =	strace s4  }
0x94: {  	s4 =	sld [smem:$0x3FFC];
	_ =	sdelay $0x3  }
0x95: {  	_ =	strace s4  }
0x96: {  	s4 =	sld [smem:$0x3FFD];
	_ =	sdelay $0x3  }
0x97: {  	_ =	strace s4  }
0x98: {  	_ =	strace $0x8FFFFFFF  }
0x99: {  	s19 =	sld [smem:$0x3FDB];
	_ =	sdelay $0x1  }
0x9a: {  	s5 =	simm.s32 $_scs_section_size  }
0x9b: {  	s6 =	simm.s32 $_size__tile_overlayer_lowered;
	s7 =	simm.s32 $_tile_overlayer_lowered  }
0x9c: {  	s22 =	simm.s32 $0x1BFF;
	s21 =	sshll.u32 s7, $0x1;
	s4 =	sadd.s32 s5, s19  }
0x9d: {  	s8 =	simm.s32 $0x0;
	s20 =	sshll.u32 s6, $0x1;
	s6 =	sadd.s32 s21, s4  }
0x9e: {  	[timem:s8], [sflag:s22] =	dma.local [hbm:s6], s20  }
0x9f: {  	_ =	swait.ge [sflag:s22], s20  }
0xa0: {  	s5 =	ssub.s32 $0x0, s20;
	[sflag:s22] =	ssyncset.done $0x0  }
0xa1: {  	[sflag:s22] =	ssyncadd.s32 s5;
	_ =	sdelay $0x1  }
0xa2: {  	s23 =	simm.s32 $0x1B8B  }
0xa3: {  	_ =	swait.ge [sflag:s23], $0x1  }
0xa4: {  	[sflag:s23] =	ssyncset.done $0x0  }
0xa5: {  	s25 =	simm.s32 $0x1B8E;
	s24 =	sld [smem:$0x3FFE];
	[sflag:s23] =	ssyncadd.s32 $0xFFFFFFFF  }
0xa6: {  	s26 =	simm.s32 $execute0_lowered;
	[smem:$0x3FD2] =	sst s25  }
0xa7: {  	s6 =	sshll.u32 s26, $0x1;
	_ =	strace $0x80000046;
	[dreg:$0x1] =	wrdreg $0xFFFFFFFF  }
0xa8: {  	s28 =	simm.s32 $_size_execute0_lowered;
	s4 =	sadd.s32 s4, s6;
	[dreg:$0x0] =	wrdreg $0x0  }
0xa9: {  	s6 =	sshll.u32 s28, $0x1;
	[dreg:$0x2] =	wrdreg s4  }
0xaa: {  	[dreg:$0x3] =	wrdreg s6  }
0xab: {  	[dreg:$0x4] =	wrdreg $0xC0  }
0xac: {  	_ =	task [dreg:s8], $0x5FFFF  }
0xad: {  	[dreg:$0x1] =	wrdreg $0xFFFFFFFF  }
0xae: {  	[dreg:$0x0] =	wrdreg $0x60  }
0xaf: {  	[dreg:$0x2] =	wrdreg s24  }
0xb0: {  	[dreg:$0x3] =	wrdreg s2  }
0xb1: {  	[dreg:$0x4] =	wrdreg s18  }
0xb2: {  	[dreg:$0x5] =	wrdreg $0x9  }
0xb3: {  	_ =	task.clear_ibuf [dreg:s8], $0x6FFFF;
	_ =	strace $0x90000046  }
0xb4: {  	s29 =	simm.s32 $0x9;
	_ =	strace $0x80000048  }
0xb5: {  	_ =	swait.ge [sflag:s29], $0x1  }
0xb6: {  	[sflag:s29] =	ssyncadd.s32 $0xFFFFFFFF  }
0xb7: {  	_ =	strace $0x90000048  }
0xb8: {  	_ =	sfence  }
0xb9: {  	s30 =	sld [smem:$0x0];
	_ =	sdelay $0x2  }
0xba: {  	s31 =	sshll.u32 s1, $0xD;
	s1 =	sshrl.u32 s1, $0x2  }
0xbb: {  	s3 =	sand.u32 $0x4000, s31;
	s1 =	sadd.s32 s1, s30  }
0xbc: {  	s0 =	sor.u32 s3, s0;
	s1 =	sshll.u32 s1, $0x11  }
0xbd: {  	s0 =	sor.u32 s1, s0  }
0xbe: {  	s0 =	sadd.s32 $0x8F2B, s0  }
0xbf: {  	[sflag:s0] =	ssyncadd.remote.s32 $0x1  }
0xc0: {  	_ =	sfence.sel $0xFFFF  }
0xc1: {  	[dreg:$0x0] =	wrdreg $0xFFFFFFFF;
	(pc) =	sbr.abs _section_cstart, $3  }
0xc2: {  	[dreg:$0x1] =	wrdreg $0xFFFFFFFF  }
0xc3: {  	_ =	task.clear_ibuf [dreg:s8], $0x2FFFF;
	_ =	strace $0x9FFFFFFF  }
0xc4: {  	(tm) =	ssettm $0x7FFFFFFF  }
0xc5: {  	_ =	shalt  }
tec
execute0_lowered:
.L_overlay_start_1:
0x0: {  	(tag) =	ssettag $0x1  }
0x1: {  	s0 =	rddreg [dreg:$0x0]  }
0x2: {  	s2 =	rddreg [dreg:$0x1]  }
0x3: {  	s3 =	rddreg [dreg:$0x2]  }
0x4: {  	s1 =	srdreg.scid;
	s5 =	stileid.u32;
	s4 =	simm.s32 $0x0  }
0x5: {  	s28 =	simm.s32 $0x5;
	s29 =	simm.s32 $0x4600;
	s31 =	simm.s32 $0x1  }
0x6: {  	s12 =	simm.s32 $0x8600;
	s1 =	sand.u32 $0x1, s1;
	s5 =	sshll.u32 s5, $0x1  }
0x7: {  	[smem:$0x7FF] =	sst s4;
	s6 =	sadd.s32 $0x1C00, s0;
	s5 =	sor.u32 s1, s5  }
0x8: {  	s7 =	sadd.s32 $0x1200, s0;
	s8 =	sadd.s32 $0x1AC00, s0;
	s9 =	smul.u32 $0x1900, s5  }
0x9: {  	_ =	strace $0x80000047;
	s17 =	ssub.s32 $0x2, s1;
	s16 =	smul.u32 $0xC80, s5  }
0xa: {  	[dreg:$0x4] =	wrdreg s7;
	s10 =	smul.u32 $0xC8000, s5;
	s1 =	sshrl.u32 s17, $0x1  }
0xb: {  	s7 =	simm.s32 $0x6;
	s11 =	smul.u32 $0x32, s5;
	s0 =	ssub.s32 s17, s1  }
0xc: {  	s17 =	simm.s32 $0x3;
	s18 =	sadd.s32 s6, s16;
	s15 =	smov.u32 s10  }
0xd: {  	s20 =	sshrl.u32 s10, $0x3;
	s21 =	sadd.s32 $0x3, s11;
	[dreg:$0x5] =	wrdreg s18  }
0xe: {  	s14 =	smov.u32 s9;
	s22 =	sor.u32 $0x80, s9;
	[dreg:$0x7] =	wrdreg s21  }
0xf: {  	s30 =	smov.u32 s11;
	s24 =	sadd.s32 $0x4, s11;
	[dreg:$0x8] =	wrdreg s22  }
0x10: {  	s0 =	smax.u32 s0, $0x1;
	s16 =	simm.s32 $0x2;
	[dreg:$0x9] =	wrdreg s24  }
0x11: {  	s19 =	sadd.s32 $0x40, s18;
	s23 =	sadd.s32 $0x18000, s20;
	[dreg:$0xe] =	wrdreg s0  }
0x12: {  	s9 =	simm.s32 $0x0;
	[dreg:$0x6] =	wrdreg s19;
	s25 =	sadd.s32 s3, s23  }
0x13: {  	s1 =	sadd.s32 $0x18800, s20;
	s5 =	sadd.s32 s8, s23;
	[dreg:$0xa] =	wrdreg s25  }
0x14: {  	s21 =	simm.s32 $0x10600;
	s26 =	sadd.s32 s3, s1;
	[dreg:$0xb] =	wrdreg s5  }
0x15: {  	s24 =	simm.s32 $0x80;
	s1 =	sadd.s32 s8, s1;
	[dreg:$0xc] =	wrdreg s26  }
0x16: {  	s0 =	simm.s32 $0x8;
	s23 =	simm.s32 $0x4;
	[dreg:$0xd] =	wrdreg s1  }
0x17: {  	v0 =	vlaneseq.u32;
	s25 =	simm.s32 $0x600;
	s26 =	simm.s32 $0x200;
	s1 =	simm.s32 $0xC600  }
.LBB2_1:
0x18: {  	[dreg:$0xf] =	wrdreg s9  }
0x19: {  	s5 =	rddreg [dreg:$0x4];
	s19 =	simm.s32 $0x7  }
0x1a: {  	[tilespmem:s21], [sflag:$0x7] =	stream.linear.gather [hbm4b:s5+s4], $0x4200, $0x38;
	[tilespmem:$0x14800] =	vst v63  }
0x1b: {  	_ =	swait.ge [sflag:s19], $0x4200  }
0x1c: {  	[sflag:s19] =	ssyncset.done $0x0  }
0x1d: {  	s20 =	rddreg [dreg:$0x5];
	[sflag:s19] =	ssyncadd.s32 $0xFFFFBE00  }
0x1e: {  	[tilespmem:s4], [sflag:$0x4] =	stream.linear.gather [hbm4b:s20+s4], $0x200, $0x38;
	[tilespmem:$0x14800] =	vst v63  }
0x1f: {  	_ =	swait.ge [sflag:s23], $0x200  }
0x20: {  	[sflag:s23] =	ssyncset.done $0x0  }
0x21: {  	[sflag:s23] =	ssyncadd.s32 $0xFFFFFE00  }
0x22: {  	[tilespmem:s25], [sflag:$0x1] =	stream.indirect.gather [hbm4b:s2+s24], $0x80, s4, s24, $0xb8;
	[tilespmem:$0x14800] =	vst v63  }
0x23: {  	s19 =	simm.s32 $0x0;
	s22 =	rddreg [dreg:$0x6]  }
0x24: {  	[tilespmem:s26], [sflag:$0x5] =	stream.linear.gather [hbm4b:s22+s4], $0x200, $0x38;
	[tilespmem:$0x14800] =	vst v63  }
.LBB2_2:
0x25: {  	_ =	swait.ge [sflag:s28], $0x200;
	s11 =	smul.u32 $0x3, s19  }
0x26: {  	[sflag:s28] =	ssyncset.done $0x0  }
0x27: {  	[sflag:s28] =	ssyncadd.s32 $0xFFFFFE00;
	s20 =	sadd.s32 $0x2, s11  }
0x28: {  	[tilespmem:s29], [sflag:$0x2] =	stream.indirect.gather [hbm4b:s2+s24], $0x80, s26, s24, $0xb8;
	[tilespmem:$0x14800] =	vst v63  }
0x29: {  	s5 =	sadd.s32 s30, s20  }
0x2a: {  	s5 =	sshll.u32 s5, $0x6  }
0x2b: {  	s5 =	sand.u32 $0x1FFFFFC0, s5  }
0x2c: {  	s10 =	simm.s32 $0x400;
	s9 =	sadd.s32 s6, s5;
	s5 =	simm.s32 $0x0  }
0x2d: {  	[tilespmem:s10], [sflag:$0x6] =	stream.linear.gather [hbm4b:s9+s5], $0x200, $0x38;
	[tilespmem:$0x14800] =	vst v63  }
0x2e: {  	s18 =	simm.s32 $0x0;
	s9 =	simm.s32 $0xCA00  }
.LBB2_3:
0x2f: {  	s13 =	sshra.s32 s18, $0x2  }
0x30: {  	v1 =	vld [tilespmem:s13+$0x80];
	_ =	sdelay $0x4  }
0x31: {  	v2 =	vbroadcast v1, $0x0;
	_ =	sdelay $0x1  }
0x32: {  	v2 =	vadd.s32 v0, v2;
	_ =	sdelay $0x3  }
0x33: {  	v3 =	vbroadcast v1, $0x1  }
0x34: {  	v2 =	vld.idx.msk [tilespmem:v2+s21+$0x0], $0xffff  }
0x35: {  	v3 =	vadd.s32 v0, v3;
	_ =	sdelay $0x3  }
0x36: {  	[tilespmem:s9+$0xFFFFFC00] =	vst v2;
	v2 =	vbroadcast v1, $0x2  }
0x37: {  	v3 =	vld.idx.msk [tilespmem:v3+s21+$0x0], $0xffff  }
0x38: {  	v2 =	vadd.s32 v0, v2;
	_ =	sdelay $0x3  }
0x39: {  	[tilespmem:s9+$0xFFFFFC80] =	vst v3;
	v3 =	vbroadcast v1, $0x3  }
0x3a: {  	v2 =	vld.idx.msk [tilespmem:v2+s21+$0x0], $0xffff  }
0x3b: {  	v3 =	vadd.s32 v0, v3;
	_ =	sdelay $0x3  }
0x3c: {  	[tilespmem:s9+$0xFFFFFD00] =	vst v2;
	v2 =	vbroadcast v1, $0x4  }
0x3d: {  	v3 =	vld.idx.msk [tilespmem:v3+s21+$0x0], $0xffff  }
0x3e: {  	v2 =	vadd.s32 v0, v2;
	_ =	sdelay $0x3  }
0x3f: {  	[tilespmem:s9+$0xFFFFFD80] =	vst v3;
	v3 =	vbroadcast v1, $0x5  }
0x40: {  	v2 =	vld.idx.msk [tilespmem:v2+s21+$0x0], $0xffff  }
0x41: {  	v3 =	vadd.s32 v0, v3;
	_ =	sdelay $0x3  }
0x42: {  	[tilespmem:s9+$0xFFFFFE00] =	vst v2;
	v2 =	vbroadcast v1, $0x6  }
0x43: {  	v3 =	vld.idx.msk [tilespmem:v3+s21+$0x0], $0xffff  }
0x44: {  	v2 =	vadd.s32 v0, v2;
	_ =	sdelay $0x3  }
0x45: {  	[tilespmem:s9+$0xFFFFFE80] =	vst v3;
	v3 =	vbroadcast v1, $0x7  }
0x46: {  	v2 =	vld.idx.msk [tilespmem:v2+s21+$0x0], $0xffff  }
0x47: {  	v3 =	vadd.s32 v0, v3;
	_ =	sdelay $0x3  }
0x48: {  	[tilespmem:s9+$0xFFFFFF00] =	vst v2;
	v2 =	vbroadcast v1, $0x8  }
0x49: {  	v3 =	vld.idx.msk [tilespmem:v3+s21+$0x0], $0xffff  }
0x4a: {  	v2 =	vadd.s32 v0, v2;
	_ =	sdelay $0x3  }
0x4b: {  	[tilespmem:s9+$0xFFFFFF80] =	vst v3;
	v3 =	vbroadcast v1, $0x9  }
0x4c: {  	v2 =	vld.idx.msk [tilespmem:v2+s21+$0x0], $0xffff  }
0x4d: {  	v3 =	vadd.s32 v0, v3;
	_ =	sdelay $0x3  }
0x4e: {  	[tilespmem:s9+$0x0] =	vst v2;
	v2 =	vbroadcast v1, $0xA  }
0x4f: {  	v3 =	vld.idx.msk [tilespmem:v3+s21+$0x0], $0xffff  }
0x50: {  	v2 =	vadd.s32 v0, v2;
	_ =	sdelay $0x3  }
0x51: {  	[tilespmem:s9+$0x80] =	vst v3;
	v3 =	vbroadcast v1, $0xB  }
0x52: {  	v2 =	vld.idx.msk [tilespmem:v2+s21+$0x0], $0xffff  }
0x53: {  	v3 =	vadd.s32 v0, v3;
	_ =	sdelay $0x3  }
0x54: {  	[tilespmem:s9+$0x100] =	vst v2;
	v2 =	vbroadcast v1, $0xC  }
0x55: {  	v3 =	vld.idx.msk [tilespmem:v3+s21+$0x0], $0xffff  }
0x56: {  	v2 =	vadd.s32 v0, v2;
	_ =	sdelay $0x3  }
0x57: {  	[tilespmem:s9+$0x180] =	vst v3;
	v3 =	vbroadcast v1, $0xD  }
0x58: {  	v2 =	vld.idx.msk [tilespmem:v2+s21+$0x0], $0xffff  }
0x59: {  	v3 =	vadd.s32 v0, v3;
	_ =	sdelay $0x3  }
0x5a: {  	[tilespmem:s9+$0x200] =	vst v2;
	v2 =	vbroadcast v1, $0xE  }
0x5b: {  	v3 =	vld.idx.msk [tilespmem:v3+s21+$0x0], $0xffff  }
0x5c: {  	v2 =	vadd.s32 v0, v2;
	_ =	sdelay $0x3  }
0x5d: {  	v1 =	vbroadcast v1, $0xF;
	[tilespmem:s9+$0x280] =	vst v3  }
0x5e: {  	v2 =	vld.idx.msk [tilespmem:v2+s21+$0x0], $0xffff  }
0x5f: {  	v1 =	vadd.s32 v0, v1;
	_ =	sdelay $0x3  }
0x60: {  	[tilespmem:s9+$0x300] =	vst v2  }
0x61: {  	p0 =	sne.s32 s18, $0x1C0;
	v1 =	vld.idx.msk [tilespmem:v1+s21+$0x0], $0xffff  }
.Ltmp0:
0x62: {  	_ = 	snop;
	(pc) =	sbr.rel @p0 .LBB2_3-.Ltmp0, $2  }
0x63: {  	_ =	sdelay $0x2  }
0x64: {  	s18 =	sadd.s32 $0x40, s18;
	[tilespmem:s9+$0x380] =	vst v1;
	s9 =	sadd.s32 $0x800, s9  }
0x65: {  	s9 =	simm.s32 $0xCA10  }
.LBB2_5:
0x66: {  	s13 =	sshra.s32 s5, $0x2  }
0x67: {  	v1 =	vld [tilespmem:s13+$0x100];
	_ =	sdelay $0x4  }
0x68: {  	v2 =	vbroadcast v1, $0x0;
	_ =	sdelay $0x1  }
0x69: {  	v2 =	vadd.s32 v0, v2;
	_ =	sdelay $0x3  }
0x6a: {  	v3 =	vbroadcast v1, $0x1  }
0x6b: {  	v2 =	vld.idx.msk [tilespmem:v2+s21+$0x0], $0xffff  }
0x6c: {  	v3 =	vadd.s32 v0, v3;
	_ =	sdelay $0x3  }
0x6d: {  	[tilespmem:s9+$0xFFFFFC00] =	vst v2;
	v2 =	vbroadcast v1, $0x2  }
0x6e: {  	v3 =	vld.idx.msk [tilespmem:v3+s21+$0x0], $0xffff  }
0x6f: {  	v2 =	vadd.s32 v0, v2;
	_ =	sdelay $0x3  }
0x70: {  	[tilespmem:s9+$0xFFFFFC80] =	vst v3;
	v3 =	vbroadcast v1, $0x3  }
0x71: {  	v2 =	vld.idx.msk [tilespmem:v2+s21+$0x0], $0xffff  }
0x72: {  	v3 =	vadd.s32 v0, v3;
	_ =	sdelay $0x3  }
0x73: {  	[tilespmem:s9+$0xFFFFFD00] =	vst v2;
	v2 =	vbroadcast v1, $0x4  }
0x74: {  	v3 =	vld.idx.msk [tilespmem:v3+s21+$0x0], $0xffff  }
0x75: {  	v2 =	vadd.s32 v0, v2;
	_ =	sdelay $0x3  }
0x76: {  	[tilespmem:s9+$0xFFFFFD80] =	vst v3;
	v3 =	vbroadcast v1, $0x5  }
0x77: {  	v2 =	vld.idx.msk [tilespmem:v2+s21+$0x0], $0xffff  }
0x78: {  	v3 =	vadd.s32 v0, v3;
	_ =	sdelay $0x3  }
0x79: {  	[tilespmem:s9+$0xFFFFFE00] =	vst v2;
	v2 =	vbroadcast v1, $0x6  }
0x7a: {  	v3 =	vld.idx.msk [tilespmem:v3+s21+$0x0], $0xffff  }
0x7b: {  	v2 =	vadd.s32 v0, v2;
	_ =	sdelay $0x3  }
0x7c: {  	[tilespmem:s9+$0xFFFFFE80] =	vst v3;
	v3 =	vbroadcast v1, $0x7  }
0x7d: {  	v2 =	vld.idx.msk [tilespmem:v2+s21+$0x0], $0xffff  }
0x7e: {  	v3 =	vadd.s32 v0, v3;
	_ =	sdelay $0x3  }
0x7f: {  	[tilespmem:s9+$0xFFFFFF00] =	vst v2;
	v2 =	vbroadcast v1, $0x8  }
0x80: {  	v3 =	vld.idx.msk [tilespmem:v3+s21+$0x0], $0xffff  }
0x81: {  	v2 =	vadd.s32 v0, v2;
	_ =	sdelay $0x3  }
0x82: {  	[tilespmem:s9+$0xFFFFFF80] =	vst v3;
	v3 =	vbroadcast v1, $0x9  }
0x83: {  	v2 =	vld.idx.msk [tilespmem:v2+s21+$0x0], $0xffff  }
0x84: {  	v3 =	vadd.s32 v0, v3;
	_ =	sdelay $0x3  }
0x85: {  	[tilespmem:s9+$0x0] =	vst v2;
	v2 =	vbroadcast v1, $0xA  }
0x86: {  	v3 =	vld.idx.msk [tilespmem:v3+s21+$0x0], $0xffff  }
0x87: {  	v2 =	vadd.s32 v0, v2;
	_ =	sdelay $0x3  }
0x88: {  	[tilespmem:s9+$0x80] =	vst v3;
	v3 =	vbroadcast v1, $0xB  }
0x89: {  	v2 =	vld.idx.msk [tilespmem:v2+s21+$0x0], $0xffff  }
0x8a: {  	v3 =	vadd.s32 v0, v3;
	_ =	sdelay $0x3  }
0x8b: {  	[tilespmem:s9+$0x100] =	vst v2;
	v2 =	vbroadcast v1, $0xC  }
0x8c: {  	v3 =	vld.idx.msk [tilespmem:v3+s21+$0x0], $0xffff  }
0x8d: {  	v2 =	vadd.s32 v0, v2;
	_ =	sdelay $0x3  }
0x8e: {  	[tilespmem:s9+$0x180] =	vst v3;
	v3 =	vbroadcast v1, $0xD  }
0x8f: {  	v2 =	vld.idx.msk [tilespmem:v2+s21+$0x0], $0xffff  }
0x90: {  	v3 =	vadd.s32 v0, v3;
	_ =	sdelay $0x3  }
0x91: {  	[tilespmem:s9+$0x200] =	vst v2;
	v2 =	vbroadcast v1, $0xE  }
0x92: {  	v3 =	vld.idx.msk [tilespmem:v3+s21+$0x0], $0xffff  }
0x93: {  	v2 =	vadd.s32 v0, v2;
	_ =	sdelay $0x3  }
0x94: {  	v1 =	vbroadcast v1, $0xF;
	[tilespmem:s9+$0x280] =	vst v3  }
0x95: {  	v2 =	vld.idx.msk [tilespmem:v2+s21+$0x0], $0xffff  }
0x96: {  	v1 =	vadd.s32 v0, v1;
	_ =	sdelay $0x3  }
0x97: {  	[tilespmem:s9+$0x300] =	vst v2  }
0x98: {  	p0 =	sne.s32 s5, $0x1C0;
	v1 =	vld.idx.msk [tilespmem:v1+s21+$0x0], $0xffff  }
.Ltmp1:
0x99: {  	_ = 	snop;
	(pc) =	sbr.rel @p0 .LBB2_5-.Ltmp1, $2  }
0x9a: {  	_ =	sdelay $0x2  }
0x9b: {  	s5 =	sadd.s32 $0x40, s5;
	[tilespmem:s9+$0x380] =	vst v1;
	s9 =	sadd.s32 $0x800, s9  }
0x9c: {  	s5 =	simm.s32 $0x0  }
0x9d: {  	v1 =	vld [tilespmem:s5+$0x180];
	_ =	sdelay $0x4  }
0x9e: {  	v2 =	vbroadcast v1, $0x0;
	_ =	sdelay $0x1  }
0x9f: {  	v2 =	vadd.s32 v0, v2;
	_ =	sdelay $0x3  }
0xa0: {  	v3 =	vbroadcast v1, $0x1  }
0xa1: {  	v2 =	vld.idx.msk [tilespmem:v2+s21+$0x0], $0xffff  }
0xa2: {  	v3 =	vadd.s32 v0, v3;
	_ =	sdelay $0x2  }
0xa3: {  	s22 =	simm.s32 $0xCA20  }
0xa4: {  	v4 =	vbroadcast v1, $0x2;
	[tilespmem:s22+$0xFFFFFC00] =	vst v2  }
0xa5: {  	v2 =	vld.idx.msk [tilespmem:v3+s21+$0x0], $0xffff  }
0xa6: {  	v3 =	vadd.s32 v0, v4;
	_ =	sdelay $0x3  }
0xa7: {  	v52 =	vbroadcast v1, $0x3;
	[tilespmem:s22+$0xFFFFFC80] =	vst v2  }
0xa8: {  	v2 =	vld.idx.msk [tilespmem:v3+s21+$0x0], $0xffff  }
0xa9: {  	v3 =	vadd.s32 v0, v52;
	_ =	sdelay $0x3  }
0xaa: {  	v53 =	vbroadcast v1, $0x4;
	[tilespmem:s22+$0xFFFFFD00] =	vst v2  }
0xab: {  	v2 =	vld.idx.msk [tilespmem:v3+s21+$0x0], $0xffff  }
0xac: {  	v3 =	vadd.s32 v0, v53;
	_ =	sdelay $0x3  }
0xad: {  	v54 =	vbroadcast v1, $0x5;
	[tilespmem:s22+$0xFFFFFD80] =	vst v2  }
0xae: {  	v2 =	vld.idx.msk [tilespmem:v3+s21+$0x0], $0xffff  }
0xaf: {  	v3 =	vadd.s32 v0, v54;
	_ =	sdelay $0x3  }
0xb0: {  	v55 =	vbroadcast v1, $0x6;
	[tilespmem:s22+$0xFFFFFE00] =	vst v2  }
0xb1: {  	v2 =	vld.idx.msk [tilespmem:v3+s21+$0x0], $0xffff  }
0xb2: {  	v3 =	vadd.s32 v0, v55;
	_ =	sdelay $0x3  }
0xb3: {  	v56 =	vbroadcast v1, $0x7;
	[tilespmem:s22+$0xFFFFFE80] =	vst v2  }
0xb4: {  	v2 =	vld.idx.msk [tilespmem:v3+s21+$0x0], $0xffff  }
0xb5: {  	v3 =	vadd.s32 v0, v56;
	_ =	sdelay $0x3  }
0xb6: {  	v57 =	vbroadcast v1, $0x8;
	[tilespmem:s22+$0xFFFFFF00] =	vst v2  }
0xb7: {  	v2 =	vld.idx.msk [tilespmem:v3+s21+$0x0], $0xffff  }
0xb8: {  	v3 =	vadd.s32 v0, v57;
	_ =	sdelay $0x3  }
0xb9: {  	v58 =	vbroadcast v1, $0x9;
	[tilespmem:s22+$0xFFFFFF80] =	vst v2  }
0xba: {  	v2 =	vld.idx.msk [tilespmem:v3+s21+$0x0], $0xffff  }
0xbb: {  	v3 =	vadd.s32 v0, v58;
	_ =	sdelay $0x3  }
0xbc: {  	v59 =	vbroadcast v1, $0xA;
	[tilespmem:s22+$0x0] =	vst v2  }
0xbd: {  	v2 =	vld.idx.msk [tilespmem:v3+s21+$0x0], $0xffff  }
0xbe: {  	v3 =	vadd.s32 v0, v59;
	_ =	sdelay $0x3  }
0xbf: {  	v60 =	vbroadcast v1, $0xB;
	[tilespmem:s22+$0x80] =	vst v2  }
0xc0: {  	v2 =	vld.idx.msk [tilespmem:v3+s21+$0x0], $0xffff  }
0xc1: {  	v3 =	vadd.s32 v0, v60;
	_ =	sdelay $0x3  }
0xc2: {  	v61 =	vbroadcast v1, $0xC;
	[tilespmem:s22+$0x100] =	vst v2  }
0xc3: {  	v2 =	vld.idx.msk [tilespmem:v3+s21+$0x0], $0xffff  }
0xc4: {  	v3 =	vadd.s32 v0, v61;
	_ =	sdelay $0x3  }
0xc5: {  	v62 =	vbroadcast v1, $0xD;
	[tilespmem:s22+$0x180] =	vst v2  }
0xc6: {  	v2 =	vld.idx.msk [tilespmem:v3+s21+$0x0], $0xffff  }
0xc7: {  	v3 =	vadd.s32 v0, v62;
	_ =	sdelay $0x3  }
0xc8: {  	v63 =	vbroadcast v1, $0xE;
	[tilespmem:s22+$0x200] =	vst v2  }
0xc9: {  	v2 =	vld.idx.msk [tilespmem:v3+s21+$0x0], $0xffff  }
0xca: {  	v3 =	vadd.s32 v0, v63;
	_ =	sdelay $0x3  }
0xcb: {  	v1 =	vbroadcast v1, $0xF;
	[tilespmem:s22+$0x280] =	vst v2  }
0xcc: {  	v2 =	vld.idx.msk [tilespmem:v3+s21+$0x0], $0xffff  }
0xcd: {  	v1 =	vadd.s32 v0, v1;
	_ =	sdelay $0x3  }
0xce: {  	[tilespmem:s22+$0x300] =	vst v2  }
0xcf: {  	s18 =	simm.s32 $0x40;
	s9 =	simm.s32 $0x80;
	v1 =	vld.idx.msk [tilespmem:v1+s21+$0x0], $0xffff  }
.LBB2_7:
0xd0: {  	_ =	sdelay $0x2  }
0xd1: {  	s13 =	sshra.s32 s18, $0x2  }
0xd2: {  	s18 =	smov.u32 s9;
	s5 =	sadd.s32 $0x40, s9;
	[tilespmem:s22+$0x380] =	vst v1;
	s22 =	sadd.s32 $0x800, s22  }
0xd3: {  	p0 =	sne.s32 s9, $0x1C0;
	v1 =	vld [tilespmem:s13+$0x180];
	_ =	sdelay $0x4  }
0xd4: {  	v2 =	vbroadcast v1, $0x0;
	v3 =	vbroadcast v1, $0x1  }
0xd5: {  	v4 =	vbroadcast v1, $0x2;
	v5 =	vbroadcast v1, $0x3  }
0xd6: {  	v6 =	vbroadcast v1, $0x4;
	v7 =	vbroadcast v1, $0x5;
	v2 =	vadd.s32 v0, v2  }
0xd7: {  	v8 =	vbroadcast v1, $0x6;
	v9 =	vbroadcast v1, $0x7  }
0xd8: {  	v10 =	vbroadcast v1, $0x8;
	v11 =	vbroadcast v1, $0x9  }
0xd9: {  	v12 =	vbroadcast v1, $0xA;
	v13 =	vbroadcast v1, $0xB  }
0xda: {  	v14 =	vbroadcast v1, $0xC;
	v15 =	vbroadcast v1, $0xD  }
0xdb: {  	v16 =	vld.idx.msk [tilespmem:v2+s21+$0x0], $0xffff;
	v2 =	vbroadcast v1, $0xE;
	v1 =	vbroadcast v1, $0xF;
	_ =	sdelay $0x1  }
0xdc: {  	v3 =	vadd.s32 v0, v3;
	_ =	sdelay $0x3  }
0xdd: {  	[tilespmem:s22+$0xFFFFFC00] =	vst v16  }
0xde: {  	v3 =	vld.idx.msk [tilespmem:v3+s21+$0x0], $0xffff;
	_ =	sdelay $0x1  }
0xdf: {  	v4 =	vadd.s32 v0, v4;
	_ =	sdelay $0x3  }
0xe0: {  	[tilespmem:s22+$0xFFFFFC80] =	vst v3  }
0xe1: {  	v3 =	vld.idx.msk [tilespmem:v4+s21+$0x0], $0xffff;
	_ =	sdelay $0x1  }
0xe2: {  	v4 =	vadd.s32 v0, v5;
	_ =	sdelay $0x3  }
0xe3: {  	[tilespmem:s22+$0xFFFFFD00] =	vst v3  }
0xe4: {  	v3 =	vld.idx.msk [tilespmem:v4+s21+$0x0], $0xffff;
	_ =	sdelay $0x1  }
0xe5: {  	v4 =	vadd.s32 v0, v6;
	_ =	sdelay $0x3  }
0xe6: {  	[tilespmem:s22+$0xFFFFFD80] =	vst v3  }
0xe7: {  	v3 =	vld.idx.msk [tilespmem:v4+s21+$0x0], $0xffff;
	_ =	sdelay $0x1  }
0xe8: {  	v4 =	vadd.s32 v0, v7;
	_ =	sdelay $0x3  }
0xe9: {  	[tilespmem:s22+$0xFFFFFE00] =	vst v3  }
0xea: {  	v3 =	vld.idx.msk [tilespmem:v4+s21+$0x0], $0xffff;
	_ =	sdelay $0x1  }
0xeb: {  	v4 =	vadd.s32 v0, v8;
	_ =	sdelay $0x3  }
0xec: {  	[tilespmem:s22+$0xFFFFFE80] =	vst v3  }
0xed: {  	v3 =	vld.idx.msk [tilespmem:v4+s21+$0x0], $0xffff;
	_ =	sdelay $0x1  }
0xee: {  	v4 =	vadd.s32 v0, v9;
	_ =	sdelay $0x3  }
0xef: {  	[tilespmem:s22+$0xFFFFFF00] =	vst v3  }
0xf0: {  	v3 =	vld.idx.msk [tilespmem:v4+s21+$0x0], $0xffff;
	_ =	sdelay $0x1  }
0xf1: {  	v4 =	vadd.s32 v0, v10;
	_ =	sdelay $0x3  }
0xf2: {  	[tilespmem:s22+$0xFFFFFF80] =	vst v3  }
0xf3: {  	v3 =	vld.idx.msk [tilespmem:v4+s21+$0x0], $0xffff;
	_ =	sdelay $0x1  }
0xf4: {  	v4 =	vadd.s32 v0, v11;
	_ =	sdelay $0x3  }
0xf5: {  	[tilespmem:s22+$0x0] =	vst v3  }
0xf6: {  	v3 =	vld.idx.msk [tilespmem:v4+s21+$0x0], $0xffff;
	_ =	sdelay $0x1  }
0xf7: {  	v4 =	vadd.s32 v0, v12;
	_ =	sdelay $0x3  }
0xf8: {  	[tilespmem:s22+$0x80] =	vst v3  }
0xf9: {  	v3 =	vld.idx.msk [tilespmem:v4+s21+$0x0], $0xffff;
	_ =	sdelay $0x1  }
0xfa: {  	v4 =	vadd.s32 v0, v13;
	_ =	sdelay $0x3  }
0xfb: {  	[tilespmem:s22+$0x100] =	vst v3  }
0xfc: {  	v3 =	vld.idx.msk [tilespmem:v4+s21+$0x0], $0xffff;
	_ =	sdelay $0x1  }
0xfd: {  	v4 =	vadd.s32 v0, v14;
	_ =	sdelay $0x3  }
0xfe: {  	[tilespmem:s22+$0x180] =	vst v3  }
0xff: {  	v3 =	vld.idx.msk [tilespmem:v4+s21+$0x0], $0xffff;
	_ =	sdelay $0x1  }
0x100: {  	v4 =	vadd.s32 v0, v15;
	_ =	sdelay $0x3  }
0x101: {  	[tilespmem:s22+$0x200] =	vst v3  }
0x102: {  	v3 =	vld.idx.msk [tilespmem:v4+s21+$0x0], $0xffff;
	_ =	sdelay $0x1  }
0x103: {  	v2 =	vadd.s32 v0, v2;
	_ =	sdelay $0x3  }
0x104: {  	[tilespmem:s22+$0x280] =	vst v3  }
0x105: {  	v2 =	vld.idx.msk [tilespmem:v2+s21+$0x0], $0xffff;
	_ =	sdelay $0x1  }
0x106: {  	v1 =	vadd.s32 v0, v1  }
.Ltmp2:
0x107: {  	(pc) =	sbr.rel @p0 .LBB2_7-.Ltmp2, $3  }
0x108: {  	_ =	sdelay $0x1  }
0x109: {  	[tilespmem:s22+$0x300] =	vst v2  }
0x10a: {  	s9 =	smov.u32 s5;
	v1 =	vld.idx.msk [tilespmem:v1+s21+$0x0], $0xffff  }
0x10b: {  	_ =	sdelay $0x3  }
0x10c: {  	s5 =	sshra.s32 s18, $0x2;
	[tilespmem:s22+$0x380] =	vst v1  }
0x10d: {  	v1 =	vld [tilespmem:s5+$0x180];
	_ =	sdelay $0x4  }
0x10e: {  	v2 =	vbroadcast v1, $0x0;
	_ =	sdelay $0x1  }
0x10f: {  	v2 =	vadd.s32 v0, v2;
	_ =	sdelay $0x3  }
0x110: {  	v3 =	vbroadcast v1, $0x1  }
0x111: {  	v2 =	vld.idx.msk [tilespmem:v2+s21+$0x0], $0xffff  }
0x112: {  	v3 =	vadd.s32 v0, v3;
	_ =	sdelay $0x2  }
0x113: {  	s9 =	sadd.s32 $0x800, s22  }
0x114: {  	v4 =	vbroadcast v1, $0x2;
	[tilespmem:s9+$0xFFFFFC00] =	vst v2  }
0x115: {  	v2 =	vld.idx.msk [tilespmem:v3+s21+$0x0], $0xffff  }
0x116: {  	v3 =	vadd.s32 v0, v4;
	_ =	sdelay $0x3  }
0x117: {  	v52 =	vbroadcast v1, $0x3;
	[tilespmem:s9+$0xFFFFFC80] =	vst v2  }
0x118: {  	v2 =	vld.idx.msk [tilespmem:v3+s21+$0x0], $0xffff  }
0x119: {  	v3 =	vadd.s32 v0, v52;
	_ =	sdelay $0x3  }
0x11a: {  	v53 =	vbroadcast v1, $0x4;
	[tilespmem:s9+$0xFFFFFD00] =	vst v2  }
0x11b: {  	v2 =	vld.idx.msk [tilespmem:v3+s21+$0x0], $0xffff  }
0x11c: {  	v3 =	vadd.s32 v0, v53;
	_ =	sdelay $0x3  }
0x11d: {  	v54 =	vbroadcast v1, $0x5;
	[tilespmem:s9+$0xFFFFFD80] =	vst v2  }
0x11e: {  	v2 =	vld.idx.msk [tilespmem:v3+s21+$0x0], $0xffff  }
0x11f: {  	v3 =	vadd.s32 v0, v54;
	_ =	sdelay $0x3  }
0x120: {  	v55 =	vbroadcast v1, $0x6;
	[tilespmem:s9+$0xFFFFFE00] =	vst v2  }
0x121: {  	v2 =	vld.idx.msk [tilespmem:v3+s21+$0x0], $0xffff  }
0x122: {  	v3 =	vadd.s32 v0, v55;
	_ =	sdelay $0x3  }
0x123: {  	v56 =	vbroadcast v1, $0x7;
	[tilespmem:s9+$0xFFFFFE80] =	vst v2  }
0x124: {  	v2 =	vld.idx.msk [tilespmem:v3+s21+$0x0], $0xffff  }
0x125: {  	v3 =	vadd.s32 v0, v56;
	_ =	sdelay $0x3  }
0x126: {  	v57 =	vbroadcast v1, $0x8;
	[tilespmem:s9+$0xFFFFFF00] =	vst v2  }
0x127: {  	v2 =	vld.idx.msk [tilespmem:v3+s21+$0x0], $0xffff  }
0x128: {  	v3 =	vadd.s32 v0, v57;
	_ =	sdelay $0x3  }
0x129: {  	v58 =	vbroadcast v1, $0x9;
	[tilespmem:s9+$0xFFFFFF80] =	vst v2  }
0x12a: {  	v2 =	vld.idx.msk [tilespmem:v3+s21+$0x0], $0xffff  }
0x12b: {  	v3 =	vadd.s32 v0, v58;
	_ =	sdelay $0x3  }
0x12c: {  	v59 =	vbroadcast v1, $0xA;
	[tilespmem:s9+$0x0] =	vst v2  }
0x12d: {  	v2 =	vld.idx.msk [tilespmem:v3+s21+$0x0], $0xffff  }
0x12e: {  	v3 =	vadd.s32 v0, v59;
	_ =	sdelay $0x3  }
0x12f: {  	v60 =	vbroadcast v1, $0xB;
	[tilespmem:s9+$0x80] =	vst v2  }
0x130: {  	v2 =	vld.idx.msk [tilespmem:v3+s21+$0x0], $0xffff  }
0x131: {  	v3 =	vadd.s32 v0, v60;
	_ =	sdelay $0x3  }
0x132: {  	v61 =	vbroadcast v1, $0xC;
	[tilespmem:s9+$0x100] =	vst v2  }
0x133: {  	v2 =	vld.idx.msk [tilespmem:v3+s21+$0x0], $0xffff  }
0x134: {  	v3 =	vadd.s32 v0, v61;
	_ =	sdelay $0x3  }
0x135: {  	v62 =	vbroadcast v1, $0xD;
	[tilespmem:s9+$0x180] =	vst v2  }
0x136: {  	v2 =	vld.idx.msk [tilespmem:v3+s21+$0x0], $0xffff  }
0x137: {  	v3 =	vadd.s32 v0, v62;
	_ =	sdelay $0x3  }
0x138: {  	v63 =	vbroadcast v1, $0xE;
	[tilespmem:s9+$0x200] =	vst v2  }
0x139: {  	v2 =	vld.idx.msk [tilespmem:v3+s21+$0x0], $0xffff  }
0x13a: {  	v3 =	vadd.s32 v0, v63;
	_ =	sdelay $0x3  }
0x13b: {  	v1 =	vbroadcast v1, $0xF;
	[tilespmem:s9+$0x280] =	vst v2  }
0x13c: {  	v2 =	vld.idx.msk [tilespmem:v3+s21+$0x0], $0xffff  }
0x13d: {  	v1 =	vadd.s32 v0, v1;
	_ =	sdelay $0x3  }
0x13e: {  	[tilespmem:s9+$0x300] =	vst v2  }
0x13f: {  	v1 =	vld.idx.msk [tilespmem:v1+s21+$0x0], $0xffff;
	_ =	sdelay $0x3  }
0x140: {  	s22 =	smul.u32 $0x180, s19  }
0x141: {  	[tilespmem:s9+$0x380] =	vst v1  }
0x142: {  	s10 =	sadd.s32 s14, s22;
	_ =	swait.ge [sflag:s31], $0x4000  }
0x143: {  	s9 =	sshll.u32 s10, $0x4;
	[sflag:s31] =	ssyncset.done $0x0  }
0x144: {  	s5 =	simm.s32 $0x0;
	s13 =	sadd.s32 s3, s9;
	[sflag:s31] =	ssyncadd.s32 $0xFFFFC000  }
0x145: {  	[hbm4b:s13+s5] =	stream.linear.scatter [tilespmem:s25], [sflag:$0x8], $0x4000, $0x38;
	[tilespmem:$0x14800] =	vst v63  }
0x146: {  	_ =	swait.ge [sflag:s0], $0x4000  }
0x147: {  	[sflag:s0] =	ssyncset.done $0x0  }
0x148: {  	s9 =	sadd.s32 s8, s9;
	[sflag:s0] =	ssyncadd.s32 $0xFFFFC000  }
0x149: {  	[hbm4b:s9+s5] =	stream.linear.scatter [tilespmem:s1], [sflag:$0x8], $0x4000, $0x38;
	[tilespmem:$0x14800] =	vst v63  }
0x14a: {  	_ =	swait.ge [sflag:s0], $0x4000  }
0x14b: {  	[sflag:s0] =	ssyncset.done $0x0  }
0x14c: {  	[sflag:s0] =	ssyncadd.s32 $0xFFFFC000  }
0x14d: {  	_ =	swait.ge [sflag:s7], $0x200  }
0x14e: {  	[sflag:s7] =	ssyncset.done $0x0;
	s18 =	rddreg [dreg:$0x7]  }
0x14f: {  	s13 =	simm.s32 $0x400;
	[sflag:s7] =	ssyncadd.s32 $0xFFFFFE00;
	s9 =	sadd.s32 s11, s18  }
0x150: {  	[tilespmem:s12], [sflag:$0x3] =	stream.indirect.gather [hbm4b:s2+s24], $0x80, s13, s24, $0xb8;
	[tilespmem:$0x14800] =	vst v63  }
0x151: {  	s9 =	sshll.u32 s9, $0x6  }
0x152: {  	s9 =	sand.u32 $0x1FFFFFC0, s9  }
0x153: {  	s9 =	sadd.s32 s6, s9  }
0x154: {  	[tilespmem:s5], [sflag:$0x4] =	stream.linear.gather [hbm4b:s9+s5], $0x200, $0x38;
	[tilespmem:$0x14800] =	vst v63  }
0x155: {  	s18 =	simm.s32 $0x0;
	s9 =	simm.s32 $0xCA00  }
.LBB2_9:
0x156: {  	s13 =	sshra.s32 s18, $0x2  }
0x157: {  	v1 =	vld [tilespmem:s13+$0x280];
	_ =	sdelay $0x4  }
0x158: {  	v2 =	vbroadcast v1, $0x0;
	_ =	sdelay $0x1  }
0x159: {  	v2 =	vadd.s32 v0, v2;
	_ =	sdelay $0x3  }
0x15a: {  	v3 =	vbroadcast v1, $0x1  }
0x15b: {  	v2 =	vld.idx.msk [tilespmem:v2+s21+$0x0], $0xffff  }
0x15c: {  	v3 =	vadd.s32 v0, v3;
	_ =	sdelay $0x3  }
0x15d: {  	[tilespmem:s9+$0xFFFFFC00] =	vst v2;
	v2 =	vbroadcast v1, $0x2  }
0x15e: {  	v3 =	vld.idx.msk [tilespmem:v3+s21+$0x0], $0xffff  }
0x15f: {  	v2 =	vadd.s32 v0, v2;
	_ =	sdelay $0x3  }
0x160: {  	[tilespmem:s9+$0xFFFFFC80] =	vst v3;
	v3 =	vbroadcast v1, $0x3  }
0x161: {  	v2 =	vld.idx.msk [tilespmem:v2+s21+$0x0], $0xffff  }
0x162: {  	v3 =	vadd.s32 v0, v3;
	_ =	sdelay $0x3  }
0x163: {  	[tilespmem:s9+$0xFFFFFD00] =	vst v2;
	v2 =	vbroadcast v1, $0x4  }
0x164: {  	v3 =	vld.idx.msk [tilespmem:v3+s21+$0x0], $0xffff  }
0x165: {  	v2 =	vadd.s32 v0, v2;
	_ =	sdelay $0x3  }
0x166: {  	[tilespmem:s9+$0xFFFFFD80] =	vst v3;
	v3 =	vbroadcast v1, $0x5  }
0x167: {  	v2 =	vld.idx.msk [tilespmem:v2+s21+$0x0], $0xffff  }
0x168: {  	v3 =	vadd.s32 v0, v3;
	_ =	sdelay $0x3  }
0x169: {  	[tilespmem:s9+$0xFFFFFE00] =	vst v2;
	v2 =	vbroadcast v1, $0x6  }
0x16a: {  	v3 =	vld.idx.msk [tilespmem:v3+s21+$0x0], $0xffff  }
0x16b: {  	v2 =	vadd.s32 v0, v2;
	_ =	sdelay $0x3  }
0x16c: {  	[tilespmem:s9+$0xFFFFFE80] =	vst v3;
	v3 =	vbroadcast v1, $0x7  }
0x16d: {  	v2 =	vld.idx.msk [tilespmem:v2+s21+$0x0], $0xffff  }
0x16e: {  	v3 =	vadd.s32 v0, v3;
	_ =	sdelay $0x3  }
0x16f: {  	[tilespmem:s9+$0xFFFFFF00] =	vst v2;
	v2 =	vbroadcast v1, $0x8  }
0x170: {  	v3 =	vld.idx.msk [tilespmem:v3+s21+$0x0], $0xffff  }
0x171: {  	v2 =	vadd.s32 v0, v2;
	_ =	sdelay $0x3  }
0x172: {  	[tilespmem:s9+$0xFFFFFF80] =	vst v3;
	v3 =	vbroadcast v1, $0x9  }
0x173: {  	v2 =	vld.idx.msk [tilespmem:v2+s21+$0x0], $0xffff  }
0x174: {  	v3 =	vadd.s32 v0, v3;
	_ =	sdelay $0x3  }
0x175: {  	[tilespmem:s9+$0x0] =	vst v2;
	v2 =	vbroadcast v1, $0xA  }
0x176: {  	v3 =	vld.idx.msk [tilespmem:v3+s21+$0x0], $0xffff  }
0x177: {  	v2 =	vadd.s32 v0, v2;
	_ =	sdelay $0x3  }
0x178: {  	[tilespmem:s9+$0x80] =	vst v3;
	v3 =	vbroadcast v1, $0xB  }
0x179: {  	v2 =	vld.idx.msk [tilespmem:v2+s21+$0x0], $0xffff  }
0x17a: {  	v3 =	vadd.s32 v0, v3;
	_ =	sdelay $0x3  }
0x17b: {  	[tilespmem:s9+$0x100] =	vst v2;
	v2 =	vbroadcast v1, $0xC  }
0x17c: {  	v3 =	vld.idx.msk [tilespmem:v3+s21+$0x0], $0xffff  }
0x17d: {  	v2 =	vadd.s32 v0, v2;
	_ =	sdelay $0x3  }
0x17e: {  	[tilespmem:s9+$0x180] =	vst v3;
	v3 =	vbroadcast v1, $0xD  }
0x17f: {  	v2 =	vld.idx.msk [tilespmem:v2+s21+$0x0], $0xffff  }
0x180: {  	v3 =	vadd.s32 v0, v3;
	_ =	sdelay $0x3  }
0x181: {  	[tilespmem:s9+$0x200] =	vst v2;
	v2 =	vbroadcast v1, $0xE  }
0x182: {  	v3 =	vld.idx.msk [tilespmem:v3+s21+$0x0], $0xffff  }
0x183: {  	v2 =	vadd.s32 v0, v2;
	_ =	sdelay $0x3  }
0x184: {  	v1 =	vbroadcast v1, $0xF;
	[tilespmem:s9+$0x280] =	vst v3  }
0x185: {  	v2 =	vld.idx.msk [tilespmem:v2+s21+$0x0], $0xffff  }
0x186: {  	v1 =	vadd.s32 v0, v1;
	_ =	sdelay $0x3  }
0x187: {  	[tilespmem:s9+$0x300] =	vst v2  }
0x188: {  	p0 =	sne.s32 s18, $0x1C0;
	v1 =	vld.idx.msk [tilespmem:v1+s21+$0x0], $0xffff  }
.Ltmp3:
0x189: {  	_ = 	snop;
	(pc) =	sbr.rel @p0 .LBB2_9-.Ltmp3, $2  }
0x18a: {  	_ =	sdelay $0x2  }
0x18b: {  	s18 =	sadd.s32 $0x40, s18;
	[tilespmem:s9+$0x380] =	vst v1;
	s9 =	sadd.s32 $0x800, s9  }
0x18c: {  	s9 =	simm.s32 $0xCA10  }
.LBB2_11:
0x18d: {  	s13 =	sshra.s32 s5, $0x2  }
0x18e: {  	v1 =	vld [tilespmem:s13+$0x300];
	_ =	sdelay $0x4  }
0x18f: {  	v2 =	vbroadcast v1, $0x0;
	_ =	sdelay $0x1  }
0x190: {  	v2 =	vadd.s32 v0, v2;
	_ =	sdelay $0x3  }
0x191: {  	v3 =	vbroadcast v1, $0x1  }
0x192: {  	v2 =	vld.idx.msk [tilespmem:v2+s21+$0x0], $0xffff  }
0x193: {  	v3 =	vadd.s32 v0, v3;
	_ =	sdelay $0x3  }
0x194: {  	[tilespmem:s9+$0xFFFFFC00] =	vst v2;
	v2 =	vbroadcast v1, $0x2  }
0x195: {  	v3 =	vld.idx.msk [tilespmem:v3+s21+$0x0], $0xffff  }
0x196: {  	v2 =	vadd.s32 v0, v2;
	_ =	sdelay $0x3  }
0x197: {  	[tilespmem:s9+$0xFFFFFC80] =	vst v3;
	v3 =	vbroadcast v1, $0x3  }
0x198: {  	v2 =	vld.idx.msk [tilespmem:v2+s21+$0x0], $0xffff  }
0x199: {  	v3 =	vadd.s32 v0, v3;
	_ =	sdelay $0x3  }
0x19a: {  	[tilespmem:s9+$0xFFFFFD00] =	vst v2;
	v2 =	vbroadcast v1, $0x4  }
0x19b: {  	v3 =	vld.idx.msk [tilespmem:v3+s21+$0x0], $0xffff  }
0x19c: {  	v2 =	vadd.s32 v0, v2;
	_ =	sdelay $0x3  }
0x19d: {  	[tilespmem:s9+$0xFFFFFD80] =	vst v3;
	v3 =	vbroadcast v1, $0x5  }
0x19e: {  	v2 =	vld.idx.msk [tilespmem:v2+s21+$0x0], $0xffff  }
0x19f: {  	v3 =	vadd.s32 v0, v3;
	_ =	sdelay $0x3  }
0x1a0: {  	[tilespmem:s9+$0xFFFFFE00] =	vst v2;
	v2 =	vbroadcast v1, $0x6  }
0x1a1: {  	v3 =	vld.idx.msk [tilespmem:v3+s21+$0x0], $0xffff  }
0x1a2: {  	v2 =	vadd.s32 v0, v2;
	_ =	sdelay $0x3  }
0x1a3: {  	[tilespmem:s9+$0xFFFFFE80] =	vst v3;
	v3 =	vbroadcast v1, $0x7  }
0x1a4: {  	v2 =	vld.idx.msk [tilespmem:v2+s21+$0x0], $0xffff  }
0x1a5: {  	v3 =	vadd.s32 v0, v3;
	_ =	sdelay $0x3  }
0x1a6: {  	[tilespmem:s9+$0xFFFFFF00] =	vst v2;
	v2 =	vbroadcast v1, $0x8  }
0x1a7: {  	v3 =	vld.idx.msk [tilespmem:v3+s21+$0x0], $0xffff  }
0x1a8: {  	v2 =	vadd.s32 v0, v2;
	_ =	sdelay $0x3  }
0x1a9: {  	[tilespmem:s9+$0xFFFFFF80] =	vst v3;
	v3 =	vbroadcast v1, $0x9  }
0x1aa: {  	v2 =	vld.idx.msk [tilespmem:v2+s21+$0x0], $0xffff  }
0x1ab: {  	v3 =	vadd.s32 v0, v3;
	_ =	sdelay $0x3  }
0x1ac: {  	[tilespmem:s9+$0x0] =	vst v2;
	v2 =	vbroadcast v1, $0xA  }
0x1ad: {  	v3 =	vld.idx.msk [tilespmem:v3+s21+$0x0], $0xffff  }
0x1ae: {  	v2 =	vadd.s32 v0, v2;
	_ =	sdelay $0x3  }
0x1af: {  	[tilespmem:s9+$0x80] =	vst v3;
	v3 =	vbroadcast v1, $0xB  }
0x1b0: {  	v2 =	vld.idx.msk [tilespmem:v2+s21+$0x0], $0xffff  }
0x1b1: {  	v3 =	vadd.s32 v0, v3;
	_ =	sdelay $0x3  }
0x1b2: {  	[tilespmem:s9+$0x100] =	vst v2;
	v2 =	vbroadcast v1, $0xC  }
0x1b3: {  	v3 =	vld.idx.msk [tilespmem:v3+s21+$0x0], $0xffff  }
0x1b4: {  	v2 =	vadd.s32 v0, v2;
	_ =	sdelay $0x3  }
0x1b5: {  	[tilespmem:s9+$0x180] =	vst v3;
	v3 =	vbroadcast v1, $0xD  }
0x1b6: {  	v2 =	vld.idx.msk [tilespmem:v2+s21+$0x0], $0xffff  }
0x1b7: {  	v3 =	vadd.s32 v0, v3;
	_ =	sdelay $0x3  }
0x1b8: {  	[tilespmem:s9+$0x200] =	vst v2;
	v2 =	vbroadcast v1, $0xE  }
0x1b9: {  	v3 =	vld.idx.msk [tilespmem:v3+s21+$0x0], $0xffff  }
0x1ba: {  	v2 =	vadd.s32 v0, v2;
	_ =	sdelay $0x3  }
0x1bb: {  	v1 =	vbroadcast v1, $0xF;
	[tilespmem:s9+$0x280] =	vst v3  }
0x1bc: {  	v2 =	vld.idx.msk [tilespmem:v2+s21+$0x0], $0xffff  }
0x1bd: {  	v1 =	vadd.s32 v0, v1;
	_ =	sdelay $0x3  }
0x1be: {  	[tilespmem:s9+$0x300] =	vst v2  }
0x1bf: {  	p0 =	sne.s32 s5, $0x1C0;
	v1 =	vld.idx.msk [tilespmem:v1+s21+$0x0], $0xffff  }
.Ltmp4:
0x1c0: {  	_ = 	snop;
	(pc) =	sbr.rel @p0 .LBB2_11-.Ltmp4, $2  }
0x1c1: {  	_ =	sdelay $0x2  }
0x1c2: {  	s5 =	sadd.s32 $0x40, s5;
	[tilespmem:s9+$0x380] =	vst v1;
	s9 =	sadd.s32 $0x800, s9  }
0x1c3: {  	s5 =	simm.s32 $0x0  }
0x1c4: {  	v1 =	vld [tilespmem:s5+$0x380];
	_ =	sdelay $0x4  }
0x1c5: {  	v2 =	vbroadcast v1, $0x0;
	_ =	sdelay $0x1  }
0x1c6: {  	v2 =	vadd.s32 v0, v2;
	_ =	sdelay $0x3  }
0x1c7: {  	v3 =	vbroadcast v1, $0x1  }
0x1c8: {  	v2 =	vld.idx.msk [tilespmem:v2+s21+$0x0], $0xffff  }
0x1c9: {  	v3 =	vadd.s32 v0, v3;
	_ =	sdelay $0x2  }
0x1ca: {  	s18 =	simm.s32 $0xCA20  }
0x1cb: {  	v4 =	vbroadcast v1, $0x2;
	[tilespmem:s18+$0xFFFFFC00] =	vst v2  }
0x1cc: {  	v2 =	vld.idx.msk [tilespmem:v3+s21+$0x0], $0xffff  }
0x1cd: {  	v3 =	vadd.s32 v0, v4;
	_ =	sdelay $0x3  }
0x1ce: {  	v52 =	vbroadcast v1, $0x3;
	[tilespmem:s18+$0xFFFFFC80] =	vst v2  }
0x1cf: {  	v2 =	vld.idx.msk [tilespmem:v3+s21+$0x0], $0xffff  }
0x1d0: {  	v3 =	vadd.s32 v0, v52;
	_ =	sdelay $0x3  }
0x1d1: {  	v53 =	vbroadcast v1, $0x4;
	[tilespmem:s18+$0xFFFFFD00] =	vst v2  }
0x1d2: {  	v2 =	vld.idx.msk [tilespmem:v3+s21+$0x0], $0xffff  }
0x1d3: {  	v3 =	vadd.s32 v0, v53;
	_ =	sdelay $0x3  }
0x1d4: {  	v54 =	vbroadcast v1, $0x5;
	[tilespmem:s18+$0xFFFFFD80] =	vst v2  }
0x1d5: {  	v2 =	vld.idx.msk [tilespmem:v3+s21+$0x0], $0xffff  }
0x1d6: {  	v3 =	vadd.s32 v0, v54;
	_ =	sdelay $0x3  }
0x1d7: {  	v55 =	vbroadcast v1, $0x6;
	[tilespmem:s18+$0xFFFFFE00] =	vst v2  }
0x1d8: {  	v2 =	vld.idx.msk [tilespmem:v3+s21+$0x0], $0xffff  }
0x1d9: {  	v3 =	vadd.s32 v0, v55;
	_ =	sdelay $0x3  }
0x1da: {  	v56 =	vbroadcast v1, $0x7;
	[tilespmem:s18+$0xFFFFFE80] =	vst v2  }
0x1db: {  	v2 =	vld.idx.msk [tilespmem:v3+s21+$0x0], $0xffff  }
0x1dc: {  	v3 =	vadd.s32 v0, v56;
	_ =	sdelay $0x3  }
0x1dd: {  	v57 =	vbroadcast v1, $0x8;
	[tilespmem:s18+$0xFFFFFF00] =	vst v2  }
0x1de: {  	v2 =	vld.idx.msk [tilespmem:v3+s21+$0x0], $0xffff  }
0x1df: {  	v3 =	vadd.s32 v0, v57;
	_ =	sdelay $0x3  }
0x1e0: {  	v58 =	vbroadcast v1, $0x9;
	[tilespmem:s18+$0xFFFFFF80] =	vst v2  }
0x1e1: {  	v2 =	vld.idx.msk [tilespmem:v3+s21+$0x0], $0xffff  }
0x1e2: {  	v3 =	vadd.s32 v0, v58;
	_ =	sdelay $0x3  }
0x1e3: {  	v59 =	vbroadcast v1, $0xA;
	[tilespmem:s18+$0x0] =	vst v2  }
0x1e4: {  	v2 =	vld.idx.msk [tilespmem:v3+s21+$0x0], $0xffff  }
0x1e5: {  	v3 =	vadd.s32 v0, v59;
	_ =	sdelay $0x3  }
0x1e6: {  	v60 =	vbroadcast v1, $0xB;
	[tilespmem:s18+$0x80] =	vst v2  }
0x1e7: {  	v2 =	vld.idx.msk [tilespmem:v3+s21+$0x0], $0xffff  }
0x1e8: {  	v3 =	vadd.s32 v0, v60;
	_ =	sdelay $0x3  }
0x1e9: {  	v61 =	vbroadcast v1, $0xC;
	[tilespmem:s18+$0x100] =	vst v2  }
0x1ea: {  	v2 =	vld.idx.msk [tilespmem:v3+s21+$0x0], $0xffff  }
0x1eb: {  	v3 =	vadd.s32 v0, v61;
	_ =	sdelay $0x3  }
0x1ec: {  	v62 =	vbroadcast v1, $0xD;
	[tilespmem:s18+$0x180] =	vst v2  }
0x1ed: {  	v2 =	vld.idx.msk [tilespmem:v3+s21+$0x0], $0xffff  }
0x1ee: {  	v3 =	vadd.s32 v0, v62;
	_ =	sdelay $0x3  }
0x1ef: {  	v63 =	vbroadcast v1, $0xE;
	[tilespmem:s18+$0x200] =	vst v2  }
0x1f0: {  	v2 =	vld.idx.msk [tilespmem:v3+s21+$0x0], $0xffff  }
0x1f1: {  	v3 =	vadd.s32 v0, v63;
	_ =	sdelay $0x3  }
0x1f2: {  	v1 =	vbroadcast v1, $0xF;
	[tilespmem:s18+$0x280] =	vst v2  }
0x1f3: {  	v2 =	vld.idx.msk [tilespmem:v3+s21+$0x0], $0xffff  }
0x1f4: {  	v1 =	vadd.s32 v0, v1;
	_ =	sdelay $0x3  }
0x1f5: {  	[tilespmem:s18+$0x300] =	vst v2  }
0x1f6: {  	s9 =	simm.s32 $0x80;
	s5 =	simm.s32 $0x40;
	v1 =	vld.idx.msk [tilespmem:v1+s21+$0x0], $0xffff  }
.LBB2_13:
0x1f7: {  	_ =	sdelay $0x2  }
0x1f8: {  	s10 =	sshra.s32 s5, $0x2  }
0x1f9: {  	s5 =	smov.u32 s9;
	s13 =	sadd.s32 $0x40, s9;
	[tilespmem:s18+$0x380] =	vst v1;
	s18 =	sadd.s32 $0x800, s18  }
0x1fa: {  	p0 =	sne.s32 s9, $0x1C0;
	v1 =	vld [tilespmem:s10+$0x380];
	_ =	sdelay $0x4  }
0x1fb: {  	v2 =	vbroadcast v1, $0x0;
	v3 =	vbroadcast v1, $0x1  }
0x1fc: {  	v4 =	vbroadcast v1, $0x2;
	v5 =	vbroadcast v1, $0x3  }
0x1fd: {  	v6 =	vbroadcast v1, $0x4;
	v7 =	vbroadcast v1, $0x5;
	v2 =	vadd.s32 v0, v2  }
0x1fe: {  	v8 =	vbroadcast v1, $0x6;
	v9 =	vbroadcast v1, $0x7  }
0x1ff: {  	v10 =	vbroadcast v1, $0x8;
	v11 =	vbroadcast v1, $0x9  }
0x200: {  	v12 =	vbroadcast v1, $0xA;
	v13 =	vbroadcast v1, $0xB  }
0x201: {  	v14 =	vbroadcast v1, $0xC;
	v15 =	vbroadcast v1, $0xD  }
0x202: {  	v16 =	vld.idx.msk [tilespmem:v2+s21+$0x0], $0xffff;
	v2 =	vbroadcast v1, $0xE;
	v1 =	vbroadcast v1, $0xF;
	_ =	sdelay $0x1  }
0x203: {  	v3 =	vadd.s32 v0, v3;
	_ =	sdelay $0x3  }
0x204: {  	[tilespmem:s18+$0xFFFFFC00] =	vst v16  }
0x205: {  	v3 =	vld.idx.msk [tilespmem:v3+s21+$0x0], $0xffff;
	_ =	sdelay $0x1  }
0x206: {  	v4 =	vadd.s32 v0, v4;
	_ =	sdelay $0x3  }
0x207: {  	[tilespmem:s18+$0xFFFFFC80] =	vst v3  }
0x208: {  	v3 =	vld.idx.msk [tilespmem:v4+s21+$0x0], $0xffff;
	_ =	sdelay $0x1  }
0x209: {  	v4 =	vadd.s32 v0, v5;
	_ =	sdelay $0x3  }
0x20a: {  	[tilespmem:s18+$0xFFFFFD00] =	vst v3  }
0x20b: {  	v3 =	vld.idx.msk [tilespmem:v4+s21+$0x0], $0xffff;
	_ =	sdelay $0x1  }
0x20c: {  	v4 =	vadd.s32 v0, v6;
	_ =	sdelay $0x3  }
0x20d: {  	[tilespmem:s18+$0xFFFFFD80] =	vst v3  }
0x20e: {  	v3 =	vld.idx.msk [tilespmem:v4+s21+$0x0], $0xffff;
	_ =	sdelay $0x1  }
0x20f: {  	v4 =	vadd.s32 v0, v7;
	_ =	sdelay $0x3  }
0x210: {  	[tilespmem:s18+$0xFFFFFE00] =	vst v3  }
0x211: {  	v3 =	vld.idx.msk [tilespmem:v4+s21+$0x0], $0xffff;
	_ =	sdelay $0x1  }
0x212: {  	v4 =	vadd.s32 v0, v8;
	_ =	sdelay $0x3  }
0x213: {  	[tilespmem:s18+$0xFFFFFE80] =	vst v3  }
0x214: {  	v3 =	vld.idx.msk [tilespmem:v4+s21+$0x0], $0xffff;
	_ =	sdelay $0x1  }
0x215: {  	v4 =	vadd.s32 v0, v9;
	_ =	sdelay $0x3  }
0x216: {  	[tilespmem:s18+$0xFFFFFF00] =	vst v3  }
0x217: {  	v3 =	vld.idx.msk [tilespmem:v4+s21+$0x0], $0xffff;
	_ =	sdelay $0x1  }
0x218: {  	v4 =	vadd.s32 v0, v10;
	_ =	sdelay $0x3  }
0x219: {  	[tilespmem:s18+$0xFFFFFF80] =	vst v3  }
0x21a: {  	v3 =	vld.idx.msk [tilespmem:v4+s21+$0x0], $0xffff;
	_ =	sdelay $0x1  }
0x21b: {  	v4 =	vadd.s32 v0, v11;
	_ =	sdelay $0x3  }
0x21c: {  	[tilespmem:s18+$0x0] =	vst v3  }
0x21d: {  	v3 =	vld.idx.msk [tilespmem:v4+s21+$0x0], $0xffff;
	_ =	sdelay $0x1  }
0x21e: {  	v4 =	vadd.s32 v0, v12;
	_ =	sdelay $0x3  }
0x21f: {  	[tilespmem:s18+$0x80] =	vst v3  }
0x220: {  	v3 =	vld.idx.msk [tilespmem:v4+s21+$0x0], $0xffff;
	_ =	sdelay $0x1  }
0x221: {  	v4 =	vadd.s32 v0, v13;
	_ =	sdelay $0x3  }
0x222: {  	[tilespmem:s18+$0x100] =	vst v3  }
0x223: {  	v3 =	vld.idx.msk [tilespmem:v4+s21+$0x0], $0xffff;
	_ =	sdelay $0x1  }
0x224: {  	v4 =	vadd.s32 v0, v14;
	_ =	sdelay $0x3  }
0x225: {  	[tilespmem:s18+$0x180] =	vst v3  }
0x226: {  	v3 =	vld.idx.msk [tilespmem:v4+s21+$0x0], $0xffff;
	_ =	sdelay $0x1  }
0x227: {  	v4 =	vadd.s32 v0, v15;
	_ =	sdelay $0x3  }
0x228: {  	[tilespmem:s18+$0x200] =	vst v3  }
0x229: {  	v3 =	vld.idx.msk [tilespmem:v4+s21+$0x0], $0xffff;
	_ =	sdelay $0x1  }
0x22a: {  	v2 =	vadd.s32 v0, v2;
	_ =	sdelay $0x3  }
0x22b: {  	[tilespmem:s18+$0x280] =	vst v3  }
0x22c: {  	v2 =	vld.idx.msk [tilespmem:v2+s21+$0x0], $0xffff;
	_ =	sdelay $0x1  }
0x22d: {  	v1 =	vadd.s32 v0, v1  }
.Ltmp5:
0x22e: {  	(pc) =	sbr.rel @p0 .LBB2_13-.Ltmp5, $3  }
0x22f: {  	_ =	sdelay $0x1  }
0x230: {  	[tilespmem:s18+$0x300] =	vst v2  }
0x231: {  	s9 =	smov.u32 s13;
	v1 =	vld.idx.msk [tilespmem:v1+s21+$0x0], $0xffff  }
0x232: {  	_ =	sdelay $0x3  }
0x233: {  	s5 =	sshra.s32 s5, $0x2;
	[tilespmem:s18+$0x380] =	vst v1  }
0x234: {  	v1 =	vld [tilespmem:s5+$0x380];
	_ =	sdelay $0x4  }
0x235: {  	v2 =	vbroadcast v1, $0x0;
	_ =	sdelay $0x1  }
0x236: {  	v2 =	vadd.s32 v0, v2;
	_ =	sdelay $0x3  }
0x237: {  	v3 =	vbroadcast v1, $0x1  }
0x238: {  	v2 =	vld.idx.msk [tilespmem:v2+s21+$0x0], $0xffff  }
0x239: {  	v3 =	vadd.s32 v0, v3;
	_ =	sdelay $0x2  }
0x23a: {  	s13 =	sadd.s32 $0x800, s18  }
0x23b: {  	v4 =	vbroadcast v1, $0x2;
	[tilespmem:s13+$0xFFFFFC00] =	vst v2  }
0x23c: {  	v2 =	vld.idx.msk [tilespmem:v3+s21+$0x0], $0xffff  }
0x23d: {  	v3 =	vadd.s32 v0, v4;
	_ =	sdelay $0x3  }
0x23e: {  	v52 =	vbroadcast v1, $0x3;
	[tilespmem:s13+$0xFFFFFC80] =	vst v2  }
0x23f: {  	v2 =	vld.idx.msk [tilespmem:v3+s21+$0x0], $0xffff  }
0x240: {  	v3 =	vadd.s32 v0, v52;
	_ =	sdelay $0x3  }
0x241: {  	v53 =	vbroadcast v1, $0x4;
	[tilespmem:s13+$0xFFFFFD00] =	vst v2  }
0x242: {  	v2 =	vld.idx.msk [tilespmem:v3+s21+$0x0], $0xffff  }
0x243: {  	v3 =	vadd.s32 v0, v53;
	_ =	sdelay $0x3  }
0x244: {  	v54 =	vbroadcast v1, $0x5;
	[tilespmem:s13+$0xFFFFFD80] =	vst v2  }
0x245: {  	v2 =	vld.idx.msk [tilespmem:v3+s21+$0x0], $0xffff  }
0x246: {  	v3 =	vadd.s32 v0, v54;
	_ =	sdelay $0x3  }
0x247: {  	v55 =	vbroadcast v1, $0x6;
	[tilespmem:s13+$0xFFFFFE00] =	vst v2  }
0x248: {  	v2 =	vld.idx.msk [tilespmem:v3+s21+$0x0], $0xffff  }
0x249: {  	v3 =	vadd.s32 v0, v55;
	_ =	sdelay $0x3  }
0x24a: {  	v56 =	vbroadcast v1, $0x7;
	[tilespmem:s13+$0xFFFFFE80] =	vst v2  }
0x24b: {  	v2 =	vld.idx.msk [tilespmem:v3+s21+$0x0], $0xffff  }
0x24c: {  	v3 =	vadd.s32 v0, v56;
	_ =	sdelay $0x3  }
0x24d: {  	v57 =	vbroadcast v1, $0x8;
	[tilespmem:s13+$0xFFFFFF00] =	vst v2  }
0x24e: {  	v2 =	vld.idx.msk [tilespmem:v3+s21+$0x0], $0xffff  }
0x24f: {  	v3 =	vadd.s32 v0, v57;
	_ =	sdelay $0x3  }
0x250: {  	v58 =	vbroadcast v1, $0x9;
	[tilespmem:s13+$0xFFFFFF80] =	vst v2  }
0x251: {  	v2 =	vld.idx.msk [tilespmem:v3+s21+$0x0], $0xffff  }
0x252: {  	v3 =	vadd.s32 v0, v58;
	_ =	sdelay $0x3  }
0x253: {  	v59 =	vbroadcast v1, $0xA;
	[tilespmem:s13+$0x0] =	vst v2  }
0x254: {  	v2 =	vld.idx.msk [tilespmem:v3+s21+$0x0], $0xffff  }
0x255: {  	v3 =	vadd.s32 v0, v59;
	_ =	sdelay $0x3  }
0x256: {  	v60 =	vbroadcast v1, $0xB;
	[tilespmem:s13+$0x80] =	vst v2  }
0x257: {  	v2 =	vld.idx.msk [tilespmem:v3+s21+$0x0], $0xffff  }
0x258: {  	v3 =	vadd.s32 v0, v60;
	_ =	sdelay $0x3  }
0x259: {  	v61 =	vbroadcast v1, $0xC;
	[tilespmem:s13+$0x100] =	vst v2  }
0x25a: {  	v2 =	vld.idx.msk [tilespmem:v3+s21+$0x0], $0xffff  }
0x25b: {  	v3 =	vadd.s32 v0, v61;
	_ =	sdelay $0x3  }
0x25c: {  	v62 =	vbroadcast v1, $0xD;
	[tilespmem:s13+$0x180] =	vst v2  }
0x25d: {  	v2 =	vld.idx.msk [tilespmem:v3+s21+$0x0], $0xffff  }
0x25e: {  	v3 =	vadd.s32 v0, v62;
	_ =	sdelay $0x3  }
0x25f: {  	v63 =	vbroadcast v1, $0xE;
	[tilespmem:s13+$0x200] =	vst v2  }
0x260: {  	v2 =	vld.idx.msk [tilespmem:v3+s21+$0x0], $0xffff  }
0x261: {  	v3 =	vadd.s32 v0, v63;
	_ =	sdelay $0x3  }
0x262: {  	v1 =	vbroadcast v1, $0xF;
	[tilespmem:s13+$0x280] =	vst v2  }
0x263: {  	v2 =	vld.idx.msk [tilespmem:v3+s21+$0x0], $0xffff  }
0x264: {  	v1 =	vadd.s32 v0, v1;
	_ =	sdelay $0x3  }
0x265: {  	[tilespmem:s13+$0x300] =	vst v2  }
0x266: {  	v1 =	vld.idx.msk [tilespmem:v1+s21+$0x0], $0xffff;
	_ =	sdelay $0x4  }
0x267: {  	[tilespmem:s13+$0x380] =	vst v1  }
0x268: {  	_ =	swait.ge [sflag:s16], $0x4000  }
0x269: {  	s18 =	rddreg [dreg:$0x8]  }
0x26a: {  	s5 =	sadd.s32 s22, s18  }
0x26b: {  	[sflag:s16] =	ssyncset.done $0x0;
	s9 =	sshll.u32 s5, $0x4  }
0x26c: {  	[sflag:s16] =	ssyncadd.s32 $0xFFFFC000;
	s5 =	simm.s32 $0x0;
	s10 =	sadd.s32 s3, s9  }
0x26d: {  	[hbm4b:s10+s5] =	stream.linear.scatter [tilespmem:s29], [sflag:$0x8], $0x4000, $0x38;
	[tilespmem:$0x14800] =	vst v63  }
0x26e: {  	_ =	swait.ge [sflag:s0], $0x4000  }
0x26f: {  	[sflag:s0] =	ssyncset.done $0x0  }
0x270: {  	s9 =	sadd.s32 s8, s9;
	[sflag:s0] =	ssyncadd.s32 $0xFFFFC000  }
0x271: {  	[hbm4b:s9+s5] =	stream.linear.scatter [tilespmem:s1], [sflag:$0x8], $0x4000, $0x38;
	[tilespmem:$0x14800] =	vst v63  }
0x272: {  	_ =	swait.ge [sflag:s0], $0x4000  }
0x273: {  	[sflag:s0] =	ssyncset.done $0x0  }
0x274: {  	[sflag:s0] =	ssyncadd.s32 $0xFFFFC000  }
0x275: {  	_ =	swait.ge [sflag:s23], $0x200  }
0x276: {  	[sflag:s23] =	ssyncset.done $0x0;
	s22 =	rddreg [dreg:$0x9]  }
0x277: {  	[sflag:s23] =	ssyncadd.s32 $0xFFFFFE00;
	s9 =	sadd.s32 s11, s22  }
0x278: {  	[tilespmem:s25], [sflag:$0x1] =	stream.indirect.gather [hbm4b:s2+s24], $0x80, s5, s24, $0xb8;
	[tilespmem:$0x14800] =	vst v63  }
0x279: {  	s9 =	sshll.u32 s9, $0x6  }
0x27a: {  	s9 =	sand.u32 $0x1FFFFFC0, s9  }
0x27b: {  	s9 =	sadd.s32 s6, s9  }
0x27c: {  	[tilespmem:s26], [sflag:$0x5] =	stream.linear.gather [hbm4b:s9+s5], $0x200, $0x38;
	[tilespmem:$0x14800] =	vst v63  }
0x27d: {  	s11 =	simm.s32 $0x0;
	s9 =	simm.s32 $0xCA00  }
.LBB2_15:
0x27e: {  	s10 =	sshra.s32 s11, $0x2  }
0x27f: {  	v1 =	vld [tilespmem:s10+$0x480];
	_ =	sdelay $0x4  }
0x280: {  	v2 =	vbroadcast v1, $0x0;
	_ =	sdelay $0x1  }
0x281: {  	v2 =	vadd.s32 v0, v2;
	_ =	sdelay $0x3  }
0x282: {  	v3 =	vbroadcast v1, $0x1  }
0x283: {  	v2 =	vld.idx.msk [tilespmem:v2+s21+$0x0], $0xffff  }
0x284: {  	v3 =	vadd.s32 v0, v3;
	_ =	sdelay $0x3  }
0x285: {  	[tilespmem:s9+$0xFFFFFC00] =	vst v2;
	v2 =	vbroadcast v1, $0x2  }
0x286: {  	v3 =	vld.idx.msk [tilespmem:v3+s21+$0x0], $0xffff  }
0x287: {  	v2 =	vadd.s32 v0, v2;
	_ =	sdelay $0x3  }
0x288: {  	[tilespmem:s9+$0xFFFFFC80] =	vst v3;
	v3 =	vbroadcast v1, $0x3  }
0x289: {  	v2 =	vld.idx.msk [tilespmem:v2+s21+$0x0], $0xffff  }
0x28a: {  	v3 =	vadd.s32 v0, v3;
	_ =	sdelay $0x3  }
0x28b: {  	[tilespmem:s9+$0xFFFFFD00] =	vst v2;
	v2 =	vbroadcast v1, $0x4  }
0x28c: {  	v3 =	vld.idx.msk [tilespmem:v3+s21+$0x0], $0xffff  }
0x28d: {  	v2 =	vadd.s32 v0, v2;
	_ =	sdelay $0x3  }
0x28e: {  	[tilespmem:s9+$0xFFFFFD80] =	vst v3;
	v3 =	vbroadcast v1, $0x5  }
0x28f: {  	v2 =	vld.idx.msk [tilespmem:v2+s21+$0x0], $0xffff  }
0x290: {  	v3 =	vadd.s32 v0, v3;
	_ =	sdelay $0x3  }
0x291: {  	[tilespmem:s9+$0xFFFFFE00] =	vst v2;
	v2 =	vbroadcast v1, $0x6  }
0x292: {  	v3 =	vld.idx.msk [tilespmem:v3+s21+$0x0], $0xffff  }
0x293: {  	v2 =	vadd.s32 v0, v2;
	_ =	sdelay $0x3  }
0x294: {  	[tilespmem:s9+$0xFFFFFE80] =	vst v3;
	v3 =	vbroadcast v1, $0x7  }
0x295: {  	v2 =	vld.idx.msk [tilespmem:v2+s21+$0x0], $0xffff  }
0x296: {  	v3 =	vadd.s32 v0, v3;
	_ =	sdelay $0x3  }
0x297: {  	[tilespmem:s9+$0xFFFFFF00] =	vst v2;
	v2 =	vbroadcast v1, $0x8  }
0x298: {  	v3 =	vld.idx.msk [tilespmem:v3+s21+$0x0], $0xffff  }
0x299: {  	v2 =	vadd.s32 v0, v2;
	_ =	sdelay $0x3  }
0x29a: {  	[tilespmem:s9+$0xFFFFFF80] =	vst v3;
	v3 =	vbroadcast v1, $0x9  }
0x29b: {  	v2 =	vld.idx.msk [tilespmem:v2+s21+$0x0], $0xffff  }
0x29c: {  	v3 =	vadd.s32 v0, v3;
	_ =	sdelay $0x3  }
0x29d: {  	[tilespmem:s9+$0x0] =	vst v2;
	v2 =	vbroadcast v1, $0xA  }
0x29e: {  	v3 =	vld.idx.msk [tilespmem:v3+s21+$0x0], $0xffff  }
0x29f: {  	v2 =	vadd.s32 v0, v2;
	_ =	sdelay $0x3  }
0x2a0: {  	[tilespmem:s9+$0x80] =	vst v3;
	v3 =	vbroadcast v1, $0xB  }
0x2a1: {  	v2 =	vld.idx.msk [tilespmem:v2+s21+$0x0], $0xffff  }
0x2a2: {  	v3 =	vadd.s32 v0, v3;
	_ =	sdelay $0x3  }
0x2a3: {  	[tilespmem:s9+$0x100] =	vst v2;
	v2 =	vbroadcast v1, $0xC  }
0x2a4: {  	v3 =	vld.idx.msk [tilespmem:v3+s21+$0x0], $0xffff  }
0x2a5: {  	v2 =	vadd.s32 v0, v2;
	_ =	sdelay $0x3  }
0x2a6: {  	[tilespmem:s9+$0x180] =	vst v3;
	v3 =	vbroadcast v1, $0xD  }
0x2a7: {  	v2 =	vld.idx.msk [tilespmem:v2+s21+$0x0], $0xffff  }
0x2a8: {  	v3 =	vadd.s32 v0, v3;
	_ =	sdelay $0x3  }
0x2a9: {  	[tilespmem:s9+$0x200] =	vst v2;
	v2 =	vbroadcast v1, $0xE  }
0x2aa: {  	v3 =	vld.idx.msk [tilespmem:v3+s21+$0x0], $0xffff  }
0x2ab: {  	v2 =	vadd.s32 v0, v2;
	_ =	sdelay $0x3  }
0x2ac: {  	v1 =	vbroadcast v1, $0xF;
	[tilespmem:s9+$0x280] =	vst v3  }
0x2ad: {  	v2 =	vld.idx.msk [tilespmem:v2+s21+$0x0], $0xffff  }
0x2ae: {  	v1 =	vadd.s32 v0, v1;
	_ =	sdelay $0x3  }
0x2af: {  	[tilespmem:s9+$0x300] =	vst v2  }
0x2b0: {  	p0 =	sne.s32 s11, $0x1C0;
	v1 =	vld.idx.msk [tilespmem:v1+s21+$0x0], $0xffff  }
.Ltmp6:
0x2b1: {  	_ = 	snop;
	(pc) =	sbr.rel @p0 .LBB2_15-.Ltmp6, $2  }
0x2b2: {  	_ =	sdelay $0x2  }
0x2b3: {  	s11 =	sadd.s32 $0x40, s11;
	[tilespmem:s9+$0x380] =	vst v1;
	s9 =	sadd.s32 $0x800, s9  }
0x2b4: {  	s9 =	simm.s32 $0xCA10  }
.LBB2_17:
0x2b5: {  	s10 =	sshra.s32 s5, $0x2  }
0x2b6: {  	v1 =	vld [tilespmem:s10+$0x500];
	_ =	sdelay $0x4  }
0x2b7: {  	v2 =	vbroadcast v1, $0x0;
	_ =	sdelay $0x1  }
0x2b8: {  	v2 =	vadd.s32 v0, v2;
	_ =	sdelay $0x3  }
0x2b9: {  	v3 =	vbroadcast v1, $0x1  }
0x2ba: {  	v2 =	vld.idx.msk [tilespmem:v2+s21+$0x0], $0xffff  }
0x2bb: {  	v3 =	vadd.s32 v0, v3;
	_ =	sdelay $0x3  }
0x2bc: {  	[tilespmem:s9+$0xFFFFFC00] =	vst v2;
	v2 =	vbroadcast v1, $0x2  }
0x2bd: {  	v3 =	vld.idx.msk [tilespmem:v3+s21+$0x0], $0xffff  }
0x2be: {  	v2 =	vadd.s32 v0, v2;
	_ =	sdelay $0x3  }
0x2bf: {  	[tilespmem:s9+$0xFFFFFC80] =	vst v3;
	v3 =	vbroadcast v1, $0x3  }
0x2c0: {  	v2 =	vld.idx.msk [tilespmem:v2+s21+$0x0], $0xffff  }
0x2c1: {  	v3 =	vadd.s32 v0, v3;
	_ =	sdelay $0x3  }
0x2c2: {  	[tilespmem:s9+$0xFFFFFD00] =	vst v2;
	v2 =	vbroadcast v1, $0x4  }
0x2c3: {  	v3 =	vld.idx.msk [tilespmem:v3+s21+$0x0], $0xffff  }
0x2c4: {  	v2 =	vadd.s32 v0, v2;
	_ =	sdelay $0x3  }
0x2c5: {  	[tilespmem:s9+$0xFFFFFD80] =	vst v3;
	v3 =	vbroadcast v1, $0x5  }
0x2c6: {  	v2 =	vld.idx.msk [tilespmem:v2+s21+$0x0], $0xffff  }
0x2c7: {  	v3 =	vadd.s32 v0, v3;
	_ =	sdelay $0x3  }
0x2c8: {  	[tilespmem:s9+$0xFFFFFE00] =	vst v2;
	v2 =	vbroadcast v1, $0x6  }
0x2c9: {  	v3 =	vld.idx.msk [tilespmem:v3+s21+$0x0], $0xffff  }
0x2ca: {  	v2 =	vadd.s32 v0, v2;
	_ =	sdelay $0x3  }
0x2cb: {  	[tilespmem:s9+$0xFFFFFE80] =	vst v3;
	v3 =	vbroadcast v1, $0x7  }
0x2cc: {  	v2 =	vld.idx.msk [tilespmem:v2+s21+$0x0], $0xffff  }
0x2cd: {  	v3 =	vadd.s32 v0, v3;
	_ =	sdelay $0x3  }
0x2ce: {  	[tilespmem:s9+$0xFFFFFF00] =	vst v2;
	v2 =	vbroadcast v1, $0x8  }
0x2cf: {  	v3 =	vld.idx.msk [tilespmem:v3+s21+$0x0], $0xffff  }
0x2d0: {  	v2 =	vadd.s32 v0, v2;
	_ =	sdelay $0x3  }
0x2d1: {  	[tilespmem:s9+$0xFFFFFF80] =	vst v3;
	v3 =	vbroadcast v1, $0x9  }
0x2d2: {  	v2 =	vld.idx.msk [tilespmem:v2+s21+$0x0], $0xffff  }
0x2d3: {  	v3 =	vadd.s32 v0, v3;
	_ =	sdelay $0x3  }
0x2d4: {  	[tilespmem:s9+$0x0] =	vst v2;
	v2 =	vbroadcast v1, $0xA  }
0x2d5: {  	v3 =	vld.idx.msk [tilespmem:v3+s21+$0x0], $0xffff  }
0x2d6: {  	v2 =	vadd.s32 v0, v2;
	_ =	sdelay $0x3  }
0x2d7: {  	[tilespmem:s9+$0x80] =	vst v3;
	v3 =	vbroadcast v1, $0xB  }
0x2d8: {  	v2 =	vld.idx.msk [tilespmem:v2+s21+$0x0], $0xffff  }
0x2d9: {  	v3 =	vadd.s32 v0, v3;
	_ =	sdelay $0x3  }
0x2da: {  	[tilespmem:s9+$0x100] =	vst v2;
	v2 =	vbroadcast v1, $0xC  }
0x2db: {  	v3 =	vld.idx.msk [tilespmem:v3+s21+$0x0], $0xffff  }
0x2dc: {  	v2 =	vadd.s32 v0, v2;
	_ =	sdelay $0x3  }
0x2dd: {  	[tilespmem:s9+$0x180] =	vst v3;
	v3 =	vbroadcast v1, $0xD  }
0x2de: {  	v2 =	vld.idx.msk [tilespmem:v2+s21+$0x0], $0xffff  }
0x2df: {  	v3 =	vadd.s32 v0, v3;
	_ =	sdelay $0x3  }
0x2e0: {  	[tilespmem:s9+$0x200] =	vst v2;
	v2 =	vbroadcast v1, $0xE  }
0x2e1: {  	v3 =	vld.idx.msk [tilespmem:v3+s21+$0x0], $0xffff  }
0x2e2: {  	v2 =	vadd.s32 v0, v2;
	_ =	sdelay $0x3  }
0x2e3: {  	v1 =	vbroadcast v1, $0xF;
	[tilespmem:s9+$0x280] =	vst v3  }
0x2e4: {  	v2 =	vld.idx.msk [tilespmem:v2+s21+$0x0], $0xffff  }
0x2e5: {  	v1 =	vadd.s32 v0, v1;
	_ =	sdelay $0x3  }
0x2e6: {  	[tilespmem:s9+$0x300] =	vst v2  }
0x2e7: {  	p0 =	sne.s32 s5, $0x1C0;
	v1 =	vld.idx.msk [tilespmem:v1+s21+$0x0], $0xffff  }
.Ltmp7:
0x2e8: {  	_ = 	snop;
	(pc) =	sbr.rel @p0 .LBB2_17-.Ltmp7, $2  }
0x2e9: {  	_ =	sdelay $0x2  }
0x2ea: {  	s5 =	sadd.s32 $0x40, s5;
	[tilespmem:s9+$0x380] =	vst v1;
	s9 =	sadd.s32 $0x800, s9  }
0x2eb: {  	s5 =	simm.s32 $0x0  }
0x2ec: {  	v1 =	vld [tilespmem:s5+$0x580];
	_ =	sdelay $0x4  }
0x2ed: {  	v2 =	vbroadcast v1, $0x0;
	_ =	sdelay $0x1  }
0x2ee: {  	v2 =	vadd.s32 v0, v2;
	_ =	sdelay $0x3  }
0x2ef: {  	v3 =	vbroadcast v1, $0x1  }
0x2f0: {  	v2 =	vld.idx.msk [tilespmem:v2+s21+$0x0], $0xffff  }
0x2f1: {  	v3 =	vadd.s32 v0, v3;
	_ =	sdelay $0x2  }
0x2f2: {  	s11 =	simm.s32 $0xCA20  }
0x2f3: {  	v4 =	vbroadcast v1, $0x2;
	[tilespmem:s11+$0xFFFFFC00] =	vst v2  }
0x2f4: {  	v2 =	vld.idx.msk [tilespmem:v3+s21+$0x0], $0xffff  }
0x2f5: {  	v3 =	vadd.s32 v0, v4;
	_ =	sdelay $0x3  }
0x2f6: {  	v52 =	vbroadcast v1, $0x3;
	[tilespmem:s11+$0xFFFFFC80] =	vst v2  }
0x2f7: {  	v2 =	vld.idx.msk [tilespmem:v3+s21+$0x0], $0xffff  }
0x2f8: {  	v3 =	vadd.s32 v0, v52;
	_ =	sdelay $0x3  }
0x2f9: {  	v53 =	vbroadcast v1, $0x4;
	[tilespmem:s11+$0xFFFFFD00] =	vst v2  }
0x2fa: {  	v2 =	vld.idx.msk [tilespmem:v3+s21+$0x0], $0xffff  }
0x2fb: {  	v3 =	vadd.s32 v0, v53;
	_ =	sdelay $0x3  }
0x2fc: {  	v54 =	vbroadcast v1, $0x5;
	[tilespmem:s11+$0xFFFFFD80] =	vst v2  }
0x2fd: {  	v2 =	vld.idx.msk [tilespmem:v3+s21+$0x0], $0xffff  }
0x2fe: {  	v3 =	vadd.s32 v0, v54;
	_ =	sdelay $0x3  }
0x2ff: {  	v55 =	vbroadcast v1, $0x6;
	[tilespmem:s11+$0xFFFFFE00] =	vst v2  }
0x300: {  	v2 =	vld.idx.msk [tilespmem:v3+s21+$0x0], $0xffff  }
0x301: {  	v3 =	vadd.s32 v0, v55;
	_ =	sdelay $0x3  }
0x302: {  	v56 =	vbroadcast v1, $0x7;
	[tilespmem:s11+$0xFFFFFE80] =	vst v2  }
0x303: {  	v2 =	vld.idx.msk [tilespmem:v3+s21+$0x0], $0xffff  }
0x304: {  	v3 =	vadd.s32 v0, v56;
	_ =	sdelay $0x3  }
0x305: {  	v57 =	vbroadcast v1, $0x8;
	[tilespmem:s11+$0xFFFFFF00] =	vst v2  }
0x306: {  	v2 =	vld.idx.msk [tilespmem:v3+s21+$0x0], $0xffff  }
0x307: {  	v3 =	vadd.s32 v0, v57;
	_ =	sdelay $0x3  }
0x308: {  	v58 =	vbroadcast v1, $0x9;
	[tilespmem:s11+$0xFFFFFF80] =	vst v2  }
0x309: {  	v2 =	vld.idx.msk [tilespmem:v3+s21+$0x0], $0xffff  }
0x30a: {  	v3 =	vadd.s32 v0, v58;
	_ =	sdelay $0x3  }
0x30b: {  	v59 =	vbroadcast v1, $0xA;
	[tilespmem:s11+$0x0] =	vst v2  }
0x30c: {  	v2 =	vld.idx.msk [tilespmem:v3+s21+$0x0], $0xffff  }
0x30d: {  	v3 =	vadd.s32 v0, v59;
	_ =	sdelay $0x3  }
0x30e: {  	v60 =	vbroadcast v1, $0xB;
	[tilespmem:s11+$0x80] =	vst v2  }
0x30f: {  	v2 =	vld.idx.msk [tilespmem:v3+s21+$0x0], $0xffff  }
0x310: {  	v3 =	vadd.s32 v0, v60;
	_ =	sdelay $0x3  }
0x311: {  	v61 =	vbroadcast v1, $0xC;
	[tilespmem:s11+$0x100] =	vst v2  }
0x312: {  	v2 =	vld.idx.msk [tilespmem:v3+s21+$0x0], $0xffff  }
0x313: {  	v3 =	vadd.s32 v0, v61;
	_ =	sdelay $0x3  }
0x314: {  	v62 =	vbroadcast v1, $0xD;
	[tilespmem:s11+$0x180] =	vst v2  }
0x315: {  	v2 =	vld.idx.msk [tilespmem:v3+s21+$0x0], $0xffff  }
0x316: {  	v3 =	vadd.s32 v0, v62;
	_ =	sdelay $0x3  }
0x317: {  	v63 =	vbroadcast v1, $0xE;
	[tilespmem:s11+$0x200] =	vst v2  }
0x318: {  	v2 =	vld.idx.msk [tilespmem:v3+s21+$0x0], $0xffff  }
0x319: {  	v3 =	vadd.s32 v0, v63;
	_ =	sdelay $0x3  }
0x31a: {  	v1 =	vbroadcast v1, $0xF;
	[tilespmem:s11+$0x280] =	vst v2  }
0x31b: {  	v2 =	vld.idx.msk [tilespmem:v3+s21+$0x0], $0xffff  }
0x31c: {  	v1 =	vadd.s32 v0, v1;
	_ =	sdelay $0x3  }
0x31d: {  	[tilespmem:s11+$0x300] =	vst v2  }
0x31e: {  	s13 =	simm.s32 $0x80;
	s5 =	simm.s32 $0x40;
	v1 =	vld.idx.msk [tilespmem:v1+s21+$0x0], $0xffff  }
.LBB2_19:
0x31f: {  	_ =	sdelay $0x2  }
0x320: {  	s10 =	sshra.s32 s5, $0x2  }
0x321: {  	s5 =	smov.u32 s13;
	s9 =	sadd.s32 $0x40, s13;
	[tilespmem:s11+$0x380] =	vst v1;
	s11 =	sadd.s32 $0x800, s11  }
0x322: {  	p0 =	sne.s32 s13, $0x1C0;
	v1 =	vld [tilespmem:s10+$0x580];
	_ =	sdelay $0x4  }
0x323: {  	v2 =	vbroadcast v1, $0x0;
	v3 =	vbroadcast v1, $0x1  }
0x324: {  	v4 =	vbroadcast v1, $0x2;
	v5 =	vbroadcast v1, $0x3  }
0x325: {  	v6 =	vbroadcast v1, $0x4;
	v7 =	vbroadcast v1, $0x5;
	v2 =	vadd.s32 v0, v2  }
0x326: {  	v8 =	vbroadcast v1, $0x6;
	v9 =	vbroadcast v1, $0x7  }
0x327: {  	v10 =	vbroadcast v1, $0x8;
	v11 =	vbroadcast v1, $0x9  }
0x328: {  	v12 =	vbroadcast v1, $0xA;
	v13 =	vbroadcast v1, $0xB  }
0x329: {  	v14 =	vbroadcast v1, $0xC;
	v15 =	vbroadcast v1, $0xD  }
0x32a: {  	v16 =	vld.idx.msk [tilespmem:v2+s21+$0x0], $0xffff;
	v2 =	vbroadcast v1, $0xE;
	v1 =	vbroadcast v1, $0xF;
	_ =	sdelay $0x1  }
0x32b: {  	v3 =	vadd.s32 v0, v3;
	_ =	sdelay $0x3  }
0x32c: {  	[tilespmem:s11+$0xFFFFFC00] =	vst v16  }
0x32d: {  	v3 =	vld.idx.msk [tilespmem:v3+s21+$0x0], $0xffff;
	_ =	sdelay $0x1  }
0x32e: {  	v4 =	vadd.s32 v0, v4;
	_ =	sdelay $0x3  }
0x32f: {  	[tilespmem:s11+$0xFFFFFC80] =	vst v3  }
0x330: {  	v3 =	vld.idx.msk [tilespmem:v4+s21+$0x0], $0xffff;
	_ =	sdelay $0x1  }
0x331: {  	v4 =	vadd.s32 v0, v5;
	_ =	sdelay $0x3  }
0x332: {  	[tilespmem:s11+$0xFFFFFD00] =	vst v3  }
0x333: {  	v3 =	vld.idx.msk [tilespmem:v4+s21+$0x0], $0xffff;
	_ =	sdelay $0x1  }
0x334: {  	v4 =	vadd.s32 v0, v6;
	_ =	sdelay $0x3  }
0x335: {  	[tilespmem:s11+$0xFFFFFD80] =	vst v3  }
0x336: {  	v3 =	vld.idx.msk [tilespmem:v4+s21+$0x0], $0xffff;
	_ =	sdelay $0x1  }
0x337: {  	v4 =	vadd.s32 v0, v7;
	_ =	sdelay $0x3  }
0x338: {  	[tilespmem:s11+$0xFFFFFE00] =	vst v3  }
0x339: {  	v3 =	vld.idx.msk [tilespmem:v4+s21+$0x0], $0xffff;
	_ =	sdelay $0x1  }
0x33a: {  	v4 =	vadd.s32 v0, v8;
	_ =	sdelay $0x3  }
0x33b: {  	[tilespmem:s11+$0xFFFFFE80] =	vst v3  }
0x33c: {  	v3 =	vld.idx.msk [tilespmem:v4+s21+$0x0], $0xffff;
	_ =	sdelay $0x1  }
0x33d: {  	v4 =	vadd.s32 v0, v9;
	_ =	sdelay $0x3  }
0x33e: {  	[tilespmem:s11+$0xFFFFFF00] =	vst v3  }
0x33f: {  	v3 =	vld.idx.msk [tilespmem:v4+s21+$0x0], $0xffff;
	_ =	sdelay $0x1  }
0x340: {  	v4 =	vadd.s32 v0, v10;
	_ =	sdelay $0x3  }
0x341: {  	[tilespmem:s11+$0xFFFFFF80] =	vst v3  }
0x342: {  	v3 =	vld.idx.msk [tilespmem:v4+s21+$0x0], $0xffff;
	_ =	sdelay $0x1  }
0x343: {  	v4 =	vadd.s32 v0, v11;
	_ =	sdelay $0x3  }
0x344: {  	[tilespmem:s11+$0x0] =	vst v3  }
0x345: {  	v3 =	vld.idx.msk [tilespmem:v4+s21+$0x0], $0xffff;
	_ =	sdelay $0x1  }
0x346: {  	v4 =	vadd.s32 v0, v12;
	_ =	sdelay $0x3  }
0x347: {  	[tilespmem:s11+$0x80] =	vst v3  }
0x348: {  	v3 =	vld.idx.msk [tilespmem:v4+s21+$0x0], $0xffff;
	_ =	sdelay $0x1  }
0x349: {  	v4 =	vadd.s32 v0, v13;
	_ =	sdelay $0x3  }
0x34a: {  	[tilespmem:s11+$0x100] =	vst v3  }
0x34b: {  	v3 =	vld.idx.msk [tilespmem:v4+s21+$0x0], $0xffff;
	_ =	sdelay $0x1  }
0x34c: {  	v4 =	vadd.s32 v0, v14;
	_ =	sdelay $0x3  }
0x34d: {  	[tilespmem:s11+$0x180] =	vst v3  }
0x34e: {  	v3 =	vld.idx.msk [tilespmem:v4+s21+$0x0], $0xffff;
	_ =	sdelay $0x1  }
0x34f: {  	v4 =	vadd.s32 v0, v15;
	_ =	sdelay $0x3  }
0x350: {  	[tilespmem:s11+$0x200] =	vst v3  }
0x351: {  	v3 =	vld.idx.msk [tilespmem:v4+s21+$0x0], $0xffff;
	_ =	sdelay $0x1  }
0x352: {  	v2 =	vadd.s32 v0, v2;
	_ =	sdelay $0x3  }
0x353: {  	[tilespmem:s11+$0x280] =	vst v3  }
0x354: {  	v2 =	vld.idx.msk [tilespmem:v2+s21+$0x0], $0xffff;
	_ =	sdelay $0x1  }
0x355: {  	v1 =	vadd.s32 v0, v1  }
.Ltmp8:
0x356: {  	(pc) =	sbr.rel @p0 .LBB2_19-.Ltmp8, $3  }
0x357: {  	_ =	sdelay $0x1  }
0x358: {  	[tilespmem:s11+$0x300] =	vst v2  }
0x359: {  	s13 =	smov.u32 s9;
	v1 =	vld.idx.msk [tilespmem:v1+s21+$0x0], $0xffff  }
0x35a: {  	_ =	sdelay $0x3  }
0x35b: {  	s5 =	sshra.s32 s5, $0x2;
	[tilespmem:s11+$0x380] =	vst v1  }
0x35c: {  	v1 =	vld [tilespmem:s5+$0x580];
	_ =	sdelay $0x4  }
0x35d: {  	v2 =	vbroadcast v1, $0x0;
	_ =	sdelay $0x1  }
0x35e: {  	v2 =	vadd.s32 v0, v2;
	_ =	sdelay $0x3  }
0x35f: {  	v3 =	vbroadcast v1, $0x1  }
0x360: {  	v2 =	vld.idx.msk [tilespmem:v2+s21+$0x0], $0xffff  }
0x361: {  	v3 =	vadd.s32 v0, v3;
	_ =	sdelay $0x2  }
0x362: {  	s18 =	sadd.s32 $0x800, s11  }
0x363: {  	v4 =	vbroadcast v1, $0x2;
	[tilespmem:s18+$0xFFFFFC00] =	vst v2  }
0x364: {  	v2 =	vld.idx.msk [tilespmem:v3+s21+$0x0], $0xffff  }
0x365: {  	v3 =	vadd.s32 v0, v4;
	_ =	sdelay $0x3  }
0x366: {  	v52 =	vbroadcast v1, $0x3;
	[tilespmem:s18+$0xFFFFFC80] =	vst v2  }
0x367: {  	v2 =	vld.idx.msk [tilespmem:v3+s21+$0x0], $0xffff  }
0x368: {  	v3 =	vadd.s32 v0, v52;
	_ =	sdelay $0x3  }
0x369: {  	v53 =	vbroadcast v1, $0x4;
	[tilespmem:s18+$0xFFFFFD00] =	vst v2  }
0x36a: {  	v2 =	vld.idx.msk [tilespmem:v3+s21+$0x0], $0xffff  }
0x36b: {  	v3 =	vadd.s32 v0, v53;
	_ =	sdelay $0x3  }
0x36c: {  	v54 =	vbroadcast v1, $0x5;
	[tilespmem:s18+$0xFFFFFD80] =	vst v2  }
0x36d: {  	v2 =	vld.idx.msk [tilespmem:v3+s21+$0x0], $0xffff  }
0x36e: {  	v3 =	vadd.s32 v0, v54;
	_ =	sdelay $0x3  }
0x36f: {  	v55 =	vbroadcast v1, $0x6;
	[tilespmem:s18+$0xFFFFFE00] =	vst v2  }
0x370: {  	v2 =	vld.idx.msk [tilespmem:v3+s21+$0x0], $0xffff  }
0x371: {  	v3 =	vadd.s32 v0, v55;
	_ =	sdelay $0x3  }
0x372: {  	v56 =	vbroadcast v1, $0x7;
	[tilespmem:s18+$0xFFFFFE80] =	vst v2  }
0x373: {  	v2 =	vld.idx.msk [tilespmem:v3+s21+$0x0], $0xffff  }
0x374: {  	v3 =	vadd.s32 v0, v56;
	_ =	sdelay $0x3  }
0x375: {  	v57 =	vbroadcast v1, $0x8;
	[tilespmem:s18+$0xFFFFFF00] =	vst v2  }
0x376: {  	v2 =	vld.idx.msk [tilespmem:v3+s21+$0x0], $0xffff  }
0x377: {  	v3 =	vadd.s32 v0, v57;
	_ =	sdelay $0x3  }
0x378: {  	v58 =	vbroadcast v1, $0x9;
	[tilespmem:s18+$0xFFFFFF80] =	vst v2  }
0x379: {  	v2 =	vld.idx.msk [tilespmem:v3+s21+$0x0], $0xffff  }
0x37a: {  	v3 =	vadd.s32 v0, v58;
	_ =	sdelay $0x3  }
0x37b: {  	v59 =	vbroadcast v1, $0xA;
	[tilespmem:s18+$0x0] =	vst v2  }
0x37c: {  	v2 =	vld.idx.msk [tilespmem:v3+s21+$0x0], $0xffff  }
0x37d: {  	v3 =	vadd.s32 v0, v59;
	_ =	sdelay $0x3  }
0x37e: {  	v60 =	vbroadcast v1, $0xB;
	[tilespmem:s18+$0x80] =	vst v2  }
0x37f: {  	v2 =	vld.idx.msk [tilespmem:v3+s21+$0x0], $0xffff  }
0x380: {  	v3 =	vadd.s32 v0, v60;
	_ =	sdelay $0x3  }
0x381: {  	v61 =	vbroadcast v1, $0xC;
	[tilespmem:s18+$0x100] =	vst v2  }
0x382: {  	v2 =	vld.idx.msk [tilespmem:v3+s21+$0x0], $0xffff  }
0x383: {  	v3 =	vadd.s32 v0, v61;
	_ =	sdelay $0x3  }
0x384: {  	v62 =	vbroadcast v1, $0xD;
	[tilespmem:s18+$0x180] =	vst v2  }
0x385: {  	v2 =	vld.idx.msk [tilespmem:v3+s21+$0x0], $0xffff  }
0x386: {  	v3 =	vadd.s32 v0, v62;
	_ =	sdelay $0x3  }
0x387: {  	v63 =	vbroadcast v1, $0xE;
	[tilespmem:s18+$0x200] =	vst v2  }
0x388: {  	v2 =	vld.idx.msk [tilespmem:v3+s21+$0x0], $0xffff  }
0x389: {  	v3 =	vadd.s32 v0, v63;
	_ =	sdelay $0x3  }
0x38a: {  	v1 =	vbroadcast v1, $0xF;
	[tilespmem:s18+$0x280] =	vst v2  }
0x38b: {  	v2 =	vld.idx.msk [tilespmem:v3+s21+$0x0], $0xffff  }
0x38c: {  	v1 =	vadd.s32 v0, v1;
	_ =	sdelay $0x3  }
0x38d: {  	[tilespmem:s18+$0x300] =	vst v2  }
0x38e: {  	v1 =	vld.idx.msk [tilespmem:v1+s21+$0x0], $0xffff;
	_ =	sdelay $0x4  }
0x38f: {  	s22 =	sshll.u32 s20, $0xE;
	[tilespmem:s18+$0x380] =	vst v1  }
0x390: {  	s5 =	sadd.s32 s15, s22;
	_ =	swait.ge [sflag:s17], $0x4000  }
0x391: {  	s5 =	sshrl.u32 s5, $0x3;
	[sflag:s17] =	ssyncset.done $0x0  }
0x392: {  	s9 =	sadd.s32 s3, s5;
	[sflag:s17] =	ssyncadd.s32 $0xFFFFC000  }
0x393: {  	[hbm4b:s9+s4] =	stream.linear.scatter [tilespmem:s12], [sflag:$0x8], $0x4000, $0x38;
	[tilespmem:$0x14800] =	vst v63  }
0x394: {  	s19 =	sadd.s32 $0x1, s19;
	_ =	swait.ge [sflag:s0], $0x4000  }
0x395: {  	p0 =	sne.s32 s19, $0x10;
	[sflag:s0] =	ssyncset.done $0x0  }
.Ltmp9:
0x396: {  	s5 =	sadd.s32 s8, s5;
	[sflag:s0] =	ssyncadd.s32 $0xFFFFC000;
	(pc) =	sbr.rel @p0 .LBB2_2-.Ltmp9, $4  }
0x397: {  	[hbm4b:s5+s4] =	stream.linear.scatter [tilespmem:s1], [sflag:$0x8], $0x4000, $0x38;
	[tilespmem:$0x14800] =	vst v63  }
0x398: {  	_ =	swait.ge [sflag:s0], $0x4000  }
0x399: {  	[sflag:s0] =	ssyncset.done $0x0  }
0x39a: {  	[sflag:s0] =	ssyncadd.s32 $0xFFFFC000  }
0x39b: {  	_ =	swait.ge [sflag:s28], $0x200  }
0x39c: {  	s5 =	simm.s32 $0x0;
	[sflag:s28] =	ssyncset.done $0x0  }
0x39d: {  	s9 =	simm.s32 $0xCA00;
	s11 =	simm.s32 $0x0;
	[sflag:s28] =	ssyncadd.s32 $0xFFFFFE00  }
0x39e: {  	[tilespmem:s29], [sflag:$0x2] =	stream.indirect.gather [hbm4b:s2+s24], $0x80, s26, s24, $0xb8;
	[tilespmem:$0x14800] =	vst v63  }
.LBB2_22:
0x39f: {  	s10 =	sshra.s32 s11, $0x2  }
0x3a0: {  	v1 =	vld [tilespmem:s10+$0x80];
	_ =	sdelay $0x4  }
0x3a1: {  	v2 =	vbroadcast v1, $0x0;
	_ =	sdelay $0x1  }
0x3a2: {  	v2 =	vadd.s32 v0, v2;
	_ =	sdelay $0x3  }
0x3a3: {  	v3 =	vbroadcast v1, $0x1  }
0x3a4: {  	v2 =	vld.idx.msk [tilespmem:v2+s21+$0x0], $0xffff  }
0x3a5: {  	v3 =	vadd.s32 v0, v3;
	_ =	sdelay $0x3  }
0x3a6: {  	[tilespmem:s9+$0xFFFFFC00] =	vst v2;
	v2 =	vbroadcast v1, $0x2  }
0x3a7: {  	v3 =	vld.idx.msk [tilespmem:v3+s21+$0x0], $0xffff  }
0x3a8: {  	v2 =	vadd.s32 v0, v2;
	_ =	sdelay $0x3  }
0x3a9: {  	[tilespmem:s9+$0xFFFFFC80] =	vst v3;
	v3 =	vbroadcast v1, $0x3  }
0x3aa: {  	v2 =	vld.idx.msk [tilespmem:v2+s21+$0x0], $0xffff  }
0x3ab: {  	v3 =	vadd.s32 v0, v3;
	_ =	sdelay $0x3  }
0x3ac: {  	[tilespmem:s9+$0xFFFFFD00] =	vst v2;
	v2 =	vbroadcast v1, $0x4  }
0x3ad: {  	v3 =	vld.idx.msk [tilespmem:v3+s21+$0x0], $0xffff  }
0x3ae: {  	v2 =	vadd.s32 v0, v2;
	_ =	sdelay $0x3  }
0x3af: {  	[tilespmem:s9+$0xFFFFFD80] =	vst v3;
	v3 =	vbroadcast v1, $0x5  }
0x3b0: {  	v2 =	vld.idx.msk [tilespmem:v2+s21+$0x0], $0xffff  }
0x3b1: {  	v3 =	vadd.s32 v0, v3;
	_ =	sdelay $0x3  }
0x3b2: {  	[tilespmem:s9+$0xFFFFFE00] =	vst v2;
	v2 =	vbroadcast v1, $0x6  }
0x3b3: {  	v3 =	vld.idx.msk [tilespmem:v3+s21+$0x0], $0xffff  }
0x3b4: {  	v2 =	vadd.s32 v0, v2;
	_ =	sdelay $0x3  }
0x3b5: {  	[tilespmem:s9+$0xFFFFFE80] =	vst v3;
	v3 =	vbroadcast v1, $0x7  }
0x3b6: {  	v2 =	vld.idx.msk [tilespmem:v2+s21+$0x0], $0xffff  }
0x3b7: {  	v3 =	vadd.s32 v0, v3;
	_ =	sdelay $0x3  }
0x3b8: {  	[tilespmem:s9+$0xFFFFFF00] =	vst v2;
	v2 =	vbroadcast v1, $0x8  }
0x3b9: {  	v3 =	vld.idx.msk [tilespmem:v3+s21+$0x0], $0xffff  }
0x3ba: {  	v2 =	vadd.s32 v0, v2;
	_ =	sdelay $0x3  }
0x3bb: {  	[tilespmem:s9+$0xFFFFFF80] =	vst v3;
	v3 =	vbroadcast v1, $0x9  }
0x3bc: {  	v2 =	vld.idx.msk [tilespmem:v2+s21+$0x0], $0xffff  }
0x3bd: {  	v3 =	vadd.s32 v0, v3;
	_ =	sdelay $0x3  }
0x3be: {  	[tilespmem:s9+$0x0] =	vst v2;
	v2 =	vbroadcast v1, $0xA  }
0x3bf: {  	v3 =	vld.idx.msk [tilespmem:v3+s21+$0x0], $0xffff  }
0x3c0: {  	v2 =	vadd.s32 v0, v2;
	_ =	sdelay $0x3  }
0x3c1: {  	[tilespmem:s9+$0x80] =	vst v3;
	v3 =	vbroadcast v1, $0xB  }
0x3c2: {  	v2 =	vld.idx.msk [tilespmem:v2+s21+$0x0], $0xffff  }
0x3c3: {  	v3 =	vadd.s32 v0, v3;
	_ =	sdelay $0x3  }
0x3c4: {  	[tilespmem:s9+$0x100] =	vst v2;
	v2 =	vbroadcast v1, $0xC  }
0x3c5: {  	v3 =	vld.idx.msk [tilespmem:v3+s21+$0x0], $0xffff  }
0x3c6: {  	v2 =	vadd.s32 v0, v2;
	_ =	sdelay $0x3  }
0x3c7: {  	[tilespmem:s9+$0x180] =	vst v3;
	v3 =	vbroadcast v1, $0xD  }
0x3c8: {  	v2 =	vld.idx.msk [tilespmem:v2+s21+$0x0], $0xffff  }
0x3c9: {  	v3 =	vadd.s32 v0, v3;
	_ =	sdelay $0x3  }
0x3ca: {  	[tilespmem:s9+$0x200] =	vst v2;
	v2 =	vbroadcast v1, $0xE  }
0x3cb: {  	v3 =	vld.idx.msk [tilespmem:v3+s21+$0x0], $0xffff  }
0x3cc: {  	v2 =	vadd.s32 v0, v2;
	_ =	sdelay $0x3  }
0x3cd: {  	v1 =	vbroadcast v1, $0xF;
	[tilespmem:s9+$0x280] =	vst v3  }
0x3ce: {  	v2 =	vld.idx.msk [tilespmem:v2+s21+$0x0], $0xffff  }
0x3cf: {  	v1 =	vadd.s32 v0, v1;
	_ =	sdelay $0x3  }
0x3d0: {  	[tilespmem:s9+$0x300] =	vst v2  }
0x3d1: {  	p0 =	sne.s32 s11, $0x1C0;
	v1 =	vld.idx.msk [tilespmem:v1+s21+$0x0], $0xffff  }
.Ltmp10:
0x3d2: {  	_ = 	snop;
	(pc) =	sbr.rel @p0 .LBB2_22-.Ltmp10, $2  }
0x3d3: {  	_ =	sdelay $0x2  }
0x3d4: {  	s11 =	sadd.s32 $0x40, s11;
	[tilespmem:s9+$0x380] =	vst v1;
	s9 =	sadd.s32 $0x800, s9  }
0x3d5: {  	s9 =	simm.s32 $0xCA10  }
.LBB2_24:
0x3d6: {  	s10 =	sshra.s32 s5, $0x2  }
0x3d7: {  	v1 =	vld [tilespmem:s10+$0x100];
	_ =	sdelay $0x4  }
0x3d8: {  	v2 =	vbroadcast v1, $0x0;
	_ =	sdelay $0x1  }
0x3d9: {  	v2 =	vadd.s32 v0, v2;
	_ =	sdelay $0x3  }
0x3da: {  	v3 =	vbroadcast v1, $0x1  }
0x3db: {  	v2 =	vld.idx.msk [tilespmem:v2+s21+$0x0], $0xffff  }
0x3dc: {  	v3 =	vadd.s32 v0, v3;
	_ =	sdelay $0x3  }
0x3dd: {  	[tilespmem:s9+$0xFFFFFC00] =	vst v2;
	v2 =	vbroadcast v1, $0x2  }
0x3de: {  	v3 =	vld.idx.msk [tilespmem:v3+s21+$0x0], $0xffff  }
0x3df: {  	v2 =	vadd.s32 v0, v2;
	_ =	sdelay $0x3  }
0x3e0: {  	[tilespmem:s9+$0xFFFFFC80] =	vst v3;
	v3 =	vbroadcast v1, $0x3  }
0x3e1: {  	v2 =	vld.idx.msk [tilespmem:v2+s21+$0x0], $0xffff  }
0x3e2: {  	v3 =	vadd.s32 v0, v3;
	_ =	sdelay $0x3  }
0x3e3: {  	[tilespmem:s9+$0xFFFFFD00] =	vst v2;
	v2 =	vbroadcast v1, $0x4  }
0x3e4: {  	v3 =	vld.idx.msk [tilespmem:v3+s21+$0x0], $0xffff  }
0x3e5: {  	v2 =	vadd.s32 v0, v2;
	_ =	sdelay $0x3  }
0x3e6: {  	[tilespmem:s9+$0xFFFFFD80] =	vst v3;
	v3 =	vbroadcast v1, $0x5  }
0x3e7: {  	v2 =	vld.idx.msk [tilespmem:v2+s21+$0x0], $0xffff  }
0x3e8: {  	v3 =	vadd.s32 v0, v3;
	_ =	sdelay $0x3  }
0x3e9: {  	[tilespmem:s9+$0xFFFFFE00] =	vst v2;
	v2 =	vbroadcast v1, $0x6  }
0x3ea: {  	v3 =	vld.idx.msk [tilespmem:v3+s21+$0x0], $0xffff  }
0x3eb: {  	v2 =	vadd.s32 v0, v2;
	_ =	sdelay $0x3  }
0x3ec: {  	[tilespmem:s9+$0xFFFFFE80] =	vst v3;
	v3 =	vbroadcast v1, $0x7  }
0x3ed: {  	v2 =	vld.idx.msk [tilespmem:v2+s21+$0x0], $0xffff  }
0x3ee: {  	v3 =	vadd.s32 v0, v3;
	_ =	sdelay $0x3  }
0x3ef: {  	[tilespmem:s9+$0xFFFFFF00] =	vst v2;
	v2 =	vbroadcast v1, $0x8  }
0x3f0: {  	v3 =	vld.idx.msk [tilespmem:v3+s21+$0x0], $0xffff  }
0x3f1: {  	v2 =	vadd.s32 v0, v2;
	_ =	sdelay $0x3  }
0x3f2: {  	[tilespmem:s9+$0xFFFFFF80] =	vst v3;
	v3 =	vbroadcast v1, $0x9  }
0x3f3: {  	v2 =	vld.idx.msk [tilespmem:v2+s21+$0x0], $0xffff  }
0x3f4: {  	v3 =	vadd.s32 v0, v3;
	_ =	sdelay $0x3  }
0x3f5: {  	[tilespmem:s9+$0x0] =	vst v2;
	v2 =	vbroadcast v1, $0xA  }
0x3f6: {  	v3 =	vld.idx.msk [tilespmem:v3+s21+$0x0], $0xffff  }
0x3f7: {  	v2 =	vadd.s32 v0, v2;
	_ =	sdelay $0x3  }
0x3f8: {  	[tilespmem:s9+$0x80] =	vst v3;
	v3 =	vbroadcast v1, $0xB  }
0x3f9: {  	v2 =	vld.idx.msk [tilespmem:v2+s21+$0x0], $0xffff  }
0x3fa: {  	v3 =	vadd.s32 v0, v3;
	_ =	sdelay $0x3  }
0x3fb: {  	[tilespmem:s9+$0x100] =	vst v2;
	v2 =	vbroadcast v1, $0xC  }
0x3fc: {  	v3 =	vld.idx.msk [tilespmem:v3+s21+$0x0], $0xffff  }
0x3fd: {  	v2 =	vadd.s32 v0, v2;
	_ =	sdelay $0x3  }
0x3fe: {  	[tilespmem:s9+$0x180] =	vst v3;
	v3 =	vbroadcast v1, $0xD  }
0x3ff: {  	v2 =	vld.idx.msk [tilespmem:v2+s21+$0x0], $0xffff  }
0x400: {  	v3 =	vadd.s32 v0, v3;
	_ =	sdelay $0x3  }
0x401: {  	[tilespmem:s9+$0x200] =	vst v2;
	v2 =	vbroadcast v1, $0xE  }
0x402: {  	v3 =	vld.idx.msk [tilespmem:v3+s21+$0x0], $0xffff  }
0x403: {  	v2 =	vadd.s32 v0, v2;
	_ =	sdelay $0x3  }
0x404: {  	v1 =	vbroadcast v1, $0xF;
	[tilespmem:s9+$0x280] =	vst v3  }
0x405: {  	v2 =	vld.idx.msk [tilespmem:v2+s21+$0x0], $0xffff  }
0x406: {  	v1 =	vadd.s32 v0, v1;
	_ =	sdelay $0x3  }
0x407: {  	[tilespmem:s9+$0x300] =	vst v2  }
0x408: {  	p0 =	sne.s32 s5, $0x1C0;
	v1 =	vld.idx.msk [tilespmem:v1+s21+$0x0], $0xffff  }
.Ltmp11:
0x409: {  	_ = 	snop;
	(pc) =	sbr.rel @p0 .LBB2_24-.Ltmp11, $2  }
0x40a: {  	_ =	sdelay $0x2  }
0x40b: {  	s5 =	sadd.s32 $0x40, s5;
	[tilespmem:s9+$0x380] =	vst v1;
	s9 =	sadd.s32 $0x800, s9  }
0x40c: {  	s5 =	simm.s32 $0x0  }
0x40d: {  	v1 =	vld [tilespmem:s5+$0x180];
	_ =	sdelay $0x4  }
0x40e: {  	v2 =	vbroadcast v1, $0x0;
	_ =	sdelay $0x1  }
0x40f: {  	v2 =	vadd.s32 v0, v2;
	_ =	sdelay $0x3  }
0x410: {  	v3 =	vbroadcast v1, $0x1  }
0x411: {  	v2 =	vld.idx.msk [tilespmem:v2+s21+$0x0], $0xffff  }
0x412: {  	v3 =	vadd.s32 v0, v3;
	_ =	sdelay $0x2  }
0x413: {  	s11 =	simm.s32 $0xCA20  }
0x414: {  	v4 =	vbroadcast v1, $0x2;
	[tilespmem:s11+$0xFFFFFC00] =	vst v2  }
0x415: {  	v2 =	vld.idx.msk [tilespmem:v3+s21+$0x0], $0xffff  }
0x416: {  	v3 =	vadd.s32 v0, v4;
	_ =	sdelay $0x3  }
0x417: {  	v52 =	vbroadcast v1, $0x3;
	[tilespmem:s11+$0xFFFFFC80] =	vst v2  }
0x418: {  	v2 =	vld.idx.msk [tilespmem:v3+s21+$0x0], $0xffff  }
0x419: {  	v3 =	vadd.s32 v0, v52;
	_ =	sdelay $0x3  }
0x41a: {  	v53 =	vbroadcast v1, $0x4;
	[tilespmem:s11+$0xFFFFFD00] =	vst v2  }
0x41b: {  	v2 =	vld.idx.msk [tilespmem:v3+s21+$0x0], $0xffff  }
0x41c: {  	v3 =	vadd.s32 v0, v53;
	_ =	sdelay $0x3  }
0x41d: {  	v54 =	vbroadcast v1, $0x5;
	[tilespmem:s11+$0xFFFFFD80] =	vst v2  }
0x41e: {  	v2 =	vld.idx.msk [tilespmem:v3+s21+$0x0], $0xffff  }
0x41f: {  	v3 =	vadd.s32 v0, v54;
	_ =	sdelay $0x3  }
0x420: {  	v55 =	vbroadcast v1, $0x6;
	[tilespmem:s11+$0xFFFFFE00] =	vst v2  }
0x421: {  	v2 =	vld.idx.msk [tilespmem:v3+s21+$0x0], $0xffff  }
0x422: {  	v3 =	vadd.s32 v0, v55;
	_ =	sdelay $0x3  }
0x423: {  	v56 =	vbroadcast v1, $0x7;
	[tilespmem:s11+$0xFFFFFE80] =	vst v2  }
0x424: {  	v2 =	vld.idx.msk [tilespmem:v3+s21+$0x0], $0xffff  }
0x425: {  	v3 =	vadd.s32 v0, v56;
	_ =	sdelay $0x3  }
0x426: {  	v57 =	vbroadcast v1, $0x8;
	[tilespmem:s11+$0xFFFFFF00] =	vst v2  }
0x427: {  	v2 =	vld.idx.msk [tilespmem:v3+s21+$0x0], $0xffff  }
0x428: {  	v3 =	vadd.s32 v0, v57;
	_ =	sdelay $0x3  }
0x429: {  	v58 =	vbroadcast v1, $0x9;
	[tilespmem:s11+$0xFFFFFF80] =	vst v2  }
0x42a: {  	v2 =	vld.idx.msk [tilespmem:v3+s21+$0x0], $0xffff  }
0x42b: {  	v3 =	vadd.s32 v0, v58;
	_ =	sdelay $0x3  }
0x42c: {  	v59 =	vbroadcast v1, $0xA;
	[tilespmem:s11+$0x0] =	vst v2  }
0x42d: {  	v2 =	vld.idx.msk [tilespmem:v3+s21+$0x0], $0xffff  }
0x42e: {  	v3 =	vadd.s32 v0, v59;
	_ =	sdelay $0x3  }
0x42f: {  	v60 =	vbroadcast v1, $0xB;
	[tilespmem:s11+$0x80] =	vst v2  }
0x430: {  	v2 =	vld.idx.msk [tilespmem:v3+s21+$0x0], $0xffff  }
0x431: {  	v3 =	vadd.s32 v0, v60;
	_ =	sdelay $0x3  }
0x432: {  	v61 =	vbroadcast v1, $0xC;
	[tilespmem:s11+$0x100] =	vst v2  }
0x433: {  	v2 =	vld.idx.msk [tilespmem:v3+s21+$0x0], $0xffff  }
0x434: {  	v3 =	vadd.s32 v0, v61;
	_ =	sdelay $0x3  }
0x435: {  	v62 =	vbroadcast v1, $0xD;
	[tilespmem:s11+$0x180] =	vst v2  }
0x436: {  	v2 =	vld.idx.msk [tilespmem:v3+s21+$0x0], $0xffff  }
0x437: {  	v3 =	vadd.s32 v0, v62;
	_ =	sdelay $0x3  }
0x438: {  	v63 =	vbroadcast v1, $0xE;
	[tilespmem:s11+$0x200] =	vst v2  }
0x439: {  	v2 =	vld.idx.msk [tilespmem:v3+s21+$0x0], $0xffff  }
0x43a: {  	v3 =	vadd.s32 v0, v63;
	_ =	sdelay $0x3  }
0x43b: {  	v1 =	vbroadcast v1, $0xF;
	[tilespmem:s11+$0x280] =	vst v2  }
0x43c: {  	v2 =	vld.idx.msk [tilespmem:v3+s21+$0x0], $0xffff  }
0x43d: {  	v1 =	vadd.s32 v0, v1;
	_ =	sdelay $0x3  }
0x43e: {  	[tilespmem:s11+$0x300] =	vst v2  }
0x43f: {  	s13 =	simm.s32 $0x80;
	s5 =	simm.s32 $0x40;
	v1 =	vld.idx.msk [tilespmem:v1+s21+$0x0], $0xffff  }
.LBB2_26:
0x440: {  	_ =	sdelay $0x2  }
0x441: {  	s10 =	sshra.s32 s5, $0x2  }
0x442: {  	s5 =	smov.u32 s13;
	s9 =	sadd.s32 $0x40, s13;
	[tilespmem:s11+$0x380] =	vst v1;
	s11 =	sadd.s32 $0x800, s11  }
0x443: {  	p0 =	sne.s32 s13, $0x1C0;
	v1 =	vld [tilespmem:s10+$0x180];
	_ =	sdelay $0x4  }
0x444: {  	v2 =	vbroadcast v1, $0x0;
	v3 =	vbroadcast v1, $0x1  }
0x445: {  	v4 =	vbroadcast v1, $0x2;
	v5 =	vbroadcast v1, $0x3  }
0x446: {  	v6 =	vbroadcast v1, $0x4;
	v7 =	vbroadcast v1, $0x5;
	v2 =	vadd.s32 v0, v2  }
0x447: {  	v8 =	vbroadcast v1, $0x6;
	v9 =	vbroadcast v1, $0x7  }
0x448: {  	v10 =	vbroadcast v1, $0x8;
	v11 =	vbroadcast v1, $0x9  }
0x449: {  	v12 =	vbroadcast v1, $0xA;
	v13 =	vbroadcast v1, $0xB  }
0x44a: {  	v14 =	vbroadcast v1, $0xC;
	v15 =	vbroadcast v1, $0xD  }
0x44b: {  	v16 =	vld.idx.msk [tilespmem:v2+s21+$0x0], $0xffff;
	v2 =	vbroadcast v1, $0xE;
	v1 =	vbroadcast v1, $0xF;
	_ =	sdelay $0x1  }
0x44c: {  	v3 =	vadd.s32 v0, v3;
	_ =	sdelay $0x3  }
0x44d: {  	[tilespmem:s11+$0xFFFFFC00] =	vst v16  }
0x44e: {  	v3 =	vld.idx.msk [tilespmem:v3+s21+$0x0], $0xffff;
	_ =	sdelay $0x1  }
0x44f: {  	v4 =	vadd.s32 v0, v4;
	_ =	sdelay $0x3  }
0x450: {  	[tilespmem:s11+$0xFFFFFC80] =	vst v3  }
0x451: {  	v3 =	vld.idx.msk [tilespmem:v4+s21+$0x0], $0xffff;
	_ =	sdelay $0x1  }
0x452: {  	v4 =	vadd.s32 v0, v5;
	_ =	sdelay $0x3  }
0x453: {  	[tilespmem:s11+$0xFFFFFD00] =	vst v3  }
0x454: {  	v3 =	vld.idx.msk [tilespmem:v4+s21+$0x0], $0xffff;
	_ =	sdelay $0x1  }
0x455: {  	v4 =	vadd.s32 v0, v6;
	_ =	sdelay $0x3  }
0x456: {  	[tilespmem:s11+$0xFFFFFD80] =	vst v3  }
0x457: {  	v3 =	vld.idx.msk [tilespmem:v4+s21+$0x0], $0xffff;
	_ =	sdelay $0x1  }
0x458: {  	v4 =	vadd.s32 v0, v7;
	_ =	sdelay $0x3  }
0x459: {  	[tilespmem:s11+$0xFFFFFE00] =	vst v3  }
0x45a: {  	v3 =	vld.idx.msk [tilespmem:v4+s21+$0x0], $0xffff;
	_ =	sdelay $0x1  }
0x45b: {  	v4 =	vadd.s32 v0, v8;
	_ =	sdelay $0x3  }
0x45c: {  	[tilespmem:s11+$0xFFFFFE80] =	vst v3  }
0x45d: {  	v3 =	vld.idx.msk [tilespmem:v4+s21+$0x0], $0xffff;
	_ =	sdelay $0x1  }
0x45e: {  	v4 =	vadd.s32 v0, v9;
	_ =	sdelay $0x3  }
0x45f: {  	[tilespmem:s11+$0xFFFFFF00] =	vst v3  }
0x460: {  	v3 =	vld.idx.msk [tilespmem:v4+s21+$0x0], $0xffff;
	_ =	sdelay $0x1  }
0x461: {  	v4 =	vadd.s32 v0, v10;
	_ =	sdelay $0x3  }
0x462: {  	[tilespmem:s11+$0xFFFFFF80] =	vst v3  }
0x463: {  	v3 =	vld.idx.msk [tilespmem:v4+s21+$0x0], $0xffff;
	_ =	sdelay $0x1  }
0x464: {  	v4 =	vadd.s32 v0, v11;
	_ =	sdelay $0x3  }
0x465: {  	[tilespmem:s11+$0x0] =	vst v3  }
0x466: {  	v3 =	vld.idx.msk [tilespmem:v4+s21+$0x0], $0xffff;
	_ =	sdelay $0x1  }
0x467: {  	v4 =	vadd.s32 v0, v12;
	_ =	sdelay $0x3  }
0x468: {  	[tilespmem:s11+$0x80] =	vst v3  }
0x469: {  	v3 =	vld.idx.msk [tilespmem:v4+s21+$0x0], $0xffff;
	_ =	sdelay $0x1  }
0x46a: {  	v4 =	vadd.s32 v0, v13;
	_ =	sdelay $0x3  }
0x46b: {  	[tilespmem:s11+$0x100] =	vst v3  }
0x46c: {  	v3 =	vld.idx.msk [tilespmem:v4+s21+$0x0], $0xffff;
	_ =	sdelay $0x1  }
0x46d: {  	v4 =	vadd.s32 v0, v14;
	_ =	sdelay $0x3  }
0x46e: {  	[tilespmem:s11+$0x180] =	vst v3  }
0x46f: {  	v3 =	vld.idx.msk [tilespmem:v4+s21+$0x0], $0xffff;
	_ =	sdelay $0x1  }
0x470: {  	v4 =	vadd.s32 v0, v15;
	_ =	sdelay $0x3  }
0x471: {  	[tilespmem:s11+$0x200] =	vst v3  }
0x472: {  	v3 =	vld.idx.msk [tilespmem:v4+s21+$0x0], $0xffff;
	_ =	sdelay $0x1  }
0x473: {  	v2 =	vadd.s32 v0, v2;
	_ =	sdelay $0x3  }
0x474: {  	[tilespmem:s11+$0x280] =	vst v3  }
0x475: {  	v2 =	vld.idx.msk [tilespmem:v2+s21+$0x0], $0xffff;
	_ =	sdelay $0x1  }
0x476: {  	v1 =	vadd.s32 v0, v1  }
.Ltmp12:
0x477: {  	(pc) =	sbr.rel @p0 .LBB2_26-.Ltmp12, $3  }
0x478: {  	_ =	sdelay $0x1  }
0x479: {  	[tilespmem:s11+$0x300] =	vst v2  }
0x47a: {  	s13 =	smov.u32 s9;
	v1 =	vld.idx.msk [tilespmem:v1+s21+$0x0], $0xffff  }
0x47b: {  	_ =	sdelay $0x3  }
0x47c: {  	s5 =	sshra.s32 s5, $0x2;
	[tilespmem:s11+$0x380] =	vst v1  }
0x47d: {  	v1 =	vld [tilespmem:s5+$0x180];
	_ =	sdelay $0x4  }
0x47e: {  	v2 =	vbroadcast v1, $0x0;
	_ =	sdelay $0x1  }
0x47f: {  	v2 =	vadd.s32 v0, v2;
	_ =	sdelay $0x3  }
0x480: {  	v3 =	vbroadcast v1, $0x1  }
0x481: {  	v2 =	vld.idx.msk [tilespmem:v2+s21+$0x0], $0xffff  }
0x482: {  	v3 =	vadd.s32 v0, v3;
	_ =	sdelay $0x2  }
0x483: {  	s20 =	sadd.s32 $0x800, s11  }
0x484: {  	v4 =	vbroadcast v1, $0x2;
	[tilespmem:s20+$0xFFFFFC00] =	vst v2  }
0x485: {  	v2 =	vld.idx.msk [tilespmem:v3+s21+$0x0], $0xffff  }
0x486: {  	v3 =	vadd.s32 v0, v4;
	_ =	sdelay $0x3  }
0x487: {  	v52 =	vbroadcast v1, $0x3;
	[tilespmem:s20+$0xFFFFFC80] =	vst v2  }
0x488: {  	v2 =	vld.idx.msk [tilespmem:v3+s21+$0x0], $0xffff  }
0x489: {  	v3 =	vadd.s32 v0, v52;
	_ =	sdelay $0x3  }
0x48a: {  	v53 =	vbroadcast v1, $0x4;
	[tilespmem:s20+$0xFFFFFD00] =	vst v2  }
0x48b: {  	v2 =	vld.idx.msk [tilespmem:v3+s21+$0x0], $0xffff  }
0x48c: {  	v3 =	vadd.s32 v0, v53;
	_ =	sdelay $0x3  }
0x48d: {  	v54 =	vbroadcast v1, $0x5;
	[tilespmem:s20+$0xFFFFFD80] =	vst v2  }
0x48e: {  	v2 =	vld.idx.msk [tilespmem:v3+s21+$0x0], $0xffff  }
0x48f: {  	v3 =	vadd.s32 v0, v54;
	_ =	sdelay $0x3  }
0x490: {  	v55 =	vbroadcast v1, $0x6;
	[tilespmem:s20+$0xFFFFFE00] =	vst v2  }
0x491: {  	v2 =	vld.idx.msk [tilespmem:v3+s21+$0x0], $0xffff  }
0x492: {  	v3 =	vadd.s32 v0, v55;
	_ =	sdelay $0x3  }
0x493: {  	v56 =	vbroadcast v1, $0x7;
	[tilespmem:s20+$0xFFFFFE80] =	vst v2  }
0x494: {  	v2 =	vld.idx.msk [tilespmem:v3+s21+$0x0], $0xffff  }
0x495: {  	v3 =	vadd.s32 v0, v56;
	_ =	sdelay $0x3  }
0x496: {  	v57 =	vbroadcast v1, $0x8;
	[tilespmem:s20+$0xFFFFFF00] =	vst v2  }
0x497: {  	v2 =	vld.idx.msk [tilespmem:v3+s21+$0x0], $0xffff  }
0x498: {  	v3 =	vadd.s32 v0, v57;
	_ =	sdelay $0x3  }
0x499: {  	v58 =	vbroadcast v1, $0x9;
	[tilespmem:s20+$0xFFFFFF80] =	vst v2  }
0x49a: {  	v2 =	vld.idx.msk [tilespmem:v3+s21+$0x0], $0xffff  }
0x49b: {  	v3 =	vadd.s32 v0, v58;
	_ =	sdelay $0x3  }
0x49c: {  	v59 =	vbroadcast v1, $0xA;
	[tilespmem:s20+$0x0] =	vst v2  }
0x49d: {  	v2 =	vld.idx.msk [tilespmem:v3+s21+$0x0], $0xffff  }
0x49e: {  	v3 =	vadd.s32 v0, v59;
	_ =	sdelay $0x3  }
0x49f: {  	v60 =	vbroadcast v1, $0xB;
	[tilespmem:s20+$0x80] =	vst v2  }
0x4a0: {  	v2 =	vld.idx.msk [tilespmem:v3+s21+$0x0], $0xffff  }
0x4a1: {  	v3 =	vadd.s32 v0, v60;
	_ =	sdelay $0x3  }
0x4a2: {  	v61 =	vbroadcast v1, $0xC;
	[tilespmem:s20+$0x100] =	vst v2  }
0x4a3: {  	v2 =	vld.idx.msk [tilespmem:v3+s21+$0x0], $0xffff  }
0x4a4: {  	v3 =	vadd.s32 v0, v61;
	_ =	sdelay $0x3  }
0x4a5: {  	v62 =	vbroadcast v1, $0xD;
	[tilespmem:s20+$0x180] =	vst v2  }
0x4a6: {  	v2 =	vld.idx.msk [tilespmem:v3+s21+$0x0], $0xffff  }
0x4a7: {  	v3 =	vadd.s32 v0, v62;
	_ =	sdelay $0x3  }
0x4a8: {  	v63 =	vbroadcast v1, $0xE;
	[tilespmem:s20+$0x200] =	vst v2  }
0x4a9: {  	v2 =	vld.idx.msk [tilespmem:v3+s21+$0x0], $0xffff  }
0x4aa: {  	v3 =	vadd.s32 v0, v63;
	_ =	sdelay $0x3  }
0x4ab: {  	v1 =	vbroadcast v1, $0xF;
	[tilespmem:s20+$0x280] =	vst v2  }
0x4ac: {  	v2 =	vld.idx.msk [tilespmem:v3+s21+$0x0], $0xffff  }
0x4ad: {  	v1 =	vadd.s32 v0, v1;
	_ =	sdelay $0x3  }
0x4ae: {  	[tilespmem:s20+$0x300] =	vst v2  }
0x4af: {  	v1 =	vld.idx.msk [tilespmem:v1+s21+$0x0], $0xffff;
	_ =	sdelay $0x4  }
0x4b0: {  	[tilespmem:s20+$0x380] =	vst v1  }
0x4b1: {  	_ =	swait.ge [sflag:s31], $0x4000  }
0x4b2: {  	[sflag:s31] =	ssyncset.done $0x0  }
0x4b3: {  	s5 =	simm.s32 $0x0;
	s9 =	rddreg [dreg:$0xa];
	[sflag:s31] =	ssyncadd.s32 $0xFFFFC000  }
0x4b4: {  	[hbm4b:s9+s5] =	stream.linear.scatter [tilespmem:s25], [sflag:$0x8], $0x4000, $0x38;
	[tilespmem:$0x14800] =	vst v63  }
0x4b5: {  	_ =	swait.ge [sflag:s0], $0x4000  }
0x4b6: {  	[sflag:s0] =	ssyncset.done $0x0  }
0x4b7: {  	s22 =	rddreg [dreg:$0xb];
	[sflag:s0] =	ssyncadd.s32 $0xFFFFC000  }
0x4b8: {  	[hbm4b:s22+s5] =	stream.linear.scatter [tilespmem:s1], [sflag:$0x8], $0x4000, $0x38;
	[tilespmem:$0x14800] =	vst v63  }
0x4b9: {  	_ =	swait.ge [sflag:s0], $0x4000  }
0x4ba: {  	[sflag:s0] =	ssyncset.done $0x0  }
0x4bb: {  	s11 =	simm.s32 $0x0;
	s9 =	simm.s32 $0xCA00;
	[sflag:s0] =	ssyncadd.s32 $0xFFFFC000  }
.LBB2_28:
0x4bc: {  	s10 =	sshra.s32 s11, $0x2  }
0x4bd: {  	v1 =	vld [tilespmem:s10+$0x280];
	_ =	sdelay $0x4  }
0x4be: {  	v2 =	vbroadcast v1, $0x0;
	_ =	sdelay $0x1  }
0x4bf: {  	v2 =	vadd.s32 v0, v2;
	_ =	sdelay $0x3  }
0x4c0: {  	v3 =	vbroadcast v1, $0x1  }
0x4c1: {  	v2 =	vld.idx.msk [tilespmem:v2+s21+$0x0], $0xffff  }
0x4c2: {  	v3 =	vadd.s32 v0, v3;
	_ =	sdelay $0x3  }
0x4c3: {  	[tilespmem:s9+$0xFFFFFC00] =	vst v2;
	v2 =	vbroadcast v1, $0x2  }
0x4c4: {  	v3 =	vld.idx.msk [tilespmem:v3+s21+$0x0], $0xffff  }
0x4c5: {  	v2 =	vadd.s32 v0, v2;
	_ =	sdelay $0x3  }
0x4c6: {  	[tilespmem:s9+$0xFFFFFC80] =	vst v3;
	v3 =	vbroadcast v1, $0x3  }
0x4c7: {  	v2 =	vld.idx.msk [tilespmem:v2+s21+$0x0], $0xffff  }
0x4c8: {  	v3 =	vadd.s32 v0, v3;
	_ =	sdelay $0x3  }
0x4c9: {  	[tilespmem:s9+$0xFFFFFD00] =	vst v2;
	v2 =	vbroadcast v1, $0x4  }
0x4ca: {  	v3 =	vld.idx.msk [tilespmem:v3+s21+$0x0], $0xffff  }
0x4cb: {  	v2 =	vadd.s32 v0, v2;
	_ =	sdelay $0x3  }
0x4cc: {  	[tilespmem:s9+$0xFFFFFD80] =	vst v3;
	v3 =	vbroadcast v1, $0x5  }
0x4cd: {  	v2 =	vld.idx.msk [tilespmem:v2+s21+$0x0], $0xffff  }
0x4ce: {  	v3 =	vadd.s32 v0, v3;
	_ =	sdelay $0x3  }
0x4cf: {  	[tilespmem:s9+$0xFFFFFE00] =	vst v2;
	v2 =	vbroadcast v1, $0x6  }
0x4d0: {  	v3 =	vld.idx.msk [tilespmem:v3+s21+$0x0], $0xffff  }
0x4d1: {  	v2 =	vadd.s32 v0, v2;
	_ =	sdelay $0x3  }
0x4d2: {  	[tilespmem:s9+$0xFFFFFE80] =	vst v3;
	v3 =	vbroadcast v1, $0x7  }
0x4d3: {  	v2 =	vld.idx.msk [tilespmem:v2+s21+$0x0], $0xffff  }
0x4d4: {  	v3 =	vadd.s32 v0, v3;
	_ =	sdelay $0x3  }
0x4d5: {  	[tilespmem:s9+$0xFFFFFF00] =	vst v2;
	v2 =	vbroadcast v1, $0x8  }
0x4d6: {  	v3 =	vld.idx.msk [tilespmem:v3+s21+$0x0], $0xffff  }
0x4d7: {  	v2 =	vadd.s32 v0, v2;
	_ =	sdelay $0x3  }
0x4d8: {  	[tilespmem:s9+$0xFFFFFF80] =	vst v3;
	v3 =	vbroadcast v1, $0x9  }
0x4d9: {  	v2 =	vld.idx.msk [tilespmem:v2+s21+$0x0], $0xffff  }
0x4da: {  	v3 =	vadd.s32 v0, v3;
	_ =	sdelay $0x3  }
0x4db: {  	[tilespmem:s9+$0x0] =	vst v2;
	v2 =	vbroadcast v1, $0xA  }
0x4dc: {  	v3 =	vld.idx.msk [tilespmem:v3+s21+$0x0], $0xffff  }
0x4dd: {  	v2 =	vadd.s32 v0, v2;
	_ =	sdelay $0x3  }
0x4de: {  	[tilespmem:s9+$0x80] =	vst v3;
	v3 =	vbroadcast v1, $0xB  }
0x4df: {  	v2 =	vld.idx.msk [tilespmem:v2+s21+$0x0], $0xffff  }
0x4e0: {  	v3 =	vadd.s32 v0, v3;
	_ =	sdelay $0x3  }
0x4e1: {  	[tilespmem:s9+$0x100] =	vst v2;
	v2 =	vbroadcast v1, $0xC  }
0x4e2: {  	v3 =	vld.idx.msk [tilespmem:v3+s21+$0x0], $0xffff  }
0x4e3: {  	v2 =	vadd.s32 v0, v2;
	_ =	sdelay $0x3  }
0x4e4: {  	[tilespmem:s9+$0x180] =	vst v3;
	v3 =	vbroadcast v1, $0xD  }
0x4e5: {  	v2 =	vld.idx.msk [tilespmem:v2+s21+$0x0], $0xffff  }
0x4e6: {  	v3 =	vadd.s32 v0, v3;
	_ =	sdelay $0x3  }
0x4e7: {  	[tilespmem:s9+$0x200] =	vst v2;
	v2 =	vbroadcast v1, $0xE  }
0x4e8: {  	v3 =	vld.idx.msk [tilespmem:v3+s21+$0x0], $0xffff  }
0x4e9: {  	v2 =	vadd.s32 v0, v2;
	_ =	sdelay $0x3  }
0x4ea: {  	v1 =	vbroadcast v1, $0xF;
	[tilespmem:s9+$0x280] =	vst v3  }
0x4eb: {  	v2 =	vld.idx.msk [tilespmem:v2+s21+$0x0], $0xffff  }
0x4ec: {  	v1 =	vadd.s32 v0, v1;
	_ =	sdelay $0x3  }
0x4ed: {  	[tilespmem:s9+$0x300] =	vst v2  }
0x4ee: {  	p0 =	sne.s32 s11, $0x1C0;
	v1 =	vld.idx.msk [tilespmem:v1+s21+$0x0], $0xffff  }
.Ltmp13:
0x4ef: {  	_ = 	snop;
	(pc) =	sbr.rel @p0 .LBB2_28-.Ltmp13, $2  }
0x4f0: {  	_ =	sdelay $0x2  }
0x4f1: {  	s11 =	sadd.s32 $0x40, s11;
	[tilespmem:s9+$0x380] =	vst v1;
	s9 =	sadd.s32 $0x800, s9  }
0x4f2: {  	s9 =	simm.s32 $0xCA10  }
.LBB2_30:
0x4f3: {  	s10 =	sshra.s32 s5, $0x2  }
0x4f4: {  	v1 =	vld [tilespmem:s10+$0x300];
	_ =	sdelay $0x4  }
0x4f5: {  	v2 =	vbroadcast v1, $0x0;
	_ =	sdelay $0x1  }
0x4f6: {  	v2 =	vadd.s32 v0, v2;
	_ =	sdelay $0x3  }
0x4f7: {  	v3 =	vbroadcast v1, $0x1  }
0x4f8: {  	v2 =	vld.idx.msk [tilespmem:v2+s21+$0x0], $0xffff  }
0x4f9: {  	v3 =	vadd.s32 v0, v3;
	_ =	sdelay $0x3  }
0x4fa: {  	[tilespmem:s9+$0xFFFFFC00] =	vst v2;
	v2 =	vbroadcast v1, $0x2  }
0x4fb: {  	v3 =	vld.idx.msk [tilespmem:v3+s21+$0x0], $0xffff  }
0x4fc: {  	v2 =	vadd.s32 v0, v2;
	_ =	sdelay $0x3  }
0x4fd: {  	[tilespmem:s9+$0xFFFFFC80] =	vst v3;
	v3 =	vbroadcast v1, $0x3  }
0x4fe: {  	v2 =	vld.idx.msk [tilespmem:v2+s21+$0x0], $0xffff  }
0x4ff: {  	v3 =	vadd.s32 v0, v3;
	_ =	sdelay $0x3  }
0x500: {  	[tilespmem:s9+$0xFFFFFD00] =	vst v2;
	v2 =	vbroadcast v1, $0x4  }
0x501: {  	v3 =	vld.idx.msk [tilespmem:v3+s21+$0x0], $0xffff  }
0x502: {  	v2 =	vadd.s32 v0, v2;
	_ =	sdelay $0x3  }
0x503: {  	[tilespmem:s9+$0xFFFFFD80] =	vst v3;
	v3 =	vbroadcast v1, $0x5  }
0x504: {  	v2 =	vld.idx.msk [tilespmem:v2+s21+$0x0], $0xffff  }
0x505: {  	v3 =	vadd.s32 v0, v3;
	_ =	sdelay $0x3  }
0x506: {  	[tilespmem:s9+$0xFFFFFE00] =	vst v2;
	v2 =	vbroadcast v1, $0x6  }
0x507: {  	v3 =	vld.idx.msk [tilespmem:v3+s21+$0x0], $0xffff  }
0x508: {  	v2 =	vadd.s32 v0, v2;
	_ =	sdelay $0x3  }
0x509: {  	[tilespmem:s9+$0xFFFFFE80] =	vst v3;
	v3 =	vbroadcast v1, $0x7  }
0x50a: {  	v2 =	vld.idx.msk [tilespmem:v2+s21+$0x0], $0xffff  }
0x50b: {  	v3 =	vadd.s32 v0, v3;
	_ =	sdelay $0x3  }
0x50c: {  	[tilespmem:s9+$0xFFFFFF00] =	vst v2;
	v2 =	vbroadcast v1, $0x8  }
0x50d: {  	v3 =	vld.idx.msk [tilespmem:v3+s21+$0x0], $0xffff  }
0x50e: {  	v2 =	vadd.s32 v0, v2;
	_ =	sdelay $0x3  }
0x50f: {  	[tilespmem:s9+$0xFFFFFF80] =	vst v3;
	v3 =	vbroadcast v1, $0x9  }
0x510: {  	v2 =	vld.idx.msk [tilespmem:v2+s21+$0x0], $0xffff  }
0x511: {  	v3 =	vadd.s32 v0, v3;
	_ =	sdelay $0x3  }
0x512: {  	[tilespmem:s9+$0x0] =	vst v2;
	v2 =	vbroadcast v1, $0xA  }
0x513: {  	v3 =	vld.idx.msk [tilespmem:v3+s21+$0x0], $0xffff  }
0x514: {  	v2 =	vadd.s32 v0, v2;
	_ =	sdelay $0x3  }
0x515: {  	[tilespmem:s9+$0x80] =	vst v3;
	v3 =	vbroadcast v1, $0xB  }
0x516: {  	v2 =	vld.idx.msk [tilespmem:v2+s21+$0x0], $0xffff  }
0x517: {  	v3 =	vadd.s32 v0, v3;
	_ =	sdelay $0x3  }
0x518: {  	[tilespmem:s9+$0x100] =	vst v2;
	v2 =	vbroadcast v1, $0xC  }
0x519: {  	v3 =	vld.idx.msk [tilespmem:v3+s21+$0x0], $0xffff  }
0x51a: {  	v2 =	vadd.s32 v0, v2;
	_ =	sdelay $0x3  }
0x51b: {  	[tilespmem:s9+$0x180] =	vst v3;
	v3 =	vbroadcast v1, $0xD  }
0x51c: {  	v2 =	vld.idx.msk [tilespmem:v2+s21+$0x0], $0xffff  }
0x51d: {  	v3 =	vadd.s32 v0, v3;
	_ =	sdelay $0x3  }
0x51e: {  	[tilespmem:s9+$0x200] =	vst v2;
	v2 =	vbroadcast v1, $0xE  }
0x51f: {  	v3 =	vld.idx.msk [tilespmem:v3+s21+$0x0], $0xffff  }
0x520: {  	v2 =	vadd.s32 v0, v2;
	_ =	sdelay $0x3  }
0x521: {  	v1 =	vbroadcast v1, $0xF;
	[tilespmem:s9+$0x280] =	vst v3  }
0x522: {  	v2 =	vld.idx.msk [tilespmem:v2+s21+$0x0], $0xffff  }
0x523: {  	v1 =	vadd.s32 v0, v1;
	_ =	sdelay $0x3  }
0x524: {  	[tilespmem:s9+$0x300] =	vst v2  }
0x525: {  	p0 =	sne.s32 s5, $0x1C0;
	v1 =	vld.idx.msk [tilespmem:v1+s21+$0x0], $0xffff  }
.Ltmp14:
0x526: {  	_ = 	snop;
	(pc) =	sbr.rel @p0 .LBB2_30-.Ltmp14, $2  }
0x527: {  	_ =	sdelay $0x2  }
0x528: {  	s5 =	sadd.s32 $0x40, s5;
	[tilespmem:s9+$0x380] =	vst v1;
	s9 =	sadd.s32 $0x800, s9  }
0x529: {  	s5 =	simm.s32 $0x0  }
0x52a: {  	v1 =	vld [tilespmem:s5+$0x380];
	_ =	sdelay $0x4  }
0x52b: {  	v2 =	vbroadcast v1, $0x0;
	_ =	sdelay $0x1  }
0x52c: {  	v2 =	vadd.s32 v0, v2;
	_ =	sdelay $0x3  }
0x52d: {  	v3 =	vbroadcast v1, $0x1  }
0x52e: {  	v2 =	vld.idx.msk [tilespmem:v2+s21+$0x0], $0xffff  }
0x52f: {  	v3 =	vadd.s32 v0, v3;
	_ =	sdelay $0x2  }
0x530: {  	s11 =	simm.s32 $0xCA20  }
0x531: {  	v4 =	vbroadcast v1, $0x2;
	[tilespmem:s11+$0xFFFFFC00] =	vst v2  }
0x532: {  	v2 =	vld.idx.msk [tilespmem:v3+s21+$0x0], $0xffff  }
0x533: {  	v3 =	vadd.s32 v0, v4;
	_ =	sdelay $0x3  }
0x534: {  	v52 =	vbroadcast v1, $0x3;
	[tilespmem:s11+$0xFFFFFC80] =	vst v2  }
0x535: {  	v2 =	vld.idx.msk [tilespmem:v3+s21+$0x0], $0xffff  }
0x536: {  	v3 =	vadd.s32 v0, v52;
	_ =	sdelay $0x3  }
0x537: {  	v53 =	vbroadcast v1, $0x4;
	[tilespmem:s11+$0xFFFFFD00] =	vst v2  }
0x538: {  	v2 =	vld.idx.msk [tilespmem:v3+s21+$0x0], $0xffff  }
0x539: {  	v3 =	vadd.s32 v0, v53;
	_ =	sdelay $0x3  }
0x53a: {  	v54 =	vbroadcast v1, $0x5;
	[tilespmem:s11+$0xFFFFFD80] =	vst v2  }
0x53b: {  	v2 =	vld.idx.msk [tilespmem:v3+s21+$0x0], $0xffff  }
0x53c: {  	v3 =	vadd.s32 v0, v54;
	_ =	sdelay $0x3  }
0x53d: {  	v55 =	vbroadcast v1, $0x6;
	[tilespmem:s11+$0xFFFFFE00] =	vst v2  }
0x53e: {  	v2 =	vld.idx.msk [tilespmem:v3+s21+$0x0], $0xffff  }
0x53f: {  	v3 =	vadd.s32 v0, v55;
	_ =	sdelay $0x3  }
0x540: {  	v56 =	vbroadcast v1, $0x7;
	[tilespmem:s11+$0xFFFFFE80] =	vst v2  }
0x541: {  	v2 =	vld.idx.msk [tilespmem:v3+s21+$0x0], $0xffff  }
0x542: {  	v3 =	vadd.s32 v0, v56;
	_ =	sdelay $0x3  }
0x543: {  	v57 =	vbroadcast v1, $0x8;
	[tilespmem:s11+$0xFFFFFF00] =	vst v2  }
0x544: {  	v2 =	vld.idx.msk [tilespmem:v3+s21+$0x0], $0xffff  }
0x545: {  	v3 =	vadd.s32 v0, v57;
	_ =	sdelay $0x3  }
0x546: {  	v58 =	vbroadcast v1, $0x9;
	[tilespmem:s11+$0xFFFFFF80] =	vst v2  }
0x547: {  	v2 =	vld.idx.msk [tilespmem:v3+s21+$0x0], $0xffff  }
0x548: {  	v3 =	vadd.s32 v0, v58;
	_ =	sdelay $0x3  }
0x549: {  	v59 =	vbroadcast v1, $0xA;
	[tilespmem:s11+$0x0] =	vst v2  }
0x54a: {  	v2 =	vld.idx.msk [tilespmem:v3+s21+$0x0], $0xffff  }
0x54b: {  	v3 =	vadd.s32 v0, v59;
	_ =	sdelay $0x3  }
0x54c: {  	v60 =	vbroadcast v1, $0xB;
	[tilespmem:s11+$0x80] =	vst v2  }
0x54d: {  	v2 =	vld.idx.msk [tilespmem:v3+s21+$0x0], $0xffff  }
0x54e: {  	v3 =	vadd.s32 v0, v60;
	_ =	sdelay $0x3  }
0x54f: {  	v61 =	vbroadcast v1, $0xC;
	[tilespmem:s11+$0x100] =	vst v2  }
0x550: {  	v2 =	vld.idx.msk [tilespmem:v3+s21+$0x0], $0xffff  }
0x551: {  	v3 =	vadd.s32 v0, v61;
	_ =	sdelay $0x3  }
0x552: {  	v62 =	vbroadcast v1, $0xD;
	[tilespmem:s11+$0x180] =	vst v2  }
0x553: {  	v2 =	vld.idx.msk [tilespmem:v3+s21+$0x0], $0xffff  }
0x554: {  	v3 =	vadd.s32 v0, v62;
	_ =	sdelay $0x3  }
0x555: {  	v63 =	vbroadcast v1, $0xE;
	[tilespmem:s11+$0x200] =	vst v2  }
0x556: {  	v2 =	vld.idx.msk [tilespmem:v3+s21+$0x0], $0xffff  }
0x557: {  	v3 =	vadd.s32 v0, v63;
	_ =	sdelay $0x3  }
0x558: {  	v1 =	vbroadcast v1, $0xF;
	[tilespmem:s11+$0x280] =	vst v2  }
0x559: {  	v2 =	vld.idx.msk [tilespmem:v3+s21+$0x0], $0xffff  }
0x55a: {  	v1 =	vadd.s32 v0, v1;
	_ =	sdelay $0x3  }
0x55b: {  	[tilespmem:s11+$0x300] =	vst v2  }
0x55c: {  	s13 =	simm.s32 $0x80;
	s5 =	simm.s32 $0x40;
	v1 =	vld.idx.msk [tilespmem:v1+s21+$0x0], $0xffff  }
.LBB2_32:
0x55d: {  	_ =	sdelay $0x2  }
0x55e: {  	s10 =	sshra.s32 s5, $0x2  }
0x55f: {  	s5 =	smov.u32 s13;
	s9 =	sadd.s32 $0x40, s13;
	[tilespmem:s11+$0x380] =	vst v1;
	s11 =	sadd.s32 $0x800, s11  }
0x560: {  	p0 =	sne.s32 s13, $0x1C0;
	v1 =	vld [tilespmem:s10+$0x380];
	_ =	sdelay $0x4  }
0x561: {  	v2 =	vbroadcast v1, $0x0;
	v3 =	vbroadcast v1, $0x1  }
0x562: {  	v4 =	vbroadcast v1, $0x2;
	v5 =	vbroadcast v1, $0x3  }
0x563: {  	v6 =	vbroadcast v1, $0x4;
	v7 =	vbroadcast v1, $0x5;
	v2 =	vadd.s32 v0, v2  }
0x564: {  	v8 =	vbroadcast v1, $0x6;
	v9 =	vbroadcast v1, $0x7  }
0x565: {  	v10 =	vbroadcast v1, $0x8;
	v11 =	vbroadcast v1, $0x9  }
0x566: {  	v12 =	vbroadcast v1, $0xA;
	v13 =	vbroadcast v1, $0xB  }
0x567: {  	v14 =	vbroadcast v1, $0xC;
	v15 =	vbroadcast v1, $0xD  }
0x568: {  	v16 =	vld.idx.msk [tilespmem:v2+s21+$0x0], $0xffff;
	v2 =	vbroadcast v1, $0xE;
	v1 =	vbroadcast v1, $0xF;
	_ =	sdelay $0x1  }
0x569: {  	v3 =	vadd.s32 v0, v3;
	_ =	sdelay $0x3  }
0x56a: {  	[tilespmem:s11+$0xFFFFFC00] =	vst v16  }
0x56b: {  	v3 =	vld.idx.msk [tilespmem:v3+s21+$0x0], $0xffff;
	_ =	sdelay $0x1  }
0x56c: {  	v4 =	vadd.s32 v0, v4;
	_ =	sdelay $0x3  }
0x56d: {  	[tilespmem:s11+$0xFFFFFC80] =	vst v3  }
0x56e: {  	v3 =	vld.idx.msk [tilespmem:v4+s21+$0x0], $0xffff;
	_ =	sdelay $0x1  }
0x56f: {  	v4 =	vadd.s32 v0, v5;
	_ =	sdelay $0x3  }
0x570: {  	[tilespmem:s11+$0xFFFFFD00] =	vst v3  }
0x571: {  	v3 =	vld.idx.msk [tilespmem:v4+s21+$0x0], $0xffff;
	_ =	sdelay $0x1  }
0x572: {  	v4 =	vadd.s32 v0, v6;
	_ =	sdelay $0x3  }
0x573: {  	[tilespmem:s11+$0xFFFFFD80] =	vst v3  }
0x574: {  	v3 =	vld.idx.msk [tilespmem:v4+s21+$0x0], $0xffff;
	_ =	sdelay $0x1  }
0x575: {  	v4 =	vadd.s32 v0, v7;
	_ =	sdelay $0x3  }
0x576: {  	[tilespmem:s11+$0xFFFFFE00] =	vst v3  }
0x577: {  	v3 =	vld.idx.msk [tilespmem:v4+s21+$0x0], $0xffff;
	_ =	sdelay $0x1  }
0x578: {  	v4 =	vadd.s32 v0, v8;
	_ =	sdelay $0x3  }
0x579: {  	[tilespmem:s11+$0xFFFFFE80] =	vst v3  }
0x57a: {  	v3 =	vld.idx.msk [tilespmem:v4+s21+$0x0], $0xffff;
	_ =	sdelay $0x1  }
0x57b: {  	v4 =	vadd.s32 v0, v9;
	_ =	sdelay $0x3  }
0x57c: {  	[tilespmem:s11+$0xFFFFFF00] =	vst v3  }
0x57d: {  	v3 =	vld.idx.msk [tilespmem:v4+s21+$0x0], $0xffff;
	_ =	sdelay $0x1  }
0x57e: {  	v4 =	vadd.s32 v0, v10;
	_ =	sdelay $0x3  }
0x57f: {  	[tilespmem:s11+$0xFFFFFF80] =	vst v3  }
0x580: {  	v3 =	vld.idx.msk [tilespmem:v4+s21+$0x0], $0xffff;
	_ =	sdelay $0x1  }
0x581: {  	v4 =	vadd.s32 v0, v11;
	_ =	sdelay $0x3  }
0x582: {  	[tilespmem:s11+$0x0] =	vst v3  }
0x583: {  	v3 =	vld.idx.msk [tilespmem:v4+s21+$0x0], $0xffff;
	_ =	sdelay $0x1  }
0x584: {  	v4 =	vadd.s32 v0, v12;
	_ =	sdelay $0x3  }
0x585: {  	[tilespmem:s11+$0x80] =	vst v3  }
0x586: {  	v3 =	vld.idx.msk [tilespmem:v4+s21+$0x0], $0xffff;
	_ =	sdelay $0x1  }
0x587: {  	v4 =	vadd.s32 v0, v13;
	_ =	sdelay $0x3  }
0x588: {  	[tilespmem:s11+$0x100] =	vst v3  }
0x589: {  	v3 =	vld.idx.msk [tilespmem:v4+s21+$0x0], $0xffff;
	_ =	sdelay $0x1  }
0x58a: {  	v4 =	vadd.s32 v0, v14;
	_ =	sdelay $0x3  }
0x58b: {  	[tilespmem:s11+$0x180] =	vst v3  }
0x58c: {  	v3 =	vld.idx.msk [tilespmem:v4+s21+$0x0], $0xffff;
	_ =	sdelay $0x1  }
0x58d: {  	v4 =	vadd.s32 v0, v15;
	_ =	sdelay $0x3  }
0x58e: {  	[tilespmem:s11+$0x200] =	vst v3  }
0x58f: {  	v3 =	vld.idx.msk [tilespmem:v4+s21+$0x0], $0xffff;
	_ =	sdelay $0x1  }
0x590: {  	v2 =	vadd.s32 v0, v2;
	_ =	sdelay $0x3  }
0x591: {  	[tilespmem:s11+$0x280] =	vst v3  }
0x592: {  	v2 =	vld.idx.msk [tilespmem:v2+s21+$0x0], $0xffff;
	_ =	sdelay $0x1  }
0x593: {  	v1 =	vadd.s32 v0, v1  }
.Ltmp15:
0x594: {  	(pc) =	sbr.rel @p0 .LBB2_32-.Ltmp15, $3  }
0x595: {  	_ =	sdelay $0x1  }
0x596: {  	[tilespmem:s11+$0x300] =	vst v2  }
0x597: {  	s13 =	smov.u32 s9;
	v1 =	vld.idx.msk [tilespmem:v1+s21+$0x0], $0xffff  }
0x598: {  	_ =	sdelay $0x3  }
0x599: {  	s5 =	sshra.s32 s5, $0x2;
	[tilespmem:s11+$0x380] =	vst v1  }
0x59a: {  	v1 =	vld [tilespmem:s5+$0x380];
	_ =	sdelay $0x4  }
0x59b: {  	v2 =	vbroadcast v1, $0x0;
	_ =	sdelay $0x1  }
0x59c: {  	v2 =	vadd.s32 v0, v2;
	_ =	sdelay $0x3  }
0x59d: {  	v3 =	vbroadcast v1, $0x1  }
0x59e: {  	v2 =	vld.idx.msk [tilespmem:v2+s21+$0x0], $0xffff  }
0x59f: {  	v3 =	vadd.s32 v0, v3;
	_ =	sdelay $0x2  }
0x5a0: {  	s18 =	sadd.s32 $0x800, s11  }
0x5a1: {  	v4 =	vbroadcast v1, $0x2;
	[tilespmem:s18+$0xFFFFFC00] =	vst v2  }
0x5a2: {  	v2 =	vld.idx.msk [tilespmem:v3+s21+$0x0], $0xffff  }
0x5a3: {  	v3 =	vadd.s32 v0, v4;
	_ =	sdelay $0x3  }
0x5a4: {  	v52 =	vbroadcast v1, $0x3;
	[tilespmem:s18+$0xFFFFFC80] =	vst v2  }
0x5a5: {  	v2 =	vld.idx.msk [tilespmem:v3+s21+$0x0], $0xffff  }
0x5a6: {  	v3 =	vadd.s32 v0, v52;
	_ =	sdelay $0x3  }
0x5a7: {  	v53 =	vbroadcast v1, $0x4;
	[tilespmem:s18+$0xFFFFFD00] =	vst v2  }
0x5a8: {  	v2 =	vld.idx.msk [tilespmem:v3+s21+$0x0], $0xffff  }
0x5a9: {  	v3 =	vadd.s32 v0, v53;
	_ =	sdelay $0x3  }
0x5aa: {  	v54 =	vbroadcast v1, $0x5;
	[tilespmem:s18+$0xFFFFFD80] =	vst v2  }
0x5ab: {  	v2 =	vld.idx.msk [tilespmem:v3+s21+$0x0], $0xffff  }
0x5ac: {  	v3 =	vadd.s32 v0, v54;
	_ =	sdelay $0x3  }
0x5ad: {  	v55 =	vbroadcast v1, $0x6;
	[tilespmem:s18+$0xFFFFFE00] =	vst v2  }
0x5ae: {  	v2 =	vld.idx.msk [tilespmem:v3+s21+$0x0], $0xffff  }
0x5af: {  	v3 =	vadd.s32 v0, v55;
	_ =	sdelay $0x3  }
0x5b0: {  	v56 =	vbroadcast v1, $0x7;
	[tilespmem:s18+$0xFFFFFE80] =	vst v2  }
0x5b1: {  	v2 =	vld.idx.msk [tilespmem:v3+s21+$0x0], $0xffff  }
0x5b2: {  	v3 =	vadd.s32 v0, v56;
	_ =	sdelay $0x3  }
0x5b3: {  	v57 =	vbroadcast v1, $0x8;
	[tilespmem:s18+$0xFFFFFF00] =	vst v2  }
0x5b4: {  	v2 =	vld.idx.msk [tilespmem:v3+s21+$0x0], $0xffff  }
0x5b5: {  	v3 =	vadd.s32 v0, v57;
	_ =	sdelay $0x3  }
0x5b6: {  	v58 =	vbroadcast v1, $0x9;
	[tilespmem:s18+$0xFFFFFF80] =	vst v2  }
0x5b7: {  	v2 =	vld.idx.msk [tilespmem:v3+s21+$0x0], $0xffff  }
0x5b8: {  	v3 =	vadd.s32 v0, v58;
	_ =	sdelay $0x3  }
0x5b9: {  	v59 =	vbroadcast v1, $0xA;
	[tilespmem:s18+$0x0] =	vst v2  }
0x5ba: {  	v2 =	vld.idx.msk [tilespmem:v3+s21+$0x0], $0xffff  }
0x5bb: {  	v3 =	vadd.s32 v0, v59;
	_ =	sdelay $0x3  }
0x5bc: {  	v60 =	vbroadcast v1, $0xB;
	[tilespmem:s18+$0x80] =	vst v2  }
0x5bd: {  	v2 =	vld.idx.msk [tilespmem:v3+s21+$0x0], $0xffff  }
0x5be: {  	v3 =	vadd.s32 v0, v60;
	_ =	sdelay $0x3  }
0x5bf: {  	v61 =	vbroadcast v1, $0xC;
	[tilespmem:s18+$0x100] =	vst v2  }
0x5c0: {  	v2 =	vld.idx.msk [tilespmem:v3+s21+$0x0], $0xffff  }
0x5c1: {  	v3 =	vadd.s32 v0, v61;
	_ =	sdelay $0x3  }
0x5c2: {  	v62 =	vbroadcast v1, $0xD;
	[tilespmem:s18+$0x180] =	vst v2  }
0x5c3: {  	v2 =	vld.idx.msk [tilespmem:v3+s21+$0x0], $0xffff  }
0x5c4: {  	v3 =	vadd.s32 v0, v62;
	_ =	sdelay $0x3  }
0x5c5: {  	v63 =	vbroadcast v1, $0xE;
	[tilespmem:s18+$0x200] =	vst v2  }
0x5c6: {  	v2 =	vld.idx.msk [tilespmem:v3+s21+$0x0], $0xffff  }
0x5c7: {  	v3 =	vadd.s32 v0, v63;
	_ =	sdelay $0x3  }
0x5c8: {  	v1 =	vbroadcast v1, $0xF;
	[tilespmem:s18+$0x280] =	vst v2  }
0x5c9: {  	v2 =	vld.idx.msk [tilespmem:v3+s21+$0x0], $0xffff  }
0x5ca: {  	v1 =	vadd.s32 v0, v1;
	_ =	sdelay $0x3  }
0x5cb: {  	[tilespmem:s18+$0x300] =	vst v2  }
0x5cc: {  	v1 =	vld.idx.msk [tilespmem:v1+s21+$0x0], $0xffff;
	_ =	sdelay $0x4  }
0x5cd: {  	[tilespmem:s18+$0x380] =	vst v1  }
0x5ce: {  	_ =	swait.ge [sflag:s16], $0x4000  }
0x5cf: {  	[sflag:s16] =	ssyncset.done $0x0  }
0x5d0: {  	s19 =	rddreg [dreg:$0xc];
	[sflag:s16] =	ssyncadd.s32 $0xFFFFC000  }
0x5d1: {  	[hbm4b:s19+s4] =	stream.linear.scatter [tilespmem:s29], [sflag:$0x8], $0x4000, $0x38;
	[tilespmem:$0x14800] =	vst v63  }
0x5d2: {  	_ =	swait.ge [sflag:s0], $0x4000  }
0x5d3: {  	[sflag:s0] =	ssyncset.done $0x0  }
0x5d4: {  	s20 =	rddreg [dreg:$0xd];
	[sflag:s0] =	ssyncadd.s32 $0xFFFFC000  }
0x5d5: {  	[hbm4b:s20+s4] =	stream.linear.scatter [tilespmem:s1], [sflag:$0x8], $0x4000, $0x38;
	[tilespmem:$0x14800] =	vst v63  }
0x5d6: {  	_ =	swait.ge [sflag:s0], $0x4000  }
0x5d7: {  	s9 =	rddreg [dreg:$0xf]  }
0x5d8: {  	s22 =	rddreg [dreg:$0xe];
	s9 =	sadd.s32 $0x1, s9  }
0x5d9: {  	p0 =	sne.s32 s9, s22  }
.Ltmp16:
0x5da: {  	_ = 	snop;
	(pc) =	sbr.rel @p0 .LBB2_1-.Ltmp16, $3  }
0x5db: {  	_ =	sdelay $0x1  }
0x5dc: {  	[sflag:s0] =	ssyncset.done $0x0  }
0x5dd: {  	[sflag:s0] =	ssyncadd.s32 $0xFFFFC000  }
0x5de: {  	_ =	sfence.sel $0x180000  }
0x5df: {  	[bflag:$0x0] =	sbarrier.arrive $0xFFFF  }
0x5e0: {  	_ =	strace $0x90000047  }
0x5e1: {  	s0 =	stileid.u32;
	[bflag:$0x2] =	sbarrier.arrive $0xFFFF  }
0x5e2: {  	p0 =	sne.s32 s0, $0x0;
	s0 =	rddreg [dreg:$0x3]  }
0x5e3: {  	s0 =	sadd.s32 @!p0 $0x100000, s0  }
0x5e4: {  	[sflag:s0] =	ssyncadd.tile.s32 @!p0 $0x1;
	_ =	shalt  }
.Lfunc_end2:
_tile_overlayer_lowered:
.L_overlay_start_2:
0x5e5: {  	(tag) =	ssettag $0x2  }
0x5e6: {  	s0 =	rddreg [dreg:$0x0];
	s2 =	stileid.u32  }
0x5e7: {  	s1 =	rddreg [dreg:$0x1];
	p0 =	sne.s32 s2, $0x0  }
0x5e8: {  	s3 =	rddreg [dreg:$0x2];
	[bflag:$0x3] =	sbarrier.arrive $0xFFFF;
	s2 =	simm.s32 @!p0 $0x1C08  }
0x5e9: {  	[timem:s3], [sflag:s2] =	dma.local @!p0 [hbm:s0], s1  }
0x5ea: {  	s0 =	simm.s32 @!p0 $0x8  }
0x5eb: {  	_ =	swait.ge @!p0 [sflag:s0], s1  }
0x5ec: {  	s1 =	ssub.s32 @!p0 $0x0, s1;
	[sflag:s0] =	ssyncset.done @!p0 $0x0  }
0x5ed: {  	[sflag:s0] =	ssyncadd.s32 @!p0 s1  }
0x5ee: {  	[bflag:$0x3] =	sbarrier.arrive $0xFFFF  }
0x5ef: {  	_ =	shalt  }

// kernel: sparse-core-data-format-call.cloned.1.call-start
scs
called_computation_lowered:
.L_overlay_start_0:
0x0: {  	s2 =	sld [smem:$0x3FD9]  }
0x1: {  	s3 =	sld [smem:$0x3FFE];
	_ =	sdelay $0x1  }
0x2: {  	s1 =	srdreg.scid  }
0x3: {  	s0 =	sand.u32 $0x1, s1  }
0x4: {  	s18 =	sshll.u32 s0, $0xA;
	s2 =	sadd.s32 s3, s2  }
0x5: {  	s2 =	sadd.s32 s2, s18  }
0x6: {  	[smem:$0x3FC0] =	sst s2  }
0x7: {  	_ = 	snop  }
0x8: {  	s2 =	sld [smem:$0x3FD0];
	(tm) =	ssettm $0x1  }
0x9: {  	s19 =	sld [smem:$0x3FFB];
	_ =	sdelay $0x3  }
0xa: {  	_ =	strace s19  }
0xb: {  	s3 =	sld [smem:$0x3FFC];
	_ =	sdelay $0x3  }
0xc: {  	_ =	strace s3  }
0xd: {  	s3 =	sld [smem:$0x3FFD];
	_ =	sdelay $0x3  }
0xe: {  	_ =	strace s3  }
0xf: {  	_ =	strace $0x8FFFFFFF  }
0x10: {  	s20 =	sld [smem:$0x3FDB];
	_ =	sdelay $0x1  }
0x11: {  	s4 =	simm.s32 $_scs_section_size  }
0x12: {  	s5 =	simm.s32 $_size__tile_overlayer_lowered;
	s6 =	simm.s32 $_tile_overlayer_lowered  }
0x13: {  	s23 =	simm.s32 $0x1BFF;
	s22 =	sshll.u32 s6, $0x1;
	s3 =	sadd.s32 s4, s20  }
0x14: {  	s7 =	simm.s32 $0x0;
	s21 =	sshll.u32 s5, $0x1;
	s5 =	sadd.s32 s22, s3  }
0x15: {  	[timem:s7], [sflag:s23] =	dma.local [hbm:s5], s21  }
0x16: {  	_ =	swait.ge [sflag:s23], s21  }
0x17: {  	s4 =	ssub.s32 $0x0, s21;
	[sflag:s23] =	ssyncset.done $0x0  }
0x18: {  	[sflag:s23] =	ssyncadd.s32 s4;
	_ =	sdelay $0x1  }
0x19: {  	s24 =	simm.s32 $0x1B8B  }
0x1a: {  	_ =	swait.ge [sflag:s24], $0x1  }
0x1b: {  	[sflag:s24] =	ssyncset.done $0x0  }
0x1c: {  	s26 =	simm.s32 $0x1B8E;
	s25 =	sld [smem:$0x3FFE];
	[sflag:s24] =	ssyncadd.s32 $0xFFFFFFFF  }
0x1d: {  	s27 =	simm.s32 $execute0_lowered;
	[smem:$0x3FD2] =	sst s26  }
0x1e: {  	s5 =	sshll.u32 s27, $0x1;
	_ =	strace $0x80000049;
	[dreg:$0x1] =	wrdreg $0xFFFFFFFF  }
0x1f: {  	s28 =	simm.s32 $_size_execute0_lowered;
	s3 =	sadd.s32 s3, s5;
	[dreg:$0x0] =	wrdreg $0x0  }
0x20: {  	s5 =	sshll.u32 s28, $0x1;
	[dreg:$0x2] =	wrdreg s3  }
0x21: {  	[dreg:$0x3] =	wrdreg s5  }
0x22: {  	[dreg:$0x4] =	wrdreg $0xC0  }
0x23: {  	_ =	task [dreg:s7], $0x5FFFF  }
0x24: {  	[dreg:$0x1] =	wrdreg $0xFFFFFFFF  }
0x25: {  	[dreg:$0x0] =	wrdreg $0x60  }
0x26: {  	[dreg:$0x2] =	wrdreg s25  }
0x27: {  	[dreg:$0x3] =	wrdreg s2  }
0x28: {  	[dreg:$0x4] =	wrdreg $0x9  }
0x29: {  	_ =	task.clear_ibuf [dreg:s7], $0x5FFFF;
	_ =	strace $0x90000049  }
0x2a: {  	s29 =	simm.s32 $0x9;
	_ =	strace $0x8000004B  }
0x2b: {  	_ =	swait.ge [sflag:s29], $0x1  }
0x2c: {  	[sflag:s29] =	ssyncadd.s32 $0xFFFFFFFF  }
0x2d: {  	_ =	strace $0x9000004B  }
0x2e: {  	_ =	sfence  }
0x2f: {  	s30 =	sld [smem:$0x0];
	_ =	sdelay $0x2  }
0x30: {  	s31 =	sshll.u32 s1, $0xD;
	s1 =	sshrl.u32 s1, $0x2  }
0x31: {  	s3 =	sand.u32 $0x4000, s31;
	s1 =	sadd.s32 s1, s30  }
0x32: {  	s0 =	sor.u32 s3, s0;
	s1 =	sshll.u32 s1, $0x11  }
0x33: {  	s0 =	sor.u32 s1, s0  }
0x34: {  	s0 =	sadd.s32 $0x8F2B, s0  }
0x35: {  	[sflag:s0] =	ssyncadd.remote.s32 $0x1  }
0x36: {  	_ =	sfence.sel $0xFFFF  }
0x37: {  	[dreg:$0x0] =	wrdreg $0xFFFFFFFF;
	(pc) =	sbr.abs _section_cstart, $3  }
0x38: {  	[dreg:$0x1] =	wrdreg $0xFFFFFFFF  }
0x39: {  	_ =	task.clear_ibuf [dreg:s7], $0x2FFFF;
	_ =	strace $0x9FFFFFFF  }
0x3a: {  	(tm) =	ssettm $0x7FFFFFFF  }
0x3b: {  	_ =	shalt  }
tec
execute0_lowered:
.L_overlay_start_1:
0x0: {  	(tag) =	ssettag $0x1  }
0x1: {  	s4 =	rddreg [dreg:$0x0]  }
0x2: {  	s2 =	rddreg [dreg:$0x1];
	s1 =	stileid.u32  }
0x3: {  	s0 =	rddreg [dreg:$0x2];
	_ =	strace $0x8000004A;
	s10 =	srdreg.scid  }
0x4: {  	s31 =	simm.s32 $0x2;
	s18 =	simm.s32 $0x0;
	s11 =	simm.s32 $0x2000  }
0x5: {  	s19 =	simm.s32 $0x0;
	s20 =	simm.s32 $0x0;
	s12 =	simm.s32 $0x0  }
0x6: {  	s13 =	simm.s32 $0x0;
	s14 =	simm.s32 $0x0;
	s3 =	sshll.u32 s1, $0x7  }
0x7: {  	s17 =	simm.s32 $0x0;
	s4 =	sadd.s32 $0x33AC00, s4;
	s3 =	sand.u32 $0x380, s3  }
0x8: {  	s5 =	sshrl.u32 s1, $0x3;
	s30 =	sshll.u32 s10, $0x7;
	s6 =	ssub.s32 $0x400, s3  }
0x9: {  	s8 =	ssub.s32 $0xC8, s5;
	s7 =	sshrl.u32 s6, $0xA;
	s6 =	sand.u32 $0x380, s6  }
0xa: {  	s9 =	sshrl.u32 s8, $0x1;
	p0 =	sne.s32 s6, $0x0;
	s6 =	simm.s32 $0x1  }
.Ltmp0:
0xb: {  	s8 =	sand.u32 $0x1, s8;
	s6 =	simm.s32 @!p0 $0x0;
	(pc) =	sbr.rel .LBB1_1-.Ltmp0, $4  }
0xc: {  	s15 =	smov.u32 s5;
	s8 =	sadd.s32 s8, s9;
	s7 =	sadd.s32 s6, s7  }
0xd: {  	s16 =	smov.u32 s3;
	s6 =	simm.s32 $0x1;
	s7 =	smul.u32 s8, s7  }
0xe: {  	p0 =	por $0x0, $0x0;
	s8 =	sand.u32 $0x80, s30;
	[sflag:s6] =	ssyncpa.u1 $0x0  }
0xf: {  	[sflag:s31] =	ssyncpa.u1 $0x0;
	s9 =	sshll.u32 s8, $0x3;
	s10 =	sadd.s32 $0x1, s7  }
.LBB1_4:
0x10: {  	s25 =	sshra.s32 s25, $0x2;
	s26 =	sshrl.u32 s14, $0x7;
	p1 =	sgt.s32 s14, $0x380  }
0x11: {  	s27 =	sshra.s32 s14, $0x1F;
	s29 =	smov.u32 s13;
	s31 =	sshra.s32 s13, $0x1F  }
0x12: {  	s24 =	sadd.s32 s25, s24;
	s30 =	sadd.s32 s26, s12;
	s26 =	smov.u32 s14  }
0x13: {  	v5 =	vld [tilespmem:s22+$0xFFFFFFD0];
	[tilespmem:s23+$0x2040 ss:$0x81] =	vst.msk $0xffff, v4;
	s27 =	sand.u32 s27, s14;
	s25 =	sand.u32 $0x3FFFFF, s30;
	s26 =	simm.s32 @!p1 $0x380  }
0x14: {  	v58 =	vld [tilespmem:s22+$0xFFFFFFE0];
	[tilespmem:s23+$0x2850 ss:$0x81] =	vst.msk $0xffff, v3;
	p1 =	sgt.s32 s13, $0xC7;
	s28 =	smulhi.u32 $0x1745D18, s25;
	s26 =	ssub.s32 s26, s27  }
0x15: {  	v59 =	vld [tilespmem:s22+$0xFFFFFFF0];
	[tilespmem:s23+$0x3060 ss:$0x81] =	vst.msk $0xffff, v2;
	s29 =	simm.s32 @!p1 $0xC7;
	s27 =	sand.u32 s31, s13;
	p1 =	sgt.s32 s12, $0x30  }
0x16: {  	v60 =	vld [tilespmem:s22+$0x0];
	[tilespmem:s23+$0x0 ss:$0x81] =	vst.msk $0xffff, v1;
	s23 =	ssub.s32 s29, s27;
	s27 =	smov.u32 s12;
	s30 =	sadd.s32 $0xFFFFFC80, s26  }
0x17: {  	v61 =	vld [tilespmem:s22+$0x10];
	[tilespmem:s24+$0x3870 ss:$0x81] =	vst.msk $0xffff, v0;
	s26 =	ssub.s32 $0x400, s26;
	s27 =	simm.s32 @!p1 $0x30;
	p1 =	sgt.s32 s30, $0x7F  }
0x18: {  	v62 =	vld [tilespmem:s22+$0x20];
	s28 =	smul.u32 $0xB0, s28;
	[tilespmem:s24+$0x810 ss:$0x81] =	vst.msk $0xffff, v5;
	s27 =	ssub.s32 $0xB0, s27;
	s26 =	simm.s32 @p1 $0x0  }
0x19: {  	v63 =	vld [tilespmem:s22+$0xFFFFFFC0];
	s29 =	sand.u32 $0x7, s14;
	s31 =	sadd.s32 $0xFFFFFF39, s23;
	[tilespmem:s24+$0x1020 ss:$0x81] =	vst.msk $0xffff, v58;
	s26 =	smul.u32 s27, s26  }
0x1a: {  	s22 =	ssub.s32 $0xC8, s23;
	[tilespmem:s24+$0x1830 ss:$0x81] =	vst.msk $0xffff, v59;
	p1 =	sgt.s32 s31, $0x0;
	s27 =	smul.u32 $0x5800, s13  }
0x1b: {  	[tilespmem:s24+$0x2040 ss:$0x81] =	vst.msk $0xffff, v60;
	s22 =	simm.s32 @p1 $0x0;
	s25 =	ssub.s32 s25, s28;
	s28 =	sshrl.u32 s14, $0x3  }
0x1c: {  	[tilespmem:s24+$0x2850 ss:$0x81] =	vst.msk $0xffff, v61;
	s23 =	sand.u32 $0xF, s28;
	s22 =	smul.u32 s22, s26;
	s26 =	sadd.s32 s2, s27  }
0x1d: {  	[tilespmem:s24+$0x3060 ss:$0x81] =	vst.msk $0xffff, v62;
	s30 =	sshll.u32 s29, $0x12;
	s25 =	sshll.u32 s25, $0x7;
	s23 =	sadd.s32 s23, s26  }
0x1e: {  	[tilespmem:s24+$0x0 ss:$0x81] =	vst.msk $0xffff, v63;
	s31 =	sor.u32 $0x400, s30;
	s22 =	sand.u32 $0x3FFFFFFF, s22;
	s23 =	sadd.s32 s25, s23  }
0x1f: {  	[hbm4b:s23+s31] =	stream.strided.scatter [tilespmem:s21], [sflag:$0x2], s22, s11, s31, $0x20;
	[tilespmem:$0x10100] =	vst v63  }
.LBB1_5:
0x20: {  	p1 =	slt.u32 s17, $0x2;
	s21 =	smov.u32 s19  }
0x21: {  	s22 =	smov.u32 s20;
	p2 =	sgt.s32 @!p1 s19, $0xC7;
	p3 =	sgt.s32 @!p1 s20, $0x380  }
0x22: {  	s23 =	sshra.s32 @!p1 s20, $0x1F;
	p2 =	por !p2, p1;
	p3 =	por !p3, p1  }
0x23: {  	s20 =	sand.u32 @!p1 s23, s20;
	s21 =	simm.s32 @p2 $0xC7;
	s22 =	simm.s32 @p3 $0x380  }
0x24: {  	p2 =	sgt.s32 @!p1 s18, $0x30;
	s20 =	ssub.s32 @!p1 s22, s20;
	s22 =	sshra.s32 @!p1 s19, $0x1F  }
0x25: {  	p2 =	por !p2, p1;
	s19 =	sand.u32 @!p1 s22, s19;
	s22 =	sadd.s32 @!p1 $0xFFFFFC80, s20  }
0x26: {  	s18 =	simm.s32 @p2 $0x30;
	s19 =	ssub.s32 @!p1 s21, s19;
	p2 =	sgt.s32 @!p1 s22, $0x7F  }
0x27: {  	s20 =	ssub.s32 @!p1 $0x400, s20;
	s21 =	sadd.s32 @!p1 $0xFFFFFF39, s19;
	p2 =	por !p2, p1  }
0x28: {  	s18 =	ssub.s32 @!p1 $0xB0, s18;
	s20 =	simm.s32 @!p2 $0x0;
	p2 =	sgt.s32 @!p1 s21, $0x0  }
0x29: {  	s19 =	ssub.s32 @!p1 $0xC8, s19;
	p2 =	por !p2, p1;
	s18 =	smul.u32 @!p1 s18, s20  }
0x2a: {  	s23 =	smov.u32 s16;
	s21 =	sadd.s32 $0x2, s15;
	s19 =	simm.s32 @!p2 $0x0  }
0x2b: {  	p2 =	sgt.s32 s21, $0xC7;
	s18 =	smul.u32 @!p1 s19, s18;
	s19 =	sadd.s32 $0x400, s16  }
0x2c: {  	s25 =	sadd.s32 $0x1, s17;
	s23 =	smov.u32 @p2 s19  }
0x2d: {  	p0 =	por !p0, !p0;
	s21 =	smov.u32 @p2 s5;
	p2 =	sgt.s32 s23, $0x3FF  }
0x2e: {  	s22 =	simm.s32 @!p1 $0x2;
	s23 =	smov.u32 @p2 s3;
	p2 =	sne.s32 s17, s10  }
.Ltmp1:
0x2f: {  	s20 =	smov.u32 s14;
	s14 =	smov.u32 s16;
	(pc) =	sbr.rel @!p2 .LBB1_6-.Ltmp1, $4  }
0x30: {  	s19 =	smov.u32 s13;
	s13 =	smov.u32 s15;
	s18 =	sand.u32 @!p1 $0x3FFFFFFF, s18  }
0x31: {  	s15 =	smov.u32 s21;
	_ =	swait.ge @!p1 [sflag:s22], s18;
	s24 =	ssub.s32 @!p1 $0x0, s18  }
0x32: {  	s18 =	smov.u32 s12;
	s12 =	smov.u32 s8;
	[sflag:s22] =	ssyncset.done @!p1 $0x0  }
0x33: {  	s17 =	smov.u32 s25;
	s16 =	smov.u32 s23;
	[sflag:s22] =	ssyncadd.s32 @!p1 s24  }
.LBB1_1:
0x34: {  	p1 =	sge.u32 s17, s7  }
0x35: {  	s21 =	sshll.u32 @!p1 s15, $0x8  }
0x36: {  	s22 =	sshll.u32 @!p1 s15, $0x7;
	s21 =	sand.u32 @!p1 $0xFFFFF800, s21  }
0x37: {  	s22 =	sand.u32 @!p1 $0x300, s22;
	s21 =	sor.u32 @!p1 s9, s21  }
0x38: {  	s21 =	sor.u32 @!p1 s22, s21  }
0x39: {  	s21 =	sshrl.u32 @!p1 s21, $0x8  }
0x3a: {  	s22 =	smulhi.u32 @!p1 $0x147AE15, s21;
	_ =	sdelay $0x1  }
0x3b: {  	s22 =	smul.u32 @!p1 $0xC8, s22  }
0x3c: {  	s31 =	sadd.s32 $0xFFFFFFFF, s17;
	s23 =	smul.u32 @!p1 $0x1900, s16  }
0x3d: {  	s24 =	sxor.u32 @!p1 $0xFFFFFFFF, s17;
	s21 =	ssub.s32 @!p1 s21, s22;
	s22 =	sshll.u32 @!p1 s15, $0x4  }
0x3e: {  	s24 =	sshll.u32 @!p1 s24, $0xE;
	s23 =	sadd.s32 @!p1 s4, s23;
	s22 =	sand.u32 @!p1 $0x10, s22  }
0x3f: {  	s24 =	sand.u32 @!p1 $0x4000, s24;
	s21 =	sshll.u32 @!p1 s21, $0x5;
	s22 =	sadd.s32 @!p1 s22, s23  }
0x40: {  	s23 =	simm.s32 @!p1 $0xC800;
	s21 =	sadd.s32 @!p1 s21, s22;
	s22 =	simm.s32 @!p1 $0x80  }
0x41: {  	[tilespmem:s24], [sflag:$0x1] =	stream.strided.gather @!p1 [hbm4b:s21+s22], $0x4000, s23, s22, $0x38;
	[tilespmem:$0x10100] =	vst v63  }
0x42: {  	p1 =	sge.u32 s31, s7  }
.Ltmp2:
0x43: {  	_ = 	snop;
	(pc) =	sbr.rel @p1 .LBB1_5-.Ltmp2, $1  }
0x44: {  	_ =	sdelay $0x3  }
0x45: {  	s21 =	simm.s32 $0x1  }
0x46: {  	_ =	swait.ge [sflag:s6], $0x4000;
	s21 =	simm.s32 @!p0 $0x0  }
0x47: {  	[sflag:s6] =	ssyncset.done $0x0;
	s22 =	sshll.u32 s21, $0xE  }
0x48: {  	[sflag:s6] =	ssyncadd.s32 $0xFFFFC000;
	s22 =	sor.u32 $0x40, s22  }
0x49: {  	s21 =	smul.u32 $0x10200, s21;
	v0 =	vld [tilespmem:s22+$0x30]  }
0x4a: {  	v1 =	vld [tilespmem:s22+$0xFFFFFFD0]  }
0x4b: {  	s21 =	sshrl.u32 s21, $0x2;
	v5 =	vld [tilespmem:s22+$0xFFFFFFE0]  }
0x4c: {  	v6 =	vld [tilespmem:s22+$0xFFFFFFF0];
	s24 =	sor.u32 $0x8000, s21  }
0x4d: {  	s31 =	sand.u32 $0x1, s17;
	v4 =	vld [tilespmem:s22+$0x0];
	s23 =	sadd.s32 $0x0, s24  }
0x4e: {  	v3 =	vld [tilespmem:s22+$0x10];
	s21 =	smul.u32 $0x10200, s31;
	[tilespmem:s23+$0x3870 ss:$0x81] =	vst.msk $0xffff, v0  }
0x4f: {  	v2 =	vld [tilespmem:s22+$0x20];
	[tilespmem:s23+$0x810 ss:$0x81] =	vst.msk $0xffff, v1  }
0x50: {  	s21 =	sshrl.u32 s21, $0x2;
	v1 =	vld [tilespmem:s22+$0xFFFFFFC0];
	[tilespmem:s23+$0x1020 ss:$0x81] =	vst.msk $0xffff, v5;
	s22 =	sadd.s32 $0x80, s22  }
0x51: {  	s25 =	simm.s32 $0x4;
	s26 =	simm.s32 $0x8;
	s21 =	sor.u32 $0x8000, s21;
	[tilespmem:s23+$0x1830 ss:$0x81] =	vst.msk $0xffff, v6;
	v0 =	vld [tilespmem:s22+$0x30]  }
.LBB1_3:
0x52: {  	p1 =	sne.s32 s26, $0x1FC;
	v5 =	vld [tilespmem:s22+$0xFFFFFFD0];
	[tilespmem:s23+$0x2040 ss:$0x81] =	vst.msk $0xffff, v4  }
0x53: {  	v6 =	vld [tilespmem:s22+$0xFFFFFFE0];
	[tilespmem:s23+$0x2850 ss:$0x81] =	vst.msk $0xffff, v3  }
0x54: {  	s27 =	sshra.s32 s25, $0x2;
	s25 =	smov.u32 s26;
	v7 =	vld [tilespmem:s22+$0xFFFFFFF0];
	[tilespmem:s23+$0x3060 ss:$0x81] =	vst.msk $0xffff, v2  }
.Ltmp3:
0x55: {  	v4 =	vld [tilespmem:s22+$0x0];
	[tilespmem:s23+$0x0 ss:$0x81] =	vst.msk $0xffff, v1;
	s23 =	sadd.s32 s27, s24;
	(pc) =	sbr.rel @p1 .LBB1_3-.Ltmp3, $4  }
0x56: {  	v3 =	vld [tilespmem:s22+$0x10];
	[tilespmem:s23+$0x3870 ss:$0x81] =	vst.msk $0xffff, v0  }
0x57: {  	[tilespmem:s23+$0x810 ss:$0x81] =	vst.msk $0xffff, v5;
	v2 =	vld [tilespmem:s22+$0x20]  }
0x58: {  	v1 =	vld [tilespmem:s22+$0xFFFFFFC0];
	[tilespmem:s23+$0x1020 ss:$0x81] =	vst.msk $0xffff, v6;
	s22 =	sadd.s32 $0x80, s22  }
0x59: {  	s26 =	sadd.s32 $0x4, s26;
	v0 =	vld [tilespmem:s22+$0x30];
	[tilespmem:s23+$0x1830 ss:$0x81] =	vst.msk $0xffff, v7  }
.Ltmp4:
0x5a: {  	_ = 	snop;
	(pc) =	sbr.rel .LBB1_4-.Ltmp4, $1  }
0x5b: {  	_ =	sdelay $0x3  }
.LBB1_6:
0x5c: {  	_ =	sfence.sel $0x180000  }
0x5d: {  	s2 =	simm.s32 $0x1;
	[bflag:$0x0] =	sbarrier.arrive $0xFFFF  }
0x5e: {  	s31 =	simm.s32 $0x2;
	[sflag:s2] =	ssyncpa.u1 $0x1  }
0x5f: {  	[sflag:s31] =	ssyncpa.u1 $0x1  }
0x60: {  	p0 =	sne.s32 s1, $0x0;
	_ =	strace $0x9000004A  }
0x61: {  	s0 =	sadd.s32 @!p0 $0x100000, s0;
	[bflag:$0x2] =	sbarrier.arrive $0xFFFF  }
0x62: {  	[sflag:s0] =	ssyncadd.tile.s32 @!p0 $0x1;
	_ =	shalt  }
.Lfunc_end1:
_tile_overlayer_lowered:
.L_overlay_start_2:
0x63: {  	(tag) =	ssettag $0x2  }
0x64: {  	s0 =	rddreg [dreg:$0x0];
	s2 =	stileid.u32  }
0x65: {  	s1 =	rddreg [dreg:$0x1];
	p0 =	sne.s32 s2, $0x0  }
0x66: {  	s3 =	rddreg [dreg:$0x2];
	[bflag:$0x3] =	sbarrier.arrive $0xFFFF;
	s2 =	simm.s32 @!p0 $0x1C01  }
0x67: {  	[timem:s3], [sflag:s2] =	dma.local @!p0 [hbm:s0], s1  }
0x68: {  	s0 =	simm.s32 @!p0 $0x1  }
0x69: {  	_ =	swait.ge @!p0 [sflag:s0], s1  }
0x6a: {  	s1 =	ssub.s32 @!p0 $0x0, s1;
	[sflag:s0] =	ssyncset.done @!p0 $0x0  }
0x6b: {  	[sflag:s0] =	ssyncadd.s32 @!p0 s1  }
0x6c: {  	[bflag:$0x3] =	sbarrier.arrive $0xFFFF  }
0x6d: {  	_ =	shalt  }

</sc_bundles>
